<compile_context>
chip_gen: v7x
topology: tpu7x:2x2x1
jax: 0.10.2.dev20260603
libtpu: 0.0.44.dev20260713+nightly
codegen_flags: <defaults>
</compile_context>

<pallas_src>
import functools

import jax
import jax.numpy as jnp
from jax import lax
from jax.experimental import pallas as pl
from jax.experimental.pallas import tpu as pltpu
from jax.experimental.pallas import tpu_sc as plsc

N_NODES = 10000
D = 128
N_EDGE_TYPES = 3
E_PER_TYPE = 213334
N_LAYERS = 3

NC = 2
NS = 16
N_TILES = NC * NS
CHUNK = 128
CHUNKS_PER_TILE = 54
CHUNK_STRIDE = 56
E_PAD = N_TILES * CHUNK * CHUNKS_PER_TILE
NBUF = 2
ACC_ROWS = 10240
DUMMY_DST = N_NODES
ROWS_PER_SUBCORE_ZERO = ACC_ROWS // NS
ROWS_PER_SUBCORE_OUT = N_NODES // NS

BR = 2000
NBLK = N_NODES // BR


def _msg_body(h_ref, w_ref, b_ref, out_ref):
    out_ref[0] = (
        jnp.dot(h_ref[...], w_ref[0], preferred_element_type=jnp.float32)
        + b_ref[0]
    )


def _msg_matmul(h, Wm, bm):
    return pl.pallas_call(
        _msg_body,
        grid=(NBLK, N_EDGE_TYPES),
        in_specs=[
            pl.BlockSpec((BR, D), lambda i, t: (i, 0)),
            pl.BlockSpec((1, D, D), lambda i, t: (t, 0, 0)),
            pl.BlockSpec((1, 1, D), lambda i, t: (t, 0, 0)),
        ],
        out_specs=pl.BlockSpec((1, BR, D), lambda i, t: (t, i, 0)),
        out_shape=jax.ShapeDtypeStruct((N_EDGE_TYPES, N_NODES, D), jnp.float32),
    )(h, Wm, bm.reshape(N_EDGE_TYPES, 1, D))


def _gru_math(p_ref, h_ref, wg_ref, ug_ref, bg_ref):
    a = p_ref[0] + p_ref[1]
    h = h_ref[...]
    dot = functools.partial(jnp.dot, preferred_element_type=jnp.float32)
    z = jax.nn.sigmoid(dot(a, wg_ref[0]) + dot(h, ug_ref[0]) + bg_ref[0])
    r = jax.nn.sigmoid(dot(a, wg_ref[1]) + dot(h, ug_ref[1]) + bg_ref[1])
    ht = jnp.tanh(dot(a, wg_ref[2]) + dot(r * h, ug_ref[2]) + bg_ref[2])
    return (1.0 - z) * h + z * ht


def _gru_body(p_ref, h_ref, wg_ref, ug_ref, bg_ref, out_ref):
    out_ref[...] = _gru_math(p_ref, h_ref, wg_ref, ug_ref, bg_ref)


def _gru_msg_body(p_ref, h_ref, wg_ref, ug_ref, bg_ref, wm_ref,
                  bm_ref, h_out_ref, xw_out_ref):
    hn = _gru_math(p_ref, h_ref, wg_ref, ug_ref, bg_ref)
    h_out_ref[...] = hn
    for t in range(N_EDGE_TYPES):
        xw_out_ref[t] = (
            jnp.dot(hn, wm_ref[t], preferred_element_type=jnp.float32)
            + bm_ref[t]
        )


def _gru_msg(parts, h, Wg, Ug, bg, Wm, bm):
    return pl.pallas_call(
        _gru_msg_body,
        grid=(NBLK,),
        in_specs=[
            pl.BlockSpec((NC, BR, D), lambda i: (0, i, 0)),
            pl.BlockSpec((BR, D), lambda i: (i, 0)),
            pl.BlockSpec((3, D, D), lambda i: (0, 0, 0)),
            pl.BlockSpec((3, D, D), lambda i: (0, 0, 0)),
            pl.BlockSpec((3, 1, D), lambda i: (0, 0, 0)),
            pl.BlockSpec((N_EDGE_TYPES, D, D), lambda i: (0, 0, 0)),
            pl.BlockSpec((N_EDGE_TYPES, 1, D), lambda i: (0, 0, 0)),
        ],
        out_specs=[
            pl.BlockSpec((BR, D), lambda i: (i, 0)),
            pl.BlockSpec((N_EDGE_TYPES, BR, D), lambda i: (0, i, 0)),
        ],
        out_shape=[
            jax.ShapeDtypeStruct((N_NODES, D), jnp.float32),
            jax.ShapeDtypeStruct((N_EDGE_TYPES, N_NODES, D), jnp.float32),
        ],
    )(parts, h, Wg, Ug, bg.reshape(3, 1, D), Wm,
      bm.reshape(N_EDGE_TYPES, 1, D))


def _gru_update(parts, h, Wg, Ug, bg):
    return pl.pallas_call(
        _gru_body,
        grid=(NBLK,),
        in_specs=[
            pl.BlockSpec((NC, BR, D), lambda i: (0, i, 0)),
            pl.BlockSpec((BR, D), lambda i: (i, 0)),
            pl.BlockSpec((3, D, D), lambda i: (0, 0, 0)),
            pl.BlockSpec((3, D, D), lambda i: (0, 0, 0)),
            pl.BlockSpec((3, 1, D), lambda i: (0, 0, 0)),
        ],
        out_specs=pl.BlockSpec((BR, D), lambda i: (i, 0)),
        out_shape=jax.ShapeDtypeStruct((N_NODES, D), jnp.float32),
    )(parts, h, Wg, Ug, bg.reshape(3, 1, D))


def _edge_pass_body(xw_hbm, src_hbm, dst_hbm, out_hbm,
                    acc, src_v, dst_v, rows, sems):
    cid = lax.axis_index("c")
    sid = lax.axis_index("s")
    tile = cid * NS + sid
    cpt = CHUNKS_PER_TILE

    @pl.loop(0, CHUNK)
    def _(i):
        @pl.loop(0, D, step=16)
        def _(j):
            rows[0][i, pl.ds(j, 16)] = jnp.zeros((16,), jnp.float32)

    zcopy = 64
    zbase = sid * ROWS_PER_SUBCORE_ZERO
    @pl.loop(0, ROWS_PER_SUBCORE_ZERO // zcopy)
    def _(k):
        pltpu.sync_copy(rows[0].at[pl.ds(0, zcopy)],
                        acc.at[pl.ds(zbase + k * zcopy, zcopy)])

    plsc.subcore_barrier()

    for t in range(N_EDGE_TYPES):
        rbase = (t * N_TILES + tile) * CHUNK_STRIDE
        pltpu.sync_copy(src_hbm.at[pl.ds(rbase, CHUNK_STRIDE)], src_v)
        pltpu.sync_copy(dst_hbm.at[pl.ds(rbase, CHUNK_STRIDE)], dst_v)
        table = xw_hbm.at[t]

        for b in range(NBUF - 1):
            pltpu.async_copy(table.at[src_v.at[b]], rows[b], sems[b])

        @pl.loop(0, cpt, step=NBUF)
        def _(c):
            for j in range(NBUF):
                nxt = lax.rem(c + j + NBUF - 1, cpt)
                b = (j + NBUF - 1) % NBUF
                pltpu.async_copy(table.at[src_v.at[nxt]], rows[b], sems[b])
                pltpu.make_async_copy(table.at[src_v.at[c + j]],
                                      rows[j], sems[j]).wait()
                pltpu.sync_copy(rows[j], acc.at[dst_v.at[c + j]], add=True)

        for b in range(NBUF - 1):
            pltpu.make_async_copy(table.at[src_v.at[b]], rows[b],
                                  sems[b]).wait()

    plsc.subcore_barrier()

    obase = sid * ROWS_PER_SUBCORE_ZERO
    pltpu.sync_copy(acc.at[pl.ds(obase, ROWS_PER_SUBCORE_ZERO)],
                    out_hbm.at[cid].at[pl.ds(obase, ROWS_PER_SUBCORE_ZERO)])


def _edge_pass(xw, src, dst):
    mesh = plsc.VectorSubcoreMesh(core_axis_name="c", subcore_axis_name="s")
    k = pl.kernel(
        _edge_pass_body,
        out_type=jax.ShapeDtypeStruct((NC, ACC_ROWS, D), jnp.float32),
        mesh=mesh,
        scratch_types=[
            pltpu.VMEM_SHARED((ACC_ROWS, D), jnp.float32),
            pltpu.VMEM((CHUNK_STRIDE, CHUNK), jnp.int32),
            pltpu.VMEM((CHUNK_STRIDE, CHUNK), jnp.int32),
            [pltpu.VMEM((CHUNK, D), jnp.float32) for _ in range(NBUF)],
            [pltpu.SemaphoreType.DMA for _ in range(NBUF)],
        ],
    )
    return k(xw, src, dst)


def kernel(x, x_lengths, edge_list, W_msg, b_msg, W_gru, U_gru, b_gru):
    del x_lengths
    src = edge_list[:, 0, :]
    dst = edge_list[:, 1, :]
    pad = E_PAD - E_PER_TYPE
    dummy_dst = DUMMY_DST + (jnp.arange(pad, dtype=jnp.int32)
                             % (ACC_ROWS - N_NODES))
    dummy_src = jnp.arange(pad, dtype=jnp.int32) % N_NODES
    src = jnp.concatenate(
        [src, jnp.broadcast_to(dummy_src, (N_EDGE_TYPES, pad))], axis=1)
    dst = jnp.concatenate(
        [dst, jnp.broadcast_to(dummy_dst, (N_EDGE_TYPES, pad))], axis=1)
    src = src.reshape(N_EDGE_TYPES, N_TILES, CHUNKS_PER_TILE, CHUNK)
    dst = dst.reshape(N_EDGE_TYPES, N_TILES, CHUNKS_PER_TILE, CHUNK)
    blk_pad = ((0, 0), (0, 0), (0, CHUNK_STRIDE - CHUNKS_PER_TILE), (0, 0))
    src = jnp.pad(src, blk_pad).reshape(-1, CHUNK)
    dst = jnp.pad(dst, blk_pad, constant_values=DUMMY_DST).reshape(-1, CHUNK)

    h = x
    xw = _msg_matmul(h, W_msg[0], b_msg[0])
    parts = _edge_pass(xw, src, dst)
    for l in range(1, N_LAYERS):
        h, xw = _gru_msg(parts, h, W_gru[l - 1], U_gru[l - 1],
                         b_gru[l - 1], W_msg[l], b_msg[l])
        parts = _edge_pass(xw, src, dst)
    return _gru_update(parts, h, W_gru[N_LAYERS - 1], U_gru[N_LAYERS - 1],
                       b_gru[N_LAYERS - 1])

# --- scband reference (transcript-rebuilt; emitter-appended) ---
"""Pipeline reference for scband-gnn-encoder-82592221102344 (READ-ONLY COPY).

The authoritative reference and input builder live on the scoring server;
editing this copy changes nothing except your own understanding.
"""

import jax, jax.numpy as jnp
import numpy as np

N_NODES = 10000
D = 128
N_EDGE_TYPES = 3
E_PER_TYPE = 213334
N_LAYERS = 3


def setup_inputs(seed: int = 0) -> dict:
    key = jax.random.key(seed)
    ks = jax.random.split(key, 8)
    x = jax.random.normal(ks[0], (N_NODES, D), dtype=jnp.float32)
    x_lengths = jax.random.randint(ks[1], (16,), 0, N_NODES, dtype=jnp.int32)
    edge_list = jax.random.randint(ks[2], (N_EDGE_TYPES, 2, E_PER_TYPE), 0, N_NODES, dtype=jnp.int32)
    W_msg = jax.random.normal(ks[3], (N_LAYERS, N_EDGE_TYPES, D, D), dtype=jnp.float32) * 0.05
    b_msg = jnp.zeros((N_LAYERS, N_EDGE_TYPES, D), dtype=jnp.float32)
    W_gru = jax.random.normal(ks[4], (N_LAYERS, 3, D, D), dtype=jnp.float32) * 0.05
    U_gru = jax.random.normal(ks[5], (N_LAYERS, 3, D, D), dtype=jnp.float32) * 0.05
    b_gru = jnp.zeros((N_LAYERS, 3, D), dtype=jnp.float32)
    return {"x": x, "x_lengths": x_lengths, "edge_list": edge_list,
            "W_msg": W_msg, "b_msg": b_msg, "W_gru": W_gru, "U_gru": U_gru, "b_gru": b_gru}


def _gated_graph_layer(x, edge_list, Wm, bm, Wg, Ug, bg):
    # GGNN-style gated graph layer: per-edge-type linear message, scatter-add
    # aggregation over destination nodes, then GRU-style node update.
    N = x.shape[0]
    a = jnp.zeros_like(x)
    for e in range(edge_list.shape[0]):
        src = edge_list[e, 0]
        dst = edge_list[e, 1]
        xw = x @ Wm[e] + bm[e]                      # node-level transform
        msg = jnp.take(xw, src, axis=0)             # gather per edge (SparseCore gather)
        a = a + jax.ops.segment_sum(msg, dst, num_segments=N)  # scatter-add per dst
    z = jax.nn.sigmoid(a @ Wg[0] + x @ Ug[0] + bg[0])
    r = jax.nn.sigmoid(a @ Wg[1] + x @ Ug[1] + bg[1])
    h = jnp.tanh(a @ Wg[2] + (r * x) @ Ug[2] + bg[2])
    return (1.0 - z) * x + z * h


def reference(x, x_lengths, edge_list, W_msg, b_msg, W_gru, U_gru, b_gru):
    # gnn_encoder.forward: three stacked GatedGraph layers sharing the edge list.
    # x_lengths is accepted (matching the torch signature) but unused in forward.
    h = x
    for l in range(W_msg.shape[0]):
        h = _gated_graph_layer(h, edge_list, W_msg[l], b_msg[l], W_gru[l], U_gru[l], b_gru[l])
    return h

if __name__ == "__main__":
    import jax
    _d = setup_inputs()
    print(jax.jit(kernel)(*tuple(_d.values())))

</pallas_src>

<mosaic_0001>
#map = affine_map<(d0, d1) -> (0, 0, 0)>
#map1 = affine_map<(d0, d1) -> (0, 0)>
module attributes {stable_mosaic.version = 14 : i64} {
  func.func @_edge_pass_body(%arg0: i32, %arg1: i32, %arg2: memref<3x10000x128xf32, #tpu.memory_space<hbm>>, %arg3: memref<5376x128xi32, #tpu.memory_space<hbm>>, %arg4: memref<5376x128xi32, #tpu.memory_space<hbm>>, %arg5: memref<2x10240x128xf32, #tpu.memory_space<hbm>>, %arg6: memref<10240x128xf32, #tpu.memory_space<vmem_shared>>, %arg7: memref<56x128xi32, #tpu.memory_space<vmem>>, %arg8: memref<56x128xi32, #tpu.memory_space<vmem>>, %arg9: memref<128x128xf32, #tpu.memory_space<vmem>>, %arg10: memref<128x128xf32, #tpu.memory_space<vmem>>, %arg11: memref<!tpu.dma_semaphore, #tpu.memory_space<semaphore_mem>>, %arg12: memref<!tpu.dma_semaphore, #tpu.memory_space<semaphore_mem>>) attributes {dimension_semantics = [#tpu.dimension_semantics<core_parallel>, #tpu.dimension_semantics<subcore_parallel>], iteration_bounds = array<i64: 2, 16>, scalar_prefetch = 0 : i64, scratch_operands = 7 : i64, tpu.core_type = #tpu.core_type<sc_vector_subcore>, window_params = [{transform_indices = #map}, {transform_indices = #map1}, {transform_indices = #map1}, {transform_indices = #map}]} {
    %mul3A = arith.constant 16 : i32
    %mul3A_0 = arith.muli %arg0, %mul3A : i32
    %add3A = arith.addi %mul3A_0, %arg1 : i32
    %scan3A = arith.constant 0 : i32
    %scan3A_1 = arith.constant 128 : i32
    %scan3A_2 = arith.addi %scan3A, %scan3A_1 : i32
    %scan3A_3 = arith.constant 1 : i32
    scf.for %scan3A_115 = %scan3A to %scan3A_2 step %scan3A_3  : i32 {
      %mul3A_116 = arith.constant 1 : i32
      %mul3A_117 = arith.muli %scan3A_115, %mul3A_116 : i32
      %add3A_118 = arith.constant 0 : i32
      %add3A_119 = arith.addi %add3A_118, %mul3A_117 : i32
      %scan3A_120 = arith.constant 0 : i32
      %scan3A_121 = arith.constant 8 : i32
      %scan3A_122 = arith.addi %scan3A_120, %scan3A_121 : i32
      %scan3A_123 = arith.constant 1 : i32
      scf.for %scan3A_125 = %scan3A_120 to %scan3A_122 step %scan3A_123  : i32 {
        %mul3A_126 = arith.constant 16 : i32
        %mul3A_127 = arith.muli %scan3A_125, %mul3A_126 : i32
        %add3A_128 = arith.constant 0 : i32
        %add3A_129 = arith.addi %add3A_128, %mul3A_127 : i32
        %broadcast_in_dim3A = arith.constant 0.000000e+00 : f32
        %broadcast_in_dim3A_130 = vector.broadcast %broadcast_in_dim3A : f32 to vector<16xf32>
        %swap3A = arith.index_cast %add3A_119 : i32 to index
        %swap3A_131 = arith.index_cast %add3A_129 : i32 to index
        %swap3A_132 = tpu.vector_load %arg9[%swap3A, %swap3A_131] {strides = array<i32>} : memref<128x128xf32, #tpu.memory_space<vmem>>, vector<1x16xf32>,
        %swap3A_133 = vector.shape_cast %swap3A_132 : vector<1x16xf32> to vector<16xf32>
        %swap3A_134 = vector.shape_cast %broadcast_in_dim3A_130 : vector<16xf32> to vector<1x16xf32>
        tpu.vector_store %arg9[%swap3A, %swap3A_131], %swap3A_134 {strides = array<i32>} : memref<128x128xf32, #tpu.memory_space<vmem>>, vector<1x16xf32>,
      }
      %scan3A_124 = arith.constant 8 : i32
    }
    %scan3A_4 = arith.constant 128 : i32
    %mul3A_5 = arith.constant 640 : i32
    %mul3A_6 = arith.muli %arg1, %mul3A_5 : i32
    %scan3A_7 = arith.constant 0 : i32
    %scan3A_8 = arith.constant 10 : i32
    %scan3A_9 = arith.addi %scan3A_7, %scan3A_8 : i32
    %scan3A_10 = arith.constant 1 : i32
    scf.for %scan3A_115 = %scan3A_7 to %scan3A_9 step %scan3A_10  : i32 {
      %mul3A_116 = arith.constant 1 : i32
      %mul3A_117 = arith.muli %scan3A_115, %mul3A_116 : i32
      %add3A_118 = arith.constant 0 : i32
      %add3A_119 = arith.addi %add3A_118, %mul3A_117 : i32
      %mul3A_120 = arith.constant 64 : i32
      %mul3A_121 = arith.muli %add3A_119, %mul3A_120 : i32
      %add3A_122 = arith.addi %mul3A_6, %mul3A_121 : i32
      "tpu.region"() ({
        %run_scoped3A = tpu.sem_alloc : memref<!tpu.dma_semaphore, #tpu.memory_space<semaphore_mem>>
        %dma_start3A_123 = arith.constant 0 : i32
        %dma_start3A_124 = arith.constant 0 : i32
        %dma_start3A_125 = tpu.memref_slice %arg9[%dma_start3A_123, %dma_start3A_124] : memref<128x128xf32, #tpu.memory_space<vmem>> -> memref<64x128xf32, #tpu.memory_space<vmem>>
        %dma_start3A_126 = arith.constant 0 : i32
        %dma_start3A_127 = tpu.memref_slice %arg6[%add3A_122, %dma_start3A_126] : memref<10240x128xf32, #tpu.memory_space<vmem_shared>> -> memref<64x128xf32, #tpu.memory_space<vmem_shared>>
        %dma_start3A_128 = arith.constant 0 : i32
        %dma_start3A_129 = tpu.memref_slice %arg6[%add3A_122, %dma_start3A_128] : memref<10240x128xf32, #tpu.memory_space<vmem_shared>> -> memref<64x128xf32, #tpu.memory_space<vmem_shared>>
        %dma_start3A_130 = arith.constant 0 : i32
        %dma_start3A_131 = arith.constant 0 : i32
        %dma_start3A_132 = tpu.memref_slice %arg9[%dma_start3A_130, %dma_start3A_131] : memref<128x128xf32, #tpu.memory_space<vmem>> -> memref<64x128xf32, #tpu.memory_space<vmem>>
        tpu.enqueue_dma source(%dma_start3A_132 : memref<64x128xf32, #tpu.memory_space<vmem>>) target(%dma_start3A_129 : memref<64x128xf32, #tpu.memory_space<vmem_shared>>) target_semaphore(%run_scoped3A : memref<!tpu.dma_semaphore, #tpu.memory_space<semaphore_mem>>)
        %dma_wait3A_133 = arith.constant 0 : i32
        %dma_wait3A_134 = arith.constant 0 : i32
        %dma_wait3A_135 = tpu.memref_slice %arg9[%dma_wait3A_133, %dma_wait3A_134] : memref<128x128xf32, #tpu.memory_space<vmem>> -> memref<64x128xf32, #tpu.memory_space<vmem>>
        %dma_wait3A_136 = arith.constant 0 : i32
        %dma_wait3A_137 = tpu.memref_slice %arg6[%add3A_122, %dma_wait3A_136] : memref<10240x128xf32, #tpu.memory_space<vmem_shared>> -> memref<64x128xf32, #tpu.memory_space<vmem_shared>>
        %dma_wait3A_138 = arith.constant 0 : i32
        %dma_wait3A_139 = tpu.memref_slice %arg6[%add3A_122, %dma_wait3A_138] : memref<10240x128xf32, #tpu.memory_space<vmem_shared>> -> memref<64x128xf32, #tpu.memory_space<vmem_shared>>
        %dma_wait3A_140 = arith.constant 0 : i32
        %dma_wait3A_141 = arith.constant 0 : i32
        %dma_wait3A_142 = tpu.memref_slice %arg9[%dma_wait3A_140, %dma_wait3A_141] : memref<128x128xf32, #tpu.memory_space<vmem>> -> memref<64x128xf32, #tpu.memory_space<vmem>>
        tpu.wait_dma2 semaphore(%run_scoped3A : memref<!tpu.dma_semaphore, #tpu.memory_space<semaphore_mem>>) src(%dma_wait3A_142 : memref<64x128xf32, #tpu.memory_space<vmem>>) dst(%dma_wait3A_139 : memref<64x128xf32, #tpu.memory_space<vmem_shared>>)
        tpu.yield
      }) : () -> ()
    }
    %scan3A_11 = arith.constant 10 : i32
    %barrier3A = arith.constant 0 : index
    tpu.barrier barrier_id(%barrier3A)
    %add3A_12 = arith.constant 0 : i32
    %add3A_13 = arith.addi %add3A_12, %add3A : i32
    %mul3A_14 = arith.constant 56 : i32
    %mul3A_15 = arith.muli %add3A_13, %mul3A_14 : i32
    "tpu.region"() ({
      %run_scoped3A = tpu.sem_alloc : memref<!tpu.dma_semaphore, #tpu.memory_space<semaphore_mem>>
      %dma_start3A_115 = arith.constant 0 : i32
      %dma_start3A_116 = tpu.memref_slice %arg3[%mul3A_15, %dma_start3A_115] : memref<5376x128xi32, #tpu.memory_space<hbm>> -> memref<56x128xi32, #tpu.memory_space<hbm>>
      %dma_start3A_117 = arith.constant 0 : i32
      %dma_start3A_118 = tpu.memref_slice %arg3[%mul3A_15, %dma_start3A_117] : memref<5376x128xi32, #tpu.memory_space<hbm>> -> memref<56x128xi32, #tpu.memory_space<hbm>>
      tpu.enqueue_dma source(%dma_start3A_118 : memref<56x128xi32, #tpu.memory_space<hbm>>) target(%arg7 : memref<56x128xi32, #tpu.memory_space<vmem>>) target_semaphore(%run_scoped3A : memref<!tpu.dma_semaphore, #tpu.memory_space<semaphore_mem>>)
      %dma_wait3A_119 = arith.constant 0 : i32
      %dma_wait3A_120 = tpu.memref_slice %arg3[%mul3A_15, %dma_wait3A_119] : memref<5376x128xi32, #tpu.memory_space<hbm>> -> memref<56x128xi32, #tpu.memory_space<hbm>>
      %dma_wait3A_121 = arith.constant 0 : i32
      %dma_wait3A_122 = tpu.memref_slice %arg3[%mul3A_15, %dma_wait3A_121] : memref<5376x128xi32, #tpu.memory_space<hbm>> -> memref<56x128xi32, #tpu.memory_space<hbm>>
      tpu.wait_dma2 semaphore(%run_scoped3A : memref<!tpu.dma_semaphore, #tpu.memory_space<semaphore_mem>>) src(%dma_wait3A_122 : memref<56x128xi32, #tpu.memory_space<hbm>>) dst(%arg7 : memref<56x128xi32, #tpu.memory_space<vmem>>)
      tpu.yield
    }) : () -> ()
    "tpu.region"() ({
      %run_scoped3A = tpu.sem_alloc : memref<!tpu.dma_semaphore, #tpu.memory_space<semaphore_mem>>
      %dma_start3A_115 = arith.constant 0 : i32
      %dma_start3A_116 = tpu.memref_slice %arg4[%mul3A_15, %dma_start3A_115] : memref<5376x128xi32, #tpu.memory_space<hbm>> -> memref<56x128xi32, #tpu.memory_space<hbm>>
      %dma_start3A_117 = arith.constant 0 : i32
      %dma_start3A_118 = tpu.memref_slice %arg4[%mul3A_15, %dma_start3A_117] : memref<5376x128xi32, #tpu.memory_space<hbm>> -> memref<56x128xi32, #tpu.memory_space<hbm>>
      tpu.enqueue_dma source(%dma_start3A_118 : memref<56x128xi32, #tpu.memory_space<hbm>>) target(%arg8 : memref<56x128xi32, #tpu.memory_space<vmem>>) target_semaphore(%run_scoped3A : memref<!tpu.dma_semaphore, #tpu.memory_space<semaphore_mem>>)
      %dma_wait3A_119 = arith.constant 0 : i32
      %dma_wait3A_120 = tpu.memref_slice %arg4[%mul3A_15, %dma_wait3A_119] : memref<5376x128xi32, #tpu.memory_space<hbm>> -> memref<56x128xi32, #tpu.memory_space<hbm>>
      %dma_wait3A_121 = arith.constant 0 : i32
      %dma_wait3A_122 = tpu.memref_slice %arg4[%mul3A_15, %dma_wait3A_121] : memref<5376x128xi32, #tpu.memory_space<hbm>> -> memref<56x128xi32, #tpu.memory_space<hbm>>
      tpu.wait_dma2 semaphore(%run_scoped3A : memref<!tpu.dma_semaphore, #tpu.memory_space<semaphore_mem>>) src(%dma_wait3A_122 : memref<56x128xi32, #tpu.memory_space<hbm>>) dst(%arg8 : memref<56x128xi32, #tpu.memory_space<vmem>>)
      tpu.yield
    }) : () -> ()
    %dma_start3A = arith.constant 0 : i32
    %dma_start3A_16 = arith.constant 0 : i32
    %dma_start3A_17 = arith.constant 0 : i32
    %dma_start3A_18 = tpu.memref_slice %arg7[%dma_start3A_16, %dma_start3A_17] : memref<56x128xi32, #tpu.memory_space<vmem>> -> memref<1x128xi32, #tpu.memory_space<vmem>>
    %dma_start3A_19 = tpu.memref_squeeze %dma_start3A_18 : memref<1x128xi32, #tpu.memory_space<vmem>> -> memref<128xi32, #tpu.memory_space<vmem>>
    %dma_start3A_20 = arith.constant 0 : i32
    %dma_start3A_21 = arith.constant 0 : i32
    %dma_start3A_22 = tpu.memref_slice %arg2[%dma_start3A, %dma_start3A_20, %dma_start3A_21] : memref<3x10000x128xf32, #tpu.memory_space<hbm>> -> memref<1x10000x128xf32, #tpu.memory_space<hbm>>
    %dma_start3A_23 = tpu.memref_squeeze %dma_start3A_22 : memref<1x10000x128xf32, #tpu.memory_space<hbm>> -> memref<10000x128xf32, #tpu.memory_space<hbm>>
    %dma_start3A_24 = arith.constant 0 : i32
    %dma_start3A_25 = arith.constant 0 : i32
    %dma_start3A_26 = tpu.memref_slice %dma_start3A_23[%dma_start3A_24, %dma_start3A_25] : memref<10000x128xf32, #tpu.memory_space<hbm>> -> memref<10000x128xf32, #tpu.memory_space<hbm>>
    tpu.enqueue_indirect_dma source(%dma_start3A_26 : memref<10000x128xf32, #tpu.memory_space<hbm>>) target(%arg9 : memref<128x128xf32, #tpu.memory_space<vmem>>) offsets(%dma_start3A_19 : memref<128xi32, #tpu.memory_space<vmem>>) semaphore(%arg11 : memref<!tpu.dma_semaphore, #tpu.memory_space<semaphore_mem>>)
    %scan3A_27 = arith.constant 0 : i32
    %scan3A_28 = arith.constant 0 : i32
    %scan3A_29 = arith.constant 27 : i32
    %scan3A_30 = arith.addi %scan3A_28, %scan3A_29 : i32
    %scan3A_31 = arith.constant 1 : i32
    scf.for %scan3A_115 = %scan3A_28 to %scan3A_30 step %scan3A_31  : i32 {
      %mul3A_116 = arith.constant 2 : i32
      %mul3A_117 = arith.muli %scan3A_115, %mul3A_116 : i32
      %add3A_118 = arith.constant 0 : i32
      %add3A_119 = arith.addi %add3A_118, %mul3A_117 : i32
      %add3A_120 = arith.constant 0 : i32
      %add3A_121 = arith.addi %add3A_119, %add3A_120 : i32
      %add3A_122 = arith.constant 2 : i32
      %add3A_123 = arith.addi %add3A_121, %add3A_122 : i32
      %sub3A = arith.constant 1 : i32
      %sub3A_124 = arith.subi %add3A_123, %sub3A : i32
      %rem3A = arith.constant 54 : i32
      %rem3A_125 = arith.remsi %sub3A_124, %rem3A : i32
      %dma_start3A_126 = arith.constant 0 : i32
      %dma_start3A_127 = tpu.memref_slice %arg7[%rem3A_125, %dma_start3A_126] : memref<56x128xi32, #tpu.memory_space<vmem>> -> memref<1x128xi32, #tpu.memory_space<vmem>>
      %dma_start3A_128 = tpu.memref_squeeze %dma_start3A_127 : memref<1x128xi32, #tpu.memory_space<vmem>> -> memref<128xi32, #tpu.memory_space<vmem>>
      %dma_start3A_129 = arith.constant 0 : i32
      %dma_start3A_130 = arith.constant 0 : i32
      %dma_start3A_131 = tpu.memref_slice %arg2[%scan3A_27, %dma_start3A_129, %dma_start3A_130] : memref<3x10000x128xf32, #tpu.memory_space<hbm>> -> memref<1x10000x128xf32, #tpu.memory_space<hbm>>
      %dma_start3A_132 = tpu.memref_squeeze %dma_start3A_131 : memref<1x10000x128xf32, #tpu.memory_space<hbm>> -> memref<10000x128xf32, #tpu.memory_space<hbm>>
      %dma_start3A_133 = arith.constant 0 : i32
      %dma_start3A_134 = arith.constant 0 : i32
      %dma_start3A_135 = tpu.memref_slice %dma_start3A_132[%dma_start3A_133, %dma_start3A_134] : memref<10000x128xf32, #tpu.memory_space<hbm>> -> memref<10000x128xf32, #tpu.memory_space<hbm>>
      tpu.enqueue_indirect_dma source(%dma_start3A_135 : memref<10000x128xf32, #tpu.memory_space<hbm>>) target(%arg10 : memref<128x128xf32, #tpu.memory_space<vmem>>) offsets(%dma_start3A_128 : memref<128xi32, #tpu.memory_space<vmem>>) semaphore(%arg12 : memref<!tpu.dma_semaphore, #tpu.memory_space<semaphore_mem>>)
      %add3A_136 = arith.constant 0 : i32
      %add3A_137 = arith.addi %add3A_119, %add3A_136 : i32
      %dma_wait3A_138 = arith.constant 0 : i32
      %dma_wait3A_139 = tpu.memref_slice %arg7[%add3A_137, %dma_wait3A_138] : memref<56x128xi32, #tpu.memory_space<vmem>> -> memref<1x128xi32, #tpu.memory_space<vmem>>
      %dma_wait3A_140 = tpu.memref_squeeze %dma_wait3A_139 : memref<1x128xi32, #tpu.memory_space<vmem>> -> memref<128xi32, #tpu.memory_space<vmem>>
      %dma_wait3A_141 = arith.constant 0 : i32
      %dma_wait3A_142 = arith.constant 0 : i32
      %dma_wait3A_143 = tpu.memref_slice %arg2[%scan3A_27, %dma_wait3A_141, %dma_wait3A_142] : memref<3x10000x128xf32, #tpu.memory_space<hbm>> -> memref<1x10000x128xf32, #tpu.memory_space<hbm>>
      %dma_wait3A_144 = tpu.memref_squeeze %dma_wait3A_143 : memref<1x10000x128xf32, #tpu.memory_space<hbm>> -> memref<10000x128xf32, #tpu.memory_space<hbm>>
      %dma_wait3A_145 = arith.constant 0 : i32
      %dma_wait3A_146 = arith.constant 0 : i32
      %dma_wait3A_147 = tpu.memref_slice %dma_wait3A_144[%dma_wait3A_145, %dma_wait3A_146] : memref<10000x128xf32, #tpu.memory_space<hbm>> -> memref<10000x128xf32, #tpu.memory_space<hbm>>
      tpu.wait_indirect_dma semaphore(%arg11 : memref<!tpu.dma_semaphore, #tpu.memory_space<semaphore_mem>>) src(%dma_wait3A_147 : memref<10000x128xf32, #tpu.memory_space<hbm>>) dst(%arg9 : memref<128x128xf32, #tpu.memory_space<vmem>>)
      %add3A_148 = arith.constant 0 : i32
      %add3A_149 = arith.addi %add3A_119, %add3A_148 : i32
      "tpu.region"() ({
        %run_scoped3A = tpu.sem_alloc : memref<!tpu.dma_semaphore, #tpu.memory_space<semaphore_mem>>
        %dma_start3A_182 = arith.constant 0 : i32
        %dma_start3A_183 = tpu.memref_slice %arg8[%add3A_149, %dma_start3A_182] : memref<56x128xi32, #tpu.memory_space<vmem>> -> memref<1x128xi32, #tpu.memory_space<vmem>>
        %dma_start3A_184 = tpu.memref_squeeze %dma_start3A_183 : memref<1x128xi32, #tpu.memory_space<vmem>> -> memref<128xi32, #tpu.memory_space<vmem>>
        %dma_start3A_185 = arith.constant 0 : i32
        %dma_start3A_186 = arith.constant 0 : i32
        %dma_start3A_187 = tpu.memref_slice %arg6[%dma_start3A_185, %dma_start3A_186] : memref<10240x128xf32, #tpu.memory_space<vmem_shared>> -> memref<10240x128xf32, #tpu.memory_space<vmem_shared>>
        tpu.enqueue_indirect_dma source(%arg9 : memref<128x128xf32, #tpu.memory_space<vmem>>) target(%dma_start3A_187 : memref<10240x128xf32, #tpu.memory_space<vmem_shared>>) offsets(%dma_start3A_184 : memref<128xi32, #tpu.memory_space<vmem>>) semaphore(%run_scoped3A : memref<!tpu.dma_semaphore, #tpu.memory_space<semaphore_mem>>) {add = true}
        %dma_wait3A_188 = arith.constant 0 : i32
        %dma_wait3A_189 = tpu.memref_slice %arg8[%add3A_149, %dma_wait3A_188] : memref<56x128xi32, #tpu.memory_space<vmem>> -> memref<1x128xi32, #tpu.memory_space<vmem>>
        %dma_wait3A_190 = tpu.memref_squeeze %dma_wait3A_189 : memref<1x128xi32, #tpu.memory_space<vmem>> -> memref<128xi32, #tpu.memory_space<vmem>>
        %dma_wait3A_191 = arith.constant 0 : i32
        %dma_wait3A_192 = arith.constant 0 : i32
        %dma_wait3A_193 = tpu.memref_slice %arg6[%dma_wait3A_191, %dma_wait3A_192] : memref<10240x128xf32, #tpu.memory_space<vmem_shared>> -> memref<10240x128xf32, #tpu.memory_space<vmem_shared>>
        tpu.wait_indirect_dma semaphore(%run_scoped3A : memref<!tpu.dma_semaphore, #tpu.memory_space<semaphore_mem>>) src(%arg9 : memref<128x128xf32, #tpu.memory_space<vmem>>) dst(%dma_wait3A_193 : memref<10240x128xf32, #tpu.memory_space<vmem_shared>>)
        tpu.yield
      }) : () -> ()
      %add3A_150 = arith.constant 1 : i32
      %add3A_151 = arith.addi %add3A_119, %add3A_150 : i32
      %add3A_152 = arith.constant 2 : i32
      %add3A_153 = arith.addi %add3A_151, %add3A_152 : i32
      %sub3A_154 = arith.constant 1 : i32
      %sub3A_155 = arith.subi %add3A_153, %sub3A_154 : i32
      %rem3A_156 = arith.constant 54 : i32
      %rem3A_157 = arith.remsi %sub3A_155, %rem3A_156 : i32
      %dma_start3A_158 = arith.constant 0 : i32
      %dma_start3A_159 = tpu.memref_slice %arg7[%rem3A_157, %dma_start3A_158] : memref<56x128xi32, #tpu.memory_space<vmem>> -> memref<1x128xi32, #tpu.memory_space<vmem>>
      %dma_start3A_160 = tpu.memref_squeeze %dma_start3A_159 : memref<1x128xi32, #tpu.memory_space<vmem>> -> memref<128xi32, #tpu.memory_space<vmem>>
      %dma_start3A_161 = arith.constant 0 : i32
      %dma_start3A_162 = arith.constant 0 : i32
      %dma_start3A_163 = tpu.memref_slice %arg2[%scan3A_27, %dma_start3A_161, %dma_start3A_162] : memref<3x10000x128xf32, #tpu.memory_space<hbm>> -> memref<1x10000x128xf32, #tpu.memory_space<hbm>>
      %dma_start3A_164 = tpu.memref_squeeze %dma_start3A_163 : memref<1x10000x128xf32, #tpu.memory_space<hbm>> -> memref<10000x128xf32, #tpu.memory_space<hbm>>
      %dma_start3A_165 = arith.constant 0 : i32
      %dma_start3A_166 = arith.constant 0 : i32
      %dma_start3A_167 = tpu.memref_slice %dma_start3A_164[%dma_start3A_165, %dma_start3A_166] : memref<10000x128xf32, #tpu.memory_space<hbm>> -> memref<10000x128xf32, #tpu.memory_space<hbm>>
      tpu.enqueue_indirect_dma source(%dma_start3A_167 : memref<10000x128xf32, #tpu.memory_space<hbm>>) target(%arg9 : memref<128x128xf32, #tpu.memory_space<vmem>>) offsets(%dma_start3A_160 : memref<128xi32, #tpu.memory_space<vmem>>) semaphore(%arg11 : memref<!tpu.dma_semaphore, #tpu.memory_space<semaphore_mem>>)
      %add3A_168 = arith.constant 1 : i32
      %add3A_169 = arith.addi %add3A_119, %add3A_168 : i32
      %dma_wait3A_170 = arith.constant 0 : i32
      %dma_wait3A_171 = tpu.memref_slice %arg7[%add3A_169, %dma_wait3A_170] : memref<56x128xi32, #tpu.memory_space<vmem>> -> memref<1x128xi32, #tpu.memory_space<vmem>>
      %dma_wait3A_172 = tpu.memref_squeeze %dma_wait3A_171 : memref<1x128xi32, #tpu.memory_space<vmem>> -> memref<128xi32, #tpu.memory_space<vmem>>
      %dma_wait3A_173 = arith.constant 0 : i32
      %dma_wait3A_174 = arith.constant 0 : i32
      %dma_wait3A_175 = tpu.memref_slice %arg2[%scan3A_27, %dma_wait3A_173, %dma_wait3A_174] : memref<3x10000x128xf32, #tpu.memory_space<hbm>> -> memref<1x10000x128xf32, #tpu.memory_space<hbm>>
      %dma_wait3A_176 = tpu.memref_squeeze %dma_wait3A_175 : memref<1x10000x128xf32, #tpu.memory_space<hbm>> -> memref<10000x128xf32, #tpu.memory_space<hbm>>
      %dma_wait3A_177 = arith.constant 0 : i32
      %dma_wait3A_178 = arith.constant 0 : i32
      %dma_wait3A_179 = tpu.memref_slice %dma_wait3A_176[%dma_wait3A_177, %dma_wait3A_178] : memref<10000x128xf32, #tpu.memory_space<hbm>> -> memref<10000x128xf32, #tpu.memory_space<hbm>>
      tpu.wait_indirect_dma semaphore(%arg12 : memref<!tpu.dma_semaphore, #tpu.memory_space<semaphore_mem>>) src(%dma_wait3A_179 : memref<10000x128xf32, #tpu.memory_space<hbm>>) dst(%arg10 : memref<128x128xf32, #tpu.memory_space<vmem>>)
      %add3A_180 = arith.constant 1 : i32
      %add3A_181 = arith.addi %add3A_119, %add3A_180 : i32
      "tpu.region"() ({
        %run_scoped3A = tpu.sem_alloc : memref<!tpu.dma_semaphore, #tpu.memory_space<semaphore_mem>>
        %dma_start3A_182 = arith.constant 0 : i32
        %dma_start3A_183 = tpu.memref_slice %arg8[%add3A_181, %dma_start3A_182] : memref<56x128xi32, #tpu.memory_space<vmem>> -> memref<1x128xi32, #tpu.memory_space<vmem>>
        %dma_start3A_184 = tpu.memref_squeeze %dma_start3A_183 : memref<1x128xi32, #tpu.memory_space<vmem>> -> memref<128xi32, #tpu.memory_space<vmem>>
        %dma_start3A_185 = arith.constant 0 : i32
        %dma_start3A_186 = arith.constant 0 : i32
        %dma_start3A_187 = tpu.memref_slice %arg6[%dma_start3A_185, %dma_start3A_186] : memref<10240x128xf32, #tpu.memory_space<vmem_shared>> -> memref<10240x128xf32, #tpu.memory_space<vmem_shared>>
        tpu.enqueue_indirect_dma source(%arg10 : memref<128x128xf32, #tpu.memory_space<vmem>>) target(%dma_start3A_187 : memref<10240x128xf32, #tpu.memory_space<vmem_shared>>) offsets(%dma_start3A_184 : memref<128xi32, #tpu.memory_space<vmem>>) semaphore(%run_scoped3A : memref<!tpu.dma_semaphore, #tpu.memory_space<semaphore_mem>>) {add = true}
        %dma_wait3A_188 = arith.constant 0 : i32
        %dma_wait3A_189 = tpu.memref_slice %arg8[%add3A_181, %dma_wait3A_188] : memref<56x128xi32, #tpu.memory_space<vmem>> -> memref<1x128xi32, #tpu.memory_space<vmem>>
        %dma_wait3A_190 = tpu.memref_squeeze %dma_wait3A_189 : memref<1x128xi32, #tpu.memory_space<vmem>> -> memref<128xi32, #tpu.memory_space<vmem>>
        %dma_wait3A_191 = arith.constant 0 : i32
        %dma_wait3A_192 = arith.constant 0 : i32
        %dma_wait3A_193 = tpu.memref_slice %arg6[%dma_wait3A_191, %dma_wait3A_192] : memref<10240x128xf32, #tpu.memory_space<vmem_shared>> -> memref<10240x128xf32, #tpu.memory_space<vmem_shared>>
        tpu.wait_indirect_dma semaphore(%run_scoped3A : memref<!tpu.dma_semaphore, #tpu.memory_space<semaphore_mem>>) src(%arg10 : memref<128x128xf32, #tpu.memory_space<vmem>>) dst(%dma_wait3A_193 : memref<10240x128xf32, #tpu.memory_space<vmem_shared>>)
        tpu.yield
      }) : () -> ()
    }
    %scan3A_32 = arith.constant 27 : i32
    %dma_wait3A = arith.constant 0 : i32
    %dma_wait3A_33 = arith.constant 0 : i32
    %dma_wait3A_34 = arith.constant 0 : i32
    %dma_wait3A_35 = tpu.memref_slice %arg7[%dma_wait3A_33, %dma_wait3A_34] : memref<56x128xi32, #tpu.memory_space<vmem>> -> memref<1x128xi32, #tpu.memory_space<vmem>>
    %dma_wait3A_36 = tpu.memref_squeeze %dma_wait3A_35 : memref<1x128xi32, #tpu.memory_space<vmem>> -> memref<128xi32, #tpu.memory_space<vmem>>
    %dma_wait3A_37 = arith.constant 0 : i32
    %dma_wait3A_38 = arith.constant 0 : i32
    %dma_wait3A_39 = tpu.memref_slice %arg2[%dma_wait3A, %dma_wait3A_37, %dma_wait3A_38] : memref<3x10000x128xf32, #tpu.memory_space<hbm>> -> memref<1x10000x128xf32, #tpu.memory_space<hbm>>
    %dma_wait3A_40 = tpu.memref_squeeze %dma_wait3A_39 : memref<1x10000x128xf32, #tpu.memory_space<hbm>> -> memref<10000x128xf32, #tpu.memory_space<hbm>>
    %dma_wait3A_41 = arith.constant 0 : i32
    %dma_wait3A_42 = arith.constant 0 : i32
    %dma_wait3A_43 = tpu.memref_slice %dma_wait3A_40[%dma_wait3A_41, %dma_wait3A_42] : memref<10000x128xf32, #tpu.memory_space<hbm>> -> memref<10000x128xf32, #tpu.memory_space<hbm>>
    tpu.wait_indirect_dma semaphore(%arg11 : memref<!tpu.dma_semaphore, #tpu.memory_space<semaphore_mem>>) src(%dma_wait3A_43 : memref<10000x128xf32, #tpu.memory_space<hbm>>) dst(%arg9 : memref<128x128xf32, #tpu.memory_space<vmem>>)
    %add3A_44 = arith.constant 32 : i32
    %add3A_45 = arith.addi %add3A_44, %add3A : i32
    %mul3A_46 = arith.constant 56 : i32
    %mul3A_47 = arith.muli %add3A_45, %mul3A_46 : i32
    "tpu.region"() ({
      %run_scoped3A = tpu.sem_alloc : memref<!tpu.dma_semaphore, #tpu.memory_space<semaphore_mem>>
      %dma_start3A_115 = arith.constant 0 : i32
      %dma_start3A_116 = tpu.memref_slice %arg3[%mul3A_47, %dma_start3A_115] : memref<5376x128xi32, #tpu.memory_space<hbm>> -> memref<56x128xi32, #tpu.memory_space<hbm>>
      %dma_start3A_117 = arith.constant 0 : i32
      %dma_start3A_118 = tpu.memref_slice %arg3[%mul3A_47, %dma_start3A_117] : memref<5376x128xi32, #tpu.memory_space<hbm>> -> memref<56x128xi32, #tpu.memory_space<hbm>>
      tpu.enqueue_dma source(%dma_start3A_118 : memref<56x128xi32, #tpu.memory_space<hbm>>) target(%arg7 : memref<56x128xi32, #tpu.memory_space<vmem>>) target_semaphore(%run_scoped3A : memref<!tpu.dma_semaphore, #tpu.memory_space<semaphore_mem>>)
      %dma_wait3A_119 = arith.constant 0 : i32
      %dma_wait3A_120 = tpu.memref_slice %arg3[%mul3A_47, %dma_wait3A_119] : memref<5376x128xi32, #tpu.memory_space<hbm>> -> memref<56x128xi32, #tpu.memory_space<hbm>>
      %dma_wait3A_121 = arith.constant 0 : i32
      %dma_wait3A_122 = tpu.memref_slice %arg3[%mul3A_47, %dma_wait3A_121] : memref<5376x128xi32, #tpu.memory_space<hbm>> -> memref<56x128xi32, #tpu.memory_space<hbm>>
      tpu.wait_dma2 semaphore(%run_scoped3A : memref<!tpu.dma_semaphore, #tpu.memory_space<semaphore_mem>>) src(%dma_wait3A_122 : memref<56x128xi32, #tpu.memory_space<hbm>>) dst(%arg7 : memref<56x128xi32, #tpu.memory_space<vmem>>)
      tpu.yield
    }) : () -> ()
    "tpu.region"() ({
      %run_scoped3A = tpu.sem_alloc : memref<!tpu.dma_semaphore, #tpu.memory_space<semaphore_mem>>
      %dma_start3A_115 = arith.constant 0 : i32
      %dma_start3A_116 = tpu.memref_slice %arg4[%mul3A_47, %dma_start3A_115] : memref<5376x128xi32, #tpu.memory_space<hbm>> -> memref<56x128xi32, #tpu.memory_space<hbm>>
      %dma_start3A_117 = arith.constant 0 : i32
      %dma_start3A_118 = tpu.memref_slice %arg4[%mul3A_47, %dma_start3A_117] : memref<5376x128xi32, #tpu.memory_space<hbm>> -> memref<56x128xi32, #tpu.memory_space<hbm>>
      tpu.enqueue_dma source(%dma_start3A_118 : memref<56x128xi32, #tpu.memory_space<hbm>>) target(%arg8 : memref<56x128xi32, #tpu.memory_space<vmem>>) target_semaphore(%run_scoped3A : memref<!tpu.dma_semaphore, #tpu.memory_space<semaphore_mem>>)
      %dma_wait3A_119 = arith.constant 0 : i32
      %dma_wait3A_120 = tpu.memref_slice %arg4[%mul3A_47, %dma_wait3A_119] : memref<5376x128xi32, #tpu.memory_space<hbm>> -> memref<56x128xi32, #tpu.memory_space<hbm>>
      %dma_wait3A_121 = arith.constant 0 : i32
      %dma_wait3A_122 = tpu.memref_slice %arg4[%mul3A_47, %dma_wait3A_121] : memref<5376x128xi32, #tpu.memory_space<hbm>> -> memref<56x128xi32, #tpu.memory_space<hbm>>
      tpu.wait_dma2 semaphore(%run_scoped3A : memref<!tpu.dma_semaphore, #tpu.memory_space<semaphore_mem>>) src(%dma_wait3A_122 : memref<56x128xi32, #tpu.memory_space<hbm>>) dst(%arg8 : memref<56x128xi32, #tpu.memory_space<vmem>>)
      tpu.yield
    }) : () -> ()
    %dma_start3A_48 = arith.constant 1 : i32
    %dma_start3A_49 = arith.constant 0 : i32
    %dma_start3A_50 = arith.constant 0 : i32
    %dma_start3A_51 = tpu.memref_slice %arg7[%dma_start3A_49, %dma_start3A_50] : memref<56x128xi32, #tpu.memory_space<vmem>> -> memref<1x128xi32, #tpu.memory_space<vmem>>
    %dma_start3A_52 = tpu.memref_squeeze %dma_start3A_51 : memref<1x128xi32, #tpu.memory_space<vmem>> -> memref<128xi32, #tpu.memory_space<vmem>>
    %dma_start3A_53 = arith.constant 0 : i32
    %dma_start3A_54 = arith.constant 0 : i32
    %dma_start3A_55 = tpu.memref_slice %arg2[%dma_start3A_48, %dma_start3A_53, %dma_start3A_54] : memref<3x10000x128xf32, #tpu.memory_space<hbm>> -> memref<1x10000x128xf32, #tpu.memory_space<hbm>>
    %dma_start3A_56 = tpu.memref_squeeze %dma_start3A_55 : memref<1x10000x128xf32, #tpu.memory_space<hbm>> -> memref<10000x128xf32, #tpu.memory_space<hbm>>
    %dma_start3A_57 = arith.constant 0 : i32
    %dma_start3A_58 = arith.constant 0 : i32
    %dma_start3A_59 = tpu.memref_slice %dma_start3A_56[%dma_start3A_57, %dma_start3A_58] : memref<10000x128xf32, #tpu.memory_space<hbm>> -> memref<10000x128xf32, #tpu.memory_space<hbm>>
    tpu.enqueue_indirect_dma source(%dma_start3A_59 : memref<10000x128xf32, #tpu.memory_space<hbm>>) target(%arg9 : memref<128x128xf32, #tpu.memory_space<vmem>>) offsets(%dma_start3A_52 : memref<128xi32, #tpu.memory_space<vmem>>) semaphore(%arg11 : memref<!tpu.dma_semaphore, #tpu.memory_space<semaphore_mem>>)
    %scan3A_60 = arith.constant 1 : i32
    %scan3A_61 = arith.constant 0 : i32
    %scan3A_62 = arith.constant 27 : i32
    %scan3A_63 = arith.addi %scan3A_61, %scan3A_62 : i32
    %scan3A_64 = arith.constant 1 : i32
    scf.for %scan3A_115 = %scan3A_61 to %scan3A_63 step %scan3A_64  : i32 {
      %mul3A_116 = arith.constant 2 : i32
      %mul3A_117 = arith.muli %scan3A_115, %mul3A_116 : i32
      %add3A_118 = arith.constant 0 : i32
      %add3A_119 = arith.addi %add3A_118, %mul3A_117 : i32
      %add3A_120 = arith.constant 0 : i32
      %add3A_121 = arith.addi %add3A_119, %add3A_120 : i32
      %add3A_122 = arith.constant 2 : i32
      %add3A_123 = arith.addi %add3A_121, %add3A_122 : i32
      %sub3A = arith.constant 1 : i32
      %sub3A_124 = arith.subi %add3A_123, %sub3A : i32
      %rem3A = arith.constant 54 : i32
      %rem3A_125 = arith.remsi %sub3A_124, %rem3A : i32
      %dma_start3A_126 = arith.constant 0 : i32
      %dma_start3A_127 = tpu.memref_slice %arg7[%rem3A_125, %dma_start3A_126] : memref<56x128xi32, #tpu.memory_space<vmem>> -> memref<1x128xi32, #tpu.memory_space<vmem>>
      %dma_start3A_128 = tpu.memref_squeeze %dma_start3A_127 : memref<1x128xi32, #tpu.memory_space<vmem>> -> memref<128xi32, #tpu.memory_space<vmem>>
      %dma_start3A_129 = arith.constant 0 : i32
      %dma_start3A_130 = arith.constant 0 : i32
      %dma_start3A_131 = tpu.memref_slice %arg2[%scan3A_60, %dma_start3A_129, %dma_start3A_130] : memref<3x10000x128xf32, #tpu.memory_space<hbm>> -> memref<1x10000x128xf32, #tpu.memory_space<hbm>>
      %dma_start3A_132 = tpu.memref_squeeze %dma_start3A_131 : memref<1x10000x128xf32, #tpu.memory_space<hbm>> -> memref<10000x128xf32, #tpu.memory_space<hbm>>
      %dma_start3A_133 = arith.constant 0 : i32
      %dma_start3A_134 = arith.constant 0 : i32
      %dma_start3A_135 = tpu.memref_slice %dma_start3A_132[%dma_start3A_133, %dma_start3A_134] : memref<10000x128xf32, #tpu.memory_space<hbm>> -> memref<10000x128xf32, #tpu.memory_space<hbm>>
      tpu.enqueue_indirect_dma source(%dma_start3A_135 : memref<10000x128xf32, #tpu.memory_space<hbm>>) target(%arg10 : memref<128x128xf32, #tpu.memory_space<vmem>>) offsets(%dma_start3A_128 : memref<128xi32, #tpu.memory_space<vmem>>) semaphore(%arg12 : memref<!tpu.dma_semaphore, #tpu.memory_space<semaphore_mem>>)
      %add3A_136 = arith.constant 0 : i32
      %add3A_137 = arith.addi %add3A_119, %add3A_136 : i32
      %dma_wait3A_138 = arith.constant 0 : i32
      %dma_wait3A_139 = tpu.memref_slice %arg7[%add3A_137, %dma_wait3A_138] : memref<56x128xi32, #tpu.memory_space<vmem>> -> memref<1x128xi32, #tpu.memory_space<vmem>>
      %dma_wait3A_140 = tpu.memref_squeeze %dma_wait3A_139 : memref<1x128xi32, #tpu.memory_space<vmem>> -> memref<128xi32, #tpu.memory_space<vmem>>
      %dma_wait3A_141 = arith.constant 0 : i32
      %dma_wait3A_142 = arith.constant 0 : i32
      %dma_wait3A_143 = tpu.memref_slice %arg2[%scan3A_60, %dma_wait3A_141, %dma_wait3A_142] : memref<3x10000x128xf32, #tpu.memory_space<hbm>> -> memref<1x10000x128xf32, #tpu.memory_space<hbm>>
      %dma_wait3A_144 = tpu.memref_squeeze %dma_wait3A_143 : memref<1x10000x128xf32, #tpu.memory_space<hbm>> -> memref<10000x128xf32, #tpu.memory_space<hbm>>
      %dma_wait3A_145 = arith.constant 0 : i32
      %dma_wait3A_146 = arith.constant 0 : i32
      %dma_wait3A_147 = tpu.memref_slice %dma_wait3A_144[%dma_wait3A_145, %dma_wait3A_146] : memref<10000x128xf32, #tpu.memory_space<hbm>> -> memref<10000x128xf32, #tpu.memory_space<hbm>>
      tpu.wait_indirect_dma semaphore(%arg11 : memref<!tpu.dma_semaphore, #tpu.memory_space<semaphore_mem>>) src(%dma_wait3A_147 : memref<10000x128xf32, #tpu.memory_space<hbm>>) dst(%arg9 : memref<128x128xf32, #tpu.memory_space<vmem>>)
      %add3A_148 = arith.constant 0 : i32
      %add3A_149 = arith.addi %add3A_119, %add3A_148 : i32
      "tpu.region"() ({
        %run_scoped3A = tpu.sem_alloc : memref<!tpu.dma_semaphore, #tpu.memory_space<semaphore_mem>>
        %dma_start3A_182 = arith.constant 0 : i32
        %dma_start3A_183 = tpu.memref_slice %arg8[%add3A_149, %dma_start3A_182] : memref<56x128xi32, #tpu.memory_space<vmem>> -> memref<1x128xi32, #tpu.memory_space<vmem>>
        %dma_start3A_184 = tpu.memref_squeeze %dma_start3A_183 : memref<1x128xi32, #tpu.memory_space<vmem>> -> memref<128xi32, #tpu.memory_space<vmem>>
        %dma_start3A_185 = arith.constant 0 : i32
        %dma_start3A_186 = arith.constant 0 : i32
        %dma_start3A_187 = tpu.memref_slice %arg6[%dma_start3A_185, %dma_start3A_186] : memref<10240x128xf32, #tpu.memory_space<vmem_shared>> -> memref<10240x128xf32, #tpu.memory_space<vmem_shared>>
        tpu.enqueue_indirect_dma source(%arg9 : memref<128x128xf32, #tpu.memory_space<vmem>>) target(%dma_start3A_187 : memref<10240x128xf32, #tpu.memory_space<vmem_shared>>) offsets(%dma_start3A_184 : memref<128xi32, #tpu.memory_space<vmem>>) semaphore(%run_scoped3A : memref<!tpu.dma_semaphore, #tpu.memory_space<semaphore_mem>>) {add = true}
        %dma_wait3A_188 = arith.constant 0 : i32
        %dma_wait3A_189 = tpu.memref_slice %arg8[%add3A_149, %dma_wait3A_188] : memref<56x128xi32, #tpu.memory_space<vmem>> -> memref<1x128xi32, #tpu.memory_space<vmem>>
        %dma_wait3A_190 = tpu.memref_squeeze %dma_wait3A_189 : memref<1x128xi32, #tpu.memory_space<vmem>> -> memref<128xi32, #tpu.memory_space<vmem>>
        %dma_wait3A_191 = arith.constant 0 : i32
        %dma_wait3A_192 = arith.constant 0 : i32
        %dma_wait3A_193 = tpu.memref_slice %arg6[%dma_wait3A_191, %dma_wait3A_192] : memref<10240x128xf32, #tpu.memory_space<vmem_shared>> -> memref<10240x128xf32, #tpu.memory_space<vmem_shared>>
        tpu.wait_indirect_dma semaphore(%run_scoped3A : memref<!tpu.dma_semaphore, #tpu.memory_space<semaphore_mem>>) src(%arg9 : memref<128x128xf32, #tpu.memory_space<vmem>>) dst(%dma_wait3A_193 : memref<10240x128xf32, #tpu.memory_space<vmem_shared>>)
        tpu.yield
      }) : () -> ()
      %add3A_150 = arith.constant 1 : i32
      %add3A_151 = arith.addi %add3A_119, %add3A_150 : i32
      %add3A_152 = arith.constant 2 : i32
      %add3A_153 = arith.addi %add3A_151, %add3A_152 : i32
      %sub3A_154 = arith.constant 1 : i32
      %sub3A_155 = arith.subi %add3A_153, %sub3A_154 : i32
      %rem3A_156 = arith.constant 54 : i32
      %rem3A_157 = arith.remsi %sub3A_155, %rem3A_156 : i32
      %dma_start3A_158 = arith.constant 0 : i32
      %dma_start3A_159 = tpu.memref_slice %arg7[%rem3A_157, %dma_start3A_158] : memref<56x128xi32, #tpu.memory_space<vmem>> -> memref<1x128xi32, #tpu.memory_space<vmem>>
      %dma_start3A_160 = tpu.memref_squeeze %dma_start3A_159 : memref<1x128xi32, #tpu.memory_space<vmem>> -> memref<128xi32, #tpu.memory_space<vmem>>
      %dma_start3A_161 = arith.constant 0 : i32
      %dma_start3A_162 = arith.constant 0 : i32
      %dma_start3A_163 = tpu.memref_slice %arg2[%scan3A_60, %dma_start3A_161, %dma_start3A_162] : memref<3x10000x128xf32, #tpu.memory_space<hbm>> -> memref<1x10000x128xf32, #tpu.memory_space<hbm>>
      %dma_start3A_164 = tpu.memref_squeeze %dma_start3A_163 : memref<1x10000x128xf32, #tpu.memory_space<hbm>> -> memref<10000x128xf32, #tpu.memory_space<hbm>>
      %dma_start3A_165 = arith.constant 0 : i32
      %dma_start3A_166 = arith.constant 0 : i32
      %dma_start3A_167 = tpu.memref_slice %dma_start3A_164[%dma_start3A_165, %dma_start3A_166] : memref<10000x128xf32, #tpu.memory_space<hbm>> -> memref<10000x128xf32, #tpu.memory_space<hbm>>
      tpu.enqueue_indirect_dma source(%dma_start3A_167 : memref<10000x128xf32, #tpu.memory_space<hbm>>) target(%arg9 : memref<128x128xf32, #tpu.memory_space<vmem>>) offsets(%dma_start3A_160 : memref<128xi32, #tpu.memory_space<vmem>>) semaphore(%arg11 : memref<!tpu.dma_semaphore, #tpu.memory_space<semaphore_mem>>)
      %add3A_168 = arith.constant 1 : i32
      %add3A_169 = arith.addi %add3A_119, %add3A_168 : i32
      %dma_wait3A_170 = arith.constant 0 : i32
      %dma_wait3A_171 = tpu.memref_slice %arg7[%add3A_169, %dma_wait3A_170] : memref<56x128xi32, #tpu.memory_space<vmem>> -> memref<1x128xi32, #tpu.memory_space<vmem>>
      %dma_wait3A_172 = tpu.memref_squeeze %dma_wait3A_171 : memref<1x128xi32, #tpu.memory_space<vmem>> -> memref<128xi32, #tpu.memory_space<vmem>>
      %dma_wait3A_173 = arith.constant 0 : i32
      %dma_wait3A_174 = arith.constant 0 : i32
      %dma_wait3A_175 = tpu.memref_slice %arg2[%scan3A_60, %dma_wait3A_173, %dma_wait3A_174] : memref<3x10000x128xf32, #tpu.memory_space<hbm>> -> memref<1x10000x128xf32, #tpu.memory_space<hbm>>
      %dma_wait3A_176 = tpu.memref_squeeze %dma_wait3A_175 : memref<1x10000x128xf32, #tpu.memory_space<hbm>> -> memref<10000x128xf32, #tpu.memory_space<hbm>>
      %dma_wait3A_177 = arith.constant 0 : i32
      %dma_wait3A_178 = arith.constant 0 : i32
      %dma_wait3A_179 = tpu.memref_slice %dma_wait3A_176[%dma_wait3A_177, %dma_wait3A_178] : memref<10000x128xf32, #tpu.memory_space<hbm>> -> memref<10000x128xf32, #tpu.memory_space<hbm>>
      tpu.wait_indirect_dma semaphore(%arg12 : memref<!tpu.dma_semaphore, #tpu.memory_space<semaphore_mem>>) src(%dma_wait3A_179 : memref<10000x128xf32, #tpu.memory_space<hbm>>) dst(%arg10 : memref<128x128xf32, #tpu.memory_space<vmem>>)
      %add3A_180 = arith.constant 1 : i32
      %add3A_181 = arith.addi %add3A_119, %add3A_180 : i32
      "tpu.region"() ({
        %run_scoped3A = tpu.sem_alloc : memref<!tpu.dma_semaphore, #tpu.memory_space<semaphore_mem>>
        %dma_start3A_182 = arith.constant 0 : i32
        %dma_start3A_183 = tpu.memref_slice %arg8[%add3A_181, %dma_start3A_182] : memref<56x128xi32, #tpu.memory_space<vmem>> -> memref<1x128xi32, #tpu.memory_space<vmem>>
        %dma_start3A_184 = tpu.memref_squeeze %dma_start3A_183 : memref<1x128xi32, #tpu.memory_space<vmem>> -> memref<128xi32, #tpu.memory_space<vmem>>
        %dma_start3A_185 = arith.constant 0 : i32
        %dma_start3A_186 = arith.constant 0 : i32
        %dma_start3A_187 = tpu.memref_slice %arg6[%dma_start3A_185, %dma_start3A_186] : memref<10240x128xf32, #tpu.memory_space<vmem_shared>> -> memref<10240x128xf32, #tpu.memory_space<vmem_shared>>
        tpu.enqueue_indirect_dma source(%arg10 : memref<128x128xf32, #tpu.memory_space<vmem>>) target(%dma_start3A_187 : memref<10240x128xf32, #tpu.memory_space<vmem_shared>>) offsets(%dma_start3A_184 : memref<128xi32, #tpu.memory_space<vmem>>) semaphore(%run_scoped3A : memref<!tpu.dma_semaphore, #tpu.memory_space<semaphore_mem>>) {add = true}
        %dma_wait3A_188 = arith.constant 0 : i32
        %dma_wait3A_189 = tpu.memref_slice %arg8[%add3A_181, %dma_wait3A_188] : memref<56x128xi32, #tpu.memory_space<vmem>> -> memref<1x128xi32, #tpu.memory_space<vmem>>
        %dma_wait3A_190 = tpu.memref_squeeze %dma_wait3A_189 : memref<1x128xi32, #tpu.memory_space<vmem>> -> memref<128xi32, #tpu.memory_space<vmem>>
        %dma_wait3A_191 = arith.constant 0 : i32
        %dma_wait3A_192 = arith.constant 0 : i32
        %dma_wait3A_193 = tpu.memref_slice %arg6[%dma_wait3A_191, %dma_wait3A_192] : memref<10240x128xf32, #tpu.memory_space<vmem_shared>> -> memref<10240x128xf32, #tpu.memory_space<vmem_shared>>
        tpu.wait_indirect_dma semaphore(%run_scoped3A : memref<!tpu.dma_semaphore, #tpu.memory_space<semaphore_mem>>) src(%arg10 : memref<128x128xf32, #tpu.memory_space<vmem>>) dst(%dma_wait3A_193 : memref<10240x128xf32, #tpu.memory_space<vmem_shared>>)
        tpu.yield
      }) : () -> ()
    }
    %scan3A_65 = arith.constant 27 : i32
    %dma_wait3A_66 = arith.constant 1 : i32
    %dma_wait3A_67 = arith.constant 0 : i32
    %dma_wait3A_68 = arith.constant 0 : i32
    %dma_wait3A_69 = tpu.memref_slice %arg7[%dma_wait3A_67, %dma_wait3A_68] : memref<56x128xi32, #tpu.memory_space<vmem>> -> memref<1x128xi32, #tpu.memory_space<vmem>>
    %dma_wait3A_70 = tpu.memref_squeeze %dma_wait3A_69 : memref<1x128xi32, #tpu.memory_space<vmem>> -> memref<128xi32, #tpu.memory_space<vmem>>
    %dma_wait3A_71 = arith.constant 0 : i32
    %dma_wait3A_72 = arith.constant 0 : i32
    %dma_wait3A_73 = tpu.memref_slice %arg2[%dma_wait3A_66, %dma_wait3A_71, %dma_wait3A_72] : memref<3x10000x128xf32, #tpu.memory_space<hbm>> -> memref<1x10000x128xf32, #tpu.memory_space<hbm>>
    %dma_wait3A_74 = tpu.memref_squeeze %dma_wait3A_73 : memref<1x10000x128xf32, #tpu.memory_space<hbm>> -> memref<10000x128xf32, #tpu.memory_space<hbm>>
    %dma_wait3A_75 = arith.constant 0 : i32
    %dma_wait3A_76 = arith.constant 0 : i32
    %dma_wait3A_77 = tpu.memref_slice %dma_wait3A_74[%dma_wait3A_75, %dma_wait3A_76] : memref<10000x128xf32, #tpu.memory_space<hbm>> -> memref<10000x128xf32, #tpu.memory_space<hbm>>
    tpu.wait_indirect_dma semaphore(%arg11 : memref<!tpu.dma_semaphore, #tpu.memory_space<semaphore_mem>>) src(%dma_wait3A_77 : memref<10000x128xf32, #tpu.memory_space<hbm>>) dst(%arg9 : memref<128x128xf32, #tpu.memory_space<vmem>>)
    %add3A_78 = arith.constant 64 : i32
    %add3A_79 = arith.addi %add3A_78, %add3A : i32
    %mul3A_80 = arith.constant 56 : i32
    %mul3A_81 = arith.muli %add3A_79, %mul3A_80 : i32
    "tpu.region"() ({
      %run_scoped3A = tpu.sem_alloc : memref<!tpu.dma_semaphore, #tpu.memory_space<semaphore_mem>>
      %dma_start3A_115 = arith.constant 0 : i32
      %dma_start3A_116 = tpu.memref_slice %arg3[%mul3A_81, %dma_start3A_115] : memref<5376x128xi32, #tpu.memory_space<hbm>> -> memref<56x128xi32, #tpu.memory_space<hbm>>
      %dma_start3A_117 = arith.constant 0 : i32
      %dma_start3A_118 = tpu.memref_slice %arg3[%mul3A_81, %dma_start3A_117] : memref<5376x128xi32, #tpu.memory_space<hbm>> -> memref<56x128xi32, #tpu.memory_space<hbm>>
      tpu.enqueue_dma source(%dma_start3A_118 : memref<56x128xi32, #tpu.memory_space<hbm>>) target(%arg7 : memref<56x128xi32, #tpu.memory_space<vmem>>) target_semaphore(%run_scoped3A : memref<!tpu.dma_semaphore, #tpu.memory_space<semaphore_mem>>)
      %dma_wait3A_119 = arith.constant 0 : i32
      %dma_wait3A_120 = tpu.memref_slice %arg3[%mul3A_81, %dma_wait3A_119] : memref<5376x128xi32, #tpu.memory_space<hbm>> -> memref<56x128xi32, #tpu.memory_space<hbm>>
      %dma_wait3A_121 = arith.constant 0 : i32
      %dma_wait3A_122 = tpu.memref_slice %arg3[%mul3A_81, %dma_wait3A_121] : memref<5376x128xi32, #tpu.memory_space<hbm>> -> memref<56x128xi32, #tpu.memory_space<hbm>>
      tpu.wait_dma2 semaphore(%run_scoped3A : memref<!tpu.dma_semaphore, #tpu.memory_space<semaphore_mem>>) src(%dma_wait3A_122 : memref<56x128xi32, #tpu.memory_space<hbm>>) dst(%arg7 : memref<56x128xi32, #tpu.memory_space<vmem>>)
      tpu.yield
    }) : () -> ()
    "tpu.region"() ({
      %run_scoped3A = tpu.sem_alloc : memref<!tpu.dma_semaphore, #tpu.memory_space<semaphore_mem>>
      %dma_start3A_115 = arith.constant 0 : i32
      %dma_start3A_116 = tpu.memref_slice %arg4[%mul3A_81, %dma_start3A_115] : memref<5376x128xi32, #tpu.memory_space<hbm>> -> memref<56x128xi32, #tpu.memory_space<hbm>>
      %dma_start3A_117 = arith.constant 0 : i32
      %dma_start3A_118 = tpu.memref_slice %arg4[%mul3A_81, %dma_start3A_117] : memref<5376x128xi32, #tpu.memory_space<hbm>> -> memref<56x128xi32, #tpu.memory_space<hbm>>
      tpu.enqueue_dma source(%dma_start3A_118 : memref<56x128xi32, #tpu.memory_space<hbm>>) target(%arg8 : memref<56x128xi32, #tpu.memory_space<vmem>>) target_semaphore(%run_scoped3A : memref<!tpu.dma_semaphore, #tpu.memory_space<semaphore_mem>>)
      %dma_wait3A_119 = arith.constant 0 : i32
      %dma_wait3A_120 = tpu.memref_slice %arg4[%mul3A_81, %dma_wait3A_119] : memref<5376x128xi32, #tpu.memory_space<hbm>> -> memref<56x128xi32, #tpu.memory_space<hbm>>
      %dma_wait3A_121 = arith.constant 0 : i32
      %dma_wait3A_122 = tpu.memref_slice %arg4[%mul3A_81, %dma_wait3A_121] : memref<5376x128xi32, #tpu.memory_space<hbm>> -> memref<56x128xi32, #tpu.memory_space<hbm>>
      tpu.wait_dma2 semaphore(%run_scoped3A : memref<!tpu.dma_semaphore, #tpu.memory_space<semaphore_mem>>) src(%dma_wait3A_122 : memref<56x128xi32, #tpu.memory_space<hbm>>) dst(%arg8 : memref<56x128xi32, #tpu.memory_space<vmem>>)
      tpu.yield
    }) : () -> ()
    %dma_start3A_82 = arith.constant 2 : i32
    %dma_start3A_83 = arith.constant 0 : i32
    %dma_start3A_84 = arith.constant 0 : i32
    %dma_start3A_85 = tpu.memref_slice %arg7[%dma_start3A_83, %dma_start3A_84] : memref<56x128xi32, #tpu.memory_space<vmem>> -> memref<1x128xi32, #tpu.memory_space<vmem>>
    %dma_start3A_86 = tpu.memref_squeeze %dma_start3A_85 : memref<1x128xi32, #tpu.memory_space<vmem>> -> memref<128xi32, #tpu.memory_space<vmem>>
    %dma_start3A_87 = arith.constant 0 : i32
    %dma_start3A_88 = arith.constant 0 : i32
    %dma_start3A_89 = tpu.memref_slice %arg2[%dma_start3A_82, %dma_start3A_87, %dma_start3A_88] : memref<3x10000x128xf32, #tpu.memory_space<hbm>> -> memref<1x10000x128xf32, #tpu.memory_space<hbm>>
    %dma_start3A_90 = tpu.memref_squeeze %dma_start3A_89 : memref<1x10000x128xf32, #tpu.memory_space<hbm>> -> memref<10000x128xf32, #tpu.memory_space<hbm>>
    %dma_start3A_91 = arith.constant 0 : i32
    %dma_start3A_92 = arith.constant 0 : i32
    %dma_start3A_93 = tpu.memref_slice %dma_start3A_90[%dma_start3A_91, %dma_start3A_92] : memref<10000x128xf32, #tpu.memory_space<hbm>> -> memref<10000x128xf32, #tpu.memory_space<hbm>>
    tpu.enqueue_indirect_dma source(%dma_start3A_93 : memref<10000x128xf32, #tpu.memory_space<hbm>>) target(%arg9 : memref<128x128xf32, #tpu.memory_space<vmem>>) offsets(%dma_start3A_86 : memref<128xi32, #tpu.memory_space<vmem>>) semaphore(%arg11 : memref<!tpu.dma_semaphore, #tpu.memory_space<semaphore_mem>>)
    %scan3A_94 = arith.constant 2 : i32
    %scan3A_95 = arith.constant 0 : i32
    %scan3A_96 = arith.constant 27 : i32
    %scan3A_97 = arith.addi %scan3A_95, %scan3A_96 : i32
    %scan3A_98 = arith.constant 1 : i32
    scf.for %scan3A_115 = %scan3A_95 to %scan3A_97 step %scan3A_98  : i32 {
      %mul3A_116 = arith.constant 2 : i32
      %mul3A_117 = arith.muli %scan3A_115, %mul3A_116 : i32
      %add3A_118 = arith.constant 0 : i32
      %add3A_119 = arith.addi %add3A_118, %mul3A_117 : i32
      %add3A_120 = arith.constant 0 : i32
      %add3A_121 = arith.addi %add3A_119, %add3A_120 : i32
      %add3A_122 = arith.constant 2 : i32
      %add3A_123 = arith.addi %add3A_121, %add3A_122 : i32
      %sub3A = arith.constant 1 : i32
      %sub3A_124 = arith.subi %add3A_123, %sub3A : i32
      %rem3A = arith.constant 54 : i32
      %rem3A_125 = arith.remsi %sub3A_124, %rem3A : i32
      %dma_start3A_126 = arith.constant 0 : i32
      %dma_start3A_127 = tpu.memref_slice %arg7[%rem3A_125, %dma_start3A_126] : memref<56x128xi32, #tpu.memory_space<vmem>> -> memref<1x128xi32, #tpu.memory_space<vmem>>
      %dma_start3A_128 = tpu.memref_squeeze %dma_start3A_127 : memref<1x128xi32, #tpu.memory_space<vmem>> -> memref<128xi32, #tpu.memory_space<vmem>>
      %dma_start3A_129 = arith.constant 0 : i32
      %dma_start3A_130 = arith.constant 0 : i32
      %dma_start3A_131 = tpu.memref_slice %arg2[%scan3A_94, %dma_start3A_129, %dma_start3A_130] : memref<3x10000x128xf32, #tpu.memory_space<hbm>> -> memref<1x10000x128xf32, #tpu.memory_space<hbm>>
      %dma_start3A_132 = tpu.memref_squeeze %dma_start3A_131 : memref<1x10000x128xf32, #tpu.memory_space<hbm>> -> memref<10000x128xf32, #tpu.memory_space<hbm>>
      %dma_start3A_133 = arith.constant 0 : i32
      %dma_start3A_134 = arith.constant 0 : i32
      %dma_start3A_135 = tpu.memref_slice %dma_start3A_132[%dma_start3A_133, %dma_start3A_134] : memref<10000x128xf32, #tpu.memory_space<hbm>> -> memref<10000x128xf32, #tpu.memory_space<hbm>>
      tpu.enqueue_indirect_dma source(%dma_start3A_135 : memref<10000x128xf32, #tpu.memory_space<hbm>>) target(%arg10 : memref<128x128xf32, #tpu.memory_space<vmem>>) offsets(%dma_start3A_128 : memref<128xi32, #tpu.memory_space<vmem>>) semaphore(%arg12 : memref<!tpu.dma_semaphore, #tpu.memory_space<semaphore_mem>>)
      %add3A_136 = arith.constant 0 : i32
      %add3A_137 = arith.addi %add3A_119, %add3A_136 : i32
      %dma_wait3A_138 = arith.constant 0 : i32
      %dma_wait3A_139 = tpu.memref_slice %arg7[%add3A_137, %dma_wait3A_138] : memref<56x128xi32, #tpu.memory_space<vmem>> -> memref<1x128xi32, #tpu.memory_space<vmem>>
      %dma_wait3A_140 = tpu.memref_squeeze %dma_wait3A_139 : memref<1x128xi32, #tpu.memory_space<vmem>> -> memref<128xi32, #tpu.memory_space<vmem>>
      %dma_wait3A_141 = arith.constant 0 : i32
      %dma_wait3A_142 = arith.constant 0 : i32
      %dma_wait3A_143 = tpu.memref_slice %arg2[%scan3A_94, %dma_wait3A_141, %dma_wait3A_142] : memref<3x10000x128xf32, #tpu.memory_space<hbm>> -> memref<1x10000x128xf32, #tpu.memory_space<hbm>>
      %dma_wait3A_144 = tpu.memref_squeeze %dma_wait3A_143 : memref<1x10000x128xf32, #tpu.memory_space<hbm>> -> memref<10000x128xf32, #tpu.memory_space<hbm>>
      %dma_wait3A_145 = arith.constant 0 : i32
      %dma_wait3A_146 = arith.constant 0 : i32
      %dma_wait3A_147 = tpu.memref_slice %dma_wait3A_144[%dma_wait3A_145, %dma_wait3A_146] : memref<10000x128xf32, #tpu.memory_space<hbm>> -> memref<10000x128xf32, #tpu.memory_space<hbm>>
      tpu.wait_indirect_dma semaphore(%arg11 : memref<!tpu.dma_semaphore, #tpu.memory_space<semaphore_mem>>) src(%dma_wait3A_147 : memref<10000x128xf32, #tpu.memory_space<hbm>>) dst(%arg9 : memref<128x128xf32, #tpu.memory_space<vmem>>)
      %add3A_148 = arith.constant 0 : i32
      %add3A_149 = arith.addi %add3A_119, %add3A_148 : i32
      "tpu.region"() ({
        %run_scoped3A = tpu.sem_alloc : memref<!tpu.dma_semaphore, #tpu.memory_space<semaphore_mem>>
        %dma_start3A_182 = arith.constant 0 : i32
        %dma_start3A_183 = tpu.memref_slice %arg8[%add3A_149, %dma_start3A_182] : memref<56x128xi32, #tpu.memory_space<vmem>> -> memref<1x128xi32, #tpu.memory_space<vmem>>
        %dma_start3A_184 = tpu.memref_squeeze %dma_start3A_183 : memref<1x128xi32, #tpu.memory_space<vmem>> -> memref<128xi32, #tpu.memory_space<vmem>>
        %dma_start3A_185 = arith.constant 0 : i32
        %dma_start3A_186 = arith.constant 0 : i32
        %dma_start3A_187 = tpu.memref_slice %arg6[%dma_start3A_185, %dma_start3A_186] : memref<10240x128xf32, #tpu.memory_space<vmem_shared>> -> memref<10240x128xf32, #tpu.memory_space<vmem_shared>>
        tpu.enqueue_indirect_dma source(%arg9 : memref<128x128xf32, #tpu.memory_space<vmem>>) target(%dma_start3A_187 : memref<10240x128xf32, #tpu.memory_space<vmem_shared>>) offsets(%dma_start3A_184 : memref<128xi32, #tpu.memory_space<vmem>>) semaphore(%run_scoped3A : memref<!tpu.dma_semaphore, #tpu.memory_space<semaphore_mem>>) {add = true}
        %dma_wait3A_188 = arith.constant 0 : i32
        %dma_wait3A_189 = tpu.memref_slice %arg8[%add3A_149, %dma_wait3A_188] : memref<56x128xi32, #tpu.memory_space<vmem>> -> memref<1x128xi32, #tpu.memory_space<vmem>>
        %dma_wait3A_190 = tpu.memref_squeeze %dma_wait3A_189 : memref<1x128xi32, #tpu.memory_space<vmem>> -> memref<128xi32, #tpu.memory_space<vmem>>
        %dma_wait3A_191 = arith.constant 0 : i32
        %dma_wait3A_192 = arith.constant 0 : i32
        %dma_wait3A_193 = tpu.memref_slice %arg6[%dma_wait3A_191, %dma_wait3A_192] : memref<10240x128xf32, #tpu.memory_space<vmem_shared>> -> memref<10240x128xf32, #tpu.memory_space<vmem_shared>>
        tpu.wait_indirect_dma semaphore(%run_scoped3A : memref<!tpu.dma_semaphore, #tpu.memory_space<semaphore_mem>>) src(%arg9 : memref<128x128xf32, #tpu.memory_space<vmem>>) dst(%dma_wait3A_193 : memref<10240x128xf32, #tpu.memory_space<vmem_shared>>)
        tpu.yield
      }) : () -> ()
      %add3A_150 = arith.constant 1 : i32
      %add3A_151 = arith.addi %add3A_119, %add3A_150 : i32
      %add3A_152 = arith.constant 2 : i32
      %add3A_153 = arith.addi %add3A_151, %add3A_152 : i32
      %sub3A_154 = arith.constant 1 : i32
      %sub3A_155 = arith.subi %add3A_153, %sub3A_154 : i32
      %rem3A_156 = arith.constant 54 : i32
      %rem3A_157 = arith.remsi %sub3A_155, %rem3A_156 : i32
      %dma_start3A_158 = arith.constant 0 : i32
      %dma_start3A_159 = tpu.memref_slice %arg7[%rem3A_157, %dma_start3A_158] : memref<56x128xi32, #tpu.memory_space<vmem>> -> memref<1x128xi32, #tpu.memory_space<vmem>>
      %dma_start3A_160 = tpu.memref_squeeze %dma_start3A_159 : memref<1x128xi32, #tpu.memory_space<vmem>> -> memref<128xi32, #tpu.memory_space<vmem>>
      %dma_start3A_161 = arith.constant 0 : i32
      %dma_start3A_162 = arith.constant 0 : i32
      %dma_start3A_163 = tpu.memref_slice %arg2[%scan3A_94, %dma_start3A_161, %dma_start3A_162] : memref<3x10000x128xf32, #tpu.memory_space<hbm>> -> memref<1x10000x128xf32, #tpu.memory_space<hbm>>
      %dma_start3A_164 = tpu.memref_squeeze %dma_start3A_163 : memref<1x10000x128xf32, #tpu.memory_space<hbm>> -> memref<10000x128xf32, #tpu.memory_space<hbm>>
      %dma_start3A_165 = arith.constant 0 : i32
      %dma_start3A_166 = arith.constant 0 : i32
      %dma_start3A_167 = tpu.memref_slice %dma_start3A_164[%dma_start3A_165, %dma_start3A_166] : memref<10000x128xf32, #tpu.memory_space<hbm>> -> memref<10000x128xf32, #tpu.memory_space<hbm>>
      tpu.enqueue_indirect_dma source(%dma_start3A_167 : memref<10000x128xf32, #tpu.memory_space<hbm>>) target(%arg9 : memref<128x128xf32, #tpu.memory_space<vmem>>) offsets(%dma_start3A_160 : memref<128xi32, #tpu.memory_space<vmem>>) semaphore(%arg11 : memref<!tpu.dma_semaphore, #tpu.memory_space<semaphore_mem>>)
      %add3A_168 = arith.constant 1 : i32
      %add3A_169 = arith.addi %add3A_119, %add3A_168 : i32
      %dma_wait3A_170 = arith.constant 0 : i32
      %dma_wait3A_171 = tpu.memref_slice %arg7[%add3A_169, %dma_wait3A_170] : memref<56x128xi32, #tpu.memory_space<vmem>> -> memref<1x128xi32, #tpu.memory_space<vmem>>
      %dma_wait3A_172 = tpu.memref_squeeze %dma_wait3A_171 : memref<1x128xi32, #tpu.memory_space<vmem>> -> memref<128xi32, #tpu.memory_space<vmem>>
      %dma_wait3A_173 = arith.constant 0 : i32
      %dma_wait3A_174 = arith.constant 0 : i32
      %dma_wait3A_175 = tpu.memref_slice %arg2[%scan3A_94, %dma_wait3A_173, %dma_wait3A_174] : memref<3x10000x128xf32, #tpu.memory_space<hbm>> -> memref<1x10000x128xf32, #tpu.memory_space<hbm>>
      %dma_wait3A_176 = tpu.memref_squeeze %dma_wait3A_175 : memref<1x10000x128xf32, #tpu.memory_space<hbm>> -> memref<10000x128xf32, #tpu.memory_space<hbm>>
      %dma_wait3A_177 = arith.constant 0 : i32
      %dma_wait3A_178 = arith.constant 0 : i32
      %dma_wait3A_179 = tpu.memref_slice %dma_wait3A_176[%dma_wait3A_177, %dma_wait3A_178] : memref<10000x128xf32, #tpu.memory_space<hbm>> -> memref<10000x128xf32, #tpu.memory_space<hbm>>
      tpu.wait_indirect_dma semaphore(%arg12 : memref<!tpu.dma_semaphore, #tpu.memory_space<semaphore_mem>>) src(%dma_wait3A_179 : memref<10000x128xf32, #tpu.memory_space<hbm>>) dst(%arg10 : memref<128x128xf32, #tpu.memory_space<vmem>>)
      %add3A_180 = arith.constant 1 : i32
      %add3A_181 = arith.addi %add3A_119, %add3A_180 : i32
      "tpu.region"() ({
        %run_scoped3A = tpu.sem_alloc : memref<!tpu.dma_semaphore, #tpu.memory_space<semaphore_mem>>
        %dma_start3A_182 = arith.constant 0 : i32
        %dma_start3A_183 = tpu.memref_slice %arg8[%add3A_181, %dma_start3A_182] : memref<56x128xi32, #tpu.memory_space<vmem>> -> memref<1x128xi32, #tpu.memory_space<vmem>>
        %dma_start3A_184 = tpu.memref_squeeze %dma_start3A_183 : memref<1x128xi32, #tpu.memory_space<vmem>> -> memref<128xi32, #tpu.memory_space<vmem>>
        %dma_start3A_185 = arith.constant 0 : i32
        %dma_start3A_186 = arith.constant 0 : i32
        %dma_start3A_187 = tpu.memref_slice %arg6[%dma_start3A_185, %dma_start3A_186] : memref<10240x128xf32, #tpu.memory_space<vmem_shared>> -> memref<10240x128xf32, #tpu.memory_space<vmem_shared>>
        tpu.enqueue_indirect_dma source(%arg10 : memref<128x128xf32, #tpu.memory_space<vmem>>) target(%dma_start3A_187 : memref<10240x128xf32, #tpu.memory_space<vmem_shared>>) offsets(%dma_start3A_184 : memref<128xi32, #tpu.memory_space<vmem>>) semaphore(%run_scoped3A : memref<!tpu.dma_semaphore, #tpu.memory_space<semaphore_mem>>) {add = true}
        %dma_wait3A_188 = arith.constant 0 : i32
        %dma_wait3A_189 = tpu.memref_slice %arg8[%add3A_181, %dma_wait3A_188] : memref<56x128xi32, #tpu.memory_space<vmem>> -> memref<1x128xi32, #tpu.memory_space<vmem>>
        %dma_wait3A_190 = tpu.memref_squeeze %dma_wait3A_189 : memref<1x128xi32, #tpu.memory_space<vmem>> -> memref<128xi32, #tpu.memory_space<vmem>>
        %dma_wait3A_191 = arith.constant 0 : i32
        %dma_wait3A_192 = arith.constant 0 : i32
        %dma_wait3A_193 = tpu.memref_slice %arg6[%dma_wait3A_191, %dma_wait3A_192] : memref<10240x128xf32, #tpu.memory_space<vmem_shared>> -> memref<10240x128xf32, #tpu.memory_space<vmem_shared>>
        tpu.wait_indirect_dma semaphore(%run_scoped3A : memref<!tpu.dma_semaphore, #tpu.memory_space<semaphore_mem>>) src(%arg10 : memref<128x128xf32, #tpu.memory_space<vmem>>) dst(%dma_wait3A_193 : memref<10240x128xf32, #tpu.memory_space<vmem_shared>>)
        tpu.yield
      }) : () -> ()
    }
    %scan3A_99 = arith.constant 27 : i32
    %dma_wait3A_100 = arith.constant 2 : i32
    %dma_wait3A_101 = arith.constant 0 : i32
    %dma_wait3A_102 = arith.constant 0 : i32
    %dma_wait3A_103 = tpu.memref_slice %arg7[%dma_wait3A_101, %dma_wait3A_102] : memref<56x128xi32, #tpu.memory_space<vmem>> -> memref<1x128xi32, #tpu.memory_space<vmem>>
    %dma_wait3A_104 = tpu.memref_squeeze %dma_wait3A_103 : memref<1x128xi32, #tpu.memory_space<vmem>> -> memref<128xi32, #tpu.memory_space<vmem>>
    %dma_wait3A_105 = arith.constant 0 : i32
    %dma_wait3A_106 = arith.constant 0 : i32
    %dma_wait3A_107 = tpu.memref_slice %arg2[%dma_wait3A_100, %dma_wait3A_105, %dma_wait3A_106] : memref<3x10000x128xf32, #tpu.memory_space<hbm>> -> memref<1x10000x128xf32, #tpu.memory_space<hbm>>
    %dma_wait3A_108 = tpu.memref_squeeze %dma_wait3A_107 : memref<1x10000x128xf32, #tpu.memory_space<hbm>> -> memref<10000x128xf32, #tpu.memory_space<hbm>>
    %dma_wait3A_109 = arith.constant 0 : i32
    %dma_wait3A_110 = arith.constant 0 : i32
    %dma_wait3A_111 = tpu.memref_slice %dma_wait3A_108[%dma_wait3A_109, %dma_wait3A_110] : memref<10000x128xf32, #tpu.memory_space<hbm>> -> memref<10000x128xf32, #tpu.memory_space<hbm>>
    tpu.wait_indirect_dma semaphore(%arg11 : memref<!tpu.dma_semaphore, #tpu.memory_space<semaphore_mem>>) src(%dma_wait3A_111 : memref<10000x128xf32, #tpu.memory_space<hbm>>) dst(%arg9 : memref<128x128xf32, #tpu.memory_space<vmem>>)
    %barrier3A_112 = arith.constant 0 : index
    tpu.barrier barrier_id(%barrier3A_112)
    %mul3A_113 = arith.constant 640 : i32
    %mul3A_114 = arith.muli %arg1, %mul3A_113 : i32
    "tpu.region"() ({
      %run_scoped3A = tpu.sem_alloc : memref<!tpu.dma_semaphore, #tpu.memory_space<semaphore_mem>>
      %dma_start3A_115 = arith.constant 0 : i32
      %dma_start3A_116 = arith.constant 0 : i32
      %dma_start3A_117 = tpu.memref_slice %arg5[%arg0, %dma_start3A_115, %dma_start3A_116] : memref<2x10240x128xf32, #tpu.memory_space<hbm>> -> memref<1x10240x128xf32, #tpu.memory_space<hbm>>
      %dma_start3A_118 = tpu.memref_squeeze %dma_start3A_117 : memref<1x10240x128xf32, #tpu.memory_space<hbm>> -> memref<10240x128xf32, #tpu.memory_space<hbm>>
      %dma_start3A_119 = arith.constant 0 : i32
      %dma_start3A_120 = tpu.memref_slice %dma_start3A_118[%mul3A_114, %dma_start3A_119] : memref<10240x128xf32, #tpu.memory_space<hbm>> -> memref<640x128xf32, #tpu.memory_space<hbm>>
      %dma_start3A_121 = arith.constant 0 : i32
      %dma_start3A_122 = tpu.memref_slice %arg6[%mul3A_114, %dma_start3A_121] : memref<10240x128xf32, #tpu.memory_space<vmem_shared>> -> memref<640x128xf32, #tpu.memory_space<vmem_shared>>
      tpu.enqueue_dma source(%dma_start3A_122 : memref<640x128xf32, #tpu.memory_space<vmem_shared>>) target(%dma_start3A_120 : memref<640x128xf32, #tpu.memory_space<hbm>>) target_semaphore(%run_scoped3A : memref<!tpu.dma_semaphore, #tpu.memory_space<semaphore_mem>>)
      %dma_wait3A_123 = arith.constant 0 : i32
      %dma_wait3A_124 = arith.constant 0 : i32
      %dma_wait3A_125 = tpu.memref_slice %arg5[%arg0, %dma_wait3A_123, %dma_wait3A_124] : memref<2x10240x128xf32, #tpu.memory_space<hbm>> -> memref<1x10240x128xf32, #tpu.memory_space<hbm>>
      %dma_wait3A_126 = tpu.memref_squeeze %dma_wait3A_125 : memref<1x10240x128xf32, #tpu.memory_space<hbm>> -> memref<10240x128xf32, #tpu.memory_space<hbm>>
      %dma_wait3A_127 = arith.constant 0 : i32
      %dma_wait3A_128 = tpu.memref_slice %dma_wait3A_126[%mul3A_114, %dma_wait3A_127] : memref<10240x128xf32, #tpu.memory_space<hbm>> -> memref<640x128xf32, #tpu.memory_space<hbm>>
      %dma_wait3A_129 = arith.constant 0 : i32
      %dma_wait3A_130 = tpu.memref_slice %arg6[%mul3A_114, %dma_wait3A_129] : memref<10240x128xf32, #tpu.memory_space<vmem_shared>> -> memref<640x128xf32, #tpu.memory_space<vmem_shared>>
      tpu.wait_dma2 semaphore(%run_scoped3A : memref<!tpu.dma_semaphore, #tpu.memory_space<semaphore_mem>>) src(%dma_wait3A_130 : memref<640x128xf32, #tpu.memory_space<vmem_shared>>) dst(%dma_wait3A_128 : memref<640x128xf32, #tpu.memory_space<hbm>>)
      tpu.yield
    }) : () -> ()
    return
  }
}

#map = affine_map<(d0, d1) -> (0, 0, 0)>
#map1 = affine_map<(d0, d1) -> (0, 0)>
module attributes {stable_mosaic.version = 14 : i64} {
  func.func @_edge_pass_body(%arg0: i32, %arg1: i32, %arg2: memref<3x10000x128xf32, #tpu.memory_space<hbm>>, %arg3: memref<5376x128xi32, #tpu.memory_space<hbm>>, %arg4: memref<5376x128xi32, #tpu.memory_space<hbm>>, %arg5: memref<2x10240x128xf32, #tpu.memory_space<hbm>>, %arg6: memref<10240x128xf32, #tpu.memory_space<vmem_shared>>, %arg7: memref<56x128xi32, #tpu.memory_space<vmem>>, %arg8: memref<56x128xi32, #tpu.memory_space<vmem>>, %arg9: memref<128x128xf32, #tpu.memory_space<vmem>>, %arg10: memref<128x128xf32, #tpu.memory_space<vmem>>, %arg11: memref<!tpu.dma_semaphore, #tpu.memory_space<semaphore_mem>>, %arg12: memref<!tpu.dma_semaphore, #tpu.memory_space<semaphore_mem>>) attributes {dimension_semantics = [#tpu.dimension_semantics<core_parallel>, #tpu.dimension_semantics<subcore_parallel>], iteration_bounds = array<i64: 2, 16>, scalar_prefetch = 0 : i64, scratch_operands = 7 : i64, tpu.core_type = #tpu.core_type<sc_vector_subcore>, window_params = [{transform_indices = #map}, {transform_indices = #map1}, {transform_indices = #map1}, {transform_indices = #map}]} {
    %mul3A = arith.constant 16 : i32
    %mul3A_0 = arith.muli %arg0, %mul3A : i32
    %add3A = arith.addi %mul3A_0, %arg1 : i32
    %scan3A = arith.constant 0 : i32
    %scan3A_1 = arith.constant 128 : i32
    %scan3A_2 = arith.addi %scan3A, %scan3A_1 : i32
    %scan3A_3 = arith.constant 1 : i32
    scf.for %scan3A_115 = %scan3A to %scan3A_2 step %scan3A_3  : i32 {
      %mul3A_116 = arith.constant 1 : i32
      %mul3A_117 = arith.muli %scan3A_115, %mul3A_116 : i32
      %add3A_118 = arith.constant 0 : i32
      %add3A_119 = arith.addi %add3A_118, %mul3A_117 : i32
      %scan3A_120 = arith.constant 0 : i32
      %scan3A_121 = arith.constant 8 : i32
      %scan3A_122 = arith.addi %scan3A_120, %scan3A_121 : i32
      %scan3A_123 = arith.constant 1 : i32
      scf.for %scan3A_125 = %scan3A_120 to %scan3A_122 step %scan3A_123  : i32 {
        %mul3A_126 = arith.constant 16 : i32
        %mul3A_127 = arith.muli %scan3A_125, %mul3A_126 : i32
        %add3A_128 = arith.constant 0 : i32
        %add3A_129 = arith.addi %add3A_128, %mul3A_127 : i32
        %broadcast_in_dim3A = arith.constant 0.000000e+00 : f32
        %broadcast_in_dim3A_130 = vector.broadcast %broadcast_in_dim3A : f32 to vector<16xf32>
        %swap3A = arith.index_cast %add3A_119 : i32 to index
        %swap3A_131 = arith.index_cast %add3A_129 : i32 to index
        %swap3A_132 = tpu.vector_load %arg9[%swap3A, %swap3A_131] {strides = array<i32>} : memref<128x128xf32, #tpu.memory_space<vmem>>, vector<1x16xf32>,
        %swap3A_133 = vector.shape_cast %swap3A_132 : vector<1x16xf32> to vector<16xf32>
        %swap3A_134 = vector.shape_cast %broadcast_in_dim3A_130 : vector<16xf32> to vector<1x16xf32>
        tpu.vector_store %arg9[%swap3A, %swap3A_131], %swap3A_134 {strides = array<i32>} : memref<128x128xf32, #tpu.memory_space<vmem>>, vector<1x16xf32>,
      }
      %scan3A_124 = arith.constant 8 : i32
    }
    %scan3A_4 = arith.constant 128 : i32
    %mul3A_5 = arith.constant 640 : i32
    %mul3A_6 = arith.muli %arg1, %mul3A_5 : i32
    %scan3A_7 = arith.constant 0 : i32
    %scan3A_8 = arith.constant 10 : i32
    %scan3A_9 = arith.addi %scan3A_7, %scan3A_8 : i32
    %scan3A_10 = arith.constant 1 : i32
    scf.for %scan3A_115 = %scan3A_7 to %scan3A_9 step %scan3A_10  : i32 {
      %mul3A_116 = arith.constant 1 : i32
      %mul3A_117 = arith.muli %scan3A_115, %mul3A_116 : i32
      %add3A_118 = arith.constant 0 : i32
      %add3A_119 = arith.addi %add3A_118, %mul3A_117 : i32
      %mul3A_120 = arith.constant 64 : i32
      %mul3A_121 = arith.muli %add3A_119, %mul3A_120 : i32
      %add3A_122 = arith.addi %mul3A_6, %mul3A_121 : i32
      "tpu.region"() ({
        %run_scoped3A = tpu.sem_alloc : memref<!tpu.dma_semaphore, #tpu.memory_space<semaphore_mem>>
        %dma_start3A_123 = arith.constant 0 : i32
        %dma_start3A_124 = arith.constant 0 : i32
        %dma_start3A_125 = tpu.memref_slice %arg9[%dma_start3A_123, %dma_start3A_124] : memref<128x128xf32, #tpu.memory_space<vmem>> -> memref<64x128xf32, #tpu.memory_space<vmem>>
        %dma_start3A_126 = arith.constant 0 : i32
        %dma_start3A_127 = tpu.memref_slice %arg6[%add3A_122, %dma_start3A_126] : memref<10240x128xf32, #tpu.memory_space<vmem_shared>> -> memref<64x128xf32, #tpu.memory_space<vmem_shared>>
        %dma_start3A_128 = arith.constant 0 : i32
        %dma_start3A_129 = tpu.memref_slice %arg6[%add3A_122, %dma_start3A_128] : memref<10240x128xf32, #tpu.memory_space<vmem_shared>> -> memref<64x128xf32, #tpu.memory_space<vmem_shared>>
        %dma_start3A_130 = arith.constant 0 : i32
        %dma_start3A_131 = arith.constant 0 : i32
        %dma_start3A_132 = tpu.memref_slice %arg9[%dma_start3A_130, %dma_start3A_131] : memref<128x128xf32, #tpu.memory_space<vmem>> -> memref<64x128xf32, #tpu.memory_space<vmem>>
        tpu.enqueue_dma source(%dma_start3A_132 : memref<64x128xf32, #tpu.memory_space<vmem>>) target(%dma_start3A_129 : memref<64x128xf32, #tpu.memory_space<vmem_shared>>) target_semaphore(%run_scoped3A : memref<!tpu.dma_semaphore, #tpu.memory_space<semaphore_mem>>)
        %dma_wait3A_133 = arith.constant 0 : i32
        %dma_wait3A_134 = arith.constant 0 : i32
        %dma_wait3A_135 = tpu.memref_slice %arg9[%dma_wait3A_133, %dma_wait3A_134] : memref<128x128xf32, #tpu.memory_space<vmem>> -> memref<64x128xf32, #tpu.memory_space<vmem>>
        %dma_wait3A_136 = arith.constant 0 : i32
        %dma_wait3A_137 = tpu.memref_slice %arg6[%add3A_122, %dma_wait3A_136] : memref<10240x128xf32, #tpu.memory_space<vmem_shared>> -> memref<64x128xf32, #tpu.memory_space<vmem_shared>>
        %dma_wait3A_138 = arith.constant 0 : i32
        %dma_wait3A_139 = tpu.memref_slice %arg6[%add3A_122, %dma_wait3A_138] : memref<10240x128xf32, #tpu.memory_space<vmem_shared>> -> memref<64x128xf32, #tpu.memory_space<vmem_shared>>
        %dma_wait3A_140 = arith.constant 0 : i32
        %dma_wait3A_141 = arith.constant 0 : i32
        %dma_wait3A_142 = tpu.memref_slice %arg9[%dma_wait3A_140, %dma_wait3A_141] : memref<128x128xf32, #tpu.memory_space<vmem>> -> memref<64x128xf32, #tpu.memory_space<vmem>>
        tpu.wait_dma2 semaphore(%run_scoped3A : memref<!tpu.dma_semaphore, #tpu.memory_space<semaphore_mem>>) src(%dma_wait3A_142 : memref<64x128xf32, #tpu.memory_space<vmem>>) dst(%dma_wait3A_139 : memref<64x128xf32, #tpu.memory_space<vmem_shared>>)
        tpu.yield
      }) : () -> ()
    }
    %scan3A_11 = arith.constant 10 : i32
    %barrier3A = arith.constant 0 : index
    tpu.barrier barrier_id(%barrier3A)
    %add3A_12 = arith.constant 0 : i32
    %add3A_13 = arith.addi %add3A_12, %add3A : i32
    %mul3A_14 = arith.constant 56 : i32
    %mul3A_15 = arith.muli %add3A_13, %mul3A_14 : i32
    "tpu.region"() ({
      %run_scoped3A = tpu.sem_alloc : memref<!tpu.dma_semaphore, #tpu.memory_space<semaphore_mem>>
      %dma_start3A_115 = arith.constant 0 : i32
      %dma_start3A_116 = tpu.memref_slice %arg3[%mul3A_15, %dma_start3A_115] : memref<5376x128xi32, #tpu.memory_space<hbm>> -> memref<56x128xi32, #tpu.memory_space<hbm>>
      %dma_start3A_117 = arith.constant 0 : i32
      %dma_start3A_118 = tpu.memref_slice %arg3[%mul3A_15, %dma_start3A_117] : memref<5376x128xi32, #tpu.memory_space<hbm>> -> memref<56x128xi32, #tpu.memory_space<hbm>>
      tpu.enqueue_dma source(%dma_start3A_118 : memref<56x128xi32, #tpu.memory_space<hbm>>) target(%arg7 : memref<56x128xi32, #tpu.memory_space<vmem>>) target_semaphore(%run_scoped3A : memref<!tpu.dma_semaphore, #tpu.memory_space<semaphore_mem>>)
      %dma_wait3A_119 = arith.constant 0 : i32
      %dma_wait3A_120 = tpu.memref_slice %arg3[%mul3A_15, %dma_wait3A_119] : memref<5376x128xi32, #tpu.memory_space<hbm>> -> memref<56x128xi32, #tpu.memory_space<hbm>>
      %dma_wait3A_121 = arith.constant 0 : i32
      %dma_wait3A_122 = tpu.memref_slice %arg3[%mul3A_15, %dma_wait3A_121] : memref<5376x128xi32, #tpu.memory_space<hbm>> -> memref<56x128xi32, #tpu.memory_space<hbm>>
      tpu.wait_dma2 semaphore(%run_scoped3A : memref<!tpu.dma_semaphore, #tpu.memory_space<semaphore_mem>>) src(%dma_wait3A_122 : memref<56x128xi32, #tpu.memory_space<hbm>>) dst(%arg7 : memref<56x128xi32, #tpu.memory_space<vmem>>)
      tpu.yield
    }) : () -> ()
    "tpu.region"() ({
      %run_scoped3A = tpu.sem_alloc : memref<!tpu.dma_semaphore, #tpu.memory_space<semaphore_mem>>
      %dma_start3A_115 = arith.constant 0 : i32
      %dma_start3A_116 = tpu.memref_slice %arg4[%mul3A_15, %dma_start3A_115] : memref<5376x128xi32, #tpu.memory_space<hbm>> -> memref<56x128xi32, #tpu.memory_space<hbm>>
      %dma_start3A_117 = arith.constant 0 : i32
      %dma_start3A_118 = tpu.memref_slice %arg4[%mul3A_15, %dma_start3A_117] : memref<5376x128xi32, #tpu.memory_space<hbm>> -> memref<56x128xi32, #tpu.memory_space<hbm>>
      tpu.enqueue_dma source(%dma_start3A_118 : memref<56x128xi32, #tpu.memory_space<hbm>>) target(%arg8 : memref<56x128xi32, #tpu.memory_space<vmem>>) target_semaphore(%run_scoped3A : memref<!tpu.dma_semaphore, #tpu.memory_space<semaphore_mem>>)
      %dma_wait3A_119 = arith.constant 0 : i32
      %dma_wait3A_120 = tpu.memref_slice %arg4[%mul3A_15, %dma_wait3A_119] : memref<5376x128xi32, #tpu.memory_space<hbm>> -> memref<56x128xi32, #tpu.memory_space<hbm>>
      %dma_wait3A_121 = arith.constant 0 : i32
      %dma_wait3A_122 = tpu.memref_slice %arg4[%mul3A_15, %dma_wait3A_121] : memref<5376x128xi32, #tpu.memory_space<hbm>> -> memref<56x128xi32, #tpu.memory_space<hbm>>
      tpu.wait_dma2 semaphore(%run_scoped3A : memref<!tpu.dma_semaphore, #tpu.memory_space<semaphore_mem>>) src(%dma_wait3A_122 : memref<56x128xi32, #tpu.memory_space<hbm>>) dst(%arg8 : memref<56x128xi32, #tpu.memory_space<vmem>>)
      tpu.yield
    }) : () -> ()
    %dma_start3A = arith.constant 0 : i32
    %dma_start3A_16 = arith.constant 0 : i32
    %dma_start3A_17 = arith.constant 0 : i32
    %dma_start3A_18 = tpu.memref_slice %arg7[%dma_start3A_16, %dma_start3A_17] : memref<56x128xi32, #tpu.memory_space<vmem>> -> memref<1x128xi32, #tpu.memory_space<vmem>>
    %dma_start3A_19 = tpu.memref_squeeze %dma_start3A_18 : memref<1x128xi32, #tpu.memory_space<vmem>> -> memref<128xi32, #tpu.memory_space<vmem>>
    %dma_start3A_20 = arith.constant 0 : i32
    %dma_start3A_21 = arith.constant 0 : i32
    %dma_start3A_22 = tpu.memref_slice %arg2[%dma_start3A, %dma_start3A_20, %dma_start3A_21] : memref<3x10000x128xf32, #tpu.memory_space<hbm>> -> memref<1x10000x128xf32, #tpu.memory_space<hbm>>
    %dma_start3A_23 = tpu.memref_squeeze %dma_start3A_22 : memref<1x10000x128xf32, #tpu.memory_space<hbm>> -> memref<10000x128xf32, #tpu.memory_space<hbm>>
    %dma_start3A_24 = arith.constant 0 : i32
    %dma_start3A_25 = arith.constant 0 : i32
    %dma_start3A_26 = tpu.memref_slice %dma_start3A_23[%dma_start3A_24, %dma_start3A_25] : memref<10000x128xf32, #tpu.memory_space<hbm>> -> memref<10000x128xf32, #tpu.memory_space<hbm>>
    tpu.enqueue_indirect_dma source(%dma_start3A_26 : memref<10000x128xf32, #tpu.memory_space<hbm>>) target(%arg9 : memref<128x128xf32, #tpu.memory_space<vmem>>) offsets(%dma_start3A_19 : memref<128xi32, #tpu.memory_space<vmem>>) semaphore(%arg11 : memref<!tpu.dma_semaphore, #tpu.memory_space<semaphore_mem>>)
    %scan3A_27 = arith.constant 0 : i32
    %scan3A_28 = arith.constant 0 : i32
    %scan3A_29 = arith.constant 27 : i32
    %scan3A_30 = arith.addi %scan3A_28, %scan3A_29 : i32
    %scan3A_31 = arith.constant 1 : i32
    scf.for %scan3A_115 = %scan3A_28 to %scan3A_30 step %scan3A_31  : i32 {
      %mul3A_116 = arith.constant 2 : i32
      %mul3A_117 = arith.muli %scan3A_115, %mul3A_116 : i32
      %add3A_118 = arith.constant 0 : i32
      %add3A_119 = arith.addi %add3A_118, %mul3A_117 : i32
      %add3A_120 = arith.constant 0 : i32
      %add3A_121 = arith.addi %add3A_119, %add3A_120 : i32
      %add3A_122 = arith.constant 2 : i32
      %add3A_123 = arith.addi %add3A_121, %add3A_122 : i32
      %sub3A = arith.constant 1 : i32
      %sub3A_124 = arith.subi %add3A_123, %sub3A : i32
      %rem3A = arith.constant 54 : i32
      %rem3A_125 = arith.remsi %sub3A_124, %rem3A : i32
      %dma_start3A_126 = arith.constant 0 : i32
      %dma_start3A_127 = tpu.memref_slice %arg7[%rem3A_125, %dma_start3A_126] : memref<56x128xi32, #tpu.memory_space<vmem>> -> memref<1x128xi32, #tpu.memory_space<vmem>>
      %dma_start3A_128 = tpu.memref_squeeze %dma_start3A_127 : memref<1x128xi32, #tpu.memory_space<vmem>> -> memref<128xi32, #tpu.memory_space<vmem>>
      %dma_start3A_129 = arith.constant 0 : i32
      %dma_start3A_130 = arith.constant 0 : i32
      %dma_start3A_131 = tpu.memref_slice %arg2[%scan3A_27, %dma_start3A_129, %dma_start3A_130] : memref<3x10000x128xf32, #tpu.memory_space<hbm>> -> memref<1x10000x128xf32, #tpu.memory_space<hbm>>
      %dma_start3A_132 = tpu.memref_squeeze %dma_start3A_131 : memref<1x10000x128xf32, #tpu.memory_space<hbm>> -> memref<10000x128xf32, #tpu.memory_space<hbm>>
      %dma_start3A_133 = arith.constant 0 : i32
      %dma_start3A_134 = arith.constant 0 : i32
      %dma_start3A_135 = tpu.memref_slice %dma_start3A_132[%dma_start3A_133, %dma_start3A_134] : memref<10000x128xf32, #tpu.memory_space<hbm>> -> memref<10000x128xf32, #tpu.memory_space<hbm>>
      tpu.enqueue_indirect_dma source(%dma_start3A_135 : memref<10000x128xf32, #tpu.memory_space<hbm>>) target(%arg10 : memref<128x128xf32, #tpu.memory_space<vmem>>) offsets(%dma_start3A_128 : memref<128xi32, #tpu.memory_space<vmem>>) semaphore(%arg12 : memref<!tpu.dma_semaphore, #tpu.memory_space<semaphore_mem>>)
      %add3A_136 = arith.constant 0 : i32
      %add3A_137 = arith.addi %add3A_119, %add3A_136 : i32
      %dma_wait3A_138 = arith.constant 0 : i32
      %dma_wait3A_139 = tpu.memref_slice %arg7[%add3A_137, %dma_wait3A_138] : memref<56x128xi32, #tpu.memory_space<vmem>> -> memref<1x128xi32, #tpu.memory_space<vmem>>
      %dma_wait3A_140 = tpu.memref_squeeze %dma_wait3A_139 : memref<1x128xi32, #tpu.memory_space<vmem>> -> memref<128xi32, #tpu.memory_space<vmem>>
      %dma_wait3A_141 = arith.constant 0 : i32
      %dma_wait3A_142 = arith.constant 0 : i32
      %dma_wait3A_143 = tpu.memref_slice %arg2[%scan3A_27, %dma_wait3A_141, %dma_wait3A_142] : memref<3x10000x128xf32, #tpu.memory_space<hbm>> -> memref<1x10000x128xf32, #tpu.memory_space<hbm>>
      %dma_wait3A_144 = tpu.memref_squeeze %dma_wait3A_143 : memref<1x10000x128xf32, #tpu.memory_space<hbm>> -> memref<10000x128xf32, #tpu.memory_space<hbm>>
      %dma_wait3A_145 = arith.constant 0 : i32
      %dma_wait3A_146 = arith.constant 0 : i32
      %dma_wait3A_147 = tpu.memref_slice %dma_wait3A_144[%dma_wait3A_145, %dma_wait3A_146] : memref<10000x128xf32, #tpu.memory_space<hbm>> -> memref<10000x128xf32, #tpu.memory_space<hbm>>
      tpu.wait_indirect_dma semaphore(%arg11 : memref<!tpu.dma_semaphore, #tpu.memory_space<semaphore_mem>>) src(%dma_wait3A_147 : memref<10000x128xf32, #tpu.memory_space<hbm>>) dst(%arg9 : memref<128x128xf32, #tpu.memory_space<vmem>>)
      %add3A_148 = arith.constant 0 : i32
      %add3A_149 = arith.addi %add3A_119, %add3A_148 : i32
      "tpu.region"() ({
        %run_scoped3A = tpu.sem_alloc : memref<!tpu.dma_semaphore, #tpu.memory_space<semaphore_mem>>
        %dma_start3A_182 = arith.constant 0 : i32
        %dma_start3A_183 = tpu.memref_slice %arg8[%add3A_149, %dma_start3A_182] : memref<56x128xi32, #tpu.memory_space<vmem>> -> memref<1x128xi32, #tpu.memory_space<vmem>>
        %dma_start3A_184 = tpu.memref_squeeze %dma_start3A_183 : memref<1x128xi32, #tpu.memory_space<vmem>> -> memref<128xi32, #tpu.memory_space<vmem>>
        %dma_start3A_185 = arith.constant 0 : i32
        %dma_start3A_186 = arith.constant 0 : i32
        %dma_start3A_187 = tpu.memref_slice %arg6[%dma_start3A_185, %dma_start3A_186] : memref<10240x128xf32, #tpu.memory_space<vmem_shared>> -> memref<10240x128xf32, #tpu.memory_space<vmem_shared>>
        tpu.enqueue_indirect_dma source(%arg9 : memref<128x128xf32, #tpu.memory_space<vmem>>) target(%dma_start3A_187 : memref<10240x128xf32, #tpu.memory_space<vmem_shared>>) offsets(%dma_start3A_184 : memref<128xi32, #tpu.memory_space<vmem>>) semaphore(%run_scoped3A : memref<!tpu.dma_semaphore, #tpu.memory_space<semaphore_mem>>) {add = true}
        %dma_wait3A_188 = arith.constant 0 : i32
        %dma_wait3A_189 = tpu.memref_slice %arg8[%add3A_149, %dma_wait3A_188] : memref<56x128xi32, #tpu.memory_space<vmem>> -> memref<1x128xi32, #tpu.memory_space<vmem>>
        %dma_wait3A_190 = tpu.memref_squeeze %dma_wait3A_189 : memref<1x128xi32, #tpu.memory_space<vmem>> -> memref<128xi32, #tpu.memory_space<vmem>>
        %dma_wait3A_191 = arith.constant 0 : i32
        %dma_wait3A_192 = arith.constant 0 : i32
        %dma_wait3A_193 = tpu.memref_slice %arg6[%dma_wait3A_191, %dma_wait3A_192] : memref<10240x128xf32, #tpu.memory_space<vmem_shared>> -> memref<10240x128xf32, #tpu.memory_space<vmem_shared>>
        tpu.wait_indirect_dma semaphore(%run_scoped3A : memref<!tpu.dma_semaphore, #tpu.memory_space<semaphore_mem>>) src(%arg9 : memref<128x128xf32, #tpu.memory_space<vmem>>) dst(%dma_wait3A_193 : memref<10240x128xf32, #tpu.memory_space<vmem_shared>>)
        tpu.yield
      }) : () -> ()
      %add3A_150 = arith.constant 1 : i32
      %add3A_151 = arith.addi %add3A_119, %add3A_150 : i32
      %add3A_152 = arith.constant 2 : i32
      %add3A_153 = arith.addi %add3A_151, %add3A_152 : i32
      %sub3A_154 = arith.constant 1 : i32
      %sub3A_155 = arith.subi %add3A_153, %sub3A_154 : i32
      %rem3A_156 = arith.constant 54 : i32
      %rem3A_157 = arith.remsi %sub3A_155, %rem3A_156 : i32
      %dma_start3A_158 = arith.constant 0 : i32
      %dma_start3A_159 = tpu.memref_slice %arg7[%rem3A_157, %dma_start3A_158] : memref<56x128xi32, #tpu.memory_space<vmem>> -> memref<1x128xi32, #tpu.memory_space<vmem>>
      %dma_start3A_160 = tpu.memref_squeeze %dma_start3A_159 : memref<1x128xi32, #tpu.memory_space<vmem>> -> memref<128xi32, #tpu.memory_space<vmem>>
      %dma_start3A_161 = arith.constant 0 : i32
      %dma_start3A_162 = arith.constant 0 : i32
      %dma_start3A_163 = tpu.memref_slice %arg2[%scan3A_27, %dma_start3A_161, %dma_start3A_162] : memref<3x10000x128xf32, #tpu.memory_space<hbm>> -> memref<1x10000x128xf32, #tpu.memory_space<hbm>>
      %dma_start3A_164 = tpu.memref_squeeze %dma_start3A_163 : memref<1x10000x128xf32, #tpu.memory_space<hbm>> -> memref<10000x128xf32, #tpu.memory_space<hbm>>
      %dma_start3A_165 = arith.constant 0 : i32
      %dma_start3A_166 = arith.constant 0 : i32
      %dma_start3A_167 = tpu.memref_slice %dma_start3A_164[%dma_start3A_165, %dma_start3A_166] : memref<10000x128xf32, #tpu.memory_space<hbm>> -> memref<10000x128xf32, #tpu.memory_space<hbm>>
      tpu.enqueue_indirect_dma source(%dma_start3A_167 : memref<10000x128xf32, #tpu.memory_space<hbm>>) target(%arg9 : memref<128x128xf32, #tpu.memory_space<vmem>>) offsets(%dma_start3A_160 : memref<128xi32, #tpu.memory_space<vmem>>) semaphore(%arg11 : memref<!tpu.dma_semaphore, #tpu.memory_space<semaphore_mem>>)
      %add3A_168 = arith.constant 1 : i32
      %add3A_169 = arith.addi %add3A_119, %add3A_168 : i32
      %dma_wait3A_170 = arith.constant 0 : i32
      %dma_wait3A_171 = tpu.memref_slice %arg7[%add3A_169, %dma_wait3A_170] : memref<56x128xi32, #tpu.memory_space<vmem>> -> memref<1x128xi32, #tpu.memory_space<vmem>>
      %dma_wait3A_172 = tpu.memref_squeeze %dma_wait3A_171 : memref<1x128xi32, #tpu.memory_space<vmem>> -> memref<128xi32, #tpu.memory_space<vmem>>
      %dma_wait3A_173 = arith.constant 0 : i32
      %dma_wait3A_174 = arith.constant 0 : i32
      %dma_wait3A_175 = tpu.memref_slice %arg2[%scan3A_27, %dma_wait3A_173, %dma_wait3A_174] : memref<3x10000x128xf32, #tpu.memory_space<hbm>> -> memref<1x10000x128xf32, #tpu.memory_space<hbm>>
      %dma_wait3A_176 = tpu.memref_squeeze %dma_wait3A_175 : memref<1x10000x128xf32, #tpu.memory_space<hbm>> -> memref<10000x128xf32, #tpu.memory_space<hbm>>
      %dma_wait3A_177 = arith.constant 0 : i32
      %dma_wait3A_178 = arith.constant 0 : i32
      %dma_wait3A_179 = tpu.memref_slice %dma_wait3A_176[%dma_wait3A_177, %dma_wait3A_178] : memref<10000x128xf32, #tpu.memory_space<hbm>> -> memref<10000x128xf32, #tpu.memory_space<hbm>>
      tpu.wait_indirect_dma semaphore(%arg12 : memref<!tpu.dma_semaphore, #tpu.memory_space<semaphore_mem>>) src(%dma_wait3A_179 : memref<10000x128xf32, #tpu.memory_space<hbm>>) dst(%arg10 : memref<128x128xf32, #tpu.memory_space<vmem>>)
      %add3A_180 = arith.constant 1 : i32
      %add3A_181 = arith.addi %add3A_119, %add3A_180 : i32
      "tpu.region"() ({
        %run_scoped3A = tpu.sem_alloc : memref<!tpu.dma_semaphore, #tpu.memory_space<semaphore_mem>>
        %dma_start3A_182 = arith.constant 0 : i32
        %dma_start3A_183 = tpu.memref_slice %arg8[%add3A_181, %dma_start3A_182] : memref<56x128xi32, #tpu.memory_space<vmem>> -> memref<1x128xi32, #tpu.memory_space<vmem>>
        %dma_start3A_184 = tpu.memref_squeeze %dma_start3A_183 : memref<1x128xi32, #tpu.memory_space<vmem>> -> memref<128xi32, #tpu.memory_space<vmem>>
        %dma_start3A_185 = arith.constant 0 : i32
        %dma_start3A_186 = arith.constant 0 : i32
        %dma_start3A_187 = tpu.memref_slice %arg6[%dma_start3A_185, %dma_start3A_186] : memref<10240x128xf32, #tpu.memory_space<vmem_shared>> -> memref<10240x128xf32, #tpu.memory_space<vmem_shared>>
        tpu.enqueue_indirect_dma source(%arg10 : memref<128x128xf32, #tpu.memory_space<vmem>>) target(%dma_start3A_187 : memref<10240x128xf32, #tpu.memory_space<vmem_shared>>) offsets(%dma_start3A_184 : memref<128xi32, #tpu.memory_space<vmem>>) semaphore(%run_scoped3A : memref<!tpu.dma_semaphore, #tpu.memory_space<semaphore_mem>>) {add = true}
        %dma_wait3A_188 = arith.constant 0 : i32
        %dma_wait3A_189 = tpu.memref_slice %arg8[%add3A_181, %dma_wait3A_188] : memref<56x128xi32, #tpu.memory_space<vmem>> -> memref<1x128xi32, #tpu.memory_space<vmem>>
        %dma_wait3A_190 = tpu.memref_squeeze %dma_wait3A_189 : memref<1x128xi32, #tpu.memory_space<vmem>> -> memref<128xi32, #tpu.memory_space<vmem>>
        %dma_wait3A_191 = arith.constant 0 : i32
        %dma_wait3A_192 = arith.constant 0 : i32
        %dma_wait3A_193 = tpu.memref_slice %arg6[%dma_wait3A_191, %dma_wait3A_192] : memref<10240x128xf32, #tpu.memory_space<vmem_shared>> -> memref<10240x128xf32, #tpu.memory_space<vmem_shared>>
        tpu.wait_indirect_dma semaphore(%run_scoped3A : memref<!tpu.dma_semaphore, #tpu.memory_space<semaphore_mem>>) src(%arg10 : memref<128x128xf32, #tpu.memory_space<vmem>>) dst(%dma_wait3A_193 : memref<10240x128xf32, #tpu.memory_space<vmem_shared>>)
        tpu.yield
      }) : () -> ()
    }
    %scan3A_32 = arith.constant 27 : i32
    %dma_wait3A = arith.constant 0 : i32
    %dma_wait3A_33 = arith.constant 0 : i32
    %dma_wait3A_34 = arith.constant 0 : i32
    %dma_wait3A_35 = tpu.memref_slice %arg7[%dma_wait3A_33, %dma_wait3A_34] : memref<56x128xi32, #tpu.memory_space<vmem>> -> memref<1x128xi32, #tpu.memory_space<vmem>>
    %dma_wait3A_36 = tpu.memref_squeeze %dma_wait3A_35 : memref<1x128xi32, #tpu.memory_space<vmem>> -> memref<128xi32, #tpu.memory_space<vmem>>
    %dma_wait3A_37 = arith.constant 0 : i32
    %dma_wait3A_38 = arith.constant 0 : i32
    %dma_wait3A_39 = tpu.memref_slice %arg2[%dma_wait3A, %dma_wait3A_37, %dma_wait3A_38] : memref<3x10000x128xf32, #tpu.memory_space<hbm>> -> memref<1x10000x128xf32, #tpu.memory_space<hbm>>
    %dma_wait3A_40 = tpu.memref_squeeze %dma_wait3A_39 : memref<1x10000x128xf32, #tpu.memory_space<hbm>> -> memref<10000x128xf32, #tpu.memory_space<hbm>>
    %dma_wait3A_41 = arith.constant 0 : i32
    %dma_wait3A_42 = arith.constant 0 : i32
    %dma_wait3A_43 = tpu.memref_slice %dma_wait3A_40[%dma_wait3A_41, %dma_wait3A_42] : memref<10000x128xf32, #tpu.memory_space<hbm>> -> memref<10000x128xf32, #tpu.memory_space<hbm>>
    tpu.wait_indirect_dma semaphore(%arg11 : memref<!tpu.dma_semaphore, #tpu.memory_space<semaphore_mem>>) src(%dma_wait3A_43 : memref<10000x128xf32, #tpu.memory_space<hbm>>) dst(%arg9 : memref<128x128xf32, #tpu.memory_space<vmem>>)
    %add3A_44 = arith.constant 32 : i32
    %add3A_45 = arith.addi %add3A_44, %add3A : i32
    %mul3A_46 = arith.constant 56 : i32
    %mul3A_47 = arith.muli %add3A_45, %mul3A_46 : i32
    "tpu.region"() ({
      %run_scoped3A = tpu.sem_alloc : memref<!tpu.dma_semaphore, #tpu.memory_space<semaphore_mem>>
      %dma_start3A_115 = arith.constant 0 : i32
      %dma_start3A_116 = tpu.memref_slice %arg3[%mul3A_47, %dma_start3A_115] : memref<5376x128xi32, #tpu.memory_space<hbm>> -> memref<56x128xi32, #tpu.memory_space<hbm>>
      %dma_start3A_117 = arith.constant 0 : i32
      %dma_start3A_118 = tpu.memref_slice %arg3[%mul3A_47, %dma_start3A_117] : memref<5376x128xi32, #tpu.memory_space<hbm>> -> memref<56x128xi32, #tpu.memory_space<hbm>>
      tpu.enqueue_dma source(%dma_start3A_118 : memref<56x128xi32, #tpu.memory_space<hbm>>) target(%arg7 : memref<56x128xi32, #tpu.memory_space<vmem>>) target_semaphore(%run_scoped3A : memref<!tpu.dma_semaphore, #tpu.memory_space<semaphore_mem>>)
      %dma_wait3A_119 = arith.constant 0 : i32
      %dma_wait3A_120 = tpu.memref_slice %arg3[%mul3A_47, %dma_wait3A_119] : memref<5376x128xi32, #tpu.memory_space<hbm>> -> memref<56x128xi32, #tpu.memory_space<hbm>>
      %dma_wait3A_121 = arith.constant 0 : i32
      %dma_wait3A_122 = tpu.memref_slice %arg3[%mul3A_47, %dma_wait3A_121] : memref<5376x128xi32, #tpu.memory_space<hbm>> -> memref<56x128xi32, #tpu.memory_space<hbm>>
      tpu.wait_dma2 semaphore(%run_scoped3A : memref<!tpu.dma_semaphore, #tpu.memory_space<semaphore_mem>>) src(%dma_wait3A_122 : memref<56x128xi32, #tpu.memory_space<hbm>>) dst(%arg7 : memref<56x128xi32, #tpu.memory_space<vmem>>)
      tpu.yield
    }) : () -> ()
    "tpu.region"() ({
      %run_scoped3A = tpu.sem_alloc : memref<!tpu.dma_semaphore, #tpu.memory_space<semaphore_mem>>
      %dma_start3A_115 = arith.constant 0 : i32
      %dma_start3A_116 = tpu.memref_slice %arg4[%mul3A_47, %dma_start3A_115] : memref<5376x128xi32, #tpu.memory_space<hbm>> -> memref<56x128xi32, #tpu.memory_space<hbm>>
      %dma_start3A_117 = arith.constant 0 : i32
      %dma_start3A_118 = tpu.memref_slice %arg4[%mul3A_47, %dma_start3A_117] : memref<5376x128xi32, #tpu.memory_space<hbm>> -> memref<56x128xi32, #tpu.memory_space<hbm>>
      tpu.enqueue_dma source(%dma_start3A_118 : memref<56x128xi32, #tpu.memory_space<hbm>>) target(%arg8 : memref<56x128xi32, #tpu.memory_space<vmem>>) target_semaphore(%run_scoped3A : memref<!tpu.dma_semaphore, #tpu.memory_space<semaphore_mem>>)
      %dma_wait3A_119 = arith.constant 0 : i32
      %dma_wait3A_120 = tpu.memref_slice %arg4[%mul3A_47, %dma_wait3A_119] : memref<5376x128xi32, #tpu.memory_space<hbm>> -> memref<56x128xi32, #tpu.memory_space<hbm>>
      %dma_wait3A_121 = arith.constant 0 : i32
      %dma_wait3A_122 = tpu.memref_slice %arg4[%mul3A_47, %dma_wait3A_121] : memref<5376x128xi32, #tpu.memory_space<hbm>> -> memref<56x128xi32, #tpu.memory_space<hbm>>
      tpu.wait_dma2 semaphore(%run_scoped3A : memref<!tpu.dma_semaphore, #tpu.memory_space<semaphore_mem>>) src(%dma_wait3A_122 : memref<56x128xi32, #tpu.memory_space<hbm>>) dst(%arg8 : memref<56x128xi32, #tpu.memory_space<vmem>>)
      tpu.yield
    }) : () -> ()
    %dma_start3A_48 = arith.constant 1 : i32
    %dma_start3A_49 = arith.constant 0 : i32
    %dma_start3A_50 = arith.constant 0 : i32
    %dma_start3A_51 = tpu.memref_slice %arg7[%dma_start3A_49, %dma_start3A_50] : memref<56x128xi32, #tpu.memory_space<vmem>> -> memref<1x128xi32, #tpu.memory_space<vmem>>
    %dma_start3A_52 = tpu.memref_squeeze %dma_start3A_51 : memref<1x128xi32, #tpu.memory_space<vmem>> -> memref<128xi32, #tpu.memory_space<vmem>>
    %dma_start3A_53 = arith.constant 0 : i32
    %dma_start3A_54 = arith.constant 0 : i32
    %dma_start3A_55 = tpu.memref_slice %arg2[%dma_start3A_48, %dma_start3A_53, %dma_start3A_54] : memref<3x10000x128xf32, #tpu.memory_space<hbm>> -> memref<1x10000x128xf32, #tpu.memory_space<hbm>>
    %dma_start3A_56 = tpu.memref_squeeze %dma_start3A_55 : memref<1x10000x128xf32, #tpu.memory_space<hbm>> -> memref<10000x128xf32, #tpu.memory_space<hbm>>
    %dma_start3A_57 = arith.constant 0 : i32
    %dma_start3A_58 = arith.constant 0 : i32
    %dma_start3A_59 = tpu.memref_slice %dma_start3A_56[%dma_start3A_57, %dma_start3A_58] : memref<10000x128xf32, #tpu.memory_space<hbm>> -> memref<10000x128xf32, #tpu.memory_space<hbm>>
    tpu.enqueue_indirect_dma source(%dma_start3A_59 : memref<10000x128xf32, #tpu.memory_space<hbm>>) target(%arg9 : memref<128x128xf32, #tpu.memory_space<vmem>>) offsets(%dma_start3A_52 : memref<128xi32, #tpu.memory_space<vmem>>) semaphore(%arg11 : memref<!tpu.dma_semaphore, #tpu.memory_space<semaphore_mem>>)
    %scan3A_60 = arith.constant 1 : i32
    %scan3A_61 = arith.constant 0 : i32
    %scan3A_62 = arith.constant 27 : i32
    %scan3A_63 = arith.addi %scan3A_61, %scan3A_62 : i32
    %scan3A_64 = arith.constant 1 : i32
    scf.for %scan3A_115 = %scan3A_61 to %scan3A_63 step %scan3A_64  : i32 {
      %mul3A_116 = arith.constant 2 : i32
      %mul3A_117 = arith.muli %scan3A_115, %mul3A_116 : i32
      %add3A_118 = arith.constant 0 : i32
      %add3A_119 = arith.addi %add3A_118, %mul3A_117 : i32
      %add3A_120 = arith.constant 0 : i32
      %add3A_121 = arith.addi %add3A_119, %add3A_120 : i32
      %add3A_122 = arith.constant 2 : i32
      %add3A_123 = arith.addi %add3A_121, %add3A_122 : i32
      %sub3A = arith.constant 1 : i32
      %sub3A_124 = arith.subi %add3A_123, %sub3A : i32
      %rem3A = arith.constant 54 : i32
      %rem3A_125 = arith.remsi %sub3A_124, %rem3A : i32
      %dma_start3A_126 = arith.constant 0 : i32
      %dma_start3A_127 = tpu.memref_slice %arg7[%rem3A_125, %dma_start3A_126] : memref<56x128xi32, #tpu.memory_space<vmem>> -> memref<1x128xi32, #tpu.memory_space<vmem>>
      %dma_start3A_128 = tpu.memref_squeeze %dma_start3A_127 : memref<1x128xi32, #tpu.memory_space<vmem>> -> memref<128xi32, #tpu.memory_space<vmem>>
      %dma_start3A_129 = arith.constant 0 : i32
      %dma_start3A_130 = arith.constant 0 : i32
      %dma_start3A_131 = tpu.memref_slice %arg2[%scan3A_60, %dma_start3A_129, %dma_start3A_130] : memref<3x10000x128xf32, #tpu.memory_space<hbm>> -> memref<1x10000x128xf32, #tpu.memory_space<hbm>>
      %dma_start3A_132 = tpu.memref_squeeze %dma_start3A_131 : memref<1x10000x128xf32, #tpu.memory_space<hbm>> -> memref<10000x128xf32, #tpu.memory_space<hbm>>
      %dma_start3A_133 = arith.constant 0 : i32
      %dma_start3A_134 = arith.constant 0 : i32
      %dma_start3A_135 = tpu.memref_slice %dma_start3A_132[%dma_start3A_133, %dma_start3A_134] : memref<10000x128xf32, #tpu.memory_space<hbm>> -> memref<10000x128xf32, #tpu.memory_space<hbm>>
      tpu.enqueue_indirect_dma source(%dma_start3A_135 : memref<10000x128xf32, #tpu.memory_space<hbm>>) target(%arg10 : memref<128x128xf32, #tpu.memory_space<vmem>>) offsets(%dma_start3A_128 : memref<128xi32, #tpu.memory_space<vmem>>) semaphore(%arg12 : memref<!tpu.dma_semaphore, #tpu.memory_space<semaphore_mem>>)
      %add3A_136 = arith.constant 0 : i32
      %add3A_137 = arith.addi %add3A_119, %add3A_136 : i32
      %dma_wait3A_138 = arith.constant 0 : i32
      %dma_wait3A_139 = tpu.memref_slice %arg7[%add3A_137, %dma_wait3A_138] : memref<56x128xi32, #tpu.memory_space<vmem>> -> memref<1x128xi32, #tpu.memory_space<vmem>>
      %dma_wait3A_140 = tpu.memref_squeeze %dma_wait3A_139 : memref<1x128xi32, #tpu.memory_space<vmem>> -> memref<128xi32, #tpu.memory_space<vmem>>
      %dma_wait3A_141 = arith.constant 0 : i32
      %dma_wait3A_142 = arith.constant 0 : i32
      %dma_wait3A_143 = tpu.memref_slice %arg2[%scan3A_60, %dma_wait3A_141, %dma_wait3A_142] : memref<3x10000x128xf32, #tpu.memory_space<hbm>> -> memref<1x10000x128xf32, #tpu.memory_space<hbm>>
      %dma_wait3A_144 = tpu.memref_squeeze %dma_wait3A_143 : memref<1x10000x128xf32, #tpu.memory_space<hbm>> -> memref<10000x128xf32, #tpu.memory_space<hbm>>
      %dma_wait3A_145 = arith.constant 0 : i32
      %dma_wait3A_146 = arith.constant 0 : i32
      %dma_wait3A_147 = tpu.memref_slice %dma_wait3A_144[%dma_wait3A_145, %dma_wait3A_146] : memref<10000x128xf32, #tpu.memory_space<hbm>> -> memref<10000x128xf32, #tpu.memory_space<hbm>>
      tpu.wait_indirect_dma semaphore(%arg11 : memref<!tpu.dma_semaphore, #tpu.memory_space<semaphore_mem>>) src(%dma_wait3A_147 : memref<10000x128xf32, #tpu.memory_space<hbm>>) dst(%arg9 : memref<128x128xf32, #tpu.memory_space<vmem>>)
      %add3A_148 = arith.constant 0 : i32
      %add3A_149 = arith.addi %add3A_119, %add3A_148 : i32
      "tpu.region"() ({
        %run_scoped3A = tpu.sem_alloc : memref<!tpu.dma_semaphore, #tpu.memory_space<semaphore_mem>>
        %dma_start3A_182 = arith.constant 0 : i32
        %dma_start3A_183 = tpu.memref_slice %arg8[%add3A_149, %dma_start3A_182] : memref<56x128xi32, #tpu.memory_space<vmem>> -> memref<1x128xi32, #tpu.memory_space<vmem>>
        %dma_start3A_184 = tpu.memref_squeeze %dma_start3A_183 : memref<1x128xi32, #tpu.memory_space<vmem>> -> memref<128xi32, #tpu.memory_space<vmem>>
        %dma_start3A_185 = arith.constant 0 : i32
        %dma_start3A_186 = arith.constant 0 : i32
        %dma_start3A_187 = tpu.memref_slice %arg6[%dma_start3A_185, %dma_start3A_186] : memref<10240x128xf32, #tpu.memory_space<vmem_shared>> -> memref<10240x128xf32, #tpu.memory_space<vmem_shared>>
        tpu.enqueue_indirect_dma source(%arg9 : memref<128x128xf32, #tpu.memory_space<vmem>>) target(%dma_start3A_187 : memref<10240x128xf32, #tpu.memory_space<vmem_shared>>) offsets(%dma_start3A_184 : memref<128xi32, #tpu.memory_space<vmem>>) semaphore(%run_scoped3A : memref<!tpu.dma_semaphore, #tpu.memory_space<semaphore_mem>>) {add = true}
        %dma_wait3A_188 = arith.constant 0 : i32
        %dma_wait3A_189 = tpu.memref_slice %arg8[%add3A_149, %dma_wait3A_188] : memref<56x128xi32, #tpu.memory_space<vmem>> -> memref<1x128xi32, #tpu.memory_space<vmem>>
        %dma_wait3A_190 = tpu.memref_squeeze %dma_wait3A_189 : memref<1x128xi32, #tpu.memory_space<vmem>> -> memref<128xi32, #tpu.memory_space<vmem>>
        %dma_wait3A_191 = arith.constant 0 : i32
        %dma_wait3A_192 = arith.constant 0 : i32
        %dma_wait3A_193 = tpu.memref_slice %arg6[%dma_wait3A_191, %dma_wait3A_192] : memref<10240x128xf32, #tpu.memory_space<vmem_shared>> -> memref<10240x128xf32, #tpu.memory_space<vmem_shared>>
        tpu.wait_indirect_dma semaphore(%run_scoped3A : memref<!tpu.dma_semaphore, #tpu.memory_space<semaphore_mem>>) src(%arg9 : memref<128x128xf32, #tpu.memory_space<vmem>>) dst(%dma_wait3A_193 : memref<10240x128xf32, #tpu.memory_space<vmem_shared>>)
        tpu.yield
      }) : () -> ()
      %add3A_150 = arith.constant 1 : i32
      %add3A_151 = arith.addi %add3A_119, %add3A_150 : i32
      %add3A_152 = arith.constant 2 : i32
      %add3A_153 = arith.addi %add3A_151, %add3A_152 : i32
      %sub3A_154 = arith.constant 1 : i32
      %sub3A_155 = arith.subi %add3A_153, %sub3A_154 : i32
      %rem3A_156 = arith.constant 54 : i32
      %rem3A_157 = arith.remsi %sub3A_155, %rem3A_156 : i32
      %dma_start3A_158 = arith.constant 0 : i32
      %dma_start3A_159 = tpu.memref_slice %arg7[%rem3A_157, %dma_start3A_158] : memref<56x128xi32, #tpu.memory_space<vmem>> -> memref<1x128xi32, #tpu.memory_space<vmem>>
      %dma_start3A_160 = tpu.memref_squeeze %dma_start3A_159 : memref<1x128xi32, #tpu.memory_space<vmem>> -> memref<128xi32, #tpu.memory_space<vmem>>
      %dma_start3A_161 = arith.constant 0 : i32
      %dma_start3A_162 = arith.constant 0 : i32
      %dma_start3A_163 = tpu.memref_slice %arg2[%scan3A_60, %dma_start3A_161, %dma_start3A_162] : memref<3x10000x128xf32, #tpu.memory_space<hbm>> -> memref<1x10000x128xf32, #tpu.memory_space<hbm>>
      %dma_start3A_164 = tpu.memref_squeeze %dma_start3A_163 : memref<1x10000x128xf32, #tpu.memory_space<hbm>> -> memref<10000x128xf32, #tpu.memory_space<hbm>>
      %dma_start3A_165 = arith.constant 0 : i32
      %dma_start3A_166 = arith.constant 0 : i32
      %dma_start3A_167 = tpu.memref_slice %dma_start3A_164[%dma_start3A_165, %dma_start3A_166] : memref<10000x128xf32, #tpu.memory_space<hbm>> -> memref<10000x128xf32, #tpu.memory_space<hbm>>
      tpu.enqueue_indirect_dma source(%dma_start3A_167 : memref<10000x128xf32, #tpu.memory_space<hbm>>) target(%arg9 : memref<128x128xf32, #tpu.memory_space<vmem>>) offsets(%dma_start3A_160 : memref<128xi32, #tpu.memory_space<vmem>>) semaphore(%arg11 : memref<!tpu.dma_semaphore, #tpu.memory_space<semaphore_mem>>)
      %add3A_168 = arith.constant 1 : i32
      %add3A_169 = arith.addi %add3A_119, %add3A_168 : i32
      %dma_wait3A_170 = arith.constant 0 : i32
      %dma_wait3A_171 = tpu.memref_slice %arg7[%add3A_169, %dma_wait3A_170] : memref<56x128xi32, #tpu.memory_space<vmem>> -> memref<1x128xi32, #tpu.memory_space<vmem>>
      %dma_wait3A_172 = tpu.memref_squeeze %dma_wait3A_171 : memref<1x128xi32, #tpu.memory_space<vmem>> -> memref<128xi32, #tpu.memory_space<vmem>>
      %dma_wait3A_173 = arith.constant 0 : i32
      %dma_wait3A_174 = arith.constant 0 : i32
      %dma_wait3A_175 = tpu.memref_slice %arg2[%scan3A_60, %dma_wait3A_173, %dma_wait3A_174] : memref<3x10000x128xf32, #tpu.memory_space<hbm>> -> memref<1x10000x128xf32, #tpu.memory_space<hbm>>
      %dma_wait3A_176 = tpu.memref_squeeze %dma_wait3A_175 : memref<1x10000x128xf32, #tpu.memory_space<hbm>> -> memref<10000x128xf32, #tpu.memory_space<hbm>>
      %dma_wait3A_177 = arith.constant 0 : i32
      %dma_wait3A_178 = arith.constant 0 : i32
      %dma_wait3A_179 = tpu.memref_slice %dma_wait3A_176[%dma_wait3A_177, %dma_wait3A_178] : memref<10000x128xf32, #tpu.memory_space<hbm>> -> memref<10000x128xf32, #tpu.memory_space<hbm>>
      tpu.wait_indirect_dma semaphore(%arg12 : memref<!tpu.dma_semaphore, #tpu.memory_space<semaphore_mem>>) src(%dma_wait3A_179 : memref<10000x128xf32, #tpu.memory_space<hbm>>) dst(%arg10 : memref<128x128xf32, #tpu.memory_space<vmem>>)
      %add3A_180 = arith.constant 1 : i32
      %add3A_181 = arith.addi %add3A_119, %add3A_180 : i32
      "tpu.region"() ({
        %run_scoped3A = tpu.sem_alloc : memref<!tpu.dma_semaphore, #tpu.memory_space<semaphore_mem>>
        %dma_start3A_182 = arith.constant 0 : i32
        %dma_start3A_183 = tpu.memref_slice %arg8[%add3A_181, %dma_start3A_182] : memref<56x128xi32, #tpu.memory_space<vmem>> -> memref<1x128xi32, #tpu.memory_space<vmem>>
        %dma_start3A_184 = tpu.memref_squeeze %dma_start3A_183 : memref<1x128xi32, #tpu.memory_space<vmem>> -> memref<128xi32, #tpu.memory_space<vmem>>
        %dma_start3A_185 = arith.constant 0 : i32
        %dma_start3A_186 = arith.constant 0 : i32
        %dma_start3A_187 = tpu.memref_slice %arg6[%dma_start3A_185, %dma_start3A_186] : memref<10240x128xf32, #tpu.memory_space<vmem_shared>> -> memref<10240x128xf32, #tpu.memory_space<vmem_shared>>
        tpu.enqueue_indirect_dma source(%arg10 : memref<128x128xf32, #tpu.memory_space<vmem>>) target(%dma_start3A_187 : memref<10240x128xf32, #tpu.memory_space<vmem_shared>>) offsets(%dma_start3A_184 : memref<128xi32, #tpu.memory_space<vmem>>) semaphore(%run_scoped3A : memref<!tpu.dma_semaphore, #tpu.memory_space<semaphore_mem>>) {add = true}
        %dma_wait3A_188 = arith.constant 0 : i32
        %dma_wait3A_189 = tpu.memref_slice %arg8[%add3A_181, %dma_wait3A_188] : memref<56x128xi32, #tpu.memory_space<vmem>> -> memref<1x128xi32, #tpu.memory_space<vmem>>
        %dma_wait3A_190 = tpu.memref_squeeze %dma_wait3A_189 : memref<1x128xi32, #tpu.memory_space<vmem>> -> memref<128xi32, #tpu.memory_space<vmem>>
        %dma_wait3A_191 = arith.constant 0 : i32
        %dma_wait3A_192 = arith.constant 0 : i32
        %dma_wait3A_193 = tpu.memref_slice %arg6[%dma_wait3A_191, %dma_wait3A_192] : memref<10240x128xf32, #tpu.memory_space<vmem_shared>> -> memref<10240x128xf32, #tpu.memory_space<vmem_shared>>
        tpu.wait_indirect_dma semaphore(%run_scoped3A : memref<!tpu.dma_semaphore, #tpu.memory_space<semaphore_mem>>) src(%arg10 : memref<128x128xf32, #tpu.memory_space<vmem>>) dst(%dma_wait3A_193 : memref<10240x128xf32, #tpu.memory_space<vmem_shared>>)
        tpu.yield
      }) : () -> ()
    }
    %scan3A_65 = arith.constant 27 : i32
    %dma_wait3A_66 = arith.constant 1 : i32
    %dma_wait3A_67 = arith.constant 0 : i32
    %dma_wait3A_68 = arith.constant 0 : i32
    %dma_wait3A_69 = tpu.memref_slice %arg7[%dma_wait3A_67, %dma_wait3A_68] : memref<56x128xi32, #tpu.memory_space<vmem>> -> memref<1x128xi32, #tpu.memory_space<vmem>>
    %dma_wait3A_70 = tpu.memref_squeeze %dma_wait3A_69 : memref<1x128xi32, #tpu.memory_space<vmem>> -> memref<128xi32, #tpu.memory_space<vmem>>
    %dma_wait3A_71 = arith.constant 0 : i32
    %dma_wait3A_72 = arith.constant 0 : i32
    %dma_wait3A_73 = tpu.memref_slice %arg2[%dma_wait3A_66, %dma_wait3A_71, %dma_wait3A_72] : memref<3x10000x128xf32, #tpu.memory_space<hbm>> -> memref<1x10000x128xf32, #tpu.memory_space<hbm>>
    %dma_wait3A_74 = tpu.memref_squeeze %dma_wait3A_73 : memref<1x10000x128xf32, #tpu.memory_space<hbm>> -> memref<10000x128xf32, #tpu.memory_space<hbm>>
    %dma_wait3A_75 = arith.constant 0 : i32
    %dma_wait3A_76 = arith.constant 0 : i32
    %dma_wait3A_77 = tpu.memref_slice %dma_wait3A_74[%dma_wait3A_75, %dma_wait3A_76] : memref<10000x128xf32, #tpu.memory_space<hbm>> -> memref<10000x128xf32, #tpu.memory_space<hbm>>
    tpu.wait_indirect_dma semaphore(%arg11 : memref<!tpu.dma_semaphore, #tpu.memory_space<semaphore_mem>>) src(%dma_wait3A_77 : memref<10000x128xf32, #tpu.memory_space<hbm>>) dst(%arg9 : memref<128x128xf32, #tpu.memory_space<vmem>>)
    %add3A_78 = arith.constant 64 : i32
    %add3A_79 = arith.addi %add3A_78, %add3A : i32
    %mul3A_80 = arith.constant 56 : i32
    %mul3A_81 = arith.muli %add3A_79, %mul3A_80 : i32
    "tpu.region"() ({
      %run_scoped3A = tpu.sem_alloc : memref<!tpu.dma_semaphore, #tpu.memory_space<semaphore_mem>>
      %dma_start3A_115 = arith.constant 0 : i32
      %dma_start3A_116 = tpu.memref_slice %arg3[%mul3A_81, %dma_start3A_115] : memref<5376x128xi32, #tpu.memory_space<hbm>> -> memref<56x128xi32, #tpu.memory_space<hbm>>
      %dma_start3A_117 = arith.constant 0 : i32
      %dma_start3A_118 = tpu.memref_slice %arg3[%mul3A_81, %dma_start3A_117] : memref<5376x128xi32, #tpu.memory_space<hbm>> -> memref<56x128xi32, #tpu.memory_space<hbm>>
      tpu.enqueue_dma source(%dma_start3A_118 : memref<56x128xi32, #tpu.memory_space<hbm>>) target(%arg7 : memref<56x128xi32, #tpu.memory_space<vmem>>) target_semaphore(%run_scoped3A : memref<!tpu.dma_semaphore, #tpu.memory_space<semaphore_mem>>)
      %dma_wait3A_119 = arith.constant 0 : i32
      %dma_wait3A_120 = tpu.memref_slice %arg3[%mul3A_81, %dma_wait3A_119] : memref<5376x128xi32, #tpu.memory_space<hbm>> -> memref<56x128xi32, #tpu.memory_space<hbm>>
      %dma_wait3A_121 = arith.constant 0 : i32
      %dma_wait3A_122 = tpu.memref_slice %arg3[%mul3A_81, %dma_wait3A_121] : memref<5376x128xi32, #tpu.memory_space<hbm>> -> memref<56x128xi32, #tpu.memory_space<hbm>>
      tpu.wait_dma2 semaphore(%run_scoped3A : memref<!tpu.dma_semaphore, #tpu.memory_space<semaphore_mem>>) src(%dma_wait3A_122 : memref<56x128xi32, #tpu.memory_space<hbm>>) dst(%arg7 : memref<56x128xi32, #tpu.memory_space<vmem>>)
      tpu.yield
    }) : () -> ()
    "tpu.region"() ({
      %run_scoped3A = tpu.sem_alloc : memref<!tpu.dma_semaphore, #tpu.memory_space<semaphore_mem>>
      %dma_start3A_115 = arith.constant 0 : i32
      %dma_start3A_116 = tpu.memref_slice %arg4[%mul3A_81, %dma_start3A_115] : memref<5376x128xi32, #tpu.memory_space<hbm>> -> memref<56x128xi32, #tpu.memory_space<hbm>>
      %dma_start3A_117 = arith.constant 0 : i32
      %dma_start3A_118 = tpu.memref_slice %arg4[%mul3A_81, %dma_start3A_117] : memref<5376x128xi32, #tpu.memory_space<hbm>> -> memref<56x128xi32, #tpu.memory_space<hbm>>
      tpu.enqueue_dma source(%dma_start3A_118 : memref<56x128xi32, #tpu.memory_space<hbm>>) target(%arg8 : memref<56x128xi32, #tpu.memory_space<vmem>>) target_semaphore(%run_scoped3A : memref<!tpu.dma_semaphore, #tpu.memory_space<semaphore_mem>>)
      %dma_wait3A_119 = arith.constant 0 : i32
      %dma_wait3A_120 = tpu.memref_slice %arg4[%mul3A_81, %dma_wait3A_119] : memref<5376x128xi32, #tpu.memory_space<hbm>> -> memref<56x128xi32, #tpu.memory_space<hbm>>
      %dma_wait3A_121 = arith.constant 0 : i32
      %dma_wait3A_122 = tpu.memref_slice %arg4[%mul3A_81, %dma_wait3A_121] : memref<5376x128xi32, #tpu.memory_space<hbm>> -> memref<56x128xi32, #tpu.memory_space<hbm>>
      tpu.wait_dma2 semaphore(%run_scoped3A : memref<!tpu.dma_semaphore, #tpu.memory_space<semaphore_mem>>) src(%dma_wait3A_122 : memref<56x128xi32, #tpu.memory_space<hbm>>) dst(%arg8 : memref<56x128xi32, #tpu.memory_space<vmem>>)
      tpu.yield
    }) : () -> ()
    %dma_start3A_82 = arith.constant 2 : i32
    %dma_start3A_83 = arith.constant 0 : i32
    %dma_start3A_84 = arith.constant 0 : i32
    %dma_start3A_85 = tpu.memref_slice %arg7[%dma_start3A_83, %dma_start3A_84] : memref<56x128xi32, #tpu.memory_space<vmem>> -> memref<1x128xi32, #tpu.memory_space<vmem>>
    %dma_start3A_86 = tpu.memref_squeeze %dma_start3A_85 : memref<1x128xi32, #tpu.memory_space<vmem>> -> memref<128xi32, #tpu.memory_space<vmem>>
    %dma_start3A_87 = arith.constant 0 : i32
    %dma_start3A_88 = arith.constant 0 : i32
    %dma_start3A_89 = tpu.memref_slice %arg2[%dma_start3A_82, %dma_start3A_87, %dma_start3A_88] : memref<3x10000x128xf32, #tpu.memory_space<hbm>> -> memref<1x10000x128xf32, #tpu.memory_space<hbm>>
    %dma_start3A_90 = tpu.memref_squeeze %dma_start3A_89 : memref<1x10000x128xf32, #tpu.memory_space<hbm>> -> memref<10000x128xf32, #tpu.memory_space<hbm>>
    %dma_start3A_91 = arith.constant 0 : i32
    %dma_start3A_92 = arith.constant 0 : i32
    %dma_start3A_93 = tpu.memref_slice %dma_start3A_90[%dma_start3A_91, %dma_start3A_92] : memref<10000x128xf32, #tpu.memory_space<hbm>> -> memref<10000x128xf32, #tpu.memory_space<hbm>>
    tpu.enqueue_indirect_dma source(%dma_start3A_93 : memref<10000x128xf32, #tpu.memory_space<hbm>>) target(%arg9 : memref<128x128xf32, #tpu.memory_space<vmem>>) offsets(%dma_start3A_86 : memref<128xi32, #tpu.memory_space<vmem>>) semaphore(%arg11 : memref<!tpu.dma_semaphore, #tpu.memory_space<semaphore_mem>>)
    %scan3A_94 = arith.constant 2 : i32
    %scan3A_95 = arith.constant 0 : i32
    %scan3A_96 = arith.constant 27 : i32
    %scan3A_97 = arith.addi %scan3A_95, %scan3A_96 : i32
    %scan3A_98 = arith.constant 1 : i32
    scf.for %scan3A_115 = %scan3A_95 to %scan3A_97 step %scan3A_98  : i32 {
      %mul3A_116 = arith.constant 2 : i32
      %mul3A_117 = arith.muli %scan3A_115, %mul3A_116 : i32
      %add3A_118 = arith.constant 0 : i32
      %add3A_119 = arith.addi %add3A_118, %mul3A_117 : i32
      %add3A_120 = arith.constant 0 : i32
      %add3A_121 = arith.addi %add3A_119, %add3A_120 : i32
      %add3A_122 = arith.constant 2 : i32
      %add3A_123 = arith.addi %add3A_121, %add3A_122 : i32
      %sub3A = arith.constant 1 : i32
      %sub3A_124 = arith.subi %add3A_123, %sub3A : i32
      %rem3A = arith.constant 54 : i32
      %rem3A_125 = arith.remsi %sub3A_124, %rem3A : i32
      %dma_start3A_126 = arith.constant 0 : i32
      %dma_start3A_127 = tpu.memref_slice %arg7[%rem3A_125, %dma_start3A_126] : memref<56x128xi32, #tpu.memory_space<vmem>> -> memref<1x128xi32, #tpu.memory_space<vmem>>
      %dma_start3A_128 = tpu.memref_squeeze %dma_start3A_127 : memref<1x128xi32, #tpu.memory_space<vmem>> -> memref<128xi32, #tpu.memory_space<vmem>>
      %dma_start3A_129 = arith.constant 0 : i32
      %dma_start3A_130 = arith.constant 0 : i32
      %dma_start3A_131 = tpu.memref_slice %arg2[%scan3A_94, %dma_start3A_129, %dma_start3A_130] : memref<3x10000x128xf32, #tpu.memory_space<hbm>> -> memref<1x10000x128xf32, #tpu.memory_space<hbm>>
      %dma_start3A_132 = tpu.memref_squeeze %dma_start3A_131 : memref<1x10000x128xf32, #tpu.memory_space<hbm>> -> memref<10000x128xf32, #tpu.memory_space<hbm>>
      %dma_start3A_133 = arith.constant 0 : i32
      %dma_start3A_134 = arith.constant 0 : i32
      %dma_start3A_135 = tpu.memref_slice %dma_start3A_132[%dma_start3A_133, %dma_start3A_134] : memref<10000x128xf32, #tpu.memory_space<hbm>> -> memref<10000x128xf32, #tpu.memory_space<hbm>>
      tpu.enqueue_indirect_dma source(%dma_start3A_135 : memref<10000x128xf32, #tpu.memory_space<hbm>>) target(%arg10 : memref<128x128xf32, #tpu.memory_space<vmem>>) offsets(%dma_start3A_128 : memref<128xi32, #tpu.memory_space<vmem>>) semaphore(%arg12 : memref<!tpu.dma_semaphore, #tpu.memory_space<semaphore_mem>>)
      %add3A_136 = arith.constant 0 : i32
      %add3A_137 = arith.addi %add3A_119, %add3A_136 : i32
      %dma_wait3A_138 = arith.constant 0 : i32
      %dma_wait3A_139 = tpu.memref_slice %arg7[%add3A_137, %dma_wait3A_138] : memref<56x128xi32, #tpu.memory_space<vmem>> -> memref<1x128xi32, #tpu.memory_space<vmem>>
      %dma_wait3A_140 = tpu.memref_squeeze %dma_wait3A_139 : memref<1x128xi32, #tpu.memory_space<vmem>> -> memref<128xi32, #tpu.memory_space<vmem>>
      %dma_wait3A_141 = arith.constant 0 : i32
      %dma_wait3A_142 = arith.constant 0 : i32
      %dma_wait3A_143 = tpu.memref_slice %arg2[%scan3A_94, %dma_wait3A_141, %dma_wait3A_142] : memref<3x10000x128xf32, #tpu.memory_space<hbm>> -> memref<1x10000x128xf32, #tpu.memory_space<hbm>>
      %dma_wait3A_144 = tpu.memref_squeeze %dma_wait3A_143 : memref<1x10000x128xf32, #tpu.memory_space<hbm>> -> memref<10000x128xf32, #tpu.memory_space<hbm>>
      %dma_wait3A_145 = arith.constant 0 : i32
      %dma_wait3A_146 = arith.constant 0 : i32
      %dma_wait3A_147 = tpu.memref_slice %dma_wait3A_144[%dma_wait3A_145, %dma_wait3A_146] : memref<10000x128xf32, #tpu.memory_space<hbm>> -> memref<10000x128xf32, #tpu.memory_space<hbm>>
      tpu.wait_indirect_dma semaphore(%arg11 : memref<!tpu.dma_semaphore, #tpu.memory_space<semaphore_mem>>) src(%dma_wait3A_147 : memref<10000x128xf32, #tpu.memory_space<hbm>>) dst(%arg9 : memref<128x128xf32, #tpu.memory_space<vmem>>)
      %add3A_148 = arith.constant 0 : i32
      %add3A_149 = arith.addi %add3A_119, %add3A_148 : i32
      "tpu.region"() ({
        %run_scoped3A = tpu.sem_alloc : memref<!tpu.dma_semaphore, #tpu.memory_space<semaphore_mem>>
        %dma_start3A_182 = arith.constant 0 : i32
        %dma_start3A_183 = tpu.memref_slice %arg8[%add3A_149, %dma_start3A_182] : memref<56x128xi32, #tpu.memory_space<vmem>> -> memref<1x128xi32, #tpu.memory_space<vmem>>
        %dma_start3A_184 = tpu.memref_squeeze %dma_start3A_183 : memref<1x128xi32, #tpu.memory_space<vmem>> -> memref<128xi32, #tpu.memory_space<vmem>>
        %dma_start3A_185 = arith.constant 0 : i32
        %dma_start3A_186 = arith.constant 0 : i32
        %dma_start3A_187 = tpu.memref_slice %arg6[%dma_start3A_185, %dma_start3A_186] : memref<10240x128xf32, #tpu.memory_space<vmem_shared>> -> memref<10240x128xf32, #tpu.memory_space<vmem_shared>>
        tpu.enqueue_indirect_dma source(%arg9 : memref<128x128xf32, #tpu.memory_space<vmem>>) target(%dma_start3A_187 : memref<10240x128xf32, #tpu.memory_space<vmem_shared>>) offsets(%dma_start3A_184 : memref<128xi32, #tpu.memory_space<vmem>>) semaphore(%run_scoped3A : memref<!tpu.dma_semaphore, #tpu.memory_space<semaphore_mem>>) {add = true}
        %dma_wait3A_188 = arith.constant 0 : i32
        %dma_wait3A_189 = tpu.memref_slice %arg8[%add3A_149, %dma_wait3A_188] : memref<56x128xi32, #tpu.memory_space<vmem>> -> memref<1x128xi32, #tpu.memory_space<vmem>>
        %dma_wait3A_190 = tpu.memref_squeeze %dma_wait3A_189 : memref<1x128xi32, #tpu.memory_space<vmem>> -> memref<128xi32, #tpu.memory_space<vmem>>
        %dma_wait3A_191 = arith.constant 0 : i32
        %dma_wait3A_192 = arith.constant 0 : i32
        %dma_wait3A_193 = tpu.memref_slice %arg6[%dma_wait3A_191, %dma_wait3A_192] : memref<10240x128xf32, #tpu.memory_space<vmem_shared>> -> memref<10240x128xf32, #tpu.memory_space<vmem_shared>>
        tpu.wait_indirect_dma semaphore(%run_scoped3A : memref<!tpu.dma_semaphore, #tpu.memory_space<semaphore_mem>>) src(%arg9 : memref<128x128xf32, #tpu.memory_space<vmem>>) dst(%dma_wait3A_193 : memref<10240x128xf32, #tpu.memory_space<vmem_shared>>)
        tpu.yield
      }) : () -> ()
      %add3A_150 = arith.constant 1 : i32
      %add3A_151 = arith.addi %add3A_119, %add3A_150 : i32
      %add3A_152 = arith.constant 2 : i32
      %add3A_153 = arith.addi %add3A_151, %add3A_152 : i32
      %sub3A_154 = arith.constant 1 : i32
      %sub3A_155 = arith.subi %add3A_153, %sub3A_154 : i32
      %rem3A_156 = arith.constant 54 : i32
      %rem3A_157 = arith.remsi %sub3A_155, %rem3A_156 : i32
      %dma_start3A_158 = arith.constant 0 : i32
      %dma_start3A_159 = tpu.memref_slice %arg7[%rem3A_157, %dma_start3A_158] : memref<56x128xi32, #tpu.memory_space<vmem>> -> memref<1x128xi32, #tpu.memory_space<vmem>>
      %dma_start3A_160 = tpu.memref_squeeze %dma_start3A_159 : memref<1x128xi32, #tpu.memory_space<vmem>> -> memref<128xi32, #tpu.memory_space<vmem>>
      %dma_start3A_161 = arith.constant 0 : i32
      %dma_start3A_162 = arith.constant 0 : i32
      %dma_start3A_163 = tpu.memref_slice %arg2[%scan3A_94, %dma_start3A_161, %dma_start3A_162] : memref<3x10000x128xf32, #tpu.memory_space<hbm>> -> memref<1x10000x128xf32, #tpu.memory_space<hbm>>
      %dma_start3A_164 = tpu.memref_squeeze %dma_start3A_163 : memref<1x10000x128xf32, #tpu.memory_space<hbm>> -> memref<10000x128xf32, #tpu.memory_space<hbm>>
      %dma_start3A_165 = arith.constant 0 : i32
      %dma_start3A_166 = arith.constant 0 : i32
      %dma_start3A_167 = tpu.memref_slice %dma_start3A_164[%dma_start3A_165, %dma_start3A_166] : memref<10000x128xf32, #tpu.memory_space<hbm>> -> memref<10000x128xf32, #tpu.memory_space<hbm>>
      tpu.enqueue_indirect_dma source(%dma_start3A_167 : memref<10000x128xf32, #tpu.memory_space<hbm>>) target(%arg9 : memref<128x128xf32, #tpu.memory_space<vmem>>) offsets(%dma_start3A_160 : memref<128xi32, #tpu.memory_space<vmem>>) semaphore(%arg11 : memref<!tpu.dma_semaphore, #tpu.memory_space<semaphore_mem>>)
      %add3A_168 = arith.constant 1 : i32
      %add3A_169 = arith.addi %add3A_119, %add3A_168 : i32
      %dma_wait3A_170 = arith.constant 0 : i32
      %dma_wait3A_171 = tpu.memref_slice %arg7[%add3A_169, %dma_wait3A_170] : memref<56x128xi32, #tpu.memory_space<vmem>> -> memref<1x128xi32, #tpu.memory_space<vmem>>
      %dma_wait3A_172 = tpu.memref_squeeze %dma_wait3A_171 : memref<1x128xi32, #tpu.memory_space<vmem>> -> memref<128xi32, #tpu.memory_space<vmem>>
      %dma_wait3A_173 = arith.constant 0 : i32
      %dma_wait3A_174 = arith.constant 0 : i32
      %dma_wait3A_175 = tpu.memref_slice %arg2[%scan3A_94, %dma_wait3A_173, %dma_wait3A_174] : memref<3x10000x128xf32, #tpu.memory_space<hbm>> -> memref<1x10000x128xf32, #tpu.memory_space<hbm>>
      %dma_wait3A_176 = tpu.memref_squeeze %dma_wait3A_175 : memref<1x10000x128xf32, #tpu.memory_space<hbm>> -> memref<10000x128xf32, #tpu.memory_space<hbm>>
      %dma_wait3A_177 = arith.constant 0 : i32
      %dma_wait3A_178 = arith.constant 0 : i32
      %dma_wait3A_179 = tpu.memref_slice %dma_wait3A_176[%dma_wait3A_177, %dma_wait3A_178] : memref<10000x128xf32, #tpu.memory_space<hbm>> -> memref<10000x128xf32, #tpu.memory_space<hbm>>
      tpu.wait_indirect_dma semaphore(%arg12 : memref<!tpu.dma_semaphore, #tpu.memory_space<semaphore_mem>>) src(%dma_wait3A_179 : memref<10000x128xf32, #tpu.memory_space<hbm>>) dst(%arg10 : memref<128x128xf32, #tpu.memory_space<vmem>>)
      %add3A_180 = arith.constant 1 : i32
      %add3A_181 = arith.addi %add3A_119, %add3A_180 : i32
      "tpu.region"() ({
        %run_scoped3A = tpu.sem_alloc : memref<!tpu.dma_semaphore, #tpu.memory_space<semaphore_mem>>
        %dma_start3A_182 = arith.constant 0 : i32
        %dma_start3A_183 = tpu.memref_slice %arg8[%add3A_181, %dma_start3A_182] : memref<56x128xi32, #tpu.memory_space<vmem>> -> memref<1x128xi32, #tpu.memory_space<vmem>>
        %dma_start3A_184 = tpu.memref_squeeze %dma_start3A_183 : memref<1x128xi32, #tpu.memory_space<vmem>> -> memref<128xi32, #tpu.memory_space<vmem>>
        %dma_start3A_185 = arith.constant 0 : i32
        %dma_start3A_186 = arith.constant 0 : i32
        %dma_start3A_187 = tpu.memref_slice %arg6[%dma_start3A_185, %dma_start3A_186] : memref<10240x128xf32, #tpu.memory_space<vmem_shared>> -> memref<10240x128xf32, #tpu.memory_space<vmem_shared>>
        tpu.enqueue_indirect_dma source(%arg10 : memref<128x128xf32, #tpu.memory_space<vmem>>) target(%dma_start3A_187 : memref<10240x128xf32, #tpu.memory_space<vmem_shared>>) offsets(%dma_start3A_184 : memref<128xi32, #tpu.memory_space<vmem>>) semaphore(%run_scoped3A : memref<!tpu.dma_semaphore, #tpu.memory_space<semaphore_mem>>) {add = true}
        %dma_wait3A_188 = arith.constant 0 : i32
        %dma_wait3A_189 = tpu.memref_slice %arg8[%add3A_181, %dma_wait3A_188] : memref<56x128xi32, #tpu.memory_space<vmem>> -> memref<1x128xi32, #tpu.memory_space<vmem>>
        %dma_wait3A_190 = tpu.memref_squeeze %dma_wait3A_189 : memref<1x128xi32, #tpu.memory_space<vmem>> -> memref<128xi32, #tpu.memory_space<vmem>>
        %dma_wait3A_191 = arith.constant 0 : i32
        %dma_wait3A_192 = arith.constant 0 : i32
        %dma_wait3A_193 = tpu.memref_slice %arg6[%dma_wait3A_191, %dma_wait3A_192] : memref<10240x128xf32, #tpu.memory_space<vmem_shared>> -> memref<10240x128xf32, #tpu.memory_space<vmem_shared>>
        tpu.wait_indirect_dma semaphore(%run_scoped3A : memref<!tpu.dma_semaphore, #tpu.memory_space<semaphore_mem>>) src(%arg10 : memref<128x128xf32, #tpu.memory_space<vmem>>) dst(%dma_wait3A_193 : memref<10240x128xf32, #tpu.memory_space<vmem_shared>>)
        tpu.yield
      }) : () -> ()
    }
    %scan3A_99 = arith.constant 27 : i32
    %dma_wait3A_100 = arith.constant 2 : i32
    %dma_wait3A_101 = arith.constant 0 : i32
    %dma_wait3A_102 = arith.constant 0 : i32
    %dma_wait3A_103 = tpu.memref_slice %arg7[%dma_wait3A_101, %dma_wait3A_102] : memref<56x128xi32, #tpu.memory_space<vmem>> -> memref<1x128xi32, #tpu.memory_space<vmem>>
    %dma_wait3A_104 = tpu.memref_squeeze %dma_wait3A_103 : memref<1x128xi32, #tpu.memory_space<vmem>> -> memref<128xi32, #tpu.memory_space<vmem>>
    %dma_wait3A_105 = arith.constant 0 : i32
    %dma_wait3A_106 = arith.constant 0 : i32
    %dma_wait3A_107 = tpu.memref_slice %arg2[%dma_wait3A_100, %dma_wait3A_105, %dma_wait3A_106] : memref<3x10000x128xf32, #tpu.memory_space<hbm>> -> memref<1x10000x128xf32, #tpu.memory_space<hbm>>
    %dma_wait3A_108 = tpu.memref_squeeze %dma_wait3A_107 : memref<1x10000x128xf32, #tpu.memory_space<hbm>> -> memref<10000x128xf32, #tpu.memory_space<hbm>>
    %dma_wait3A_109 = arith.constant 0 : i32
    %dma_wait3A_110 = arith.constant 0 : i32
    %dma_wait3A_111 = tpu.memref_slice %dma_wait3A_108[%dma_wait3A_109, %dma_wait3A_110] : memref<10000x128xf32, #tpu.memory_space<hbm>> -> memref<10000x128xf32, #tpu.memory_space<hbm>>
    tpu.wait_indirect_dma semaphore(%arg11 : memref<!tpu.dma_semaphore, #tpu.memory_space<semaphore_mem>>) src(%dma_wait3A_111 : memref<10000x128xf32, #tpu.memory_space<hbm>>) dst(%arg9 : memref<128x128xf32, #tpu.memory_space<vmem>>)
    %barrier3A_112 = arith.constant 0 : index
    tpu.barrier barrier_id(%barrier3A_112)
    %mul3A_113 = arith.constant 640 : i32
    %mul3A_114 = arith.muli %arg1, %mul3A_113 : i32
    "tpu.region"() ({
      %run_scoped3A = tpu.sem_alloc : memref<!tpu.dma_semaphore, #tpu.memory_space<semaphore_mem>>
      %dma_start3A_115 = arith.constant 0 : i32
      %dma_start3A_116 = arith.constant 0 : i32
      %dma_start3A_117 = tpu.memref_slice %arg5[%arg0, %dma_start3A_115, %dma_start3A_116] : memref<2x10240x128xf32, #tpu.memory_space<hbm>> -> memref<1x10240x128xf32, #tpu.memory_space<hbm>>
      %dma_start3A_118 = tpu.memref_squeeze %dma_start3A_117 : memref<1x10240x128xf32, #tpu.memory_space<hbm>> -> memref<10240x128xf32, #tpu.memory_space<hbm>>
      %dma_start3A_119 = arith.constant 0 : i32
      %dma_start3A_120 = tpu.memref_slice %dma_start3A_118[%mul3A_114, %dma_start3A_119] : memref<10240x128xf32, #tpu.memory_space<hbm>> -> memref<640x128xf32, #tpu.memory_space<hbm>>
      %dma_start3A_121 = arith.constant 0 : i32
      %dma_start3A_122 = tpu.memref_slice %arg6[%mul3A_114, %dma_start3A_121] : memref<10240x128xf32, #tpu.memory_space<vmem_shared>> -> memref<640x128xf32, #tpu.memory_space<vmem_shared>>
      tpu.enqueue_dma source(%dma_start3A_122 : memref<640x128xf32, #tpu.memory_space<vmem_shared>>) target(%dma_start3A_120 : memref<640x128xf32, #tpu.memory_space<hbm>>) target_semaphore(%run_scoped3A : memref<!tpu.dma_semaphore, #tpu.memory_space<semaphore_mem>>)
      %dma_wait3A_123 = arith.constant 0 : i32
      %dma_wait3A_124 = arith.constant 0 : i32
      %dma_wait3A_125 = tpu.memref_slice %arg5[%arg0, %dma_wait3A_123, %dma_wait3A_124] : memref<2x10240x128xf32, #tpu.memory_space<hbm>> -> memref<1x10240x128xf32, #tpu.memory_space<hbm>>
      %dma_wait3A_126 = tpu.memref_squeeze %dma_wait3A_125 : memref<1x10240x128xf32, #tpu.memory_space<hbm>> -> memref<10240x128xf32, #tpu.memory_space<hbm>>
      %dma_wait3A_127 = arith.constant 0 : i32
      %dma_wait3A_128 = tpu.memref_slice %dma_wait3A_126[%mul3A_114, %dma_wait3A_127] : memref<10240x128xf32, #tpu.memory_space<hbm>> -> memref<640x128xf32, #tpu.memory_space<hbm>>
      %dma_wait3A_129 = arith.constant 0 : i32
      %dma_wait3A_130 = tpu.memref_slice %arg6[%mul3A_114, %dma_wait3A_129] : memref<10240x128xf32, #tpu.memory_space<vmem_shared>> -> memref<640x128xf32, #tpu.memory_space<vmem_shared>>
      tpu.wait_dma2 semaphore(%run_scoped3A : memref<!tpu.dma_semaphore, #tpu.memory_space<semaphore_mem>>) src(%dma_wait3A_130 : memref<640x128xf32, #tpu.memory_space<vmem_shared>>) dst(%dma_wait3A_128 : memref<640x128xf32, #tpu.memory_space<hbm>>)
      tpu.yield
    }) : () -> ()
    return
  }
}

#map = affine_map<(d0, d1) -> (0, 0, 0)>
#map1 = affine_map<(d0, d1) -> (0, 0)>
module attributes {stable_mosaic.version = 14 : i64} {
  func.func @_edge_pass_body(%arg0: i32, %arg1: i32, %arg2: memref<3x10000x128xf32, #tpu.memory_space<hbm>>, %arg3: memref<5376x128xi32, #tpu.memory_space<hbm>>, %arg4: memref<5376x128xi32, #tpu.memory_space<hbm>>, %arg5: memref<2x10240x128xf32, #tpu.memory_space<hbm>>, %arg6: memref<10240x128xf32, #tpu.memory_space<vmem_shared>>, %arg7: memref<56x128xi32, #tpu.memory_space<vmem>>, %arg8: memref<56x128xi32, #tpu.memory_space<vmem>>, %arg9: memref<128x128xf32, #tpu.memory_space<vmem>>, %arg10: memref<128x128xf32, #tpu.memory_space<vmem>>, %arg11: memref<!tpu.dma_semaphore, #tpu.memory_space<semaphore_mem>>, %arg12: memref<!tpu.dma_semaphore, #tpu.memory_space<semaphore_mem>>) attributes {dimension_semantics = [#tpu.dimension_semantics<core_parallel>, #tpu.dimension_semantics<subcore_parallel>], iteration_bounds = array<i64: 2, 16>, scalar_prefetch = 0 : i64, scratch_operands = 7 : i64, tpu.core_type = #tpu.core_type<sc_vector_subcore>, window_params = [{transform_indices = #map}, {transform_indices = #map1}, {transform_indices = #map1}, {transform_indices = #map}]} {
    %mul3A = arith.constant 16 : i32
    %mul3A_0 = arith.muli %arg0, %mul3A : i32
    %add3A = arith.addi %mul3A_0, %arg1 : i32
    %scan3A = arith.constant 0 : i32
    %scan3A_1 = arith.constant 128 : i32
    %scan3A_2 = arith.addi %scan3A, %scan3A_1 : i32
    %scan3A_3 = arith.constant 1 : i32
    scf.for %scan3A_115 = %scan3A to %scan3A_2 step %scan3A_3  : i32 {
      %mul3A_116 = arith.constant 1 : i32
      %mul3A_117 = arith.muli %scan3A_115, %mul3A_116 : i32
      %add3A_118 = arith.constant 0 : i32
      %add3A_119 = arith.addi %add3A_118, %mul3A_117 : i32
      %scan3A_120 = arith.constant 0 : i32
      %scan3A_121 = arith.constant 8 : i32
      %scan3A_122 = arith.addi %scan3A_120, %scan3A_121 : i32
      %scan3A_123 = arith.constant 1 : i32
      scf.for %scan3A_125 = %scan3A_120 to %scan3A_122 step %scan3A_123  : i32 {
        %mul3A_126 = arith.constant 16 : i32
        %mul3A_127 = arith.muli %scan3A_125, %mul3A_126 : i32
        %add3A_128 = arith.constant 0 : i32
        %add3A_129 = arith.addi %add3A_128, %mul3A_127 : i32
        %broadcast_in_dim3A = arith.constant 0.000000e+00 : f32
        %broadcast_in_dim3A_130 = vector.broadcast %broadcast_in_dim3A : f32 to vector<16xf32>
        %swap3A = arith.index_cast %add3A_119 : i32 to index
        %swap3A_131 = arith.index_cast %add3A_129 : i32 to index
        %swap3A_132 = tpu.vector_load %arg9[%swap3A, %swap3A_131] {strides = array<i32>} : memref<128x128xf32, #tpu.memory_space<vmem>>, vector<1x16xf32>,
        %swap3A_133 = vector.shape_cast %swap3A_132 : vector<1x16xf32> to vector<16xf32>
        %swap3A_134 = vector.shape_cast %broadcast_in_dim3A_130 : vector<16xf32> to vector<1x16xf32>
        tpu.vector_store %arg9[%swap3A, %swap3A_131], %swap3A_134 {strides = array<i32>} : memref<128x128xf32, #tpu.memory_space<vmem>>, vector<1x16xf32>,
      }
      %scan3A_124 = arith.constant 8 : i32
    }
    %scan3A_4 = arith.constant 128 : i32
    %mul3A_5 = arith.constant 640 : i32
    %mul3A_6 = arith.muli %arg1, %mul3A_5 : i32
    %scan3A_7 = arith.constant 0 : i32
    %scan3A_8 = arith.constant 10 : i32
    %scan3A_9 = arith.addi %scan3A_7, %scan3A_8 : i32
    %scan3A_10 = arith.constant 1 : i32
    scf.for %scan3A_115 = %scan3A_7 to %scan3A_9 step %scan3A_10  : i32 {
      %mul3A_116 = arith.constant 1 : i32
      %mul3A_117 = arith.muli %scan3A_115, %mul3A_116 : i32
      %add3A_118 = arith.constant 0 : i32
      %add3A_119 = arith.addi %add3A_118, %mul3A_117 : i32
      %mul3A_120 = arith.constant 64 : i32
      %mul3A_121 = arith.muli %add3A_119, %mul3A_120 : i32
      %add3A_122 = arith.addi %mul3A_6, %mul3A_121 : i32
      "tpu.region"() ({
        %run_scoped3A = tpu.sem_alloc : memref<!tpu.dma_semaphore, #tpu.memory_space<semaphore_mem>>
        %dma_start3A_123 = arith.constant 0 : i32
        %dma_start3A_124 = arith.constant 0 : i32
        %dma_start3A_125 = tpu.memref_slice %arg9[%dma_start3A_123, %dma_start3A_124] : memref<128x128xf32, #tpu.memory_space<vmem>> -> memref<64x128xf32, #tpu.memory_space<vmem>>
        %dma_start3A_126 = arith.constant 0 : i32
        %dma_start3A_127 = tpu.memref_slice %arg6[%add3A_122, %dma_start3A_126] : memref<10240x128xf32, #tpu.memory_space<vmem_shared>> -> memref<64x128xf32, #tpu.memory_space<vmem_shared>>
        %dma_start3A_128 = arith.constant 0 : i32
        %dma_start3A_129 = tpu.memref_slice %arg6[%add3A_122, %dma_start3A_128] : memref<10240x128xf32, #tpu.memory_space<vmem_shared>> -> memref<64x128xf32, #tpu.memory_space<vmem_shared>>
        %dma_start3A_130 = arith.constant 0 : i32
        %dma_start3A_131 = arith.constant 0 : i32
        %dma_start3A_132 = tpu.memref_slice %arg9[%dma_start3A_130, %dma_start3A_131] : memref<128x128xf32, #tpu.memory_space<vmem>> -> memref<64x128xf32, #tpu.memory_space<vmem>>
        tpu.enqueue_dma source(%dma_start3A_132 : memref<64x128xf32, #tpu.memory_space<vmem>>) target(%dma_start3A_129 : memref<64x128xf32, #tpu.memory_space<vmem_shared>>) target_semaphore(%run_scoped3A : memref<!tpu.dma_semaphore, #tpu.memory_space<semaphore_mem>>)
        %dma_wait3A_133 = arith.constant 0 : i32
        %dma_wait3A_134 = arith.constant 0 : i32
        %dma_wait3A_135 = tpu.memref_slice %arg9[%dma_wait3A_133, %dma_wait3A_134] : memref<128x128xf32, #tpu.memory_space<vmem>> -> memref<64x128xf32, #tpu.memory_space<vmem>>
        %dma_wait3A_136 = arith.constant 0 : i32
        %dma_wait3A_137 = tpu.memref_slice %arg6[%add3A_122, %dma_wait3A_136] : memref<10240x128xf32, #tpu.memory_space<vmem_shared>> -> memref<64x128xf32, #tpu.memory_space<vmem_shared>>
        %dma_wait3A_138 = arith.constant 0 : i32
        %dma_wait3A_139 = tpu.memref_slice %arg6[%add3A_122, %dma_wait3A_138] : memref<10240x128xf32, #tpu.memory_space<vmem_shared>> -> memref<64x128xf32, #tpu.memory_space<vmem_shared>>
        %dma_wait3A_140 = arith.constant 0 : i32
        %dma_wait3A_141 = arith.constant 0 : i32
        %dma_wait3A_142 = tpu.memref_slice %arg9[%dma_wait3A_140, %dma_wait3A_141] : memref<128x128xf32, #tpu.memory_space<vmem>> -> memref<64x128xf32, #tpu.memory_space<vmem>>
        tpu.wait_dma2 semaphore(%run_scoped3A : memref<!tpu.dma_semaphore, #tpu.memory_space<semaphore_mem>>) src(%dma_wait3A_142 : memref<64x128xf32, #tpu.memory_space<vmem>>) dst(%dma_wait3A_139 : memref<64x128xf32, #tpu.memory_space<vmem_shared>>)
        tpu.yield
      }) : () -> ()
    }
    %scan3A_11 = arith.constant 10 : i32
    %barrier3A = arith.constant 0 : index
    tpu.barrier barrier_id(%barrier3A)
    %add3A_12 = arith.constant 0 : i32
    %add3A_13 = arith.addi %add3A_12, %add3A : i32
    %mul3A_14 = arith.constant 56 : i32
    %mul3A_15 = arith.muli %add3A_13, %mul3A_14 : i32
    "tpu.region"() ({
      %run_scoped3A = tpu.sem_alloc : memref<!tpu.dma_semaphore, #tpu.memory_space<semaphore_mem>>
      %dma_start3A_115 = arith.constant 0 : i32
      %dma_start3A_116 = tpu.memref_slice %arg3[%mul3A_15, %dma_start3A_115] : memref<5376x128xi32, #tpu.memory_space<hbm>> -> memref<56x128xi32, #tpu.memory_space<hbm>>
      %dma_start3A_117 = arith.constant 0 : i32
      %dma_start3A_118 = tpu.memref_slice %arg3[%mul3A_15, %dma_start3A_117] : memref<5376x128xi32, #tpu.memory_space<hbm>> -> memref<56x128xi32, #tpu.memory_space<hbm>>
      tpu.enqueue_dma source(%dma_start3A_118 : memref<56x128xi32, #tpu.memory_space<hbm>>) target(%arg7 : memref<56x128xi32, #tpu.memory_space<vmem>>) target_semaphore(%run_scoped3A : memref<!tpu.dma_semaphore, #tpu.memory_space<semaphore_mem>>)
      %dma_wait3A_119 = arith.constant 0 : i32
      %dma_wait3A_120 = tpu.memref_slice %arg3[%mul3A_15, %dma_wait3A_119] : memref<5376x128xi32, #tpu.memory_space<hbm>> -> memref<56x128xi32, #tpu.memory_space<hbm>>
      %dma_wait3A_121 = arith.constant 0 : i32
      %dma_wait3A_122 = tpu.memref_slice %arg3[%mul3A_15, %dma_wait3A_121] : memref<5376x128xi32, #tpu.memory_space<hbm>> -> memref<56x128xi32, #tpu.memory_space<hbm>>
      tpu.wait_dma2 semaphore(%run_scoped3A : memref<!tpu.dma_semaphore, #tpu.memory_space<semaphore_mem>>) src(%dma_wait3A_122 : memref<56x128xi32, #tpu.memory_space<hbm>>) dst(%arg7 : memref<56x128xi32, #tpu.memory_space<vmem>>)
      tpu.yield
    }) : () -> ()
    "tpu.region"() ({
      %run_scoped3A = tpu.sem_alloc : memref<!tpu.dma_semaphore, #tpu.memory_space<semaphore_mem>>
      %dma_start3A_115 = arith.constant 0 : i32
      %dma_start3A_116 = tpu.memref_slice %arg4[%mul3A_15, %dma_start3A_115] : memref<5376x128xi32, #tpu.memory_space<hbm>> -> memref<56x128xi32, #tpu.memory_space<hbm>>
      %dma_start3A_117 = arith.constant 0 : i32
      %dma_start3A_118 = tpu.memref_slice %arg4[%mul3A_15, %dma_start3A_117] : memref<5376x128xi32, #tpu.memory_space<hbm>> -> memref<56x128xi32, #tpu.memory_space<hbm>>
      tpu.enqueue_dma source(%dma_start3A_118 : memref<56x128xi32, #tpu.memory_space<hbm>>) target(%arg8 : memref<56x128xi32, #tpu.memory_space<vmem>>) target_semaphore(%run_scoped3A : memref<!tpu.dma_semaphore, #tpu.memory_space<semaphore_mem>>)
      %dma_wait3A_119 = arith.constant 0 : i32
      %dma_wait3A_120 = tpu.memref_slice %arg4[%mul3A_15, %dma_wait3A_119] : memref<5376x128xi32, #tpu.memory_space<hbm>> -> memref<56x128xi32, #tpu.memory_space<hbm>>
      %dma_wait3A_121 = arith.constant 0 : i32
      %dma_wait3A_122 = tpu.memref_slice %arg4[%mul3A_15, %dma_wait3A_121] : memref<5376x128xi32, #tpu.memory_space<hbm>> -> memref<56x128xi32, #tpu.memory_space<hbm>>
      tpu.wait_dma2 semaphore(%run_scoped3A : memref<!tpu.dma_semaphore, #tpu.memory_space<semaphore_mem>>) src(%dma_wait3A_122 : memref<56x128xi32, #tpu.memory_space<hbm>>) dst(%arg8 : memref<56x128xi32, #tpu.memory_space<vmem>>)
      tpu.yield
    }) : () -> ()
    %dma_start3A = arith.constant 0 : i32
    %dma_start3A_16 = arith.constant 0 : i32
    %dma_start3A_17 = arith.constant 0 : i32
    %dma_start3A_18 = tpu.memref_slice %arg7[%dma_start3A_16, %dma_start3A_17] : memref<56x128xi32, #tpu.memory_space<vmem>> -> memref<1x128xi32, #tpu.memory_space<vmem>>
    %dma_start3A_19 = tpu.memref_squeeze %dma_start3A_18 : memref<1x128xi32, #tpu.memory_space<vmem>> -> memref<128xi32, #tpu.memory_space<vmem>>
    %dma_start3A_20 = arith.constant 0 : i32
    %dma_start3A_21 = arith.constant 0 : i32
    %dma_start3A_22 = tpu.memref_slice %arg2[%dma_start3A, %dma_start3A_20, %dma_start3A_21] : memref<3x10000x128xf32, #tpu.memory_space<hbm>> -> memref<1x10000x128xf32, #tpu.memory_space<hbm>>
    %dma_start3A_23 = tpu.memref_squeeze %dma_start3A_22 : memref<1x10000x128xf32, #tpu.memory_space<hbm>> -> memref<10000x128xf32, #tpu.memory_space<hbm>>
    %dma_start3A_24 = arith.constant 0 : i32
    %dma_start3A_25 = arith.constant 0 : i32
    %dma_start3A_26 = tpu.memref_slice %dma_start3A_23[%dma_start3A_24, %dma_start3A_25] : memref<10000x128xf32, #tpu.memory_space<hbm>> -> memref<10000x128xf32, #tpu.memory_space<hbm>>
    tpu.enqueue_indirect_dma source(%dma_start3A_26 : memref<10000x128xf32, #tpu.memory_space<hbm>>) target(%arg9 : memref<128x128xf32, #tpu.memory_space<vmem>>) offsets(%dma_start3A_19 : memref<128xi32, #tpu.memory_space<vmem>>) semaphore(%arg11 : memref<!tpu.dma_semaphore, #tpu.memory_space<semaphore_mem>>)
    %scan3A_27 = arith.constant 0 : i32
    %scan3A_28 = arith.constant 0 : i32
    %scan3A_29 = arith.constant 27 : i32
    %scan3A_30 = arith.addi %scan3A_28, %scan3A_29 : i32
    %scan3A_31 = arith.constant 1 : i32
    scf.for %scan3A_115 = %scan3A_28 to %scan3A_30 step %scan3A_31  : i32 {
      %mul3A_116 = arith.constant 2 : i32
      %mul3A_117 = arith.muli %scan3A_115, %mul3A_116 : i32
      %add3A_118 = arith.constant 0 : i32
      %add3A_119 = arith.addi %add3A_118, %mul3A_117 : i32
      %add3A_120 = arith.constant 0 : i32
      %add3A_121 = arith.addi %add3A_119, %add3A_120 : i32
      %add3A_122 = arith.constant 2 : i32
      %add3A_123 = arith.addi %add3A_121, %add3A_122 : i32
      %sub3A = arith.constant 1 : i32
      %sub3A_124 = arith.subi %add3A_123, %sub3A : i32
      %rem3A = arith.constant 54 : i32
      %rem3A_125 = arith.remsi %sub3A_124, %rem3A : i32
      %dma_start3A_126 = arith.constant 0 : i32
      %dma_start3A_127 = tpu.memref_slice %arg7[%rem3A_125, %dma_start3A_126] : memref<56x128xi32, #tpu.memory_space<vmem>> -> memref<1x128xi32, #tpu.memory_space<vmem>>
      %dma_start3A_128 = tpu.memref_squeeze %dma_start3A_127 : memref<1x128xi32, #tpu.memory_space<vmem>> -> memref<128xi32, #tpu.memory_space<vmem>>
      %dma_start3A_129 = arith.constant 0 : i32
      %dma_start3A_130 = arith.constant 0 : i32
      %dma_start3A_131 = tpu.memref_slice %arg2[%scan3A_27, %dma_start3A_129, %dma_start3A_130] : memref<3x10000x128xf32, #tpu.memory_space<hbm>> -> memref<1x10000x128xf32, #tpu.memory_space<hbm>>
      %dma_start3A_132 = tpu.memref_squeeze %dma_start3A_131 : memref<1x10000x128xf32, #tpu.memory_space<hbm>> -> memref<10000x128xf32, #tpu.memory_space<hbm>>
      %dma_start3A_133 = arith.constant 0 : i32
      %dma_start3A_134 = arith.constant 0 : i32
      %dma_start3A_135 = tpu.memref_slice %dma_start3A_132[%dma_start3A_133, %dma_start3A_134] : memref<10000x128xf32, #tpu.memory_space<hbm>> -> memref<10000x128xf32, #tpu.memory_space<hbm>>
      tpu.enqueue_indirect_dma source(%dma_start3A_135 : memref<10000x128xf32, #tpu.memory_space<hbm>>) target(%arg10 : memref<128x128xf32, #tpu.memory_space<vmem>>) offsets(%dma_start3A_128 : memref<128xi32, #tpu.memory_space<vmem>>) semaphore(%arg12 : memref<!tpu.dma_semaphore, #tpu.memory_space<semaphore_mem>>)
      %add3A_136 = arith.constant 0 : i32
      %add3A_137 = arith.addi %add3A_119, %add3A_136 : i32
      %dma_wait3A_138 = arith.constant 0 : i32
      %dma_wait3A_139 = tpu.memref_slice %arg7[%add3A_137, %dma_wait3A_138] : memref<56x128xi32, #tpu.memory_space<vmem>> -> memref<1x128xi32, #tpu.memory_space<vmem>>
      %dma_wait3A_140 = tpu.memref_squeeze %dma_wait3A_139 : memref<1x128xi32, #tpu.memory_space<vmem>> -> memref<128xi32, #tpu.memory_space<vmem>>
      %dma_wait3A_141 = arith.constant 0 : i32
      %dma_wait3A_142 = arith.constant 0 : i32
      %dma_wait3A_143 = tpu.memref_slice %arg2[%scan3A_27, %dma_wait3A_141, %dma_wait3A_142] : memref<3x10000x128xf32, #tpu.memory_space<hbm>> -> memref<1x10000x128xf32, #tpu.memory_space<hbm>>
      %dma_wait3A_144 = tpu.memref_squeeze %dma_wait3A_143 : memref<1x10000x128xf32, #tpu.memory_space<hbm>> -> memref<10000x128xf32, #tpu.memory_space<hbm>>
      %dma_wait3A_145 = arith.constant 0 : i32
      %dma_wait3A_146 = arith.constant 0 : i32
      %dma_wait3A_147 = tpu.memref_slice %dma_wait3A_144[%dma_wait3A_145, %dma_wait3A_146] : memref<10000x128xf32, #tpu.memory_space<hbm>> -> memref<10000x128xf32, #tpu.memory_space<hbm>>
      tpu.wait_indirect_dma semaphore(%arg11 : memref<!tpu.dma_semaphore, #tpu.memory_space<semaphore_mem>>) src(%dma_wait3A_147 : memref<10000x128xf32, #tpu.memory_space<hbm>>) dst(%arg9 : memref<128x128xf32, #tpu.memory_space<vmem>>)
      %add3A_148 = arith.constant 0 : i32
      %add3A_149 = arith.addi %add3A_119, %add3A_148 : i32
      "tpu.region"() ({
        %run_scoped3A = tpu.sem_alloc : memref<!tpu.dma_semaphore, #tpu.memory_space<semaphore_mem>>
        %dma_start3A_182 = arith.constant 0 : i32
        %dma_start3A_183 = tpu.memref_slice %arg8[%add3A_149, %dma_start3A_182] : memref<56x128xi32, #tpu.memory_space<vmem>> -> memref<1x128xi32, #tpu.memory_space<vmem>>
        %dma_start3A_184 = tpu.memref_squeeze %dma_start3A_183 : memref<1x128xi32, #tpu.memory_space<vmem>> -> memref<128xi32, #tpu.memory_space<vmem>>
        %dma_start3A_185 = arith.constant 0 : i32
        %dma_start3A_186 = arith.constant 0 : i32
        %dma_start3A_187 = tpu.memref_slice %arg6[%dma_start3A_185, %dma_start3A_186] : memref<10240x128xf32, #tpu.memory_space<vmem_shared>> -> memref<10240x128xf32, #tpu.memory_space<vmem_shared>>
        tpu.enqueue_indirect_dma source(%arg9 : memref<128x128xf32, #tpu.memory_space<vmem>>) target(%dma_start3A_187 : memref<10240x128xf32, #tpu.memory_space<vmem_shared>>) offsets(%dma_start3A_184 : memref<128xi32, #tpu.memory_space<vmem>>) semaphore(%run_scoped3A : memref<!tpu.dma_semaphore, #tpu.memory_space<semaphore_mem>>) {add = true}
        %dma_wait3A_188 = arith.constant 0 : i32
        %dma_wait3A_189 = tpu.memref_slice %arg8[%add3A_149, %dma_wait3A_188] : memref<56x128xi32, #tpu.memory_space<vmem>> -> memref<1x128xi32, #tpu.memory_space<vmem>>
        %dma_wait3A_190 = tpu.memref_squeeze %dma_wait3A_189 : memref<1x128xi32, #tpu.memory_space<vmem>> -> memref<128xi32, #tpu.memory_space<vmem>>
        %dma_wait3A_191 = arith.constant 0 : i32
        %dma_wait3A_192 = arith.constant 0 : i32
        %dma_wait3A_193 = tpu.memref_slice %arg6[%dma_wait3A_191, %dma_wait3A_192] : memref<10240x128xf32, #tpu.memory_space<vmem_shared>> -> memref<10240x128xf32, #tpu.memory_space<vmem_shared>>
        tpu.wait_indirect_dma semaphore(%run_scoped3A : memref<!tpu.dma_semaphore, #tpu.memory_space<semaphore_mem>>) src(%arg9 : memref<128x128xf32, #tpu.memory_space<vmem>>) dst(%dma_wait3A_193 : memref<10240x128xf32, #tpu.memory_space<vmem_shared>>)
        tpu.yield
      }) : () -> ()
      %add3A_150 = arith.constant 1 : i32
      %add3A_151 = arith.addi %add3A_119, %add3A_150 : i32
      %add3A_152 = arith.constant 2 : i32
      %add3A_153 = arith.addi %add3A_151, %add3A_152 : i32
      %sub3A_154 = arith.constant 1 : i32
      %sub3A_155 = arith.subi %add3A_153, %sub3A_154 : i32
      %rem3A_156 = arith.constant 54 : i32
      %rem3A_157 = arith.remsi %sub3A_155, %rem3A_156 : i32
      %dma_start3A_158 = arith.constant 0 : i32
      %dma_start3A_159 = tpu.memref_slice %arg7[%rem3A_157, %dma_start3A_158] : memref<56x128xi32, #tpu.memory_space<vmem>> -> memref<1x128xi32, #tpu.memory_space<vmem>>
      %dma_start3A_160 = tpu.memref_squeeze %dma_start3A_159 : memref<1x128xi32, #tpu.memory_space<vmem>> -> memref<128xi32, #tpu.memory_space<vmem>>
      %dma_start3A_161 = arith.constant 0 : i32
      %dma_start3A_162 = arith.constant 0 : i32
      %dma_start3A_163 = tpu.memref_slice %arg2[%scan3A_27, %dma_start3A_161, %dma_start3A_162] : memref<3x10000x128xf32, #tpu.memory_space<hbm>> -> memref<1x10000x128xf32, #tpu.memory_space<hbm>>
      %dma_start3A_164 = tpu.memref_squeeze %dma_start3A_163 : memref<1x10000x128xf32, #tpu.memory_space<hbm>> -> memref<10000x128xf32, #tpu.memory_space<hbm>>
      %dma_start3A_165 = arith.constant 0 : i32
      %dma_start3A_166 = arith.constant 0 : i32
      %dma_start3A_167 = tpu.memref_slice %dma_start3A_164[%dma_start3A_165, %dma_start3A_166] : memref<10000x128xf32, #tpu.memory_space<hbm>> -> memref<10000x128xf32, #tpu.memory_space<hbm>>
      tpu.enqueue_indirect_dma source(%dma_start3A_167 : memref<10000x128xf32, #tpu.memory_space<hbm>>) target(%arg9 : memref<128x128xf32, #tpu.memory_space<vmem>>) offsets(%dma_start3A_160 : memref<128xi32, #tpu.memory_space<vmem>>) semaphore(%arg11 : memref<!tpu.dma_semaphore, #tpu.memory_space<semaphore_mem>>)
      %add3A_168 = arith.constant 1 : i32
      %add3A_169 = arith.addi %add3A_119, %add3A_168 : i32
      %dma_wait3A_170 = arith.constant 0 : i32
      %dma_wait3A_171 = tpu.memref_slice %arg7[%add3A_169, %dma_wait3A_170] : memref<56x128xi32, #tpu.memory_space<vmem>> -> memref<1x128xi32, #tpu.memory_space<vmem>>
      %dma_wait3A_172 = tpu.memref_squeeze %dma_wait3A_171 : memref<1x128xi32, #tpu.memory_space<vmem>> -> memref<128xi32, #tpu.memory_space<vmem>>
      %dma_wait3A_173 = arith.constant 0 : i32
      %dma_wait3A_174 = arith.constant 0 : i32
      %dma_wait3A_175 = tpu.memref_slice %arg2[%scan3A_27, %dma_wait3A_173, %dma_wait3A_174] : memref<3x10000x128xf32, #tpu.memory_space<hbm>> -> memref<1x10000x128xf32, #tpu.memory_space<hbm>>
      %dma_wait3A_176 = tpu.memref_squeeze %dma_wait3A_175 : memref<1x10000x128xf32, #tpu.memory_space<hbm>> -> memref<10000x128xf32, #tpu.memory_space<hbm>>
      %dma_wait3A_177 = arith.constant 0 : i32
      %dma_wait3A_178 = arith.constant 0 : i32
      %dma_wait3A_179 = tpu.memref_slice %dma_wait3A_176[%dma_wait3A_177, %dma_wait3A_178] : memref<10000x128xf32, #tpu.memory_space<hbm>> -> memref<10000x128xf32, #tpu.memory_space<hbm>>
      tpu.wait_indirect_dma semaphore(%arg12 : memref<!tpu.dma_semaphore, #tpu.memory_space<semaphore_mem>>) src(%dma_wait3A_179 : memref<10000x128xf32, #tpu.memory_space<hbm>>) dst(%arg10 : memref<128x128xf32, #tpu.memory_space<vmem>>)
      %add3A_180 = arith.constant 1 : i32
      %add3A_181 = arith.addi %add3A_119, %add3A_180 : i32
      "tpu.region"() ({
        %run_scoped3A = tpu.sem_alloc : memref<!tpu.dma_semaphore, #tpu.memory_space<semaphore_mem>>
        %dma_start3A_182 = arith.constant 0 : i32
        %dma_start3A_183 = tpu.memref_slice %arg8[%add3A_181, %dma_start3A_182] : memref<56x128xi32, #tpu.memory_space<vmem>> -> memref<1x128xi32, #tpu.memory_space<vmem>>
        %dma_start3A_184 = tpu.memref_squeeze %dma_start3A_183 : memref<1x128xi32, #tpu.memory_space<vmem>> -> memref<128xi32, #tpu.memory_space<vmem>>
        %dma_start3A_185 = arith.constant 0 : i32
        %dma_start3A_186 = arith.constant 0 : i32
        %dma_start3A_187 = tpu.memref_slice %arg6[%dma_start3A_185, %dma_start3A_186] : memref<10240x128xf32, #tpu.memory_space<vmem_shared>> -> memref<10240x128xf32, #tpu.memory_space<vmem_shared>>
        tpu.enqueue_indirect_dma source(%arg10 : memref<128x128xf32, #tpu.memory_space<vmem>>) target(%dma_start3A_187 : memref<10240x128xf32, #tpu.memory_space<vmem_shared>>) offsets(%dma_start3A_184 : memref<128xi32, #tpu.memory_space<vmem>>) semaphore(%run_scoped3A : memref<!tpu.dma_semaphore, #tpu.memory_space<semaphore_mem>>) {add = true}
        %dma_wait3A_188 = arith.constant 0 : i32
        %dma_wait3A_189 = tpu.memref_slice %arg8[%add3A_181, %dma_wait3A_188] : memref<56x128xi32, #tpu.memory_space<vmem>> -> memref<1x128xi32, #tpu.memory_space<vmem>>
        %dma_wait3A_190 = tpu.memref_squeeze %dma_wait3A_189 : memref<1x128xi32, #tpu.memory_space<vmem>> -> memref<128xi32, #tpu.memory_space<vmem>>
        %dma_wait3A_191 = arith.constant 0 : i32
        %dma_wait3A_192 = arith.constant 0 : i32
        %dma_wait3A_193 = tpu.memref_slice %arg6[%dma_wait3A_191, %dma_wait3A_192] : memref<10240x128xf32, #tpu.memory_space<vmem_shared>> -> memref<10240x128xf32, #tpu.memory_space<vmem_shared>>
        tpu.wait_indirect_dma semaphore(%run_scoped3A : memref<!tpu.dma_semaphore, #tpu.memory_space<semaphore_mem>>) src(%arg10 : memref<128x128xf32, #tpu.memory_space<vmem>>) dst(%dma_wait3A_193 : memref<10240x128xf32, #tpu.memory_space<vmem_shared>>)
        tpu.yield
      }) : () -> ()
    }
    %scan3A_32 = arith.constant 27 : i32
    %dma_wait3A = arith.constant 0 : i32
    %dma_wait3A_33 = arith.constant 0 : i32
    %dma_wait3A_34 = arith.constant 0 : i32
    %dma_wait3A_35 = tpu.memref_slice %arg7[%dma_wait3A_33, %dma_wait3A_34] : memref<56x128xi32, #tpu.memory_space<vmem>> -> memref<1x128xi32, #tpu.memory_space<vmem>>
    %dma_wait3A_36 = tpu.memref_squeeze %dma_wait3A_35 : memref<1x128xi32, #tpu.memory_space<vmem>> -> memref<128xi32, #tpu.memory_space<vmem>>
    %dma_wait3A_37 = arith.constant 0 : i32
    %dma_wait3A_38 = arith.constant 0 : i32
    %dma_wait3A_39 = tpu.memref_slice %arg2[%dma_wait3A, %dma_wait3A_37, %dma_wait3A_38] : memref<3x10000x128xf32, #tpu.memory_space<hbm>> -> memref<1x10000x128xf32, #tpu.memory_space<hbm>>
    %dma_wait3A_40 = tpu.memref_squeeze %dma_wait3A_39 : memref<1x10000x128xf32, #tpu.memory_space<hbm>> -> memref<10000x128xf32, #tpu.memory_space<hbm>>
    %dma_wait3A_41 = arith.constant 0 : i32
    %dma_wait3A_42 = arith.constant 0 : i32
    %dma_wait3A_43 = tpu.memref_slice %dma_wait3A_40[%dma_wait3A_41, %dma_wait3A_42] : memref<10000x128xf32, #tpu.memory_space<hbm>> -> memref<10000x128xf32, #tpu.memory_space<hbm>>
    tpu.wait_indirect_dma semaphore(%arg11 : memref<!tpu.dma_semaphore, #tpu.memory_space<semaphore_mem>>) src(%dma_wait3A_43 : memref<10000x128xf32, #tpu.memory_space<hbm>>) dst(%arg9 : memref<128x128xf32, #tpu.memory_space<vmem>>)
    %add3A_44 = arith.constant 32 : i32
    %add3A_45 = arith.addi %add3A_44, %add3A : i32
    %mul3A_46 = arith.constant 56 : i32
    %mul3A_47 = arith.muli %add3A_45, %mul3A_46 : i32
    "tpu.region"() ({
      %run_scoped3A = tpu.sem_alloc : memref<!tpu.dma_semaphore, #tpu.memory_space<semaphore_mem>>
      %dma_start3A_115 = arith.constant 0 : i32
      %dma_start3A_116 = tpu.memref_slice %arg3[%mul3A_47, %dma_start3A_115] : memref<5376x128xi32, #tpu.memory_space<hbm>> -> memref<56x128xi32, #tpu.memory_space<hbm>>
      %dma_start3A_117 = arith.constant 0 : i32
      %dma_start3A_118 = tpu.memref_slice %arg3[%mul3A_47, %dma_start3A_117] : memref<5376x128xi32, #tpu.memory_space<hbm>> -> memref<56x128xi32, #tpu.memory_space<hbm>>
      tpu.enqueue_dma source(%dma_start3A_118 : memref<56x128xi32, #tpu.memory_space<hbm>>) target(%arg7 : memref<56x128xi32, #tpu.memory_space<vmem>>) target_semaphore(%run_scoped3A : memref<!tpu.dma_semaphore, #tpu.memory_space<semaphore_mem>>)
      %dma_wait3A_119 = arith.constant 0 : i32
      %dma_wait3A_120 = tpu.memref_slice %arg3[%mul3A_47, %dma_wait3A_119] : memref<5376x128xi32, #tpu.memory_space<hbm>> -> memref<56x128xi32, #tpu.memory_space<hbm>>
      %dma_wait3A_121 = arith.constant 0 : i32
      %dma_wait3A_122 = tpu.memref_slice %arg3[%mul3A_47, %dma_wait3A_121] : memref<5376x128xi32, #tpu.memory_space<hbm>> -> memref<56x128xi32, #tpu.memory_space<hbm>>
      tpu.wait_dma2 semaphore(%run_scoped3A : memref<!tpu.dma_semaphore, #tpu.memory_space<semaphore_mem>>) src(%dma_wait3A_122 : memref<56x128xi32, #tpu.memory_space<hbm>>) dst(%arg7 : memref<56x128xi32, #tpu.memory_space<vmem>>)
      tpu.yield
    }) : () -> ()
    "tpu.region"() ({
      %run_scoped3A = tpu.sem_alloc : memref<!tpu.dma_semaphore, #tpu.memory_space<semaphore_mem>>
      %dma_start3A_115 = arith.constant 0 : i32
      %dma_start3A_116 = tpu.memref_slice %arg4[%mul3A_47, %dma_start3A_115] : memref<5376x128xi32, #tpu.memory_space<hbm>> -> memref<56x128xi32, #tpu.memory_space<hbm>>
      %dma_start3A_117 = arith.constant 0 : i32
      %dma_start3A_118 = tpu.memref_slice %arg4[%mul3A_47, %dma_start3A_117] : memref<5376x128xi32, #tpu.memory_space<hbm>> -> memref<56x128xi32, #tpu.memory_space<hbm>>
      tpu.enqueue_dma source(%dma_start3A_118 : memref<56x128xi32, #tpu.memory_space<hbm>>) target(%arg8 : memref<56x128xi32, #tpu.memory_space<vmem>>) target_semaphore(%run_scoped3A : memref<!tpu.dma_semaphore, #tpu.memory_space<semaphore_mem>>)
      %dma_wait3A_119 = arith.constant 0 : i32
      %dma_wait3A_120 = tpu.memref_slice %arg4[%mul3A_47, %dma_wait3A_119] : memref<5376x128xi32, #tpu.memory_space<hbm>> -> memref<56x128xi32, #tpu.memory_space<hbm>>
      %dma_wait3A_121 = arith.constant 0 : i32
      %dma_wait3A_122 = tpu.memref_slice %arg4[%mul3A_47, %dma_wait3A_121] : memref<5376x128xi32, #tpu.memory_space<hbm>> -> memref<56x128xi32, #tpu.memory_space<hbm>>
      tpu.wait_dma2 semaphore(%run_scoped3A : memref<!tpu.dma_semaphore, #tpu.memory_space<semaphore_mem>>) src(%dma_wait3A_122 : memref<56x128xi32, #tpu.memory_space<hbm>>) dst(%arg8 : memref<56x128xi32, #tpu.memory_space<vmem>>)
      tpu.yield
    }) : () -> ()
    %dma_start3A_48 = arith.constant 1 : i32
    %dma_start3A_49 = arith.constant 0 : i32
    %dma_start3A_50 = arith.constant 0 : i32
    %dma_start3A_51 = tpu.memref_slice %arg7[%dma_start3A_49, %dma_start3A_50] : memref<56x128xi32, #tpu.memory_space<vmem>> -> memref<1x128xi32, #tpu.memory_space<vmem>>
    %dma_start3A_52 = tpu.memref_squeeze %dma_start3A_51 : memref<1x128xi32, #tpu.memory_space<vmem>> -> memref<128xi32, #tpu.memory_space<vmem>>
    %dma_start3A_53 = arith.constant 0 : i32
    %dma_start3A_54 = arith.constant 0 : i32
    %dma_start3A_55 = tpu.memref_slice %arg2[%dma_start3A_48, %dma_start3A_53, %dma_start3A_54] : memref<3x10000x128xf32, #tpu.memory_space<hbm>> -> memref<1x10000x128xf32, #tpu.memory_space<hbm>>
    %dma_start3A_56 = tpu.memref_squeeze %dma_start3A_55 : memref<1x10000x128xf32, #tpu.memory_space<hbm>> -> memref<10000x128xf32, #tpu.memory_space<hbm>>
    %dma_start3A_57 = arith.constant 0 : i32
    %dma_start3A_58 = arith.constant 0 : i32
    %dma_start3A_59 = tpu.memref_slice %dma_start3A_56[%dma_start3A_57, %dma_start3A_58] : memref<10000x128xf32, #tpu.memory_space<hbm>> -> memref<10000x128xf32, #tpu.memory_space<hbm>>
    tpu.enqueue_indirect_dma source(%dma_start3A_59 : memref<10000x128xf32, #tpu.memory_space<hbm>>) target(%arg9 : memref<128x128xf32, #tpu.memory_space<vmem>>) offsets(%dma_start3A_52 : memref<128xi32, #tpu.memory_space<vmem>>) semaphore(%arg11 : memref<!tpu.dma_semaphore, #tpu.memory_space<semaphore_mem>>)
    %scan3A_60 = arith.constant 1 : i32
    %scan3A_61 = arith.constant 0 : i32
    %scan3A_62 = arith.constant 27 : i32
    %scan3A_63 = arith.addi %scan3A_61, %scan3A_62 : i32
    %scan3A_64 = arith.constant 1 : i32
    scf.for %scan3A_115 = %scan3A_61 to %scan3A_63 step %scan3A_64  : i32 {
      %mul3A_116 = arith.constant 2 : i32
      %mul3A_117 = arith.muli %scan3A_115, %mul3A_116 : i32
      %add3A_118 = arith.constant 0 : i32
      %add3A_119 = arith.addi %add3A_118, %mul3A_117 : i32
      %add3A_120 = arith.constant 0 : i32
      %add3A_121 = arith.addi %add3A_119, %add3A_120 : i32
      %add3A_122 = arith.constant 2 : i32
      %add3A_123 = arith.addi %add3A_121, %add3A_122 : i32
      %sub3A = arith.constant 1 : i32
      %sub3A_124 = arith.subi %add3A_123, %sub3A : i32
      %rem3A = arith.constant 54 : i32
      %rem3A_125 = arith.remsi %sub3A_124, %rem3A : i32
      %dma_start3A_126 = arith.constant 0 : i32
      %dma_start3A_127 = tpu.memref_slice %arg7[%rem3A_125, %dma_start3A_126] : memref<56x128xi32, #tpu.memory_space<vmem>> -> memref<1x128xi32, #tpu.memory_space<vmem>>
      %dma_start3A_128 = tpu.memref_squeeze %dma_start3A_127 : memref<1x128xi32, #tpu.memory_space<vmem>> -> memref<128xi32, #tpu.memory_space<vmem>>
      %dma_start3A_129 = arith.constant 0 : i32
      %dma_start3A_130 = arith.constant 0 : i32
      %dma_start3A_131 = tpu.memref_slice %arg2[%scan3A_60, %dma_start3A_129, %dma_start3A_130] : memref<3x10000x128xf32, #tpu.memory_space<hbm>> -> memref<1x10000x128xf32, #tpu.memory_space<hbm>>
      %dma_start3A_132 = tpu.memref_squeeze %dma_start3A_131 : memref<1x10000x128xf32, #tpu.memory_space<hbm>> -> memref<10000x128xf32, #tpu.memory_space<hbm>>
      %dma_start3A_133 = arith.constant 0 : i32
      %dma_start3A_134 = arith.constant 0 : i32
      %dma_start3A_135 = tpu.memref_slice %dma_start3A_132[%dma_start3A_133, %dma_start3A_134] : memref<10000x128xf32, #tpu.memory_space<hbm>> -> memref<10000x128xf32, #tpu.memory_space<hbm>>
      tpu.enqueue_indirect_dma source(%dma_start3A_135 : memref<10000x128xf32, #tpu.memory_space<hbm>>) target(%arg10 : memref<128x128xf32, #tpu.memory_space<vmem>>) offsets(%dma_start3A_128 : memref<128xi32, #tpu.memory_space<vmem>>) semaphore(%arg12 : memref<!tpu.dma_semaphore, #tpu.memory_space<semaphore_mem>>)
      %add3A_136 = arith.constant 0 : i32
      %add3A_137 = arith.addi %add3A_119, %add3A_136 : i32
      %dma_wait3A_138 = arith.constant 0 : i32
      %dma_wait3A_139 = tpu.memref_slice %arg7[%add3A_137, %dma_wait3A_138] : memref<56x128xi32, #tpu.memory_space<vmem>> -> memref<1x128xi32, #tpu.memory_space<vmem>>
      %dma_wait3A_140 = tpu.memref_squeeze %dma_wait3A_139 : memref<1x128xi32, #tpu.memory_space<vmem>> -> memref<128xi32, #tpu.memory_space<vmem>>
      %dma_wait3A_141 = arith.constant 0 : i32
      %dma_wait3A_142 = arith.constant 0 : i32
      %dma_wait3A_143 = tpu.memref_slice %arg2[%scan3A_60, %dma_wait3A_141, %dma_wait3A_142] : memref<3x10000x128xf32, #tpu.memory_space<hbm>> -> memref<1x10000x128xf32, #tpu.memory_space<hbm>>
      %dma_wait3A_144 = tpu.memref_squeeze %dma_wait3A_143 : memref<1x10000x128xf32, #tpu.memory_space<hbm>> -> memref<10000x128xf32, #tpu.memory_space<hbm>>
      %dma_wait3A_145 = arith.constant 0 : i32
      %dma_wait3A_146 = arith.constant 0 : i32
      %dma_wait3A_147 = tpu.memref_slice %dma_wait3A_144[%dma_wait3A_145, %dma_wait3A_146] : memref<10000x128xf32, #tpu.memory_space<hbm>> -> memref<10000x128xf32, #tpu.memory_space<hbm>>
      tpu.wait_indirect_dma semaphore(%arg11 : memref<!tpu.dma_semaphore, #tpu.memory_space<semaphore_mem>>) src(%dma_wait3A_147 : memref<10000x128xf32, #tpu.memory_space<hbm>>) dst(%arg9 : memref<128x128xf32, #tpu.memory_space<vmem>>)
      %add3A_148 = arith.constant 0 : i32
      %add3A_149 = arith.addi %add3A_119, %add3A_148 : i32
      "tpu.region"() ({
        %run_scoped3A = tpu.sem_alloc : memref<!tpu.dma_semaphore, #tpu.memory_space<semaphore_mem>>
        %dma_start3A_182 = arith.constant 0 : i32
        %dma_start3A_183 = tpu.memref_slice %arg8[%add3A_149, %dma_start3A_182] : memref<56x128xi32, #tpu.memory_space<vmem>> -> memref<1x128xi32, #tpu.memory_space<vmem>>
        %dma_start3A_184 = tpu.memref_squeeze %dma_start3A_183 : memref<1x128xi32, #tpu.memory_space<vmem>> -> memref<128xi32, #tpu.memory_space<vmem>>
        %dma_start3A_185 = arith.constant 0 : i32
        %dma_start3A_186 = arith.constant 0 : i32
        %dma_start3A_187 = tpu.memref_slice %arg6[%dma_start3A_185, %dma_start3A_186] : memref<10240x128xf32, #tpu.memory_space<vmem_shared>> -> memref<10240x128xf32, #tpu.memory_space<vmem_shared>>
        tpu.enqueue_indirect_dma source(%arg9 : memref<128x128xf32, #tpu.memory_space<vmem>>) target(%dma_start3A_187 : memref<10240x128xf32, #tpu.memory_space<vmem_shared>>) offsets(%dma_start3A_184 : memref<128xi32, #tpu.memory_space<vmem>>) semaphore(%run_scoped3A : memref<!tpu.dma_semaphore, #tpu.memory_space<semaphore_mem>>) {add = true}
        %dma_wait3A_188 = arith.constant 0 : i32
        %dma_wait3A_189 = tpu.memref_slice %arg8[%add3A_149, %dma_wait3A_188] : memref<56x128xi32, #tpu.memory_space<vmem>> -> memref<1x128xi32, #tpu.memory_space<vmem>>
        %dma_wait3A_190 = tpu.memref_squeeze %dma_wait3A_189 : memref<1x128xi32, #tpu.memory_space<vmem>> -> memref<128xi32, #tpu.memory_space<vmem>>
        %dma_wait3A_191 = arith.constant 0 : i32
        %dma_wait3A_192 = arith.constant 0 : i32
        %dma_wait3A_193 = tpu.memref_slice %arg6[%dma_wait3A_191, %dma_wait3A_192] : memref<10240x128xf32, #tpu.memory_space<vmem_shared>> -> memref<10240x128xf32, #tpu.memory_space<vmem_shared>>
        tpu.wait_indirect_dma semaphore(%run_scoped3A : memref<!tpu.dma_semaphore, #tpu.memory_space<semaphore_mem>>) src(%arg9 : memref<128x128xf32, #tpu.memory_space<vmem>>) dst(%dma_wait3A_193 : memref<10240x128xf32, #tpu.memory_space<vmem_shared>>)
        tpu.yield
      }) : () -> ()
      %add3A_150 = arith.constant 1 : i32
      %add3A_151 = arith.addi %add3A_119, %add3A_150 : i32
      %add3A_152 = arith.constant 2 : i32
      %add3A_153 = arith.addi %add3A_151, %add3A_152 : i32
      %sub3A_154 = arith.constant 1 : i32
      %sub3A_155 = arith.subi %add3A_153, %sub3A_154 : i32
      %rem3A_156 = arith.constant 54 : i32
      %rem3A_157 = arith.remsi %sub3A_155, %rem3A_156 : i32
      %dma_start3A_158 = arith.constant 0 : i32
      %dma_start3A_159 = tpu.memref_slice %arg7[%rem3A_157, %dma_start3A_158] : memref<56x128xi32, #tpu.memory_space<vmem>> -> memref<1x128xi32, #tpu.memory_space<vmem>>
      %dma_start3A_160 = tpu.memref_squeeze %dma_start3A_159 : memref<1x128xi32, #tpu.memory_space<vmem>> -> memref<128xi32, #tpu.memory_space<vmem>>
      %dma_start3A_161 = arith.constant 0 : i32
      %dma_start3A_162 = arith.constant 0 : i32
      %dma_start3A_163 = tpu.memref_slice %arg2[%scan3A_60, %dma_start3A_161, %dma_start3A_162] : memref<3x10000x128xf32, #tpu.memory_space<hbm>> -> memref<1x10000x128xf32, #tpu.memory_space<hbm>>
      %dma_start3A_164 = tpu.memref_squeeze %dma_start3A_163 : memref<1x10000x128xf32, #tpu.memory_space<hbm>> -> memref<10000x128xf32, #tpu.memory_space<hbm>>
      %dma_start3A_165 = arith.constant 0 : i32
      %dma_start3A_166 = arith.constant 0 : i32
      %dma_start3A_167 = tpu.memref_slice %dma_start3A_164[%dma_start3A_165, %dma_start3A_166] : memref<10000x128xf32, #tpu.memory_space<hbm>> -> memref<10000x128xf32, #tpu.memory_space<hbm>>
      tpu.enqueue_indirect_dma source(%dma_start3A_167 : memref<10000x128xf32, #tpu.memory_space<hbm>>) target(%arg9 : memref<128x128xf32, #tpu.memory_space<vmem>>) offsets(%dma_start3A_160 : memref<128xi32, #tpu.memory_space<vmem>>) semaphore(%arg11 : memref<!tpu.dma_semaphore, #tpu.memory_space<semaphore_mem>>)
      %add3A_168 = arith.constant 1 : i32
      %add3A_169 = arith.addi %add3A_119, %add3A_168 : i32
      %dma_wait3A_170 = arith.constant 0 : i32
      %dma_wait3A_171 = tpu.memref_slice %arg7[%add3A_169, %dma_wait3A_170] : memref<56x128xi32, #tpu.memory_space<vmem>> -> memref<1x128xi32, #tpu.memory_space<vmem>>
      %dma_wait3A_172 = tpu.memref_squeeze %dma_wait3A_171 : memref<1x128xi32, #tpu.memory_space<vmem>> -> memref<128xi32, #tpu.memory_space<vmem>>
      %dma_wait3A_173 = arith.constant 0 : i32
      %dma_wait3A_174 = arith.constant 0 : i32
      %dma_wait3A_175 = tpu.memref_slice %arg2[%scan3A_60, %dma_wait3A_173, %dma_wait3A_174] : memref<3x10000x128xf32, #tpu.memory_space<hbm>> -> memref<1x10000x128xf32, #tpu.memory_space<hbm>>
      %dma_wait3A_176 = tpu.memref_squeeze %dma_wait3A_175 : memref<1x10000x128xf32, #tpu.memory_space<hbm>> -> memref<10000x128xf32, #tpu.memory_space<hbm>>
      %dma_wait3A_177 = arith.constant 0 : i32
      %dma_wait3A_178 = arith.constant 0 : i32
      %dma_wait3A_179 = tpu.memref_slice %dma_wait3A_176[%dma_wait3A_177, %dma_wait3A_178] : memref<10000x128xf32, #tpu.memory_space<hbm>> -> memref<10000x128xf32, #tpu.memory_space<hbm>>
      tpu.wait_indirect_dma semaphore(%arg12 : memref<!tpu.dma_semaphore, #tpu.memory_space<semaphore_mem>>) src(%dma_wait3A_179 : memref<10000x128xf32, #tpu.memory_space<hbm>>) dst(%arg10 : memref<128x128xf32, #tpu.memory_space<vmem>>)
      %add3A_180 = arith.constant 1 : i32
      %add3A_181 = arith.addi %add3A_119, %add3A_180 : i32
      "tpu.region"() ({
        %run_scoped3A = tpu.sem_alloc : memref<!tpu.dma_semaphore, #tpu.memory_space<semaphore_mem>>
        %dma_start3A_182 = arith.constant 0 : i32
        %dma_start3A_183 = tpu.memref_slice %arg8[%add3A_181, %dma_start3A_182] : memref<56x128xi32, #tpu.memory_space<vmem>> -> memref<1x128xi32, #tpu.memory_space<vmem>>
        %dma_start3A_184 = tpu.memref_squeeze %dma_start3A_183 : memref<1x128xi32, #tpu.memory_space<vmem>> -> memref<128xi32, #tpu.memory_space<vmem>>
        %dma_start3A_185 = arith.constant 0 : i32
        %dma_start3A_186 = arith.constant 0 : i32
        %dma_start3A_187 = tpu.memref_slice %arg6[%dma_start3A_185, %dma_start3A_186] : memref<10240x128xf32, #tpu.memory_space<vmem_shared>> -> memref<10240x128xf32, #tpu.memory_space<vmem_shared>>
        tpu.enqueue_indirect_dma source(%arg10 : memref<128x128xf32, #tpu.memory_space<vmem>>) target(%dma_start3A_187 : memref<10240x128xf32, #tpu.memory_space<vmem_shared>>) offsets(%dma_start3A_184 : memref<128xi32, #tpu.memory_space<vmem>>) semaphore(%run_scoped3A : memref<!tpu.dma_semaphore, #tpu.memory_space<semaphore_mem>>) {add = true}
        %dma_wait3A_188 = arith.constant 0 : i32
        %dma_wait3A_189 = tpu.memref_slice %arg8[%add3A_181, %dma_wait3A_188] : memref<56x128xi32, #tpu.memory_space<vmem>> -> memref<1x128xi32, #tpu.memory_space<vmem>>
        %dma_wait3A_190 = tpu.memref_squeeze %dma_wait3A_189 : memref<1x128xi32, #tpu.memory_space<vmem>> -> memref<128xi32, #tpu.memory_space<vmem>>
        %dma_wait3A_191 = arith.constant 0 : i32
        %dma_wait3A_192 = arith.constant 0 : i32
        %dma_wait3A_193 = tpu.memref_slice %arg6[%dma_wait3A_191, %dma_wait3A_192] : memref<10240x128xf32, #tpu.memory_space<vmem_shared>> -> memref<10240x128xf32, #tpu.memory_space<vmem_shared>>
        tpu.wait_indirect_dma semaphore(%run_scoped3A : memref<!tpu.dma_semaphore, #tpu.memory_space<semaphore_mem>>) src(%arg10 : memref<128x128xf32, #tpu.memory_space<vmem>>) dst(%dma_wait3A_193 : memref<10240x128xf32, #tpu.memory_space<vmem_shared>>)
        tpu.yield
      }) : () -> ()
    }
    %scan3A_65 = arith.constant 27 : i32
    %dma_wait3A_66 = arith.constant 1 : i32
    %dma_wait3A_67 = arith.constant 0 : i32
    %dma_wait3A_68 = arith.constant 0 : i32
    %dma_wait3A_69 = tpu.memref_slice %arg7[%dma_wait3A_67, %dma_wait3A_68] : memref<56x128xi32, #tpu.memory_space<vmem>> -> memref<1x128xi32, #tpu.memory_space<vmem>>
    %dma_wait3A_70 = tpu.memref_squeeze %dma_wait3A_69 : memref<1x128xi32, #tpu.memory_space<vmem>> -> memref<128xi32, #tpu.memory_space<vmem>>
    %dma_wait3A_71 = arith.constant 0 : i32
    %dma_wait3A_72 = arith.constant 0 : i32
    %dma_wait3A_73 = tpu.memref_slice %arg2[%dma_wait3A_66, %dma_wait3A_71, %dma_wait3A_72] : memref<3x10000x128xf32, #tpu.memory_space<hbm>> -> memref<1x10000x128xf32, #tpu.memory_space<hbm>>
    %dma_wait3A_74 = tpu.memref_squeeze %dma_wait3A_73 : memref<1x10000x128xf32, #tpu.memory_space<hbm>> -> memref<10000x128xf32, #tpu.memory_space<hbm>>
    %dma_wait3A_75 = arith.constant 0 : i32
    %dma_wait3A_76 = arith.constant 0 : i32
    %dma_wait3A_77 = tpu.memref_slice %dma_wait3A_74[%dma_wait3A_75, %dma_wait3A_76] : memref<10000x128xf32, #tpu.memory_space<hbm>> -> memref<10000x128xf32, #tpu.memory_space<hbm>>
    tpu.wait_indirect_dma semaphore(%arg11 : memref<!tpu.dma_semaphore, #tpu.memory_space<semaphore_mem>>) src(%dma_wait3A_77 : memref<10000x128xf32, #tpu.memory_space<hbm>>) dst(%arg9 : memref<128x128xf32, #tpu.memory_space<vmem>>)
    %add3A_78 = arith.constant 64 : i32
    %add3A_79 = arith.addi %add3A_78, %add3A : i32
    %mul3A_80 = arith.constant 56 : i32
    %mul3A_81 = arith.muli %add3A_79, %mul3A_80 : i32
    "tpu.region"() ({
      %run_scoped3A = tpu.sem_alloc : memref<!tpu.dma_semaphore, #tpu.memory_space<semaphore_mem>>
      %dma_start3A_115 = arith.constant 0 : i32
      %dma_start3A_116 = tpu.memref_slice %arg3[%mul3A_81, %dma_start3A_115] : memref<5376x128xi32, #tpu.memory_space<hbm>> -> memref<56x128xi32, #tpu.memory_space<hbm>>
      %dma_start3A_117 = arith.constant 0 : i32
      %dma_start3A_118 = tpu.memref_slice %arg3[%mul3A_81, %dma_start3A_117] : memref<5376x128xi32, #tpu.memory_space<hbm>> -> memref<56x128xi32, #tpu.memory_space<hbm>>
      tpu.enqueue_dma source(%dma_start3A_118 : memref<56x128xi32, #tpu.memory_space<hbm>>) target(%arg7 : memref<56x128xi32, #tpu.memory_space<vmem>>) target_semaphore(%run_scoped3A : memref<!tpu.dma_semaphore, #tpu.memory_space<semaphore_mem>>)
      %dma_wait3A_119 = arith.constant 0 : i32
      %dma_wait3A_120 = tpu.memref_slice %arg3[%mul3A_81, %dma_wait3A_119] : memref<5376x128xi32, #tpu.memory_space<hbm>> -> memref<56x128xi32, #tpu.memory_space<hbm>>
      %dma_wait3A_121 = arith.constant 0 : i32
      %dma_wait3A_122 = tpu.memref_slice %arg3[%mul3A_81, %dma_wait3A_121] : memref<5376x128xi32, #tpu.memory_space<hbm>> -> memref<56x128xi32, #tpu.memory_space<hbm>>
      tpu.wait_dma2 semaphore(%run_scoped3A : memref<!tpu.dma_semaphore, #tpu.memory_space<semaphore_mem>>) src(%dma_wait3A_122 : memref<56x128xi32, #tpu.memory_space<hbm>>) dst(%arg7 : memref<56x128xi32, #tpu.memory_space<vmem>>)
      tpu.yield
    }) : () -> ()
    "tpu.region"() ({
      %run_scoped3A = tpu.sem_alloc : memref<!tpu.dma_semaphore, #tpu.memory_space<semaphore_mem>>
      %dma_start3A_115 = arith.constant 0 : i32
      %dma_start3A_116 = tpu.memref_slice %arg4[%mul3A_81, %dma_start3A_115] : memref<5376x128xi32, #tpu.memory_space<hbm>> -> memref<56x128xi32, #tpu.memory_space<hbm>>
      %dma_start3A_117 = arith.constant 0 : i32
      %dma_start3A_118 = tpu.memref_slice %arg4[%mul3A_81, %dma_start3A_117] : memref<5376x128xi32, #tpu.memory_space<hbm>> -> memref<56x128xi32, #tpu.memory_space<hbm>>
      tpu.enqueue_dma source(%dma_start3A_118 : memref<56x128xi32, #tpu.memory_space<hbm>>) target(%arg8 : memref<56x128xi32, #tpu.memory_space<vmem>>) target_semaphore(%run_scoped3A : memref<!tpu.dma_semaphore, #tpu.memory_space<semaphore_mem>>)
      %dma_wait3A_119 = arith.constant 0 : i32
      %dma_wait3A_120 = tpu.memref_slice %arg4[%mul3A_81, %dma_wait3A_119] : memref<5376x128xi32, #tpu.memory_space<hbm>> -> memref<56x128xi32, #tpu.memory_space<hbm>>
      %dma_wait3A_121 = arith.constant 0 : i32
      %dma_wait3A_122 = tpu.memref_slice %arg4[%mul3A_81, %dma_wait3A_121] : memref<5376x128xi32, #tpu.memory_space<hbm>> -> memref<56x128xi32, #tpu.memory_space<hbm>>
      tpu.wait_dma2 semaphore(%run_scoped3A : memref<!tpu.dma_semaphore, #tpu.memory_space<semaphore_mem>>) src(%dma_wait3A_122 : memref<56x128xi32, #tpu.memory_space<hbm>>) dst(%arg8 : memref<56x128xi32, #tpu.memory_space<vmem>>)
      tpu.yield
    }) : () -> ()
    %dma_start3A_82 = arith.constant 2 : i32
    %dma_start3A_83 = arith.constant 0 : i32
    %dma_start3A_84 = arith.constant 0 : i32
    %dma_start3A_85 = tpu.memref_slice %arg7[%dma_start3A_83, %dma_start3A_84] : memref<56x128xi32, #tpu.memory_space<vmem>> -> memref<1x128xi32, #tpu.memory_space<vmem>>
    %dma_start3A_86 = tpu.memref_squeeze %dma_start3A_85 : memref<1x128xi32, #tpu.memory_space<vmem>> -> memref<128xi32, #tpu.memory_space<vmem>>
    %dma_start3A_87 = arith.constant 0 : i32
    %dma_start3A_88 = arith.constant 0 : i32
    %dma_start3A_89 = tpu.memref_slice %arg2[%dma_start3A_82, %dma_start3A_87, %dma_start3A_88] : memref<3x10000x128xf32, #tpu.memory_space<hbm>> -> memref<1x10000x128xf32, #tpu.memory_space<hbm>>
    %dma_start3A_90 = tpu.memref_squeeze %dma_start3A_89 : memref<1x10000x128xf32, #tpu.memory_space<hbm>> -> memref<10000x128xf32, #tpu.memory_space<hbm>>
    %dma_start3A_91 = arith.constant 0 : i32
    %dma_start3A_92 = arith.constant 0 : i32
    %dma_start3A_93 = tpu.memref_slice %dma_start3A_90[%dma_start3A_91, %dma_start3A_92] : memref<10000x128xf32, #tpu.memory_space<hbm>> -> memref<10000x128xf32, #tpu.memory_space<hbm>>
    tpu.enqueue_indirect_dma source(%dma_start3A_93 : memref<10000x128xf32, #tpu.memory_space<hbm>>) target(%arg9 : memref<128x128xf32, #tpu.memory_space<vmem>>) offsets(%dma_start3A_86 : memref<128xi32, #tpu.memory_space<vmem>>) semaphore(%arg11 : memref<!tpu.dma_semaphore, #tpu.memory_space<semaphore_mem>>)
    %scan3A_94 = arith.constant 2 : i32
    %scan3A_95 = arith.constant 0 : i32
    %scan3A_96 = arith.constant 27 : i32
    %scan3A_97 = arith.addi %scan3A_95, %scan3A_96 : i32
    %scan3A_98 = arith.constant 1 : i32
    scf.for %scan3A_115 = %scan3A_95 to %scan3A_97 step %scan3A_98  : i32 {
      %mul3A_116 = arith.constant 2 : i32
      %mul3A_117 = arith.muli %scan3A_115, %mul3A_116 : i32
      %add3A_118 = arith.constant 0 : i32
      %add3A_119 = arith.addi %add3A_118, %mul3A_117 : i32
      %add3A_120 = arith.constant 0 : i32
      %add3A_121 = arith.addi %add3A_119, %add3A_120 : i32
      %add3A_122 = arith.constant 2 : i32
      %add3A_123 = arith.addi %add3A_121, %add3A_122 : i32
      %sub3A = arith.constant 1 : i32
      %sub3A_124 = arith.subi %add3A_123, %sub3A : i32
      %rem3A = arith.constant 54 : i32
      %rem3A_125 = arith.remsi %sub3A_124, %rem3A : i32
      %dma_start3A_126 = arith.constant 0 : i32
      %dma_start3A_127 = tpu.memref_slice %arg7[%rem3A_125, %dma_start3A_126] : memref<56x128xi32, #tpu.memory_space<vmem>> -> memref<1x128xi32, #tpu.memory_space<vmem>>
      %dma_start3A_128 = tpu.memref_squeeze %dma_start3A_127 : memref<1x128xi32, #tpu.memory_space<vmem>> -> memref<128xi32, #tpu.memory_space<vmem>>
      %dma_start3A_129 = arith.constant 0 : i32
      %dma_start3A_130 = arith.constant 0 : i32
      %dma_start3A_131 = tpu.memref_slice %arg2[%scan3A_94, %dma_start3A_129, %dma_start3A_130] : memref<3x10000x128xf32, #tpu.memory_space<hbm>> -> memref<1x10000x128xf32, #tpu.memory_space<hbm>>
      %dma_start3A_132 = tpu.memref_squeeze %dma_start3A_131 : memref<1x10000x128xf32, #tpu.memory_space<hbm>> -> memref<10000x128xf32, #tpu.memory_space<hbm>>
      %dma_start3A_133 = arith.constant 0 : i32
      %dma_start3A_134 = arith.constant 0 : i32
      %dma_start3A_135 = tpu.memref_slice %dma_start3A_132[%dma_start3A_133, %dma_start3A_134] : memref<10000x128xf32, #tpu.memory_space<hbm>> -> memref<10000x128xf32, #tpu.memory_space<hbm>>
      tpu.enqueue_indirect_dma source(%dma_start3A_135 : memref<10000x128xf32, #tpu.memory_space<hbm>>) target(%arg10 : memref<128x128xf32, #tpu.memory_space<vmem>>) offsets(%dma_start3A_128 : memref<128xi32, #tpu.memory_space<vmem>>) semaphore(%arg12 : memref<!tpu.dma_semaphore, #tpu.memory_space<semaphore_mem>>)
      %add3A_136 = arith.constant 0 : i32
      %add3A_137 = arith.addi %add3A_119, %add3A_136 : i32
      %dma_wait3A_138 = arith.constant 0 : i32
      %dma_wait3A_139 = tpu.memref_slice %arg7[%add3A_137, %dma_wait3A_138] : memref<56x128xi32, #tpu.memory_space<vmem>> -> memref<1x128xi32, #tpu.memory_space<vmem>>
      %dma_wait3A_140 = tpu.memref_squeeze %dma_wait3A_139 : memref<1x128xi32, #tpu.memory_space<vmem>> -> memref<128xi32, #tpu.memory_space<vmem>>
      %dma_wait3A_141 = arith.constant 0 : i32
      %dma_wait3A_142 = arith.constant 0 : i32
      %dma_wait3A_143 = tpu.memref_slice %arg2[%scan3A_94, %dma_wait3A_141, %dma_wait3A_142] : memref<3x10000x128xf32, #tpu.memory_space<hbm>> -> memref<1x10000x128xf32, #tpu.memory_space<hbm>>
      %dma_wait3A_144 = tpu.memref_squeeze %dma_wait3A_143 : memref<1x10000x128xf32, #tpu.memory_space<hbm>> -> memref<10000x128xf32, #tpu.memory_space<hbm>>
      %dma_wait3A_145 = arith.constant 0 : i32
      %dma_wait3A_146 = arith.constant 0 : i32
      %dma_wait3A_147 = tpu.memref_slice %dma_wait3A_144[%dma_wait3A_145, %dma_wait3A_146] : memref<10000x128xf32, #tpu.memory_space<hbm>> -> memref<10000x128xf32, #tpu.memory_space<hbm>>
      tpu.wait_indirect_dma semaphore(%arg11 : memref<!tpu.dma_semaphore, #tpu.memory_space<semaphore_mem>>) src(%dma_wait3A_147 : memref<10000x128xf32, #tpu.memory_space<hbm>>) dst(%arg9 : memref<128x128xf32, #tpu.memory_space<vmem>>)
      %add3A_148 = arith.constant 0 : i32
      %add3A_149 = arith.addi %add3A_119, %add3A_148 : i32
      "tpu.region"() ({
        %run_scoped3A = tpu.sem_alloc : memref<!tpu.dma_semaphore, #tpu.memory_space<semaphore_mem>>
        %dma_start3A_182 = arith.constant 0 : i32
        %dma_start3A_183 = tpu.memref_slice %arg8[%add3A_149, %dma_start3A_182] : memref<56x128xi32, #tpu.memory_space<vmem>> -> memref<1x128xi32, #tpu.memory_space<vmem>>
        %dma_start3A_184 = tpu.memref_squeeze %dma_start3A_183 : memref<1x128xi32, #tpu.memory_space<vmem>> -> memref<128xi32, #tpu.memory_space<vmem>>
        %dma_start3A_185 = arith.constant 0 : i32
        %dma_start3A_186 = arith.constant 0 : i32
        %dma_start3A_187 = tpu.memref_slice %arg6[%dma_start3A_185, %dma_start3A_186] : memref<10240x128xf32, #tpu.memory_space<vmem_shared>> -> memref<10240x128xf32, #tpu.memory_space<vmem_shared>>
        tpu.enqueue_indirect_dma source(%arg9 : memref<128x128xf32, #tpu.memory_space<vmem>>) target(%dma_start3A_187 : memref<10240x128xf32, #tpu.memory_space<vmem_shared>>) offsets(%dma_start3A_184 : memref<128xi32, #tpu.memory_space<vmem>>) semaphore(%run_scoped3A : memref<!tpu.dma_semaphore, #tpu.memory_space<semaphore_mem>>) {add = true}
        %dma_wait3A_188 = arith.constant 0 : i32
        %dma_wait3A_189 = tpu.memref_slice %arg8[%add3A_149, %dma_wait3A_188] : memref<56x128xi32, #tpu.memory_space<vmem>> -> memref<1x128xi32, #tpu.memory_space<vmem>>
        %dma_wait3A_190 = tpu.memref_squeeze %dma_wait3A_189 : memref<1x128xi32, #tpu.memory_space<vmem>> -> memref<128xi32, #tpu.memory_space<vmem>>
        %dma_wait3A_191 = arith.constant 0 : i32
        %dma_wait3A_192 = arith.constant 0 : i32
        %dma_wait3A_193 = tpu.memref_slice %arg6[%dma_wait3A_191, %dma_wait3A_192] : memref<10240x128xf32, #tpu.memory_space<vmem_shared>> -> memref<10240x128xf32, #tpu.memory_space<vmem_shared>>
        tpu.wait_indirect_dma semaphore(%run_scoped3A : memref<!tpu.dma_semaphore, #tpu.memory_space<semaphore_mem>>) src(%arg9 : memref<128x128xf32, #tpu.memory_space<vmem>>) dst(%dma_wait3A_193 : memref<10240x128xf32, #tpu.memory_space<vmem_shared>>)
        tpu.yield
      }) : () -> ()
      %add3A_150 = arith.constant 1 : i32
      %add3A_151 = arith.addi %add3A_119, %add3A_150 : i32
      %add3A_152 = arith.constant 2 : i32
      %add3A_153 = arith.addi %add3A_151, %add3A_152 : i32
      %sub3A_154 = arith.constant 1 : i32
      %sub3A_155 = arith.subi %add3A_153, %sub3A_154 : i32
      %rem3A_156 = arith.constant 54 : i32
      %rem3A_157 = arith.remsi %sub3A_155, %rem3A_156 : i32
      %dma_start3A_158 = arith.constant 0 : i32
      %dma_start3A_159 = tpu.memref_slice %arg7[%rem3A_157, %dma_start3A_158] : memref<56x128xi32, #tpu.memory_space<vmem>> -> memref<1x128xi32, #tpu.memory_space<vmem>>
      %dma_start3A_160 = tpu.memref_squeeze %dma_start3A_159 : memref<1x128xi32, #tpu.memory_space<vmem>> -> memref<128xi32, #tpu.memory_space<vmem>>
      %dma_start3A_161 = arith.constant 0 : i32
      %dma_start3A_162 = arith.constant 0 : i32
      %dma_start3A_163 = tpu.memref_slice %arg2[%scan3A_94, %dma_start3A_161, %dma_start3A_162] : memref<3x10000x128xf32, #tpu.memory_space<hbm>> -> memref<1x10000x128xf32, #tpu.memory_space<hbm>>
      %dma_start3A_164 = tpu.memref_squeeze %dma_start3A_163 : memref<1x10000x128xf32, #tpu.memory_space<hbm>> -> memref<10000x128xf32, #tpu.memory_space<hbm>>
      %dma_start3A_165 = arith.constant 0 : i32
      %dma_start3A_166 = arith.constant 0 : i32
      %dma_start3A_167 = tpu.memref_slice %dma_start3A_164[%dma_start3A_165, %dma_start3A_166] : memref<10000x128xf32, #tpu.memory_space<hbm>> -> memref<10000x128xf32, #tpu.memory_space<hbm>>
      tpu.enqueue_indirect_dma source(%dma_start3A_167 : memref<10000x128xf32, #tpu.memory_space<hbm>>) target(%arg9 : memref<128x128xf32, #tpu.memory_space<vmem>>) offsets(%dma_start3A_160 : memref<128xi32, #tpu.memory_space<vmem>>) semaphore(%arg11 : memref<!tpu.dma_semaphore, #tpu.memory_space<semaphore_mem>>)
      %add3A_168 = arith.constant 1 : i32
      %add3A_169 = arith.addi %add3A_119, %add3A_168 : i32
      %dma_wait3A_170 = arith.constant 0 : i32
      %dma_wait3A_171 = tpu.memref_slice %arg7[%add3A_169, %dma_wait3A_170] : memref<56x128xi32, #tpu.memory_space<vmem>> -> memref<1x128xi32, #tpu.memory_space<vmem>>
      %dma_wait3A_172 = tpu.memref_squeeze %dma_wait3A_171 : memref<1x128xi32, #tpu.memory_space<vmem>> -> memref<128xi32, #tpu.memory_space<vmem>>
      %dma_wait3A_173 = arith.constant 0 : i32
      %dma_wait3A_174 = arith.constant 0 : i32
      %dma_wait3A_175 = tpu.memref_slice %arg2[%scan3A_94, %dma_wait3A_173, %dma_wait3A_174] : memref<3x10000x128xf32, #tpu.memory_space<hbm>> -> memref<1x10000x128xf32, #tpu.memory_space<hbm>>
      %dma_wait3A_176 = tpu.memref_squeeze %dma_wait3A_175 : memref<1x10000x128xf32, #tpu.memory_space<hbm>> -> memref<10000x128xf32, #tpu.memory_space<hbm>>
      %dma_wait3A_177 = arith.constant 0 : i32
      %dma_wait3A_178 = arith.constant 0 : i32
      %dma_wait3A_179 = tpu.memref_slice %dma_wait3A_176[%dma_wait3A_177, %dma_wait3A_178] : memref<10000x128xf32, #tpu.memory_space<hbm>> -> memref<10000x128xf32, #tpu.memory_space<hbm>>
      tpu.wait_indirect_dma semaphore(%arg12 : memref<!tpu.dma_semaphore, #tpu.memory_space<semaphore_mem>>) src(%dma_wait3A_179 : memref<10000x128xf32, #tpu.memory_space<hbm>>) dst(%arg10 : memref<128x128xf32, #tpu.memory_space<vmem>>)
      %add3A_180 = arith.constant 1 : i32
      %add3A_181 = arith.addi %add3A_119, %add3A_180 : i32
      "tpu.region"() ({
        %run_scoped3A = tpu.sem_alloc : memref<!tpu.dma_semaphore, #tpu.memory_space<semaphore_mem>>
        %dma_start3A_182 = arith.constant 0 : i32
        %dma_start3A_183 = tpu.memref_slice %arg8[%add3A_181, %dma_start3A_182] : memref<56x128xi32, #tpu.memory_space<vmem>> -> memref<1x128xi32, #tpu.memory_space<vmem>>
        %dma_start3A_184 = tpu.memref_squeeze %dma_start3A_183 : memref<1x128xi32, #tpu.memory_space<vmem>> -> memref<128xi32, #tpu.memory_space<vmem>>
        %dma_start3A_185 = arith.constant 0 : i32
        %dma_start3A_186 = arith.constant 0 : i32
        %dma_start3A_187 = tpu.memref_slice %arg6[%dma_start3A_185, %dma_start3A_186] : memref<10240x128xf32, #tpu.memory_space<vmem_shared>> -> memref<10240x128xf32, #tpu.memory_space<vmem_shared>>
        tpu.enqueue_indirect_dma source(%arg10 : memref<128x128xf32, #tpu.memory_space<vmem>>) target(%dma_start3A_187 : memref<10240x128xf32, #tpu.memory_space<vmem_shared>>) offsets(%dma_start3A_184 : memref<128xi32, #tpu.memory_space<vmem>>) semaphore(%run_scoped3A : memref<!tpu.dma_semaphore, #tpu.memory_space<semaphore_mem>>) {add = true}
        %dma_wait3A_188 = arith.constant 0 : i32
        %dma_wait3A_189 = tpu.memref_slice %arg8[%add3A_181, %dma_wait3A_188] : memref<56x128xi32, #tpu.memory_space<vmem>> -> memref<1x128xi32, #tpu.memory_space<vmem>>
        %dma_wait3A_190 = tpu.memref_squeeze %dma_wait3A_189 : memref<1x128xi32, #tpu.memory_space<vmem>> -> memref<128xi32, #tpu.memory_space<vmem>>
        %dma_wait3A_191 = arith.constant 0 : i32
        %dma_wait3A_192 = arith.constant 0 : i32
        %dma_wait3A_193 = tpu.memref_slice %arg6[%dma_wait3A_191, %dma_wait3A_192] : memref<10240x128xf32, #tpu.memory_space<vmem_shared>> -> memref<10240x128xf32, #tpu.memory_space<vmem_shared>>
        tpu.wait_indirect_dma semaphore(%run_scoped3A : memref<!tpu.dma_semaphore, #tpu.memory_space<semaphore_mem>>) src(%arg10 : memref<128x128xf32, #tpu.memory_space<vmem>>) dst(%dma_wait3A_193 : memref<10240x128xf32, #tpu.memory_space<vmem_shared>>)
        tpu.yield
      }) : () -> ()
    }
    %scan3A_99 = arith.constant 27 : i32
    %dma_wait3A_100 = arith.constant 2 : i32
    %dma_wait3A_101 = arith.constant 0 : i32
    %dma_wait3A_102 = arith.constant 0 : i32
    %dma_wait3A_103 = tpu.memref_slice %arg7[%dma_wait3A_101, %dma_wait3A_102] : memref<56x128xi32, #tpu.memory_space<vmem>> -> memref<1x128xi32, #tpu.memory_space<vmem>>
    %dma_wait3A_104 = tpu.memref_squeeze %dma_wait3A_103 : memref<1x128xi32, #tpu.memory_space<vmem>> -> memref<128xi32, #tpu.memory_space<vmem>>
    %dma_wait3A_105 = arith.constant 0 : i32
    %dma_wait3A_106 = arith.constant 0 : i32
    %dma_wait3A_107 = tpu.memref_slice %arg2[%dma_wait3A_100, %dma_wait3A_105, %dma_wait3A_106] : memref<3x10000x128xf32, #tpu.memory_space<hbm>> -> memref<1x10000x128xf32, #tpu.memory_space<hbm>>
    %dma_wait3A_108 = tpu.memref_squeeze %dma_wait3A_107 : memref<1x10000x128xf32, #tpu.memory_space<hbm>> -> memref<10000x128xf32, #tpu.memory_space<hbm>>
    %dma_wait3A_109 = arith.constant 0 : i32
    %dma_wait3A_110 = arith.constant 0 : i32
    %dma_wait3A_111 = tpu.memref_slice %dma_wait3A_108[%dma_wait3A_109, %dma_wait3A_110] : memref<10000x128xf32, #tpu.memory_space<hbm>> -> memref<10000x128xf32, #tpu.memory_space<hbm>>
    tpu.wait_indirect_dma semaphore(%arg11 : memref<!tpu.dma_semaphore, #tpu.memory_space<semaphore_mem>>) src(%dma_wait3A_111 : memref<10000x128xf32, #tpu.memory_space<hbm>>) dst(%arg9 : memref<128x128xf32, #tpu.memory_space<vmem>>)
    %barrier3A_112 = arith.constant 0 : index
    tpu.barrier barrier_id(%barrier3A_112)
    %mul3A_113 = arith.constant 640 : i32
    %mul3A_114 = arith.muli %arg1, %mul3A_113 : i32
    "tpu.region"() ({
      %run_scoped3A = tpu.sem_alloc : memref<!tpu.dma_semaphore, #tpu.memory_space<semaphore_mem>>
      %dma_start3A_115 = arith.constant 0 : i32
      %dma_start3A_116 = arith.constant 0 : i32
      %dma_start3A_117 = tpu.memref_slice %arg5[%arg0, %dma_start3A_115, %dma_start3A_116] : memref<2x10240x128xf32, #tpu.memory_space<hbm>> -> memref<1x10240x128xf32, #tpu.memory_space<hbm>>
      %dma_start3A_118 = tpu.memref_squeeze %dma_start3A_117 : memref<1x10240x128xf32, #tpu.memory_space<hbm>> -> memref<10240x128xf32, #tpu.memory_space<hbm>>
      %dma_start3A_119 = arith.constant 0 : i32
      %dma_start3A_120 = tpu.memref_slice %dma_start3A_118[%mul3A_114, %dma_start3A_119] : memref<10240x128xf32, #tpu.memory_space<hbm>> -> memref<640x128xf32, #tpu.memory_space<hbm>>
      %dma_start3A_121 = arith.constant 0 : i32
      %dma_start3A_122 = tpu.memref_slice %arg6[%mul3A_114, %dma_start3A_121] : memref<10240x128xf32, #tpu.memory_space<vmem_shared>> -> memref<640x128xf32, #tpu.memory_space<vmem_shared>>
      tpu.enqueue_dma source(%dma_start3A_122 : memref<640x128xf32, #tpu.memory_space<vmem_shared>>) target(%dma_start3A_120 : memref<640x128xf32, #tpu.memory_space<hbm>>) target_semaphore(%run_scoped3A : memref<!tpu.dma_semaphore, #tpu.memory_space<semaphore_mem>>)
      %dma_wait3A_123 = arith.constant 0 : i32
      %dma_wait3A_124 = arith.constant 0 : i32
      %dma_wait3A_125 = tpu.memref_slice %arg5[%arg0, %dma_wait3A_123, %dma_wait3A_124] : memref<2x10240x128xf32, #tpu.memory_space<hbm>> -> memref<1x10240x128xf32, #tpu.memory_space<hbm>>
      %dma_wait3A_126 = tpu.memref_squeeze %dma_wait3A_125 : memref<1x10240x128xf32, #tpu.memory_space<hbm>> -> memref<10240x128xf32, #tpu.memory_space<hbm>>
      %dma_wait3A_127 = arith.constant 0 : i32
      %dma_wait3A_128 = tpu.memref_slice %dma_wait3A_126[%mul3A_114, %dma_wait3A_127] : memref<10240x128xf32, #tpu.memory_space<hbm>> -> memref<640x128xf32, #tpu.memory_space<hbm>>
      %dma_wait3A_129 = arith.constant 0 : i32
      %dma_wait3A_130 = tpu.memref_slice %arg6[%mul3A_114, %dma_wait3A_129] : memref<10240x128xf32, #tpu.memory_space<vmem_shared>> -> memref<640x128xf32, #tpu.memory_space<vmem_shared>>
      tpu.wait_dma2 semaphore(%run_scoped3A : memref<!tpu.dma_semaphore, #tpu.memory_space<semaphore_mem>>) src(%dma_wait3A_130 : memref<640x128xf32, #tpu.memory_space<vmem_shared>>) dst(%dma_wait3A_128 : memref<640x128xf32, #tpu.memory_space<hbm>>)
      tpu.yield
    }) : () -> ()
    return
  }
}

module attributes {stable_mosaic.version = 14 : i64} {
  func.func @_msg_body(%arg0: i32, %arg1: i32, %arg2: memref<2000x128xf32, #tpu.memory_space<vmem>>, %arg3: memref<1x128x128xf32, #tpu.memory_space<vmem>>, %arg4: memref<1x1x128xf32, #tpu.memory_space<vmem>>, %arg5: memref<1x2000x128xf32, #tpu.memory_space<vmem>>) attributes {dimension_semantics = [#tpu.dimension_semantics<arbitrary>, #tpu.dimension_semantics<arbitrary>], iteration_bounds = array<i64: 5, 3>, scalar_prefetch = 0 : i64, scratch_operands = 0 : i64, tpu.core_type = #tpu.core_type<tc>, window_params = [{transform_indices = @transform_0, window_bounds = array<i64: 2000, 128>}, {transform_indices = @transform_1, window_bounds = array<i64: 1, 128, 128>}, {transform_indices = @transform_2, window_bounds = array<i64: 1, 1, 128>}, {transform_indices = @transform_3, window_bounds = array<i64: 1, 2000, 128>}]} {
    %get3A = arith.constant 0 : index
    %get3A_0 = arith.constant 0 : index
    %get3A_1 = vector.load %arg2[%get3A, %get3A_0] : memref<2000x128xf32, #tpu.memory_space<vmem>>, vector<2000x128xf32>
    %get3A_2 = arith.constant 0 : index
    %get3A_3 = arith.constant 0 : index
    %get3A_4 = arith.constant 0 : index
    %get3A_5 = vector.load %arg3[%get3A_2, %get3A_3, %get3A_4] : memref<1x128x128xf32, #tpu.memory_space<vmem>>, vector<1x128x128xf32>
    %get3A_6 = vector.shape_cast %get3A_5 : vector<1x128x128xf32> to vector<128x128xf32>
    %dot_general3A = arith.constant dense<0.000000e+00> : vector<2000x128xf32>
    %dot_general3A_7 = tpu.matmul %get3A_1, %get3A_6, %dot_general3A {dimension_numbers = #tpu.dot_dimension_numbers<[1], [0], [0], [1], [0, 0, 1, 1], [], []>, transpose_lhs_hint = false} : vector<2000x128xf32>, vector<128x128xf32>, vector<2000x128xf32> -> vector<2000x128xf32>
    %get3A_8 = arith.constant 0 : index
    %get3A_9 = arith.constant 0 : index
    %get3A_10 = arith.constant 0 : index
    %get3A_11 = vector.load %arg4[%get3A_8, %get3A_9, %get3A_10] : memref<1x1x128xf32, #tpu.memory_space<vmem>>, vector<1x1x128xf32>
    %get3A_12 = vector.shape_cast %get3A_11 : vector<1x1x128xf32> to vector<1x128xf32>
    %add3A = vector.broadcast %get3A_12 : vector<1x128xf32> to vector<2000x128xf32>
    %add3A_13 = arith.addf %dot_general3A_7, %add3A : vector<2000x128xf32>
    %swap3A = arith.constant 0 : index
    %swap3A_14 = arith.constant 0 : index
    %swap3A_15 = arith.constant 0 : index
    %swap3A_16 = vector.load %arg5[%swap3A, %swap3A_14, %swap3A_15] : memref<1x2000x128xf32, #tpu.memory_space<vmem>>, vector<1x2000x128xf32>
    %swap3A_17 = vector.shape_cast %swap3A_16 : vector<1x2000x128xf32> to vector<2000x128xf32>
    %swap3A_18 = vector.shape_cast %add3A_13 : vector<2000x128xf32> to vector<1x2000x128xf32>
    tpu.vector_store %arg5[%swap3A, %swap3A_14, %swap3A_15], %swap3A_18 {strides = array<i32>} : memref<1x2000x128xf32, #tpu.memory_space<vmem>>, vector<1x2000x128xf32>,
    return
  }
  func.func @transform_0(%arg0: i32, %arg1: i32) -> (i32, i32) {
    %c0_i32 = arith.constant 0 : i32
    %c0_i32_0 = arith.constant 0 : i32
    return %arg0, %c0_i32 : i32, i32
  }
  func.func @transform_1(%arg0: i32, %arg1: i32) -> (i32, i32, i32) {
    %c0_i32 = arith.constant 0 : i32
    %c0_i32_0 = arith.constant 0 : i32
    %c0_i32_1 = arith.constant 0 : i32
    return %arg1, %c0_i32, %c0_i32_0 : i32, i32, i32
  }
  func.func @transform_2(%arg0: i32, %arg1: i32) -> (i32, i32, i32) {
    %c0_i32 = arith.constant 0 : i32
    %c0_i32_0 = arith.constant 0 : i32
    %c0_i32_1 = arith.constant 0 : i32
    return %arg1, %c0_i32, %c0_i32_0 : i32, i32, i32
  }
  func.func @transform_3(%arg0: i32, %arg1: i32) -> (i32, i32, i32) {
    %c0_i32 = arith.constant 0 : i32
    %c0_i32_0 = arith.constant 0 : i32
    return %arg1, %arg0, %c0_i32 : i32, i32, i32
  }
}

module attributes {stable_mosaic.version = 14 : i64} {
  func.func @_gru_msg_body(%arg0: i32, %arg1: memref<2x2000x128xf32, #tpu.memory_space<vmem>>, %arg2: memref<2000x128xf32, #tpu.memory_space<vmem>>, %arg3: memref<3x128x128xf32, #tpu.memory_space<vmem>>, %arg4: memref<3x128x128xf32, #tpu.memory_space<vmem>>, %arg5: memref<3x1x128xf32, #tpu.memory_space<vmem>>, %arg6: memref<3x128x128xf32, #tpu.memory_space<vmem>>, %arg7: memref<3x1x128xf32, #tpu.memory_space<vmem>>, %arg8: memref<2000x128xf32, #tpu.memory_space<vmem>>, %arg9: memref<3x2000x128xf32, #tpu.memory_space<vmem>>) attributes {dimension_semantics = [#tpu.dimension_semantics<arbitrary>], iteration_bounds = array<i64: 5>, scalar_prefetch = 0 : i64, scratch_operands = 0 : i64, tpu.core_type = #tpu.core_type<tc>, window_params = [{transform_indices = @transform_0, window_bounds = array<i64: 2, 2000, 128>}, {transform_indices = @transform_1, window_bounds = array<i64: 2000, 128>}, {pipeline_mode = #tpu.pipeline_mode<synchronous>, transform_indices = @transform_2, window_bounds = array<i64: 3, 128, 128>}, {pipeline_mode = #tpu.pipeline_mode<synchronous>, transform_indices = @transform_3, window_bounds = array<i64: 3, 128, 128>}, {pipeline_mode = #tpu.pipeline_mode<synchronous>, transform_indices = @transform_4, window_bounds = array<i64: 3, 1, 128>}, {pipeline_mode = #tpu.pipeline_mode<synchronous>, transform_indices = @transform_5, window_bounds = array<i64: 3, 128, 128>}, {pipeline_mode = #tpu.pipeline_mode<synchronous>, transform_indices = @transform_6, window_bounds = array<i64: 3, 1, 128>}, {transform_indices = @transform_7, window_bounds = array<i64: 2000, 128>}, {transform_indices = @transform_8, window_bounds = array<i64: 3, 2000, 128>}]} {
    %get3A = arith.constant 0 : index
    %get3A_0 = arith.constant 0 : index
    %get3A_1 = arith.constant 0 : index
    %get3A_2 = vector.load %arg1[%get3A, %get3A_0, %get3A_1] : memref<2x2000x128xf32, #tpu.memory_space<vmem>>, vector<1x2000x128xf32>
    %get3A_3 = vector.shape_cast %get3A_2 : vector<1x2000x128xf32> to vector<2000x128xf32>
    %get3A_4 = arith.constant 1 : index
    %get3A_5 = arith.constant 0 : index
    %get3A_6 = arith.constant 0 : index
    %get3A_7 = vector.load %arg1[%get3A_4, %get3A_5, %get3A_6] : memref<2x2000x128xf32, #tpu.memory_space<vmem>>, vector<1x2000x128xf32>
    %get3A_8 = vector.shape_cast %get3A_7 : vector<1x2000x128xf32> to vector<2000x128xf32>
    %add3A = arith.addf %get3A_3, %get3A_8 : vector<2000x128xf32>
    %get3A_9 = arith.constant 0 : index
    %get3A_10 = arith.constant 0 : index
    %get3A_11 = vector.load %arg2[%get3A_9, %get3A_10] : memref<2000x128xf32, #tpu.memory_space<vmem>>, vector<2000x128xf32>
    %get3A_12 = arith.constant 0 : index
    %get3A_13 = arith.constant 0 : index
    %get3A_14 = arith.constant 0 : index
    %get3A_15 = vector.load %arg3[%get3A_12, %get3A_13, %get3A_14] : memref<3x128x128xf32, #tpu.memory_space<vmem>>, vector<1x128x128xf32>
    %get3A_16 = vector.shape_cast %get3A_15 : vector<1x128x128xf32> to vector<128x128xf32>
    %dot_general3A = arith.constant dense<0.000000e+00> : vector<2000x128xf32>
    %dot_general3A_17 = tpu.matmul %add3A, %get3A_16, %dot_general3A {dimension_numbers = #tpu.dot_dimension_numbers<[1], [0], [0], [1], [0, 0, 1, 1], [], []>, transpose_lhs_hint = false} : vector<2000x128xf32>, vector<128x128xf32>, vector<2000x128xf32> -> vector<2000x128xf32>
    %get3A_18 = arith.constant 0 : index
    %get3A_19 = arith.constant 0 : index
    %get3A_20 = arith.constant 0 : index
    %get3A_21 = vector.load %arg4[%get3A_18, %get3A_19, %get3A_20] : memref<3x128x128xf32, #tpu.memory_space<vmem>>, vector<1x128x128xf32>
    %get3A_22 = vector.shape_cast %get3A_21 : vector<1x128x128xf32> to vector<128x128xf32>
    %dot_general3A_23 = arith.constant dense<0.000000e+00> : vector<2000x128xf32>
    %dot_general3A_24 = tpu.matmul %get3A_11, %get3A_22, %dot_general3A_23 {dimension_numbers = #tpu.dot_dimension_numbers<[1], [0], [0], [1], [0, 0, 1, 1], [], []>, transpose_lhs_hint = false} : vector<2000x128xf32>, vector<128x128xf32>, vector<2000x128xf32> -> vector<2000x128xf32>
    %add3A_25 = arith.addf %dot_general3A_17, %dot_general3A_24 : vector<2000x128xf32>
    %get3A_26 = arith.constant 0 : index
    %get3A_27 = arith.constant 0 : index
    %get3A_28 = arith.constant 0 : index
    %get3A_29 = vector.load %arg5[%get3A_26, %get3A_27, %get3A_28] : memref<3x1x128xf32, #tpu.memory_space<vmem>>, vector<1x1x128xf32>
    %get3A_30 = vector.shape_cast %get3A_29 : vector<1x1x128xf32> to vector<1x128xf32>
    %add3A_31 = vector.broadcast %get3A_30 : vector<1x128xf32> to vector<2000x128xf32>
    %add3A_32 = arith.addf %add3A_25, %add3A_31 : vector<2000x128xf32>
    %logistic3A = arith.negf %add3A_32 : vector<2000x128xf32>
    %logistic3A_33 = math.exp %logistic3A : vector<2000x128xf32>
    %logistic3A_34 = arith.constant 1.000000e+00 : f32
    %logistic3A_35 = vector.broadcast %logistic3A_34 : f32 to vector<2000x128xf32>
    %logistic3A_36 = arith.addf %logistic3A_35, %logistic3A_33 : vector<2000x128xf32>
    %logistic3A_37 = arith.divf %logistic3A_35, %logistic3A_36 : vector<2000x128xf32>
    %get3A_38 = arith.constant 1 : index
    %get3A_39 = arith.constant 0 : index
    %get3A_40 = arith.constant 0 : index
    %get3A_41 = vector.load %arg3[%get3A_38, %get3A_39, %get3A_40] : memref<3x128x128xf32, #tpu.memory_space<vmem>>, vector<1x128x128xf32>
    %get3A_42 = vector.shape_cast %get3A_41 : vector<1x128x128xf32> to vector<128x128xf32>
    %dot_general3A_43 = arith.constant dense<0.000000e+00> : vector<2000x128xf32>
    %dot_general3A_44 = tpu.matmul %add3A, %get3A_42, %dot_general3A_43 {dimension_numbers = #tpu.dot_dimension_numbers<[1], [0], [0], [1], [0, 0, 1, 1], [], []>, transpose_lhs_hint = false} : vector<2000x128xf32>, vector<128x128xf32>, vector<2000x128xf32> -> vector<2000x128xf32>
    %get3A_45 = arith.constant 1 : index
    %get3A_46 = arith.constant 0 : index
    %get3A_47 = arith.constant 0 : index
    %get3A_48 = vector.load %arg4[%get3A_45, %get3A_46, %get3A_47] : memref<3x128x128xf32, #tpu.memory_space<vmem>>, vector<1x128x128xf32>
    %get3A_49 = vector.shape_cast %get3A_48 : vector<1x128x128xf32> to vector<128x128xf32>
    %dot_general3A_50 = arith.constant dense<0.000000e+00> : vector<2000x128xf32>
    %dot_general3A_51 = tpu.matmul %get3A_11, %get3A_49, %dot_general3A_50 {dimension_numbers = #tpu.dot_dimension_numbers<[1], [0], [0], [1], [0, 0, 1, 1], [], []>, transpose_lhs_hint = false} : vector<2000x128xf32>, vector<128x128xf32>, vector<2000x128xf32> -> vector<2000x128xf32>
    %add3A_52 = arith.addf %dot_general3A_44, %dot_general3A_51 : vector<2000x128xf32>
    %get3A_53 = arith.constant 1 : index
    %get3A_54 = arith.constant 0 : index
    %get3A_55 = arith.constant 0 : index
    %get3A_56 = vector.load %arg5[%get3A_53, %get3A_54, %get3A_55] : memref<3x1x128xf32, #tpu.memory_space<vmem>>, vector<1x1x128xf32>
    %get3A_57 = vector.shape_cast %get3A_56 : vector<1x1x128xf32> to vector<1x128xf32>
    %add3A_58 = vector.broadcast %get3A_57 : vector<1x128xf32> to vector<2000x128xf32>
    %add3A_59 = arith.addf %add3A_52, %add3A_58 : vector<2000x128xf32>
    %logistic3A_60 = arith.negf %add3A_59 : vector<2000x128xf32>
    %logistic3A_61 = math.exp %logistic3A_60 : vector<2000x128xf32>
    %logistic3A_62 = arith.constant 1.000000e+00 : f32
    %logistic3A_63 = vector.broadcast %logistic3A_62 : f32 to vector<2000x128xf32>
    %logistic3A_64 = arith.addf %logistic3A_63, %logistic3A_61 : vector<2000x128xf32>
    %logistic3A_65 = arith.divf %logistic3A_63, %logistic3A_64 : vector<2000x128xf32>
    %get3A_66 = arith.constant 2 : index
    %get3A_67 = arith.constant 0 : index
    %get3A_68 = arith.constant 0 : index
    %get3A_69 = vector.load %arg3[%get3A_66, %get3A_67, %get3A_68] : memref<3x128x128xf32, #tpu.memory_space<vmem>>, vector<1x128x128xf32>
    %get3A_70 = vector.shape_cast %get3A_69 : vector<1x128x128xf32> to vector<128x128xf32>
    %dot_general3A_71 = arith.constant dense<0.000000e+00> : vector<2000x128xf32>
    %dot_general3A_72 = tpu.matmul %add3A, %get3A_70, %dot_general3A_71 {dimension_numbers = #tpu.dot_dimension_numbers<[1], [0], [0], [1], [0, 0, 1, 1], [], []>, transpose_lhs_hint = false} : vector<2000x128xf32>, vector<128x128xf32>, vector<2000x128xf32> -> vector<2000x128xf32>
    %mul3A = arith.mulf %logistic3A_65, %get3A_11 : vector<2000x128xf32>
    %get3A_73 = arith.constant 2 : index
    %get3A_74 = arith.constant 0 : index
    %get3A_75 = arith.constant 0 : index
    %get3A_76 = vector.load %arg4[%get3A_73, %get3A_74, %get3A_75] : memref<3x128x128xf32, #tpu.memory_space<vmem>>, vector<1x128x128xf32>
    %get3A_77 = vector.shape_cast %get3A_76 : vector<1x128x128xf32> to vector<128x128xf32>
    %dot_general3A_78 = arith.constant dense<0.000000e+00> : vector<2000x128xf32>
    %dot_general3A_79 = tpu.matmul %mul3A, %get3A_77, %dot_general3A_78 {dimension_numbers = #tpu.dot_dimension_numbers<[1], [0], [0], [1], [0, 0, 1, 1], [], []>, transpose_lhs_hint = false} : vector<2000x128xf32>, vector<128x128xf32>, vector<2000x128xf32> -> vector<2000x128xf32>
    %add3A_80 = arith.addf %dot_general3A_72, %dot_general3A_79 : vector<2000x128xf32>
    %get3A_81 = arith.constant 2 : index
    %get3A_82 = arith.constant 0 : index
    %get3A_83 = arith.constant 0 : index
    %get3A_84 = vector.load %arg5[%get3A_81, %get3A_82, %get3A_83] : memref<3x1x128xf32, #tpu.memory_space<vmem>>, vector<1x1x128xf32>
    %get3A_85 = vector.shape_cast %get3A_84 : vector<1x1x128xf32> to vector<1x128xf32>
    %add3A_86 = vector.broadcast %get3A_85 : vector<1x128xf32> to vector<2000x128xf32>
    %add3A_87 = arith.addf %add3A_80, %add3A_86 : vector<2000x128xf32>
    %tanh3A = math.tanh %add3A_87 : vector<2000x128xf32>
    %sub3A = arith.constant 1.000000e+00 : f32
    %sub3A_88 = vector.broadcast %sub3A : f32 to vector<2000x128xf32>
    %sub3A_89 = arith.subf %sub3A_88, %logistic3A_37 : vector<2000x128xf32>
    %mul3A_90 = arith.mulf %sub3A_89, %get3A_11 : vector<2000x128xf32>
    %mul3A_91 = arith.mulf %logistic3A_37, %tanh3A : vector<2000x128xf32>
    %add3A_92 = arith.addf %mul3A_90, %mul3A_91 : vector<2000x128xf32>
    %swap3A = arith.constant 0 : index
    %swap3A_93 = arith.constant 0 : index
    %swap3A_94 = vector.load %arg8[%swap3A, %swap3A_93] : memref<2000x128xf32, #tpu.memory_space<vmem>>, vector<2000x128xf32>
    tpu.vector_store %arg8[%swap3A, %swap3A_93], %add3A_92 {strides = array<i32>} : memref<2000x128xf32, #tpu.memory_space<vmem>>, vector<2000x128xf32>,
    %get3A_95 = arith.constant 0 : index
    %get3A_96 = arith.constant 0 : index
    %get3A_97 = arith.constant 0 : index
    %get3A_98 = vector.load %arg6[%get3A_95, %get3A_96, %get3A_97] : memref<3x128x128xf32, #tpu.memory_space<vmem>>, vector<1x128x128xf32>
    %get3A_99 = vector.shape_cast %get3A_98 : vector<1x128x128xf32> to vector<128x128xf32>
    %dot_general3A_100 = arith.constant dense<0.000000e+00> : vector<2000x128xf32>
    %dot_general3A_101 = tpu.matmul %add3A_92, %get3A_99, %dot_general3A_100 {dimension_numbers = #tpu.dot_dimension_numbers<[1], [0], [0], [1], [0, 0, 1, 1], [], []>, transpose_lhs_hint = false} : vector<2000x128xf32>, vector<128x128xf32>, vector<2000x128xf32> -> vector<2000x128xf32>
    %get3A_102 = arith.constant 0 : index
    %get3A_103 = arith.constant 0 : index
    %get3A_104 = arith.constant 0 : index
    %get3A_105 = vector.load %arg7[%get3A_102, %get3A_103, %get3A_104] : memref<3x1x128xf32, #tpu.memory_space<vmem>>, vector<1x1x128xf32>
    %get3A_106 = vector.shape_cast %get3A_105 : vector<1x1x128xf32> to vector<1x128xf32>
    %add3A_107 = vector.broadcast %get3A_106 : vector<1x128xf32> to vector<2000x128xf32>
    %add3A_108 = arith.addf %dot_general3A_101, %add3A_107 : vector<2000x128xf32>
    %swap3A_109 = arith.constant 0 : index
    %swap3A_110 = arith.constant 0 : index
    %swap3A_111 = arith.constant 0 : index
    %swap3A_112 = vector.load %arg9[%swap3A_109, %swap3A_110, %swap3A_111] : memref<3x2000x128xf32, #tpu.memory_space<vmem>>, vector<1x2000x128xf32>
    %swap3A_113 = vector.shape_cast %swap3A_112 : vector<1x2000x128xf32> to vector<2000x128xf32>
    %swap3A_114 = vector.shape_cast %add3A_108 : vector<2000x128xf32> to vector<1x2000x128xf32>
    tpu.vector_store %arg9[%swap3A_109, %swap3A_110, %swap3A_111], %swap3A_114 {strides = array<i32>} : memref<3x2000x128xf32, #tpu.memory_space<vmem>>, vector<1x2000x128xf32>,
    %get3A_115 = arith.constant 1 : index
    %get3A_116 = arith.constant 0 : index
    %get3A_117 = arith.constant 0 : index
    %get3A_118 = vector.load %arg6[%get3A_115, %get3A_116, %get3A_117] : memref<3x128x128xf32, #tpu.memory_space<vmem>>, vector<1x128x128xf32>
    %get3A_119 = vector.shape_cast %get3A_118 : vector<1x128x128xf32> to vector<128x128xf32>
    %dot_general3A_120 = arith.constant dense<0.000000e+00> : vector<2000x128xf32>
    %dot_general3A_121 = tpu.matmul %add3A_92, %get3A_119, %dot_general3A_120 {dimension_numbers = #tpu.dot_dimension_numbers<[1], [0], [0], [1], [0, 0, 1, 1], [], []>, transpose_lhs_hint = false} : vector<2000x128xf32>, vector<128x128xf32>, vector<2000x128xf32> -> vector<2000x128xf32>
    %get3A_122 = arith.constant 1 : index
    %get3A_123 = arith.constant 0 : index
    %get3A_124 = arith.constant 0 : index
    %get3A_125 = vector.load %arg7[%get3A_122, %get3A_123, %get3A_124] : memref<3x1x128xf32, #tpu.memory_space<vmem>>, vector<1x1x128xf32>
    %get3A_126 = vector.shape_cast %get3A_125 : vector<1x1x128xf32> to vector<1x128xf32>
    %add3A_127 = vector.broadcast %get3A_126 : vector<1x128xf32> to vector<2000x128xf32>
    %add3A_128 = arith.addf %dot_general3A_121, %add3A_127 : vector<2000x128xf32>
    %swap3A_129 = arith.constant 1 : index
    %swap3A_130 = arith.constant 0 : index
    %swap3A_131 = arith.constant 0 : index
    %swap3A_132 = vector.load %arg9[%swap3A_129, %swap3A_130, %swap3A_131] : memref<3x2000x128xf32, #tpu.memory_space<vmem>>, vector<1x2000x128xf32>
    %swap3A_133 = vector.shape_cast %swap3A_132 : vector<1x2000x128xf32> to vector<2000x128xf32>
    %swap3A_134 = vector.shape_cast %add3A_128 : vector<2000x128xf32> to vector<1x2000x128xf32>
    tpu.vector_store %arg9[%swap3A_129, %swap3A_130, %swap3A_131], %swap3A_134 {strides = array<i32>} : memref<3x2000x128xf32, #tpu.memory_space<vmem>>, vector<1x2000x128xf32>,
    %get3A_135 = arith.constant 2 : index
    %get3A_136 = arith.constant 0 : index
    %get3A_137 = arith.constant 0 : index
    %get3A_138 = vector.load %arg6[%get3A_135, %get3A_136, %get3A_137] : memref<3x128x128xf32, #tpu.memory_space<vmem>>, vector<1x128x128xf32>
    %get3A_139 = vector.shape_cast %get3A_138 : vector<1x128x128xf32> to vector<128x128xf32>
    %dot_general3A_140 = arith.constant dense<0.000000e+00> : vector<2000x128xf32>
    %dot_general3A_141 = tpu.matmul %add3A_92, %get3A_139, %dot_general3A_140 {dimension_numbers = #tpu.dot_dimension_numbers<[1], [0], [0], [1], [0, 0, 1, 1], [], []>, transpose_lhs_hint = false} : vector<2000x128xf32>, vector<128x128xf32>, vector<2000x128xf32> -> vector<2000x128xf32>
    %get3A_142 = arith.constant 2 : index
    %get3A_143 = arith.constant 0 : index
    %get3A_144 = arith.constant 0 : index
    %get3A_145 = vector.load %arg7[%get3A_142, %get3A_143, %get3A_144] : memref<3x1x128xf32, #tpu.memory_space<vmem>>, vector<1x1x128xf32>
    %get3A_146 = vector.shape_cast %get3A_145 : vector<1x1x128xf32> to vector<1x128xf32>
    %add3A_147 = vector.broadcast %get3A_146 : vector<1x128xf32> to vector<2000x128xf32>
    %add3A_148 = arith.addf %dot_general3A_141, %add3A_147 : vector<2000x128xf32>
    %swap3A_149 = arith.constant 2 : index
    %swap3A_150 = arith.constant 0 : index
    %swap3A_151 = arith.constant 0 : index
    %swap3A_152 = vector.load %arg9[%swap3A_149, %swap3A_150, %swap3A_151] : memref<3x2000x128xf32, #tpu.memory_space<vmem>>, vector<1x2000x128xf32>
    %swap3A_153 = vector.shape_cast %swap3A_152 : vector<1x2000x128xf32> to vector<2000x128xf32>
    %swap3A_154 = vector.shape_cast %add3A_148 : vector<2000x128xf32> to vector<1x2000x128xf32>
    tpu.vector_store %arg9[%swap3A_149, %swap3A_150, %swap3A_151], %swap3A_154 {strides = array<i32>} : memref<3x2000x128xf32, #tpu.memory_space<vmem>>, vector<1x2000x128xf32>,
    return
  }
  func.func @transform_0(%arg0: i32) -> (i32, i32, i32) {
    %c0_i32 = arith.constant 0 : i32
    %c0_i32_0 = arith.constant 0 : i32
    %c0_i32_1 = arith.constant 0 : i32
    return %c0_i32, %arg0, %c0_i32_0 : i32, i32, i32
  }
  func.func @transform_1(%arg0: i32) -> (i32, i32) {
    %c0_i32 = arith.constant 0 : i32
    %c0_i32_0 = arith.constant 0 : i32
    return %arg0, %c0_i32 : i32, i32
  }
  func.func @transform_2(%arg0: i32) -> (i32, i32, i32) {
    %c0_i32 = arith.constant 0 : i32
    %c0_i32_0 = arith.constant 0 : i32
    %c0_i32_1 = arith.constant 0 : i32
    %c0_i32_2 = arith.constant 0 : i32
    return %c0_i32, %c0_i32_0, %c0_i32_1 : i32, i32, i32
  }
  func.func @transform_3(%arg0: i32) -> (i32, i32, i32) {
    %c0_i32 = arith.constant 0 : i32
    %c0_i32_0 = arith.constant 0 : i32
    %c0_i32_1 = arith.constant 0 : i32
    %c0_i32_2 = arith.constant 0 : i32
    return %c0_i32, %c0_i32_0, %c0_i32_1 : i32, i32, i32
  }
  func.func @transform_4(%arg0: i32) -> (i32, i32, i32) {
    %c0_i32 = arith.constant 0 : i32
    %c0_i32_0 = arith.constant 0 : i32
    %c0_i32_1 = arith.constant 0 : i32
    %c0_i32_2 = arith.constant 0 : i32
    return %c0_i32, %c0_i32_0, %c0_i32_1 : i32, i32, i32
  }
  func.func @transform_5(%arg0: i32) -> (i32, i32, i32) {
    %c0_i32 = arith.constant 0 : i32
    %c0_i32_0 = arith.constant 0 : i32
    %c0_i32_1 = arith.constant 0 : i32
    %c0_i32_2 = arith.constant 0 : i32
    return %c0_i32, %c0_i32_0, %c0_i32_1 : i32, i32, i32
  }
  func.func @transform_6(%arg0: i32) -> (i32, i32, i32) {
    %c0_i32 = arith.constant 0 : i32
    %c0_i32_0 = arith.constant 0 : i32
    %c0_i32_1 = arith.constant 0 : i32
    %c0_i32_2 = arith.constant 0 : i32
    return %c0_i32, %c0_i32_0, %c0_i32_1 : i32, i32, i32
  }
  func.func @transform_7(%arg0: i32) -> (i32, i32) {
    %c0_i32 = arith.constant 0 : i32
    %c0_i32_0 = arith.constant 0 : i32
    return %arg0, %c0_i32 : i32, i32
  }
  func.func @transform_8(%arg0: i32) -> (i32, i32, i32) {
    %c0_i32 = arith.constant 0 : i32
    %c0_i32_0 = arith.constant 0 : i32
    %c0_i32_1 = arith.constant 0 : i32
    return %c0_i32, %arg0, %c0_i32_0 : i32, i32, i32
  }
}

module attributes {stable_mosaic.version = 14 : i64} {
  func.func @_gru_body(%arg0: i32, %arg1: memref<2x2000x128xf32, #tpu.memory_space<vmem>>, %arg2: memref<2000x128xf32, #tpu.memory_space<vmem>>, %arg3: memref<3x128x128xf32, #tpu.memory_space<vmem>>, %arg4: memref<3x128x128xf32, #tpu.memory_space<vmem>>, %arg5: memref<3x1x128xf32, #tpu.memory_space<vmem>>, %arg6: memref<2000x128xf32, #tpu.memory_space<vmem>>) attributes {dimension_semantics = [#tpu.dimension_semantics<arbitrary>], iteration_bounds = array<i64: 5>, scalar_prefetch = 0 : i64, scratch_operands = 0 : i64, tpu.core_type = #tpu.core_type<tc>, window_params = [{transform_indices = @transform_0, window_bounds = array<i64: 2, 2000, 128>}, {transform_indices = @transform_1, window_bounds = array<i64: 2000, 128>}, {pipeline_mode = #tpu.pipeline_mode<synchronous>, transform_indices = @transform_2, window_bounds = array<i64: 3, 128, 128>}, {pipeline_mode = #tpu.pipeline_mode<synchronous>, transform_indices = @transform_3, window_bounds = array<i64: 3, 128, 128>}, {pipeline_mode = #tpu.pipeline_mode<synchronous>, transform_indices = @transform_4, window_bounds = array<i64: 3, 1, 128>}, {transform_indices = @transform_5, window_bounds = array<i64: 2000, 128>}]} {
    %get3A = arith.constant 0 : index
    %get3A_0 = arith.constant 0 : index
    %get3A_1 = arith.constant 0 : index
    %get3A_2 = vector.load %arg1[%get3A, %get3A_0, %get3A_1] : memref<2x2000x128xf32, #tpu.memory_space<vmem>>, vector<1x2000x128xf32>
    %get3A_3 = vector.shape_cast %get3A_2 : vector<1x2000x128xf32> to vector<2000x128xf32>
    %get3A_4 = arith.constant 1 : index
    %get3A_5 = arith.constant 0 : index
    %get3A_6 = arith.constant 0 : index
    %get3A_7 = vector.load %arg1[%get3A_4, %get3A_5, %get3A_6] : memref<2x2000x128xf32, #tpu.memory_space<vmem>>, vector<1x2000x128xf32>
    %get3A_8 = vector.shape_cast %get3A_7 : vector<1x2000x128xf32> to vector<2000x128xf32>
    %add3A = arith.addf %get3A_3, %get3A_8 : vector<2000x128xf32>
    %get3A_9 = arith.constant 0 : index
    %get3A_10 = arith.constant 0 : index
    %get3A_11 = vector.load %arg2[%get3A_9, %get3A_10] : memref<2000x128xf32, #tpu.memory_space<vmem>>, vector<2000x128xf32>
    %get3A_12 = arith.constant 0 : index
    %get3A_13 = arith.constant 0 : index
    %get3A_14 = arith.constant 0 : index
    %get3A_15 = vector.load %arg3[%get3A_12, %get3A_13, %get3A_14] : memref<3x128x128xf32, #tpu.memory_space<vmem>>, vector<1x128x128xf32>
    %get3A_16 = vector.shape_cast %get3A_15 : vector<1x128x128xf32> to vector<128x128xf32>
    %dot_general3A = arith.constant dense<0.000000e+00> : vector<2000x128xf32>
    %dot_general3A_17 = tpu.matmul %add3A, %get3A_16, %dot_general3A {dimension_numbers = #tpu.dot_dimension_numbers<[1], [0], [0], [1], [0, 0, 1, 1], [], []>, transpose_lhs_hint = false} : vector<2000x128xf32>, vector<128x128xf32>, vector<2000x128xf32> -> vector<2000x128xf32>
    %get3A_18 = arith.constant 0 : index
    %get3A_19 = arith.constant 0 : index
    %get3A_20 = arith.constant 0 : index
    %get3A_21 = vector.load %arg4[%get3A_18, %get3A_19, %get3A_20] : memref<3x128x128xf32, #tpu.memory_space<vmem>>, vector<1x128x128xf32>
    %get3A_22 = vector.shape_cast %get3A_21 : vector<1x128x128xf32> to vector<128x128xf32>
    %dot_general3A_23 = arith.constant dense<0.000000e+00> : vector<2000x128xf32>
    %dot_general3A_24 = tpu.matmul %get3A_11, %get3A_22, %dot_general3A_23 {dimension_numbers = #tpu.dot_dimension_numbers<[1], [0], [0], [1], [0, 0, 1, 1], [], []>, transpose_lhs_hint = false} : vector<2000x128xf32>, vector<128x128xf32>, vector<2000x128xf32> -> vector<2000x128xf32>
    %add3A_25 = arith.addf %dot_general3A_17, %dot_general3A_24 : vector<2000x128xf32>
    %get3A_26 = arith.constant 0 : index
    %get3A_27 = arith.constant 0 : index
    %get3A_28 = arith.constant 0 : index
    %get3A_29 = vector.load %arg5[%get3A_26, %get3A_27, %get3A_28] : memref<3x1x128xf32, #tpu.memory_space<vmem>>, vector<1x1x128xf32>
    %get3A_30 = vector.shape_cast %get3A_29 : vector<1x1x128xf32> to vector<1x128xf32>
    %add3A_31 = vector.broadcast %get3A_30 : vector<1x128xf32> to vector<2000x128xf32>
    %add3A_32 = arith.addf %add3A_25, %add3A_31 : vector<2000x128xf32>
    %logistic3A = arith.negf %add3A_32 : vector<2000x128xf32>
    %logistic3A_33 = math.exp %logistic3A : vector<2000x128xf32>
    %logistic3A_34 = arith.constant 1.000000e+00 : f32
    %logistic3A_35 = vector.broadcast %logistic3A_34 : f32 to vector<2000x128xf32>
    %logistic3A_36 = arith.addf %logistic3A_35, %logistic3A_33 : vector<2000x128xf32>
    %logistic3A_37 = arith.divf %logistic3A_35, %logistic3A_36 : vector<2000x128xf32>
    %get3A_38 = arith.constant 1 : index
    %get3A_39 = arith.constant 0 : index
    %get3A_40 = arith.constant 0 : index
    %get3A_41 = vector.load %arg3[%get3A_38, %get3A_39, %get3A_40] : memref<3x128x128xf32, #tpu.memory_space<vmem>>, vector<1x128x128xf32>
    %get3A_42 = vector.shape_cast %get3A_41 : vector<1x128x128xf32> to vector<128x128xf32>
    %dot_general3A_43 = arith.constant dense<0.000000e+00> : vector<2000x128xf32>
    %dot_general3A_44 = tpu.matmul %add3A, %get3A_42, %dot_general3A_43 {dimension_numbers = #tpu.dot_dimension_numbers<[1], [0], [0], [1], [0, 0, 1, 1], [], []>, transpose_lhs_hint = false} : vector<2000x128xf32>, vector<128x128xf32>, vector<2000x128xf32> -> vector<2000x128xf32>
    %get3A_45 = arith.constant 1 : index
    %get3A_46 = arith.constant 0 : index
    %get3A_47 = arith.constant 0 : index
    %get3A_48 = vector.load %arg4[%get3A_45, %get3A_46, %get3A_47] : memref<3x128x128xf32, #tpu.memory_space<vmem>>, vector<1x128x128xf32>
    %get3A_49 = vector.shape_cast %get3A_48 : vector<1x128x128xf32> to vector<128x128xf32>
    %dot_general3A_50 = arith.constant dense<0.000000e+00> : vector<2000x128xf32>
    %dot_general3A_51 = tpu.matmul %get3A_11, %get3A_49, %dot_general3A_50 {dimension_numbers = #tpu.dot_dimension_numbers<[1], [0], [0], [1], [0, 0, 1, 1], [], []>, transpose_lhs_hint = false} : vector<2000x128xf32>, vector<128x128xf32>, vector<2000x128xf32> -> vector<2000x128xf32>
    %add3A_52 = arith.addf %dot_general3A_44, %dot_general3A_51 : vector<2000x128xf32>
    %get3A_53 = arith.constant 1 : index
    %get3A_54 = arith.constant 0 : index
    %get3A_55 = arith.constant 0 : index
    %get3A_56 = vector.load %arg5[%get3A_53, %get3A_54, %get3A_55] : memref<3x1x128xf32, #tpu.memory_space<vmem>>, vector<1x1x128xf32>
    %get3A_57 = vector.shape_cast %get3A_56 : vector<1x1x128xf32> to vector<1x128xf32>
    %add3A_58 = vector.broadcast %get3A_57 : vector<1x128xf32> to vector<2000x128xf32>
    %add3A_59 = arith.addf %add3A_52, %add3A_58 : vector<2000x128xf32>
    %logistic3A_60 = arith.negf %add3A_59 : vector<2000x128xf32>
    %logistic3A_61 = math.exp %logistic3A_60 : vector<2000x128xf32>
    %logistic3A_62 = arith.constant 1.000000e+00 : f32
    %logistic3A_63 = vector.broadcast %logistic3A_62 : f32 to vector<2000x128xf32>
    %logistic3A_64 = arith.addf %logistic3A_63, %logistic3A_61 : vector<2000x128xf32>
    %logistic3A_65 = arith.divf %logistic3A_63, %logistic3A_64 : vector<2000x128xf32>
    %get3A_66 = arith.constant 2 : index
    %get3A_67 = arith.constant 0 : index
    %get3A_68 = arith.constant 0 : index
    %get3A_69 = vector.load %arg3[%get3A_66, %get3A_67, %get3A_68] : memref<3x128x128xf32, #tpu.memory_space<vmem>>, vector<1x128x128xf32>
    %get3A_70 = vector.shape_cast %get3A_69 : vector<1x128x128xf32> to vector<128x128xf32>
    %dot_general3A_71 = arith.constant dense<0.000000e+00> : vector<2000x128xf32>
    %dot_general3A_72 = tpu.matmul %add3A, %get3A_70, %dot_general3A_71 {dimension_numbers = #tpu.dot_dimension_numbers<[1], [0], [0], [1], [0, 0, 1, 1], [], []>, transpose_lhs_hint = false} : vector<2000x128xf32>, vector<128x128xf32>, vector<2000x128xf32> -> vector<2000x128xf32>
    %mul3A = arith.mulf %logistic3A_65, %get3A_11 : vector<2000x128xf32>
    %get3A_73 = arith.constant 2 : index
    %get3A_74 = arith.constant 0 : index
    %get3A_75 = arith.constant 0 : index
    %get3A_76 = vector.load %arg4[%get3A_73, %get3A_74, %get3A_75] : memref<3x128x128xf32, #tpu.memory_space<vmem>>, vector<1x128x128xf32>
    %get3A_77 = vector.shape_cast %get3A_76 : vector<1x128x128xf32> to vector<128x128xf32>
    %dot_general3A_78 = arith.constant dense<0.000000e+00> : vector<2000x128xf32>
    %dot_general3A_79 = tpu.matmul %mul3A, %get3A_77, %dot_general3A_78 {dimension_numbers = #tpu.dot_dimension_numbers<[1], [0], [0], [1], [0, 0, 1, 1], [], []>, transpose_lhs_hint = false} : vector<2000x128xf32>, vector<128x128xf32>, vector<2000x128xf32> -> vector<2000x128xf32>
    %add3A_80 = arith.addf %dot_general3A_72, %dot_general3A_79 : vector<2000x128xf32>
    %get3A_81 = arith.constant 2 : index
    %get3A_82 = arith.constant 0 : index
    %get3A_83 = arith.constant 0 : index
    %get3A_84 = vector.load %arg5[%get3A_81, %get3A_82, %get3A_83] : memref<3x1x128xf32, #tpu.memory_space<vmem>>, vector<1x1x128xf32>
    %get3A_85 = vector.shape_cast %get3A_84 : vector<1x1x128xf32> to vector<1x128xf32>
    %add3A_86 = vector.broadcast %get3A_85 : vector<1x128xf32> to vector<2000x128xf32>
    %add3A_87 = arith.addf %add3A_80, %add3A_86 : vector<2000x128xf32>
    %tanh3A = math.tanh %add3A_87 : vector<2000x128xf32>
    %sub3A = arith.constant 1.000000e+00 : f32
    %sub3A_88 = vector.broadcast %sub3A : f32 to vector<2000x128xf32>
    %sub3A_89 = arith.subf %sub3A_88, %logistic3A_37 : vector<2000x128xf32>
    %mul3A_90 = arith.mulf %sub3A_89, %get3A_11 : vector<2000x128xf32>
    %mul3A_91 = arith.mulf %logistic3A_37, %tanh3A : vector<2000x128xf32>
    %add3A_92 = arith.addf %mul3A_90, %mul3A_91 : vector<2000x128xf32>
    %swap3A = arith.constant 0 : index
    %swap3A_93 = arith.constant 0 : index
    %swap3A_94 = vector.load %arg6[%swap3A, %swap3A_93] : memref<2000x128xf32, #tpu.memory_space<vmem>>, vector<2000x128xf32>
    tpu.vector_store %arg6[%swap3A, %swap3A_93], %add3A_92 {strides = array<i32>} : memref<2000x128xf32, #tpu.memory_space<vmem>>, vector<2000x128xf32>,
    return
  }
  func.func @transform_0(%arg0: i32) -> (i32, i32, i32) {
    %c0_i32 = arith.constant 0 : i32
    %c0_i32_0 = arith.constant 0 : i32
    %c0_i32_1 = arith.constant 0 : i32
    return %c0_i32, %arg0, %c0_i32_0 : i32, i32, i32
  }
  func.func @transform_1(%arg0: i32) -> (i32, i32) {
    %c0_i32 = arith.constant 0 : i32
    %c0_i32_0 = arith.constant 0 : i32
    return %arg0, %c0_i32 : i32, i32
  }
  func.func @transform_2(%arg0: i32) -> (i32, i32, i32) {
    %c0_i32 = arith.constant 0 : i32
    %c0_i32_0 = arith.constant 0 : i32
    %c0_i32_1 = arith.constant 0 : i32
    %c0_i32_2 = arith.constant 0 : i32
    return %c0_i32, %c0_i32_0, %c0_i32_1 : i32, i32, i32
  }
  func.func @transform_3(%arg0: i32) -> (i32, i32, i32) {
    %c0_i32 = arith.constant 0 : i32
    %c0_i32_0 = arith.constant 0 : i32
    %c0_i32_1 = arith.constant 0 : i32
    %c0_i32_2 = arith.constant 0 : i32
    return %c0_i32, %c0_i32_0, %c0_i32_1 : i32, i32, i32
  }
  func.func @transform_4(%arg0: i32) -> (i32, i32, i32) {
    %c0_i32 = arith.constant 0 : i32
    %c0_i32_0 = arith.constant 0 : i32
    %c0_i32_1 = arith.constant 0 : i32
    %c0_i32_2 = arith.constant 0 : i32
    return %c0_i32, %c0_i32_0, %c0_i32_1 : i32, i32, i32
  }
  func.func @transform_5(%arg0: i32) -> (i32, i32) {
    %c0_i32 = arith.constant 0 : i32
    %c0_i32_0 = arith.constant 0 : i32
    return %arg0, %c0_i32 : i32, i32
  }
}

</mosaic_0001>

<sc_bundles>
// kernel: kernel.12.cloned.1.call-start
scs
__scs_entry_jumppad:
0x0: {  	(pc) =	sbr.rel $0x88, $3  }
0x1: {  	(tag) =	ssettag $0x0;
	lr =	simm.s32 $0x1  }
0x2: {  	[smem:$0x3F9A] =	sst lr;
	_ =	strace $0xD0000000  }
0x3: {  	_ = 	snop  }
0x4: {  	_ = 	snop  }
0x5: {  	_ = 	snop  }
0x6: {  	_ = 	snop  }
0x7: {  	_ = 	snop  }
__scs_overlays_trampoline_lowered:
0x8: {  	[smem:$0x3FA9] =	sst s0  }
0x9: {  	[smem:$0x3FAA] =	sst s1  }
0xa: {  	[smem:$0x3FAB] =	sst s2  }
0xb: {  	[smem:$0x3FAC] =	sst s3  }
0xc: {  	[smem:$0x3FAD] =	sst s4  }
0xd: {  	[smem:$0x3FAE] =	sst s5  }
0xe: {  	[smem:$0x3FAF] =	sst s6  }
0xf: {  	[smem:$0x3FB0] =	sst s7  }
0x10: {  	[smem:$0x3FB1] =	sst s8  }
0x11: {  	[smem:$0x3FB2] =	sst s9;
	s0 =	simm.s32 @!p0 $0x0  }
0x12: {  	s1 =	sld [smem:$0x3F98];
	s0 =	simm.s32 @p0 $0x1  }
0x13: {  	[smem:$0x3FB3] =	sst s0;
	s0 =	simm.s32 @!p1 $0x0  }
0x14: {  	s2 =	sld [smem:$0x3F97];
	s0 =	simm.s32 @p1 $0x1  }
0x15: {  	[smem:$0x3FB4] =	sst s0;
	s0 =	simm.s32 @!p2 $0x0  }
0x16: {  	s3 =	sld [smem:$0x3FDB];
	s0 =	simm.s32 @p2 $0x1  }
0x17: {  	s4 =	simm.s32 $0x1BF5;
	[smem:$0x3FB6] =	sst s0  }
0x18: {  	s0 =	sld [smem:$0x3F99];
	_ =	swait.ge [sflag:s4], $0x0  }
0x19: {  	s7 =	sld [smem:$0x3F9A]  }
0x1a: {  	s8 =	sadd.s32 $0xFFFFE003, lr  }
0x1b: {  	s9 =	sadd.s32 $0xFFFFFEF7, lr;
	s5 =	simm.s32 $0xFFFFFFFF;
	p2 =	slt.u32 s8, $0xFFFFF086  }
0x1c: {  	p1 =	slt.u32 s9, $0xF7A;
	s5 =	simm.s32 @!p2 $0x0  }
0x1d: {  	s5 =	simm.s32 @p1 $0x1;
	p0 =	seq.s32 s7, s2  }
0x1e: {  	s7 =	smul.u32 @!p0 $0xF7A, s2;
	p2 =	seq.s32 @!p0 s5, $0x0  }
0x1f: {  	s9 =	smul.u32 $0xF7A, s1;
	s8 =	simm.s32 @!p0 $0x1BF5;
	p2 =	por !p2, p0  }
0x20: {  	[sflag:s8] =	ssyncset.s32 @!p0 $0xFFFFF086;
	s6 =	sadd.s32 @!p0 s3, s7;
	s7 =	simm.s32 @!p0 $0x108  }
0x21: {  	s3 =	sadd.s32 s3, s9;
	s6 =	sadd.s32 @!p0 $0x88, s6;
	s7 =	simm.s32 @p2 $0x1082  }
0x22: {  	[simem:s7], [sflag:s8] =	dma.local @!p0 [hbm:s6], $0xF7A  }
0x23: {  	s9 =	sor.u32 $0xD0000000, s2;
	s6 =	simm.s32 $0x108;
	_ =	swait.ge @!p0 [sflag:s8], $0x0  }
0x24: {  	s3 =	sadd.s32 $0x88, s3;
	s6 =	simm.s32 @!p1 $0x1082;
	[sflag:s4] =	ssyncset.s32 $0xFFFFF086  }
0x25: {  	[simem:s6], [sflag:s4] =	dma.local [hbm:s3], $0xF7A  }
0x26: {  	[smem:$0x3F9A] =	sst s1;
	(tag) =	ssettag s2;
	_ =	strace s9  }
0x27: {  	s1 =	sld [smem:$0x3FAA]  }
0x28: {  	s2 =	sld [smem:$0x3FAB]  }
0x29: {  	s4 =	sld [smem:$0x3FAD]  }
0x2a: {  	p0 =	seq.s32 s5, $0x0;
	s5 =	sld [smem:$0x3FAE]  }
0x2b: {  	s6 =	sld [smem:$0x3FAF]  }
0x2c: {  	s7 =	sld [smem:$0x3FB0]  }
0x2d: {  	s3 =	simm.s32 $0x108;
	s8 =	sld [smem:$0x3FB1]  }
0x2e: {  	s3 =	simm.s32 @!p0 $0x1082;
	s9 =	sld [smem:$0x3FB2]  }
0x2f: {  	lr =	sadd.s32 s0, s3;
	s0 =	sld [smem:$0x3FA9]  }
0x30: {  	s3 =	sld [smem:$0x3FAC]  }
0x31: {  	[smem:$0x3FB5] =	sst s10  }
0x32: {  	s10 =	sld [smem:$0x3FB3];
	_ =	sdelay $0x3  }
0x33: {  	p0 =	seq.s32 s10, $0x1;
	s10 =	sld [smem:$0x3FB5];
	_ =	sdelay $0x3  }
0x34: {  	[smem:$0x3FB5] =	sst s10  }
0x35: {  	s10 =	sld [smem:$0x3FB4];
	_ =	sdelay $0x3  }
0x36: {  	p1 =	seq.s32 s10, $0x1;
	s10 =	sld [smem:$0x3FB5];
	_ =	sdelay $0x3  }
0x37: {  	[smem:$0x3FB5] =	sst s10  }
0x38: {  	s10 =	sld [smem:$0x3FB6]  }
0x39: {  	_ = 	snop;
	(pc) =	sbr.ind lr, $3  }
0x3a: {  	_ = 	snop  }
0x3b: {  	_ = 	snop  }
0x3c: {  	p2 =	seq.s32 s10, $0x1;
	s10 =	sld [smem:$0x3FB5]  }
0x3d: {  	_ =	shalt  }
0x3e: {  	_ =	shalt  }
0x3f: {  	_ =	shalt  }
0x40: {  	_ =	shalt  }
0x41: {  	_ =	shalt  }
0x42: {  	_ =	shalt  }
0x43: {  	_ =	shalt  }
0x44: {  	_ =	shalt  }
0x45: {  	_ =	shalt  }
0x46: {  	_ =	shalt  }
0x47: {  	_ =	shalt  }
0x48: {  	_ =	shalt  }
0x49: {  	_ =	shalt  }
0x4a: {  	_ =	shalt  }
0x4b: {  	_ =	shalt  }
0x4c: {  	_ =	shalt  }
0x4d: {  	_ =	shalt  }
0x4e: {  	_ =	shalt  }
0x4f: {  	_ =	shalt  }
0x50: {  	_ =	shalt  }
0x51: {  	_ =	shalt  }
0x52: {  	_ =	shalt  }
0x53: {  	_ =	shalt  }
0x54: {  	_ =	shalt  }
0x55: {  	_ =	shalt  }
0x56: {  	_ =	shalt  }
0x57: {  	_ =	shalt  }
0x58: {  	_ =	shalt  }
0x59: {  	_ =	shalt  }
0x5a: {  	_ =	shalt  }
0x5b: {  	_ =	shalt  }
0x5c: {  	_ =	shalt  }
0x5d: {  	_ =	shalt  }
0x5e: {  	_ =	shalt  }
0x5f: {  	_ =	shalt  }
0x60: {  	_ =	shalt  }
0x61: {  	_ =	shalt  }
0x62: {  	_ =	shalt  }
0x63: {  	_ =	shalt  }
0x64: {  	_ =	shalt  }
0x65: {  	_ =	shalt  }
0x66: {  	_ =	shalt  }
0x67: {  	_ =	shalt  }
0x68: {  	_ =	shalt  }
0x69: {  	_ =	shalt  }
0x6a: {  	_ =	shalt  }
0x6b: {  	_ =	shalt  }
0x6c: {  	_ =	shalt  }
0x6d: {  	_ =	shalt  }
0x6e: {  	_ =	shalt  }
0x6f: {  	_ =	shalt  }
0x70: {  	_ =	shalt  }
0x71: {  	_ =	shalt  }
0x72: {  	_ =	shalt  }
0x73: {  	_ =	shalt  }
0x74: {  	_ =	shalt  }
0x75: {  	_ =	shalt  }
0x76: {  	_ =	shalt  }
0x77: {  	_ =	shalt  }
0x78: {  	_ =	shalt  }
0x79: {  	_ =	shalt  }
0x7a: {  	_ =	shalt  }
0x7b: {  	_ =	shalt  }
0x7c: {  	_ =	shalt  }
0x7d: {  	_ =	shalt  }
0x7e: {  	_ =	shalt  }
0x7f: {  	_ =	shalt  }
0x80: {  	_ =	shalt  }
0x81: {  	_ =	shalt  }
0x82: {  	_ =	shalt  }
0x83: {  	_ =	shalt  }
0x84: {  	_ =	shalt  }
0x85: {  	_ =	shalt  }
0x86: {  	_ =	shalt  }
0x87: {  	_ =	shalt  }
.Lfunc_end0:
.L_simem_size_0:
called_computation.1_lowered:
.L_overlay_start_0:
0x88: {  	s2 =	sld [smem:$0x3FD9]  }
0x89: {  	s3 =	sld [smem:$0x3FFE];
	_ =	sdelay $0x1  }
0x8a: {  	s1 =	srdreg.scid  }
0x8b: {  	s0 =	sand.u32 $0x1, s1  }
0x8c: {  	s17 =	sshll.u32 s0, $0xA;
	s2 =	sadd.s32 s3, s2  }
0x8d: {  	s2 =	sadd.s32 s2, s17  }
0x8e: {  	[smem:$0x3FC1] =	sst s2  }
0x8f: {  	_ = 	snop  }
0x90: {  	s2 =	sld [smem:$0x3FD0];
	(tm) =	ssettm $0x1  }
0x91: {  	s18 =	sld [smem:$0x3FFB];
	_ =	sdelay $0x3  }
0x92: {  	_ =	strace s18  }
0x93: {  	s3 =	sld [smem:$0x3FFC];
	_ =	sdelay $0x3  }
0x94: {  	_ =	strace s3  }
0x95: {  	s3 =	sld [smem:$0x3FFD];
	_ =	sdelay $0x3  }
0x96: {  	_ =	strace s3  }
0x97: {  	_ =	strace $0x8FFFFFFF  }
0x98: {  	s19 =	sld [smem:$0x3FDB];
	_ =	sdelay $0x1  }
0x99: {  	s4 =	simm.s32 $_scs_section_size  }
0x9a: {  	s5 =	simm.s32 $_size__tile_overlayer_lowered;
	s6 =	simm.s32 $_tile_overlayer_lowered  }
0x9b: {  	s22 =	simm.s32 $0x1BFF;
	s21 =	sshll.u32 s6, $0x1;
	s3 =	sadd.s32 s4, s19  }
0x9c: {  	s7 =	simm.s32 $0x0;
	s20 =	sshll.u32 s5, $0x1;
	s5 =	sadd.s32 s21, s3  }
0x9d: {  	[timem:s7], [sflag:s22] =	dma.local [hbm:s5], s20  }
0x9e: {  	_ =	swait.ge [sflag:s22], s20  }
0x9f: {  	s4 =	ssub.s32 $0x0, s20;
	[sflag:s22] =	ssyncset.done $0x0  }
0xa0: {  	[sflag:s22] =	ssyncadd.s32 s4;
	_ =	sdelay $0x1  }
0xa1: {  	s23 =	simm.s32 $0x1B8B  }
0xa2: {  	_ =	swait.ge [sflag:s23], $0x1  }
0xa3: {  	[sflag:s23] =	ssyncset.done $0x0  }
0xa4: {  	s25 =	simm.s32 $0x1B8E;
	s24 =	sld [smem:$0x3FFE];
	[sflag:s23] =	ssyncadd.s32 $0xFFFFFFFF  }
0xa5: {  	s26 =	simm.s32 $execute0_lowered;
	[smem:$0x3FD2] =	sst s25  }
0xa6: {  	s5 =	sshll.u32 s26, $0x1;
	_ =	strace $0x80000049;
	[dreg:$0x1] =	wrdreg $0xFFFFFFFF  }
0xa7: {  	s28 =	simm.s32 $_size_execute0_lowered;
	s3 =	sadd.s32 s3, s5;
	[dreg:$0x0] =	wrdreg $0x0  }
0xa8: {  	s5 =	sshll.u32 s28, $0x1;
	[dreg:$0x2] =	wrdreg s3  }
0xa9: {  	[dreg:$0x3] =	wrdreg s5  }
0xaa: {  	[dreg:$0x4] =	wrdreg $0xC0  }
0xab: {  	_ =	task [dreg:s7], $0x5FFFF  }
0xac: {  	[dreg:$0x1] =	wrdreg $0xFFFFFFFF  }
0xad: {  	[dreg:$0x0] =	wrdreg $0x60  }
0xae: {  	[dreg:$0x2] =	wrdreg s24  }
0xaf: {  	[dreg:$0x3] =	wrdreg s2  }
0xb0: {  	[dreg:$0x4] =	wrdreg $0x0  }
0xb1: {  	[dreg:$0x5] =	wrdreg $0x9  }
0xb2: {  	_ =	task.clear_ibuf [dreg:s7], $0x6FFFF;
	_ =	strace $0x90000049  }
0xb3: {  	s29 =	simm.s32 $0x9;
	_ =	strace $0x8000004B  }
0xb4: {  	_ =	swait.ge [sflag:s29], $0x1  }
0xb5: {  	[sflag:s29] =	ssyncadd.s32 $0xFFFFFFFF  }
0xb6: {  	_ =	strace $0x9000004B  }
0xb7: {  	_ =	sfence  }
0xb8: {  	s30 =	sld [smem:$0x0];
	_ =	sdelay $0x2  }
0xb9: {  	s31 =	sshll.u32 s1, $0xD;
	s1 =	sshrl.u32 s1, $0x2  }
0xba: {  	s3 =	sand.u32 $0x4000, s31;
	s1 =	sadd.s32 s1, s30  }
0xbb: {  	s0 =	sor.u32 s3, s0;
	s1 =	sshll.u32 s1, $0x11  }
0xbc: {  	s0 =	sor.u32 s1, s0  }
0xbd: {  	s0 =	sadd.s32 $0x8F2B, s0  }
0xbe: {  	[sflag:s0] =	ssyncadd.remote.s32 $0x1  }
0xbf: {  	_ =	sfence.sel $0xFFFF  }
0xc0: {  	[dreg:$0x0] =	wrdreg $0xFFFFFFFF;
	(pc) =	sbr.abs _section_cstart, $3  }
0xc1: {  	[dreg:$0x1] =	wrdreg $0xFFFFFFFF  }
0xc2: {  	_ =	task.clear_ibuf [dreg:s7], $0x2FFFF;
	_ =	strace $0x9FFFFFFF  }
0xc3: {  	(tm) =	ssettm $0x7FFFFFFF  }
tec
execute0_lowered:
.L_overlay_start_1:
0x0: {  	(tag) =	ssettag $0x1  }
0x1: {  	s0 =	rddreg [dreg:$0x0]  }
0x2: {  	s3 =	rddreg [dreg:$0x1]  }
0x3: {  	s1 =	rddreg [dreg:$0x2]  }
0x4: {  	s2 =	simm.s32 $0x0;
	s4 =	srdreg.scid;
	s12 =	stileid.u32  }
0x5: {  	s28 =	simm.s32 $0x14000;
	s29 =	simm.s32 $0x15C00;
	s30 =	simm.s32 $0x80  }
0x6: {  	s31 =	simm.s32 $0x1B800;
	s5 =	sand.u32 $0x1, s4;
	s8 =	smul.u32 $0x50000, s12  }
0x7: {  	[smem:$0x7FF] =	sst s2;
	s11 =	sadd.s32 $0x3600, s0;
	s6 =	smul.u32 $0x28000, s5  }
0x8: {  	s4 =	sshll.u32 s5, $0x4;
	_ =	strace $0x8000004A;
	s5 =	ssub.s32 $0x2, s5  }
0x9: {  	s7 =	sor.u32 s12, s4;
	s4 =	sadd.s32 $0x18600, s0;
	s10 =	sshrl.u32 s5, $0x1  }
0xa: {  	s8 =	sshrl.u32 s8, $0x2;
	s9 =	smul.u32 $0x1C00, s7;
	s6 =	sadd.s32 s6, s0  }
0xb: {  	s7 =	smul.u32 $0x380, s7;
	s14 =	ssub.s32 s5, s10;
	s5 =	sadd.s32 s8, s1  }
0xc: {  	s10 =	sadd.s32 $0x3F700, s0;
	s15 =	sadd.s32 $0x8DA00, s6;
	s16 =	sadd.s32 $0x4000, s5  }
0xd: {  	s17 =	sadd.s32 $0x6000, s5;
	s18 =	sadd.s32 $0x8000, s5;
	s19 =	sadd.s32 $0xA000, s5  }
0xe: {  	s20 =	sadd.s32 $0xC000, s5;
	s21 =	sadd.s32 $0xE000, s5;
	s22 =	sadd.s32 $0x10000, s5  }
0xf: {  	s23 =	sadd.s32 $0x12000, s5;
	s6 =	simm.s32 $0x15A80;
	s25 =	sadd.s32 s3, s7  }
0x10: {  	s9 =	sshrl.u32 s9, $0x3;
	s7 =	sadd.s32 s11, s7;
	[dreg:$0x4] =	wrdreg s25  }
0x11: {  	s24 =	sadd.s32 $0x7000, s9;
	[dreg:$0x5] =	wrdreg s7;
	s25 =	smax.u32 s14, $0x1  }
0x12: {  	s9 =	sadd.s32 $0xE000, s9;
	s26 =	sadd.s32 s3, s24;
	[dreg:$0xa] =	wrdreg s25  }
0x13: {  	s7 =	simm.s32 $0x17600;
	s8 =	sadd.s32 s11, s24;
	[dreg:$0x6] =	wrdreg s26  }
0x14: {  	s3 =	sadd.s32 s3, s9;
	s13 =	sadd.s32 s11, s9;
	[dreg:$0x7] =	wrdreg s8  }
0x15: {  	s24 =	smul.u32 $0x2800, s12;
	s25 =	simm.s32 $0x17800;
	[dreg:$0x8] =	wrdreg s3  }
0x16: {  	[dreg:$0x9] =	wrdreg s13;
	s13 =	sadd.s32 $0x66800, s0;
	s26 =	sadd.s32 $0x2000, s5  }
0x17: {  	s0 =	simm.s32 $0x1;
	s3 =	simm.s32 $0x2;
	s8 =	simm.s32 $0x17680  }
0x18: {  	v0 =	vimm.f32 $0.0e+00;
	[dreg:$0xb] =	wrdreg s26;
	s24 =	sadd.s32 s24, s15;
	s26 =	simm.s32 $0x3  }
.LBB2_1:
0x19: {  	s9 =	simm.s32 $0x0;
	s11 =	simm.s32 $0x200  }
.LBB2_2:
0x1a: {  	p0 =	sne.s32 s11, $0xFE00;
	[tilespmem:s9+$0x17870] =	vst v0  }
0x1b: {  	[tilespmem:s9+$0x17800] =	vst v0  }
0x1c: {  	[tilespmem:s9+$0x17810] =	vst v0  }
.Ltmp0:
0x1d: {  	[tilespmem:s9+$0x17820] =	vst v0;
	(pc) =	sbr.rel @p0 .LBB2_2-.Ltmp0, $4  }
0x1e: {  	[tilespmem:s9+$0x17830] =	vst v0  }
0x1f: {  	[tilespmem:s9+$0x17840] =	vst v0  }
0x20: {  	[tilespmem:s9+$0x17850] =	vst v0  }
0x21: {  	[tilespmem:s9+$0x17860] =	vst v0;
	s9 =	sshra.s32 s11, $0x2;
	s11 =	sadd.s32 $0x200, s11  }
0x22: {  	[tilespmem:s9+$0x17870] =	vst v0  }
0x23: {  	[tilespmem:s9+$0x17800] =	vst v0  }
0x24: {  	[tilespmem:s9+$0x17810] =	vst v0  }
0x25: {  	[tilespmem:s9+$0x17820] =	vst v0  }
0x26: {  	[tilespmem:s9+$0x17830] =	vst v0  }
0x27: {  	[tilespmem:s9+$0x17840] =	vst v0  }
0x28: {  	[tilespmem:s9+$0x17850] =	vst v0  }
0x29: {  	[tilespmem:s9+$0x17860] =	vst v0  }
0x2a: {  	[spmem:s5] =	stream.linear.scatter [tilespmem:s25], [sflag:$0x3], $0x2000, $0x38;
	[tilespmem:$0x1F800] =	vst v63  }
0x2b: {  	_ =	swait.ge [sflag:s26], $0x2000  }
0x2c: {  	[sflag:s26] =	ssyncset.done $0x0  }
0x2d: {  	s12 =	rddreg [dreg:$0xb];
	[sflag:s26] =	ssyncadd.s32 $0xFFFFE000  }
0x2e: {  	[spmem:s12] =	stream.linear.scatter [tilespmem:s25], [sflag:$0x3], $0x2000, $0x38;
	[tilespmem:$0x1F800] =	vst v63  }
0x2f: {  	_ =	swait.ge [sflag:s26], $0x2000  }
0x30: {  	[sflag:s26] =	ssyncset.done $0x0  }
0x31: {  	[sflag:s26] =	ssyncadd.s32 $0xFFFFE000  }
0x32: {  	[spmem:s16] =	stream.linear.scatter [tilespmem:s25], [sflag:$0x3], $0x2000, $0x38;
	[tilespmem:$0x1F800] =	vst v63  }
0x33: {  	_ =	swait.ge [sflag:s26], $0x2000  }
0x34: {  	[sflag:s26] =	ssyncset.done $0x0  }
0x35: {  	[sflag:s26] =	ssyncadd.s32 $0xFFFFE000  }
0x36: {  	[spmem:s17] =	stream.linear.scatter [tilespmem:s25], [sflag:$0x3], $0x2000, $0x38;
	[tilespmem:$0x1F800] =	vst v63  }
0x37: {  	_ =	swait.ge [sflag:s26], $0x2000  }
0x38: {  	[sflag:s26] =	ssyncset.done $0x0  }
0x39: {  	[sflag:s26] =	ssyncadd.s32 $0xFFFFE000  }
0x3a: {  	[spmem:s18] =	stream.linear.scatter [tilespmem:s25], [sflag:$0x3], $0x2000, $0x38;
	[tilespmem:$0x1F800] =	vst v63  }
0x3b: {  	_ =	swait.ge [sflag:s26], $0x2000  }
0x3c: {  	[sflag:s26] =	ssyncset.done $0x0  }
0x3d: {  	[sflag:s26] =	ssyncadd.s32 $0xFFFFE000  }
0x3e: {  	[spmem:s19] =	stream.linear.scatter [tilespmem:s25], [sflag:$0x3], $0x2000, $0x38;
	[tilespmem:$0x1F800] =	vst v63  }
0x3f: {  	_ =	swait.ge [sflag:s26], $0x2000  }
0x40: {  	[sflag:s26] =	ssyncset.done $0x0  }
0x41: {  	[sflag:s26] =	ssyncadd.s32 $0xFFFFE000  }
0x42: {  	[spmem:s20] =	stream.linear.scatter [tilespmem:s25], [sflag:$0x3], $0x2000, $0x38;
	[tilespmem:$0x1F800] =	vst v63  }
0x43: {  	_ =	swait.ge [sflag:s26], $0x2000  }
0x44: {  	[sflag:s26] =	ssyncset.done $0x0  }
0x45: {  	[sflag:s26] =	ssyncadd.s32 $0xFFFFE000  }
0x46: {  	[spmem:s21] =	stream.linear.scatter [tilespmem:s25], [sflag:$0x3], $0x2000, $0x38;
	[tilespmem:$0x1F800] =	vst v63  }
0x47: {  	_ =	swait.ge [sflag:s26], $0x2000  }
0x48: {  	[sflag:s26] =	ssyncset.done $0x0  }
0x49: {  	[sflag:s26] =	ssyncadd.s32 $0xFFFFE000  }
0x4a: {  	[spmem:s22] =	stream.linear.scatter [tilespmem:s25], [sflag:$0x3], $0x2000, $0x38;
	[tilespmem:$0x1F800] =	vst v63  }
0x4b: {  	_ =	swait.ge [sflag:s26], $0x2000  }
0x4c: {  	[sflag:s26] =	ssyncset.done $0x0  }
0x4d: {  	[sflag:s26] =	ssyncadd.s32 $0xFFFFE000  }
0x4e: {  	[spmem:s23] =	stream.linear.scatter [tilespmem:s25], [sflag:$0x3], $0x2000, $0x38;
	[tilespmem:$0x1F800] =	vst v63  }
0x4f: {  	_ =	swait.ge [sflag:s26], $0x2000  }
0x50: {  	[sflag:s26] =	ssyncset.done $0x0  }
0x51: {  	[sflag:s26] =	ssyncadd.s32 $0xFFFFE000  }
0x52: {  	[bflag:$0x0] =	sbarrier.arrive $0xFFFF  }
0x53: {  	s14 =	simm.s32 $0x0;
	s11 =	rddreg [dreg:$0x4]  }
0x54: {  	[tilespmem:s28], [sflag:$0x3] =	stream.linear.gather [hbm4b:s11+s14], $0x1C00, $0x38;
	[tilespmem:$0x1F800] =	vst v63  }
0x55: {  	_ =	swait.ge [sflag:s26], $0x1C00  }
0x56: {  	[sflag:s26] =	ssyncset.done $0x0  }
0x57: {  	s15 =	rddreg [dreg:$0x5];
	[sflag:s26] =	ssyncadd.s32 $0xFFFFE400  }
0x58: {  	[tilespmem:s29], [sflag:$0x3] =	stream.linear.gather [hbm4b:s15+s14], $0x1C00, $0x38;
	[tilespmem:$0x1F800] =	vst v63  }
0x59: {  	_ =	swait.ge [sflag:s26], $0x1C00  }
0x5a: {  	[sflag:s26] =	ssyncset.done $0x0  }
0x5b: {  	[sflag:s26] =	ssyncadd.s32 $0xFFFFE400  }
0x5c: {  	[tilespmem:s25], [sflag:$0x1] =	stream.indirect.gather [hbm4b:s4+s30], $0x80, s28, s30, $0xb8;
	[tilespmem:$0x1F800] =	vst v63  }
0x5d: {  	s11 =	simm.s32 $0x14080  }
0x5e: {  	[tilespmem:s31], [sflag:$0x2] =	stream.indirect.gather [hbm4b:s4+s30], $0x80, s11, s30, $0xb8;
	[tilespmem:$0x1F800] =	vst v63  }
0x5f: {  	_ =	swait.ge [sflag:s0], $0x4000  }
0x60: {  	[sflag:s0] =	ssyncset.done $0x0  }
0x61: {  	s12 =	simm.s32 $0x15C00;
	[sflag:s0] =	ssyncadd.s32 $0xFFFFC000  }
0x62: {  	[spmem:s1] =	stream.indirect.scatter.add.f32 [tilespmem:s25], [sflag:$0x3], $0x80, s12, s30, $0xb8;
	[tilespmem:$0x1F800] =	vst v63  }
0x63: {  	_ =	swait.ge [sflag:s26], $0x4000  }
0x64: {  	[sflag:s26] =	ssyncset.done $0x0  }
0x65: {  	s14 =	simm.s32 $0x14100;
	[sflag:s26] =	ssyncadd.s32 $0xFFFFC000  }
0x66: {  	[tilespmem:s25], [sflag:$0x1] =	stream.indirect.gather [hbm4b:s4+s30], $0x80, s14, s30, $0xb8;
	[tilespmem:$0x1F800] =	vst v63  }
0x67: {  	_ =	swait.ge [sflag:s3], $0x4000  }
0x68: {  	[sflag:s3] =	ssyncset.done $0x0  }
0x69: {  	s15 =	simm.s32 $0x15C80;
	[sflag:s3] =	ssyncadd.s32 $0xFFFFC000  }
0x6a: {  	[spmem:s1] =	stream.indirect.scatter.add.f32 [tilespmem:s31], [sflag:$0x3], $0x80, s15, s30, $0xb8;
	[tilespmem:$0x1F800] =	vst v63  }
0x6b: {  	_ =	swait.ge [sflag:s26], $0x4000  }
0x6c: {  	s9 =	simm.s32 $0x100;
	s11 =	simm.s32 $0x800;
	[sflag:s26] =	ssyncset.done $0x0  }
.LBB2_4:
0x6d: {  	s12 =	sadd.s32 $0x14080, s9  }
0x6e: {  	[sflag:s26] =	ssyncadd.s32 $0xFFFFC000;
	s14 =	smov.u32 s11;
	s15 =	sadd.s32 $0x400, s11  }
0x6f: {  	[tilespmem:s31], [sflag:$0x2] =	stream.indirect.gather [hbm4b:s4+s30], $0x80, s12, s30, $0xb8;
	[tilespmem:$0x1F800] =	vst v63  }
0x70: {  	p0 =	sne.s32 s11, $0x6400;
	_ =	swait.ge [sflag:s0], $0x4000  }
0x71: {  	[sflag:s0] =	ssyncset.done $0x0  }
0x72: {  	s11 =	sadd.s32 $0x15C00, s9;
	[sflag:s0] =	ssyncadd.s32 $0xFFFFC000  }
0x73: {  	[spmem:s1] =	stream.indirect.scatter.add.f32 [tilespmem:s25], [sflag:$0x3], $0x80, s11, s30, $0xb8;
	[tilespmem:$0x1F800] =	vst v63  }
0x74: {  	_ =	swait.ge [sflag:s26], $0x4000  }
0x75: {  	[sflag:s26] =	ssyncset.done $0x0  }
0x76: {  	s11 =	sadd.s32 $0x14100, s9;
	[sflag:s26] =	ssyncadd.s32 $0xFFFFC000  }
0x77: {  	[tilespmem:s25], [sflag:$0x1] =	stream.indirect.gather [hbm4b:s4+s30], $0x80, s11, s30, $0xb8;
	[tilespmem:$0x1F800] =	vst v63  }
0x78: {  	_ =	swait.ge [sflag:s3], $0x4000  }
.Ltmp1:
0x79: {  	[sflag:s3] =	ssyncset.done $0x0;
	(pc) =	sbr.rel @p0 .LBB2_4-.Ltmp1, $4  }
0x7a: {  	s9 =	sadd.s32 $0x15C80, s9;
	[sflag:s3] =	ssyncadd.s32 $0xFFFFC000  }
0x7b: {  	[spmem:s1] =	stream.indirect.scatter.add.f32 [tilespmem:s31], [sflag:$0x3], $0x80, s9, s30, $0xb8;
	[tilespmem:$0x1F800] =	vst v63  }
0x7c: {  	_ =	swait.ge [sflag:s26], $0x4000  }
0x7d: {  	s11 =	smov.u32 s15;
	s9 =	sshra.s32 s14, $0x2;
	[sflag:s26] =	ssyncset.done $0x0  }
0x7e: {  	s11 =	sadd.s32 $0x14080, s9;
	[sflag:s26] =	ssyncadd.s32 $0xFFFFC000  }
0x7f: {  	[tilespmem:s31], [sflag:$0x2] =	stream.indirect.gather [hbm4b:s4+s30], $0x80, s11, s30, $0xb8;
	[tilespmem:$0x1F800] =	vst v63  }
0x80: {  	_ =	swait.ge [sflag:s0], $0x4000  }
0x81: {  	[sflag:s0] =	ssyncset.done $0x0  }
0x82: {  	s14 =	sadd.s32 $0x15C00, s9;
	[sflag:s0] =	ssyncadd.s32 $0xFFFFC000  }
0x83: {  	[spmem:s1] =	stream.indirect.scatter.add.f32 [tilespmem:s25], [sflag:$0x3], $0x80, s14, s30, $0xb8;
	[tilespmem:$0x1F800] =	vst v63  }
0x84: {  	_ =	swait.ge [sflag:s26], $0x4000  }
0x85: {  	[sflag:s26] =	ssyncset.done $0x0  }
0x86: {  	s15 =	sadd.s32 $0x14100, s9;
	[sflag:s26] =	ssyncadd.s32 $0xFFFFC000  }
0x87: {  	[tilespmem:s25], [sflag:$0x1] =	stream.indirect.gather [hbm4b:s4+s30], $0x80, s15, s30, $0xb8;
	[tilespmem:$0x1F800] =	vst v63  }
0x88: {  	_ =	swait.ge [sflag:s3], $0x4000  }
0x89: {  	[sflag:s3] =	ssyncset.done $0x0  }
0x8a: {  	s11 =	sadd.s32 $0x15C80, s9;
	[sflag:s3] =	ssyncadd.s32 $0xFFFFC000  }
0x8b: {  	[spmem:s1] =	stream.indirect.scatter.add.f32 [tilespmem:s31], [sflag:$0x3], $0x80, s11, s30, $0xb8;
	[tilespmem:$0x1F800] =	vst v63  }
0x8c: {  	_ =	swait.ge [sflag:s26], $0x4000  }
0x8d: {  	[sflag:s26] =	ssyncset.done $0x0  }
0x8e: {  	[sflag:s26] =	ssyncadd.s32 $0xFFFFC000  }
0x8f: {  	[tilespmem:s31], [sflag:$0x2] =	stream.indirect.gather [hbm4b:s4+s30], $0x80, s6, s30, $0xb8;
	[tilespmem:$0x1F800] =	vst v63  }
0x90: {  	_ =	swait.ge [sflag:s0], $0x4000  }
0x91: {  	[sflag:s0] =	ssyncset.done $0x0  }
0x92: {  	[sflag:s0] =	ssyncadd.s32 $0xFFFFC000  }
0x93: {  	[spmem:s1] =	stream.indirect.scatter.add.f32 [tilespmem:s25], [sflag:$0x3], $0x80, s7, s30, $0xb8;
	[tilespmem:$0x1F800] =	vst v63  }
0x94: {  	_ =	swait.ge [sflag:s26], $0x4000  }
0x95: {  	[sflag:s26] =	ssyncset.done $0x0  }
0x96: {  	[sflag:s26] =	ssyncadd.s32 $0xFFFFC000  }
0x97: {  	[tilespmem:s25], [sflag:$0x1] =	stream.indirect.gather [hbm4b:s4+s30], $0x80, s28, s30, $0xb8;
	[tilespmem:$0x1F800] =	vst v63  }
0x98: {  	_ =	swait.ge [sflag:s3], $0x4000  }
0x99: {  	[sflag:s3] =	ssyncset.done $0x0  }
0x9a: {  	[sflag:s3] =	ssyncadd.s32 $0xFFFFC000  }
0x9b: {  	[spmem:s1] =	stream.indirect.scatter.add.f32 [tilespmem:s31], [sflag:$0x3], $0x80, s8, s30, $0xb8;
	[tilespmem:$0x1F800] =	vst v63  }
0x9c: {  	_ =	swait.ge [sflag:s26], $0x4000  }
0x9d: {  	[sflag:s26] =	ssyncset.done $0x0  }
0x9e: {  	[sflag:s26] =	ssyncadd.s32 $0xFFFFC000  }
0x9f: {  	_ =	swait.ge [sflag:s0], $0x4000  }
0xa0: {  	[sflag:s0] =	ssyncset.done $0x0  }
0xa1: {  	s12 =	simm.s32 $0x0;
	s14 =	rddreg [dreg:$0x6];
	[sflag:s0] =	ssyncadd.s32 $0xFFFFC000  }
0xa2: {  	[tilespmem:s28], [sflag:$0x3] =	stream.linear.gather [hbm4b:s14+s12], $0x1C00, $0x38;
	[tilespmem:$0x1F800] =	vst v63  }
0xa3: {  	_ =	swait.ge [sflag:s26], $0x1C00  }
0xa4: {  	[sflag:s26] =	ssyncset.done $0x0  }
0xa5: {  	s15 =	rddreg [dreg:$0x7];
	[sflag:s26] =	ssyncadd.s32 $0xFFFFE400  }
0xa6: {  	[tilespmem:s29], [sflag:$0x3] =	stream.linear.gather [hbm4b:s15+s12], $0x1C00, $0x38;
	[tilespmem:$0x1F800] =	vst v63  }
0xa7: {  	_ =	swait.ge [sflag:s26], $0x1C00  }
0xa8: {  	[sflag:s26] =	ssyncset.done $0x0  }
0xa9: {  	[sflag:s26] =	ssyncadd.s32 $0xFFFFE400  }
0xaa: {  	[tilespmem:s25], [sflag:$0x1] =	stream.indirect.gather [hbm4b:s10+s30], $0x80, s28, s30, $0xb8;
	[tilespmem:$0x1F800] =	vst v63  }
0xab: {  	s11 =	simm.s32 $0x14080  }
0xac: {  	[tilespmem:s31], [sflag:$0x2] =	stream.indirect.gather [hbm4b:s10+s30], $0x80, s11, s30, $0xb8;
	[tilespmem:$0x1F800] =	vst v63  }
0xad: {  	_ =	swait.ge [sflag:s0], $0x4000  }
0xae: {  	[sflag:s0] =	ssyncset.done $0x0  }
0xaf: {  	s12 =	simm.s32 $0x15C00;
	[sflag:s0] =	ssyncadd.s32 $0xFFFFC000  }
0xb0: {  	[spmem:s1] =	stream.indirect.scatter.add.f32 [tilespmem:s25], [sflag:$0x3], $0x80, s12, s30, $0xb8;
	[tilespmem:$0x1F800] =	vst v63  }
0xb1: {  	_ =	swait.ge [sflag:s26], $0x4000  }
0xb2: {  	[sflag:s26] =	ssyncset.done $0x0  }
0xb3: {  	s14 =	simm.s32 $0x14100;
	[sflag:s26] =	ssyncadd.s32 $0xFFFFC000  }
0xb4: {  	[tilespmem:s25], [sflag:$0x1] =	stream.indirect.gather [hbm4b:s10+s30], $0x80, s14, s30, $0xb8;
	[tilespmem:$0x1F800] =	vst v63  }
0xb5: {  	_ =	swait.ge [sflag:s3], $0x4000  }
0xb6: {  	[sflag:s3] =	ssyncset.done $0x0  }
0xb7: {  	s15 =	simm.s32 $0x15C80;
	[sflag:s3] =	ssyncadd.s32 $0xFFFFC000  }
0xb8: {  	[spmem:s1] =	stream.indirect.scatter.add.f32 [tilespmem:s31], [sflag:$0x3], $0x80, s15, s30, $0xb8;
	[tilespmem:$0x1F800] =	vst v63  }
0xb9: {  	_ =	swait.ge [sflag:s26], $0x4000  }
0xba: {  	s9 =	simm.s32 $0x100;
	s11 =	simm.s32 $0x800;
	[sflag:s26] =	ssyncset.done $0x0  }
.LBB2_6:
0xbb: {  	s12 =	sadd.s32 $0x14080, s9  }
0xbc: {  	[sflag:s26] =	ssyncadd.s32 $0xFFFFC000;
	s14 =	smov.u32 s11;
	s15 =	sadd.s32 $0x400, s11  }
0xbd: {  	[tilespmem:s31], [sflag:$0x2] =	stream.indirect.gather [hbm4b:s10+s30], $0x80, s12, s30, $0xb8;
	[tilespmem:$0x1F800] =	vst v63  }
0xbe: {  	p0 =	sne.s32 s11, $0x6400;
	_ =	swait.ge [sflag:s0], $0x4000  }
0xbf: {  	[sflag:s0] =	ssyncset.done $0x0  }
0xc0: {  	s11 =	sadd.s32 $0x15C00, s9;
	[sflag:s0] =	ssyncadd.s32 $0xFFFFC000  }
0xc1: {  	[spmem:s1] =	stream.indirect.scatter.add.f32 [tilespmem:s25], [sflag:$0x3], $0x80, s11, s30, $0xb8;
	[tilespmem:$0x1F800] =	vst v63  }
0xc2: {  	_ =	swait.ge [sflag:s26], $0x4000  }
0xc3: {  	[sflag:s26] =	ssyncset.done $0x0  }
0xc4: {  	s11 =	sadd.s32 $0x14100, s9;
	[sflag:s26] =	ssyncadd.s32 $0xFFFFC000  }
0xc5: {  	[tilespmem:s25], [sflag:$0x1] =	stream.indirect.gather [hbm4b:s10+s30], $0x80, s11, s30, $0xb8;
	[tilespmem:$0x1F800] =	vst v63  }
0xc6: {  	_ =	swait.ge [sflag:s3], $0x4000  }
.Ltmp2:
0xc7: {  	[sflag:s3] =	ssyncset.done $0x0;
	(pc) =	sbr.rel @p0 .LBB2_6-.Ltmp2, $4  }
0xc8: {  	s9 =	sadd.s32 $0x15C80, s9;
	[sflag:s3] =	ssyncadd.s32 $0xFFFFC000  }
0xc9: {  	[spmem:s1] =	stream.indirect.scatter.add.f32 [tilespmem:s31], [sflag:$0x3], $0x80, s9, s30, $0xb8;
	[tilespmem:$0x1F800] =	vst v63  }
0xca: {  	_ =	swait.ge [sflag:s26], $0x4000  }
0xcb: {  	s11 =	smov.u32 s15;
	s9 =	sshra.s32 s14, $0x2;
	[sflag:s26] =	ssyncset.done $0x0  }
0xcc: {  	s11 =	sadd.s32 $0x14080, s9;
	[sflag:s26] =	ssyncadd.s32 $0xFFFFC000  }
0xcd: {  	[tilespmem:s31], [sflag:$0x2] =	stream.indirect.gather [hbm4b:s10+s30], $0x80, s11, s30, $0xb8;
	[tilespmem:$0x1F800] =	vst v63  }
0xce: {  	_ =	swait.ge [sflag:s0], $0x4000  }
0xcf: {  	[sflag:s0] =	ssyncset.done $0x0  }
0xd0: {  	s14 =	sadd.s32 $0x15C00, s9;
	[sflag:s0] =	ssyncadd.s32 $0xFFFFC000  }
0xd1: {  	[spmem:s1] =	stream.indirect.scatter.add.f32 [tilespmem:s25], [sflag:$0x3], $0x80, s14, s30, $0xb8;
	[tilespmem:$0x1F800] =	vst v63  }
0xd2: {  	_ =	swait.ge [sflag:s26], $0x4000  }
0xd3: {  	[sflag:s26] =	ssyncset.done $0x0  }
0xd4: {  	s15 =	sadd.s32 $0x14100, s9;
	[sflag:s26] =	ssyncadd.s32 $0xFFFFC000  }
0xd5: {  	[tilespmem:s25], [sflag:$0x1] =	stream.indirect.gather [hbm4b:s10+s30], $0x80, s15, s30, $0xb8;
	[tilespmem:$0x1F800] =	vst v63  }
0xd6: {  	_ =	swait.ge [sflag:s3], $0x4000  }
0xd7: {  	[sflag:s3] =	ssyncset.done $0x0  }
0xd8: {  	s11 =	sadd.s32 $0x15C80, s9;
	[sflag:s3] =	ssyncadd.s32 $0xFFFFC000  }
0xd9: {  	[spmem:s1] =	stream.indirect.scatter.add.f32 [tilespmem:s31], [sflag:$0x3], $0x80, s11, s30, $0xb8;
	[tilespmem:$0x1F800] =	vst v63  }
0xda: {  	_ =	swait.ge [sflag:s26], $0x4000  }
0xdb: {  	[sflag:s26] =	ssyncset.done $0x0  }
0xdc: {  	[sflag:s26] =	ssyncadd.s32 $0xFFFFC000  }
0xdd: {  	[tilespmem:s31], [sflag:$0x2] =	stream.indirect.gather [hbm4b:s10+s30], $0x80, s6, s30, $0xb8;
	[tilespmem:$0x1F800] =	vst v63  }
0xde: {  	_ =	swait.ge [sflag:s0], $0x4000  }
0xdf: {  	[sflag:s0] =	ssyncset.done $0x0  }
0xe0: {  	[sflag:s0] =	ssyncadd.s32 $0xFFFFC000  }
0xe1: {  	[spmem:s1] =	stream.indirect.scatter.add.f32 [tilespmem:s25], [sflag:$0x3], $0x80, s7, s30, $0xb8;
	[tilespmem:$0x1F800] =	vst v63  }
0xe2: {  	_ =	swait.ge [sflag:s26], $0x4000  }
0xe3: {  	[sflag:s26] =	ssyncset.done $0x0  }
0xe4: {  	[sflag:s26] =	ssyncadd.s32 $0xFFFFC000  }
0xe5: {  	[tilespmem:s25], [sflag:$0x1] =	stream.indirect.gather [hbm4b:s10+s30], $0x80, s28, s30, $0xb8;
	[tilespmem:$0x1F800] =	vst v63  }
0xe6: {  	_ =	swait.ge [sflag:s3], $0x4000  }
0xe7: {  	[sflag:s3] =	ssyncset.done $0x0  }
0xe8: {  	[sflag:s3] =	ssyncadd.s32 $0xFFFFC000  }
0xe9: {  	[spmem:s1] =	stream.indirect.scatter.add.f32 [tilespmem:s31], [sflag:$0x3], $0x80, s8, s30, $0xb8;
	[tilespmem:$0x1F800] =	vst v63  }
0xea: {  	_ =	swait.ge [sflag:s26], $0x4000  }
0xeb: {  	[sflag:s26] =	ssyncset.done $0x0  }
0xec: {  	[sflag:s26] =	ssyncadd.s32 $0xFFFFC000  }
0xed: {  	_ =	swait.ge [sflag:s0], $0x4000  }
0xee: {  	[sflag:s0] =	ssyncset.done $0x0  }
0xef: {  	s12 =	simm.s32 $0x0;
	s14 =	rddreg [dreg:$0x8];
	[sflag:s0] =	ssyncadd.s32 $0xFFFFC000  }
0xf0: {  	[tilespmem:s28], [sflag:$0x3] =	stream.linear.gather [hbm4b:s14+s12], $0x1C00, $0x38;
	[tilespmem:$0x1F800] =	vst v63  }
0xf1: {  	_ =	swait.ge [sflag:s26], $0x1C00  }
0xf2: {  	[sflag:s26] =	ssyncset.done $0x0  }
0xf3: {  	s15 =	rddreg [dreg:$0x9];
	[sflag:s26] =	ssyncadd.s32 $0xFFFFE400  }
0xf4: {  	[tilespmem:s29], [sflag:$0x3] =	stream.linear.gather [hbm4b:s15+s12], $0x1C00, $0x38;
	[tilespmem:$0x1F800] =	vst v63  }
0xf5: {  	_ =	swait.ge [sflag:s26], $0x1C00  }
0xf6: {  	[sflag:s26] =	ssyncset.done $0x0  }
0xf7: {  	[sflag:s26] =	ssyncadd.s32 $0xFFFFE400  }
0xf8: {  	[tilespmem:s25], [sflag:$0x1] =	stream.indirect.gather [hbm4b:s13+s30], $0x80, s28, s30, $0xb8;
	[tilespmem:$0x1F800] =	vst v63  }
0xf9: {  	s11 =	simm.s32 $0x14080  }
0xfa: {  	[tilespmem:s31], [sflag:$0x2] =	stream.indirect.gather [hbm4b:s13+s30], $0x80, s11, s30, $0xb8;
	[tilespmem:$0x1F800] =	vst v63  }
0xfb: {  	_ =	swait.ge [sflag:s0], $0x4000  }
0xfc: {  	[sflag:s0] =	ssyncset.done $0x0  }
0xfd: {  	s12 =	simm.s32 $0x15C00;
	[sflag:s0] =	ssyncadd.s32 $0xFFFFC000  }
0xfe: {  	[spmem:s1] =	stream.indirect.scatter.add.f32 [tilespmem:s25], [sflag:$0x3], $0x80, s12, s30, $0xb8;
	[tilespmem:$0x1F800] =	vst v63  }
0xff: {  	_ =	swait.ge [sflag:s26], $0x4000  }
0x100: {  	[sflag:s26] =	ssyncset.done $0x0  }
0x101: {  	s14 =	simm.s32 $0x14100;
	[sflag:s26] =	ssyncadd.s32 $0xFFFFC000  }
0x102: {  	[tilespmem:s25], [sflag:$0x1] =	stream.indirect.gather [hbm4b:s13+s30], $0x80, s14, s30, $0xb8;
	[tilespmem:$0x1F800] =	vst v63  }
0x103: {  	_ =	swait.ge [sflag:s3], $0x4000  }
0x104: {  	[sflag:s3] =	ssyncset.done $0x0  }
0x105: {  	s15 =	simm.s32 $0x15C80;
	[sflag:s3] =	ssyncadd.s32 $0xFFFFC000  }
0x106: {  	[spmem:s1] =	stream.indirect.scatter.add.f32 [tilespmem:s31], [sflag:$0x3], $0x80, s15, s30, $0xb8;
	[tilespmem:$0x1F800] =	vst v63  }
0x107: {  	_ =	swait.ge [sflag:s26], $0x4000  }
0x108: {  	s9 =	simm.s32 $0x100;
	s11 =	simm.s32 $0x800;
	[sflag:s26] =	ssyncset.done $0x0  }
.LBB2_8:
0x109: {  	s12 =	sadd.s32 $0x14080, s9  }
0x10a: {  	[sflag:s26] =	ssyncadd.s32 $0xFFFFC000;
	s14 =	smov.u32 s11;
	s15 =	sadd.s32 $0x400, s11  }
0x10b: {  	[tilespmem:s31], [sflag:$0x2] =	stream.indirect.gather [hbm4b:s13+s30], $0x80, s12, s30, $0xb8;
	[tilespmem:$0x1F800] =	vst v63  }
0x10c: {  	p0 =	sne.s32 s11, $0x6400;
	_ =	swait.ge [sflag:s0], $0x4000  }
0x10d: {  	[sflag:s0] =	ssyncset.done $0x0  }
0x10e: {  	s11 =	sadd.s32 $0x15C00, s9;
	[sflag:s0] =	ssyncadd.s32 $0xFFFFC000  }
0x10f: {  	[spmem:s1] =	stream.indirect.scatter.add.f32 [tilespmem:s25], [sflag:$0x3], $0x80, s11, s30, $0xb8;
	[tilespmem:$0x1F800] =	vst v63  }
0x110: {  	_ =	swait.ge [sflag:s26], $0x4000  }
0x111: {  	[sflag:s26] =	ssyncset.done $0x0  }
0x112: {  	s11 =	sadd.s32 $0x14100, s9;
	[sflag:s26] =	ssyncadd.s32 $0xFFFFC000  }
0x113: {  	[tilespmem:s25], [sflag:$0x1] =	stream.indirect.gather [hbm4b:s13+s30], $0x80, s11, s30, $0xb8;
	[tilespmem:$0x1F800] =	vst v63  }
0x114: {  	_ =	swait.ge [sflag:s3], $0x4000  }
.Ltmp3:
0x115: {  	[sflag:s3] =	ssyncset.done $0x0;
	(pc) =	sbr.rel @p0 .LBB2_8-.Ltmp3, $4  }
0x116: {  	s9 =	sadd.s32 $0x15C80, s9;
	[sflag:s3] =	ssyncadd.s32 $0xFFFFC000  }
0x117: {  	[spmem:s1] =	stream.indirect.scatter.add.f32 [tilespmem:s31], [sflag:$0x3], $0x80, s9, s30, $0xb8;
	[tilespmem:$0x1F800] =	vst v63  }
0x118: {  	_ =	swait.ge [sflag:s26], $0x4000  }
0x119: {  	s11 =	smov.u32 s15;
	s9 =	sshra.s32 s14, $0x2;
	[sflag:s26] =	ssyncset.done $0x0  }
0x11a: {  	s11 =	sadd.s32 $0x14080, s9;
	[sflag:s26] =	ssyncadd.s32 $0xFFFFC000  }
0x11b: {  	[tilespmem:s31], [sflag:$0x2] =	stream.indirect.gather [hbm4b:s13+s30], $0x80, s11, s30, $0xb8;
	[tilespmem:$0x1F800] =	vst v63  }
0x11c: {  	_ =	swait.ge [sflag:s0], $0x4000  }
0x11d: {  	[sflag:s0] =	ssyncset.done $0x0  }
0x11e: {  	s14 =	sadd.s32 $0x15C00, s9;
	[sflag:s0] =	ssyncadd.s32 $0xFFFFC000  }
0x11f: {  	[spmem:s1] =	stream.indirect.scatter.add.f32 [tilespmem:s25], [sflag:$0x3], $0x80, s14, s30, $0xb8;
	[tilespmem:$0x1F800] =	vst v63  }
0x120: {  	_ =	swait.ge [sflag:s26], $0x4000  }
0x121: {  	[sflag:s26] =	ssyncset.done $0x0  }
0x122: {  	s15 =	sadd.s32 $0x14100, s9;
	[sflag:s26] =	ssyncadd.s32 $0xFFFFC000  }
0x123: {  	[tilespmem:s25], [sflag:$0x1] =	stream.indirect.gather [hbm4b:s13+s30], $0x80, s15, s30, $0xb8;
	[tilespmem:$0x1F800] =	vst v63  }
0x124: {  	_ =	swait.ge [sflag:s3], $0x4000  }
0x125: {  	[sflag:s3] =	ssyncset.done $0x0  }
0x126: {  	s11 =	sadd.s32 $0x15C80, s9;
	[sflag:s3] =	ssyncadd.s32 $0xFFFFC000  }
0x127: {  	[spmem:s1] =	stream.indirect.scatter.add.f32 [tilespmem:s31], [sflag:$0x3], $0x80, s11, s30, $0xb8;
	[tilespmem:$0x1F800] =	vst v63  }
0x128: {  	_ =	swait.ge [sflag:s26], $0x4000  }
0x129: {  	[sflag:s26] =	ssyncset.done $0x0  }
0x12a: {  	[sflag:s26] =	ssyncadd.s32 $0xFFFFC000  }
0x12b: {  	[tilespmem:s31], [sflag:$0x2] =	stream.indirect.gather [hbm4b:s13+s30], $0x80, s6, s30, $0xb8;
	[tilespmem:$0x1F800] =	vst v63  }
0x12c: {  	_ =	swait.ge [sflag:s0], $0x4000  }
0x12d: {  	[sflag:s0] =	ssyncset.done $0x0  }
0x12e: {  	[sflag:s0] =	ssyncadd.s32 $0xFFFFC000  }
0x12f: {  	[spmem:s1] =	stream.indirect.scatter.add.f32 [tilespmem:s25], [sflag:$0x3], $0x80, s7, s30, $0xb8;
	[tilespmem:$0x1F800] =	vst v63  }
0x130: {  	_ =	swait.ge [sflag:s26], $0x4000  }
0x131: {  	[sflag:s26] =	ssyncset.done $0x0  }
0x132: {  	[sflag:s26] =	ssyncadd.s32 $0xFFFFC000  }
0x133: {  	[tilespmem:s25], [sflag:$0x1] =	stream.indirect.gather [hbm4b:s13+s30], $0x80, s28, s30, $0xb8;
	[tilespmem:$0x1F800] =	vst v63  }
0x134: {  	_ =	swait.ge [sflag:s3], $0x4000  }
0x135: {  	[sflag:s3] =	ssyncset.done $0x0  }
0x136: {  	[sflag:s3] =	ssyncadd.s32 $0xFFFFC000  }
0x137: {  	[spmem:s1] =	stream.indirect.scatter.add.f32 [tilespmem:s31], [sflag:$0x3], $0x80, s8, s30, $0xb8;
	[tilespmem:$0x1F800] =	vst v63  }
0x138: {  	_ =	swait.ge [sflag:s26], $0x4000  }
0x139: {  	[sflag:s26] =	ssyncset.done $0x0  }
0x13a: {  	[sflag:s26] =	ssyncadd.s32 $0xFFFFC000  }
0x13b: {  	_ =	swait.ge [sflag:s0], $0x4000  }
0x13c: {  	s12 =	stileid.u32;
	[sflag:s0] =	ssyncset.done $0x0  }
0x13d: {  	s9 =	sshll.u32 s12, $0x6;
	[sflag:s0] =	ssyncadd.s32 $0xFFFFC000  }
0x13e: {  	s9 =	sor.u32 $0x1C03, s9;
	s14 =	sshrl.u32 s5, $0x3;
	[bflag:$0x0] =	sbarrier.arrive $0xFFFF  }
0x13f: {  	[hbm:s24], [sflag:s9] =	dma.local [spmem:s14], $0x2800  }
0x140: {  	_ =	swait.ge [sflag:s26], $0x2800  }
0x141: {  	s2 =	sadd.s32 $0x1, s2;
	s15 =	rddreg [dreg:$0xa]  }
0x142: {  	p0 =	sne.s32 s2, s15  }
.Ltmp4:
0x143: {  	_ = 	snop;
	(pc) =	sbr.rel @p0 .LBB2_1-.Ltmp4, $3  }
0x144: {  	_ =	sdelay $0x1  }
0x145: {  	[sflag:s26] =	ssyncset.done $0x0  }
0x146: {  	[sflag:s26] =	ssyncadd.s32 $0xFFFFD800  }
0x147: {  	_ =	sfence.sel $0x180000  }
0x148: {  	[bflag:$0x0] =	sbarrier.arrive $0xFFFF  }
0x149: {  	_ =	strace $0x9000004A  }
0x14a: {  	s0 =	stileid.u32;
	[bflag:$0x2] =	sbarrier.arrive $0xFFFF  }
0x14b: {  	p0 =	sne.s32 s0, $0x0;
	s0 =	rddreg [dreg:$0x3]  }
0x14c: {  	s0 =	sadd.s32 @!p0 $0x100000, s0  }
0x14d: {  	[sflag:s0] =	ssyncadd.tile.s32 @!p0 $0x1;
	_ =	shalt  }
.Lfunc_end2:
_tile_overlayer_lowered:
.L_overlay_start_2:
0x14e: {  	(tag) =	ssettag $0x2  }
0x14f: {  	s0 =	rddreg [dreg:$0x0];
	s2 =	stileid.u32  }
0x150: {  	s1 =	rddreg [dreg:$0x1];
	p0 =	sne.s32 s2, $0x0  }
0x151: {  	s3 =	rddreg [dreg:$0x2];
	[bflag:$0x3] =	sbarrier.arrive $0xFFFF;
	s2 =	simm.s32 @!p0 $0x1C03  }
0x152: {  	[timem:s3], [sflag:s2] =	dma.local @!p0 [hbm:s0], s1  }
0x153: {  	s0 =	simm.s32 @!p0 $0x3  }
0x154: {  	_ =	swait.ge @!p0 [sflag:s0], s1  }
0x155: {  	s1 =	ssub.s32 @!p0 $0x0, s1;
	[sflag:s0] =	ssyncset.done @!p0 $0x0  }
0x156: {  	[sflag:s0] =	ssyncadd.s32 @!p0 s1  }
0x157: {  	[bflag:$0x3] =	sbarrier.arrive $0xFFFF  }
0x158: {  	_ =	shalt  }

// kernel: kernel.15.cloned.1.call-start
scs
__scs_entry_jumppad:
0x0: {  	(pc) =	sbr.rel $0x88, $3  }
0x1: {  	(tag) =	ssettag $0x0;
	lr =	simm.s32 $0x1  }
0x2: {  	[smem:$0x3F9A] =	sst lr;
	_ =	strace $0xD0000000  }
0x3: {  	_ = 	snop  }
0x4: {  	_ = 	snop  }
0x5: {  	_ = 	snop  }
0x6: {  	_ = 	snop  }
0x7: {  	_ = 	snop  }
__scs_overlays_trampoline_lowered:
0x8: {  	[smem:$0x3FA9] =	sst s0  }
0x9: {  	[smem:$0x3FAA] =	sst s1  }
0xa: {  	[smem:$0x3FAB] =	sst s2  }
0xb: {  	[smem:$0x3FAC] =	sst s3  }
0xc: {  	[smem:$0x3FAD] =	sst s4  }
0xd: {  	[smem:$0x3FAE] =	sst s5  }
0xe: {  	[smem:$0x3FAF] =	sst s6  }
0xf: {  	[smem:$0x3FB0] =	sst s7  }
0x10: {  	[smem:$0x3FB1] =	sst s8  }
0x11: {  	[smem:$0x3FB2] =	sst s9;
	s0 =	simm.s32 @!p0 $0x0  }
0x12: {  	s1 =	sld [smem:$0x3F98];
	s0 =	simm.s32 @p0 $0x1  }
0x13: {  	[smem:$0x3FB3] =	sst s0;
	s0 =	simm.s32 @!p1 $0x0  }
0x14: {  	s2 =	sld [smem:$0x3F97];
	s0 =	simm.s32 @p1 $0x1  }
0x15: {  	[smem:$0x3FB4] =	sst s0;
	s0 =	simm.s32 @!p2 $0x0  }
0x16: {  	s3 =	sld [smem:$0x3FDB];
	s0 =	simm.s32 @p2 $0x1  }
0x17: {  	s4 =	simm.s32 $0x1BF5;
	[smem:$0x3FB6] =	sst s0  }
0x18: {  	s0 =	sld [smem:$0x3F99];
	_ =	swait.ge [sflag:s4], $0x0  }
0x19: {  	s7 =	sld [smem:$0x3F9A]  }
0x1a: {  	s8 =	sadd.s32 $0xFFFFE003, lr  }
0x1b: {  	s9 =	sadd.s32 $0xFFFFFEF7, lr;
	s5 =	simm.s32 $0xFFFFFFFF;
	p2 =	slt.u32 s8, $0xFFFFF086  }
0x1c: {  	p1 =	slt.u32 s9, $0xF7A;
	s5 =	simm.s32 @!p2 $0x0  }
0x1d: {  	s5 =	simm.s32 @p1 $0x1;
	p0 =	seq.s32 s7, s2  }
0x1e: {  	s7 =	smul.u32 @!p0 $0xF7A, s2;
	p2 =	seq.s32 @!p0 s5, $0x0  }
0x1f: {  	s9 =	smul.u32 $0xF7A, s1;
	s8 =	simm.s32 @!p0 $0x1BF5;
	p2 =	por !p2, p0  }
0x20: {  	[sflag:s8] =	ssyncset.s32 @!p0 $0xFFFFF086;
	s6 =	sadd.s32 @!p0 s3, s7;
	s7 =	simm.s32 @!p0 $0x108  }
0x21: {  	s3 =	sadd.s32 s3, s9;
	s6 =	sadd.s32 @!p0 $0x88, s6;
	s7 =	simm.s32 @p2 $0x1082  }
0x22: {  	[simem:s7], [sflag:s8] =	dma.local @!p0 [hbm:s6], $0xF7A  }
0x23: {  	s9 =	sor.u32 $0xD0000000, s2;
	s6 =	simm.s32 $0x108;
	_ =	swait.ge @!p0 [sflag:s8], $0x0  }
0x24: {  	s3 =	sadd.s32 $0x88, s3;
	s6 =	simm.s32 @!p1 $0x1082;
	[sflag:s4] =	ssyncset.s32 $0xFFFFF086  }
0x25: {  	[simem:s6], [sflag:s4] =	dma.local [hbm:s3], $0xF7A  }
0x26: {  	[smem:$0x3F9A] =	sst s1;
	(tag) =	ssettag s2;
	_ =	strace s9  }
0x27: {  	s1 =	sld [smem:$0x3FAA]  }
0x28: {  	s2 =	sld [smem:$0x3FAB]  }
0x29: {  	s4 =	sld [smem:$0x3FAD]  }
0x2a: {  	p0 =	seq.s32 s5, $0x0;
	s5 =	sld [smem:$0x3FAE]  }
0x2b: {  	s6 =	sld [smem:$0x3FAF]  }
0x2c: {  	s7 =	sld [smem:$0x3FB0]  }
0x2d: {  	s3 =	simm.s32 $0x108;
	s8 =	sld [smem:$0x3FB1]  }
0x2e: {  	s3 =	simm.s32 @!p0 $0x1082;
	s9 =	sld [smem:$0x3FB2]  }
0x2f: {  	lr =	sadd.s32 s0, s3;
	s0 =	sld [smem:$0x3FA9]  }
0x30: {  	s3 =	sld [smem:$0x3FAC]  }
0x31: {  	[smem:$0x3FB5] =	sst s10  }
0x32: {  	s10 =	sld [smem:$0x3FB3];
	_ =	sdelay $0x3  }
0x33: {  	p0 =	seq.s32 s10, $0x1;
	s10 =	sld [smem:$0x3FB5];
	_ =	sdelay $0x3  }
0x34: {  	[smem:$0x3FB5] =	sst s10  }
0x35: {  	s10 =	sld [smem:$0x3FB4];
	_ =	sdelay $0x3  }
0x36: {  	p1 =	seq.s32 s10, $0x1;
	s10 =	sld [smem:$0x3FB5];
	_ =	sdelay $0x3  }
0x37: {  	[smem:$0x3FB5] =	sst s10  }
0x38: {  	s10 =	sld [smem:$0x3FB6]  }
0x39: {  	_ = 	snop;
	(pc) =	sbr.ind lr, $3  }
0x3a: {  	_ = 	snop  }
0x3b: {  	_ = 	snop  }
0x3c: {  	p2 =	seq.s32 s10, $0x1;
	s10 =	sld [smem:$0x3FB5]  }
0x3d: {  	_ =	shalt  }
0x3e: {  	_ =	shalt  }
0x3f: {  	_ =	shalt  }
0x40: {  	_ =	shalt  }
0x41: {  	_ =	shalt  }
0x42: {  	_ =	shalt  }
0x43: {  	_ =	shalt  }
0x44: {  	_ =	shalt  }
0x45: {  	_ =	shalt  }
0x46: {  	_ =	shalt  }
0x47: {  	_ =	shalt  }
0x48: {  	_ =	shalt  }
0x49: {  	_ =	shalt  }
0x4a: {  	_ =	shalt  }
0x4b: {  	_ =	shalt  }
0x4c: {  	_ =	shalt  }
0x4d: {  	_ =	shalt  }
0x4e: {  	_ =	shalt  }
0x4f: {  	_ =	shalt  }
0x50: {  	_ =	shalt  }
0x51: {  	_ =	shalt  }
0x52: {  	_ =	shalt  }
0x53: {  	_ =	shalt  }
0x54: {  	_ =	shalt  }
0x55: {  	_ =	shalt  }
0x56: {  	_ =	shalt  }
0x57: {  	_ =	shalt  }
0x58: {  	_ =	shalt  }
0x59: {  	_ =	shalt  }
0x5a: {  	_ =	shalt  }
0x5b: {  	_ =	shalt  }
0x5c: {  	_ =	shalt  }
0x5d: {  	_ =	shalt  }
0x5e: {  	_ =	shalt  }
0x5f: {  	_ =	shalt  }
0x60: {  	_ =	shalt  }
0x61: {  	_ =	shalt  }
0x62: {  	_ =	shalt  }
0x63: {  	_ =	shalt  }
0x64: {  	_ =	shalt  }
0x65: {  	_ =	shalt  }
0x66: {  	_ =	shalt  }
0x67: {  	_ =	shalt  }
0x68: {  	_ =	shalt  }
0x69: {  	_ =	shalt  }
0x6a: {  	_ =	shalt  }
0x6b: {  	_ =	shalt  }
0x6c: {  	_ =	shalt  }
0x6d: {  	_ =	shalt  }
0x6e: {  	_ =	shalt  }
0x6f: {  	_ =	shalt  }
0x70: {  	_ =	shalt  }
0x71: {  	_ =	shalt  }
0x72: {  	_ =	shalt  }
0x73: {  	_ =	shalt  }
0x74: {  	_ =	shalt  }
0x75: {  	_ =	shalt  }
0x76: {  	_ =	shalt  }
0x77: {  	_ =	shalt  }
0x78: {  	_ =	shalt  }
0x79: {  	_ =	shalt  }
0x7a: {  	_ =	shalt  }
0x7b: {  	_ =	shalt  }
0x7c: {  	_ =	shalt  }
0x7d: {  	_ =	shalt  }
0x7e: {  	_ =	shalt  }
0x7f: {  	_ =	shalt  }
0x80: {  	_ =	shalt  }
0x81: {  	_ =	shalt  }
0x82: {  	_ =	shalt  }
0x83: {  	_ =	shalt  }
0x84: {  	_ =	shalt  }
0x85: {  	_ =	shalt  }
0x86: {  	_ =	shalt  }
0x87: {  	_ =	shalt  }
.Lfunc_end0:
.L_simem_size_0:
called_computation.2_lowered:
.L_overlay_start_0:
0x88: {  	s2 =	sld [smem:$0x3FD9]  }
0x89: {  	s3 =	sld [smem:$0x3FFE];
	_ =	sdelay $0x1  }
0x8a: {  	s1 =	srdreg.scid  }
0x8b: {  	s0 =	sand.u32 $0x1, s1  }
0x8c: {  	s17 =	sshll.u32 s0, $0xA;
	s2 =	sadd.s32 s3, s2  }
0x8d: {  	s2 =	sadd.s32 s2, s17  }
0x8e: {  	[smem:$0x3FC1] =	sst s2  }
0x8f: {  	_ = 	snop  }
0x90: {  	s2 =	sld [smem:$0x3FD0];
	(tm) =	ssettm $0x1  }
0x91: {  	s18 =	sld [smem:$0x3FFB];
	_ =	sdelay $0x3  }
0x92: {  	_ =	strace s18  }
0x93: {  	s3 =	sld [smem:$0x3FFC];
	_ =	sdelay $0x3  }
0x94: {  	_ =	strace s3  }
0x95: {  	s3 =	sld [smem:$0x3FFD];
	_ =	sdelay $0x3  }
0x96: {  	_ =	strace s3  }
0x97: {  	_ =	strace $0x8FFFFFFF  }
0x98: {  	s19 =	sld [smem:$0x3FDB];
	_ =	sdelay $0x1  }
0x99: {  	s4 =	simm.s32 $_scs_section_size  }
0x9a: {  	s5 =	simm.s32 $_size__tile_overlayer_lowered;
	s6 =	simm.s32 $_tile_overlayer_lowered  }
0x9b: {  	s22 =	simm.s32 $0x1BFF;
	s21 =	sshll.u32 s6, $0x1;
	s3 =	sadd.s32 s4, s19  }
0x9c: {  	s7 =	simm.s32 $0x0;
	s20 =	sshll.u32 s5, $0x1;
	s5 =	sadd.s32 s21, s3  }
0x9d: {  	[timem:s7], [sflag:s22] =	dma.local [hbm:s5], s20  }
0x9e: {  	_ =	swait.ge [sflag:s22], s20  }
0x9f: {  	s4 =	ssub.s32 $0x0, s20;
	[sflag:s22] =	ssyncset.done $0x0  }
0xa0: {  	[sflag:s22] =	ssyncadd.s32 s4;
	_ =	sdelay $0x1  }
0xa1: {  	s23 =	simm.s32 $0x1B8B  }
0xa2: {  	_ =	swait.ge [sflag:s23], $0x1  }
0xa3: {  	[sflag:s23] =	ssyncset.done $0x0  }
0xa4: {  	s25 =	simm.s32 $0x1B8E;
	s24 =	sld [smem:$0x3FFE];
	[sflag:s23] =	ssyncadd.s32 $0xFFFFFFFF  }
0xa5: {  	s26 =	simm.s32 $execute0_lowered;
	[smem:$0x3FD2] =	sst s25  }
0xa6: {  	s5 =	sshll.u32 s26, $0x1;
	_ =	strace $0x8000004C;
	[dreg:$0x1] =	wrdreg $0xFFFFFFFF  }
0xa7: {  	s28 =	simm.s32 $_size_execute0_lowered;
	s3 =	sadd.s32 s3, s5;
	[dreg:$0x0] =	wrdreg $0x0  }
0xa8: {  	s5 =	sshll.u32 s28, $0x1;
	[dreg:$0x2] =	wrdreg s3  }
0xa9: {  	[dreg:$0x3] =	wrdreg s5  }
0xaa: {  	[dreg:$0x4] =	wrdreg $0xC0  }
0xab: {  	_ =	task [dreg:s7], $0x5FFFF  }
0xac: {  	[dreg:$0x1] =	wrdreg $0xFFFFFFFF  }
0xad: {  	[dreg:$0x0] =	wrdreg $0x60  }
0xae: {  	[dreg:$0x2] =	wrdreg s24  }
0xaf: {  	[dreg:$0x3] =	wrdreg s2  }
0xb0: {  	[dreg:$0x4] =	wrdreg $0x0  }
0xb1: {  	[dreg:$0x5] =	wrdreg $0x9  }
0xb2: {  	_ =	task.clear_ibuf [dreg:s7], $0x6FFFF;
	_ =	strace $0x9000004C  }
0xb3: {  	s29 =	simm.s32 $0x9;
	_ =	strace $0x8000004E  }
0xb4: {  	_ =	swait.ge [sflag:s29], $0x1  }
0xb5: {  	[sflag:s29] =	ssyncadd.s32 $0xFFFFFFFF  }
0xb6: {  	_ =	strace $0x9000004E  }
0xb7: {  	_ =	sfence  }
0xb8: {  	s30 =	sld [smem:$0x0];
	_ =	sdelay $0x2  }
0xb9: {  	s31 =	sshll.u32 s1, $0xD;
	s1 =	sshrl.u32 s1, $0x2  }
0xba: {  	s3 =	sand.u32 $0x4000, s31;
	s1 =	sadd.s32 s1, s30  }
0xbb: {  	s0 =	sor.u32 s3, s0;
	s1 =	sshll.u32 s1, $0x11  }
0xbc: {  	s0 =	sor.u32 s1, s0  }
0xbd: {  	s0 =	sadd.s32 $0x8F2B, s0  }
0xbe: {  	[sflag:s0] =	ssyncadd.remote.s32 $0x1  }
0xbf: {  	_ =	sfence.sel $0xFFFF  }
0xc0: {  	[dreg:$0x0] =	wrdreg $0xFFFFFFFF;
	(pc) =	sbr.abs _section_cstart, $3  }
0xc1: {  	[dreg:$0x1] =	wrdreg $0xFFFFFFFF  }
0xc2: {  	_ =	task.clear_ibuf [dreg:s7], $0x2FFFF;
	_ =	strace $0x9FFFFFFF  }
0xc3: {  	(tm) =	ssettm $0x7FFFFFFF  }
tec
execute0_lowered:
.L_overlay_start_1:
0x0: {  	(tag) =	ssettag $0x1  }
0x1: {  	s0 =	rddreg [dreg:$0x0]  }
0x2: {  	s3 =	rddreg [dreg:$0x1]  }
0x3: {  	s1 =	rddreg [dreg:$0x2]  }
0x4: {  	s2 =	simm.s32 $0x0;
	s4 =	srdreg.scid;
	s12 =	stileid.u32  }
0x5: {  	s28 =	simm.s32 $0x14000;
	s29 =	simm.s32 $0x15C00;
	s30 =	simm.s32 $0x80  }
0x6: {  	s31 =	simm.s32 $0x1B800;
	s5 =	sand.u32 $0x1, s4;
	s8 =	smul.u32 $0x50000, s12  }
0x7: {  	[smem:$0x7FF] =	sst s2;
	s11 =	sadd.s32 $0x3600, s0;
	s6 =	smul.u32 $0x28000, s5  }
0x8: {  	s4 =	sshll.u32 s5, $0x4;
	_ =	strace $0x8000004D;
	s5 =	ssub.s32 $0x2, s5  }
0x9: {  	s7 =	sor.u32 s12, s4;
	s4 =	sadd.s32 $0x18600, s0;
	s10 =	sshrl.u32 s5, $0x1  }
0xa: {  	s8 =	sshrl.u32 s8, $0x2;
	s9 =	smul.u32 $0x1C00, s7;
	s6 =	sadd.s32 s6, s0  }
0xb: {  	s7 =	smul.u32 $0x380, s7;
	s14 =	ssub.s32 s5, s10;
	s5 =	sadd.s32 s8, s1  }
0xc: {  	s10 =	sadd.s32 $0x3F700, s0;
	s15 =	sadd.s32 $0x8DA00, s6;
	s16 =	sadd.s32 $0x4000, s5  }
0xd: {  	s17 =	sadd.s32 $0x6000, s5;
	s18 =	sadd.s32 $0x8000, s5;
	s19 =	sadd.s32 $0xA000, s5  }
0xe: {  	s20 =	sadd.s32 $0xC000, s5;
	s21 =	sadd.s32 $0xE000, s5;
	s22 =	sadd.s32 $0x10000, s5  }
0xf: {  	s23 =	sadd.s32 $0x12000, s5;
	s6 =	simm.s32 $0x15A80;
	s25 =	sadd.s32 s3, s7  }
0x10: {  	s9 =	sshrl.u32 s9, $0x3;
	s7 =	sadd.s32 s11, s7;
	[dreg:$0x4] =	wrdreg s25  }
0x11: {  	s24 =	sadd.s32 $0x7000, s9;
	[dreg:$0x5] =	wrdreg s7;
	s25 =	smax.u32 s14, $0x1  }
0x12: {  	s9 =	sadd.s32 $0xE000, s9;
	s26 =	sadd.s32 s3, s24;
	[dreg:$0xa] =	wrdreg s25  }
0x13: {  	s7 =	simm.s32 $0x17600;
	s8 =	sadd.s32 s11, s24;
	[dreg:$0x6] =	wrdreg s26  }
0x14: {  	s3 =	sadd.s32 s3, s9;
	s13 =	sadd.s32 s11, s9;
	[dreg:$0x7] =	wrdreg s8  }
0x15: {  	s24 =	smul.u32 $0x2800, s12;
	s25 =	simm.s32 $0x17800;
	[dreg:$0x8] =	wrdreg s3  }
0x16: {  	[dreg:$0x9] =	wrdreg s13;
	s13 =	sadd.s32 $0x66800, s0;
	s26 =	sadd.s32 $0x2000, s5  }
0x17: {  	s0 =	simm.s32 $0x1;
	s3 =	simm.s32 $0x2;
	s8 =	simm.s32 $0x17680  }
0x18: {  	v0 =	vimm.f32 $0.0e+00;
	[dreg:$0xb] =	wrdreg s26;
	s24 =	sadd.s32 s24, s15;
	s26 =	simm.s32 $0x3  }
.LBB2_1:
0x19: {  	s9 =	simm.s32 $0x0;
	s11 =	simm.s32 $0x200  }
.LBB2_2:
0x1a: {  	p0 =	sne.s32 s11, $0xFE00;
	[tilespmem:s9+$0x17870] =	vst v0  }
0x1b: {  	[tilespmem:s9+$0x17800] =	vst v0  }
0x1c: {  	[tilespmem:s9+$0x17810] =	vst v0  }
.Ltmp0:
0x1d: {  	[tilespmem:s9+$0x17820] =	vst v0;
	(pc) =	sbr.rel @p0 .LBB2_2-.Ltmp0, $4  }
0x1e: {  	[tilespmem:s9+$0x17830] =	vst v0  }
0x1f: {  	[tilespmem:s9+$0x17840] =	vst v0  }
0x20: {  	[tilespmem:s9+$0x17850] =	vst v0  }
0x21: {  	[tilespmem:s9+$0x17860] =	vst v0;
	s9 =	sshra.s32 s11, $0x2;
	s11 =	sadd.s32 $0x200, s11  }
0x22: {  	[tilespmem:s9+$0x17870] =	vst v0  }
0x23: {  	[tilespmem:s9+$0x17800] =	vst v0  }
0x24: {  	[tilespmem:s9+$0x17810] =	vst v0  }
0x25: {  	[tilespmem:s9+$0x17820] =	vst v0  }
0x26: {  	[tilespmem:s9+$0x17830] =	vst v0  }
0x27: {  	[tilespmem:s9+$0x17840] =	vst v0  }
0x28: {  	[tilespmem:s9+$0x17850] =	vst v0  }
0x29: {  	[tilespmem:s9+$0x17860] =	vst v0  }
0x2a: {  	[spmem:s5] =	stream.linear.scatter [tilespmem:s25], [sflag:$0x3], $0x2000, $0x38;
	[tilespmem:$0x1F800] =	vst v63  }
0x2b: {  	_ =	swait.ge [sflag:s26], $0x2000  }
0x2c: {  	[sflag:s26] =	ssyncset.done $0x0  }
0x2d: {  	s12 =	rddreg [dreg:$0xb];
	[sflag:s26] =	ssyncadd.s32 $0xFFFFE000  }
0x2e: {  	[spmem:s12] =	stream.linear.scatter [tilespmem:s25], [sflag:$0x3], $0x2000, $0x38;
	[tilespmem:$0x1F800] =	vst v63  }
0x2f: {  	_ =	swait.ge [sflag:s26], $0x2000  }
0x30: {  	[sflag:s26] =	ssyncset.done $0x0  }
0x31: {  	[sflag:s26] =	ssyncadd.s32 $0xFFFFE000  }
0x32: {  	[spmem:s16] =	stream.linear.scatter [tilespmem:s25], [sflag:$0x3], $0x2000, $0x38;
	[tilespmem:$0x1F800] =	vst v63  }
0x33: {  	_ =	swait.ge [sflag:s26], $0x2000  }
0x34: {  	[sflag:s26] =	ssyncset.done $0x0  }
0x35: {  	[sflag:s26] =	ssyncadd.s32 $0xFFFFE000  }
0x36: {  	[spmem:s17] =	stream.linear.scatter [tilespmem:s25], [sflag:$0x3], $0x2000, $0x38;
	[tilespmem:$0x1F800] =	vst v63  }
0x37: {  	_ =	swait.ge [sflag:s26], $0x2000  }
0x38: {  	[sflag:s26] =	ssyncset.done $0x0  }
0x39: {  	[sflag:s26] =	ssyncadd.s32 $0xFFFFE000  }
0x3a: {  	[spmem:s18] =	stream.linear.scatter [tilespmem:s25], [sflag:$0x3], $0x2000, $0x38;
	[tilespmem:$0x1F800] =	vst v63  }
0x3b: {  	_ =	swait.ge [sflag:s26], $0x2000  }
0x3c: {  	[sflag:s26] =	ssyncset.done $0x0  }
0x3d: {  	[sflag:s26] =	ssyncadd.s32 $0xFFFFE000  }
0x3e: {  	[spmem:s19] =	stream.linear.scatter [tilespmem:s25], [sflag:$0x3], $0x2000, $0x38;
	[tilespmem:$0x1F800] =	vst v63  }
0x3f: {  	_ =	swait.ge [sflag:s26], $0x2000  }
0x40: {  	[sflag:s26] =	ssyncset.done $0x0  }
0x41: {  	[sflag:s26] =	ssyncadd.s32 $0xFFFFE000  }
0x42: {  	[spmem:s20] =	stream.linear.scatter [tilespmem:s25], [sflag:$0x3], $0x2000, $0x38;
	[tilespmem:$0x1F800] =	vst v63  }
0x43: {  	_ =	swait.ge [sflag:s26], $0x2000  }
0x44: {  	[sflag:s26] =	ssyncset.done $0x0  }
0x45: {  	[sflag:s26] =	ssyncadd.s32 $0xFFFFE000  }
0x46: {  	[spmem:s21] =	stream.linear.scatter [tilespmem:s25], [sflag:$0x3], $0x2000, $0x38;
	[tilespmem:$0x1F800] =	vst v63  }
0x47: {  	_ =	swait.ge [sflag:s26], $0x2000  }
0x48: {  	[sflag:s26] =	ssyncset.done $0x0  }
0x49: {  	[sflag:s26] =	ssyncadd.s32 $0xFFFFE000  }
0x4a: {  	[spmem:s22] =	stream.linear.scatter [tilespmem:s25], [sflag:$0x3], $0x2000, $0x38;
	[tilespmem:$0x1F800] =	vst v63  }
0x4b: {  	_ =	swait.ge [sflag:s26], $0x2000  }
0x4c: {  	[sflag:s26] =	ssyncset.done $0x0  }
0x4d: {  	[sflag:s26] =	ssyncadd.s32 $0xFFFFE000  }
0x4e: {  	[spmem:s23] =	stream.linear.scatter [tilespmem:s25], [sflag:$0x3], $0x2000, $0x38;
	[tilespmem:$0x1F800] =	vst v63  }
0x4f: {  	_ =	swait.ge [sflag:s26], $0x2000  }
0x50: {  	[sflag:s26] =	ssyncset.done $0x0  }
0x51: {  	[sflag:s26] =	ssyncadd.s32 $0xFFFFE000  }
0x52: {  	[bflag:$0x0] =	sbarrier.arrive $0xFFFF  }
0x53: {  	s14 =	simm.s32 $0x0;
	s11 =	rddreg [dreg:$0x4]  }
0x54: {  	[tilespmem:s28], [sflag:$0x3] =	stream.linear.gather [hbm4b:s11+s14], $0x1C00, $0x38;
	[tilespmem:$0x1F800] =	vst v63  }
0x55: {  	_ =	swait.ge [sflag:s26], $0x1C00  }
0x56: {  	[sflag:s26] =	ssyncset.done $0x0  }
0x57: {  	s15 =	rddreg [dreg:$0x5];
	[sflag:s26] =	ssyncadd.s32 $0xFFFFE400  }
0x58: {  	[tilespmem:s29], [sflag:$0x3] =	stream.linear.gather [hbm4b:s15+s14], $0x1C00, $0x38;
	[tilespmem:$0x1F800] =	vst v63  }
0x59: {  	_ =	swait.ge [sflag:s26], $0x1C00  }
0x5a: {  	[sflag:s26] =	ssyncset.done $0x0  }
0x5b: {  	[sflag:s26] =	ssyncadd.s32 $0xFFFFE400  }
0x5c: {  	[tilespmem:s25], [sflag:$0x1] =	stream.indirect.gather [hbm4b:s4+s30], $0x80, s28, s30, $0xb8;
	[tilespmem:$0x1F800] =	vst v63  }
0x5d: {  	s11 =	simm.s32 $0x14080  }
0x5e: {  	[tilespmem:s31], [sflag:$0x2] =	stream.indirect.gather [hbm4b:s4+s30], $0x80, s11, s30, $0xb8;
	[tilespmem:$0x1F800] =	vst v63  }
0x5f: {  	_ =	swait.ge [sflag:s0], $0x4000  }
0x60: {  	[sflag:s0] =	ssyncset.done $0x0  }
0x61: {  	s12 =	simm.s32 $0x15C00;
	[sflag:s0] =	ssyncadd.s32 $0xFFFFC000  }
0x62: {  	[spmem:s1] =	stream.indirect.scatter.add.f32 [tilespmem:s25], [sflag:$0x3], $0x80, s12, s30, $0xb8;
	[tilespmem:$0x1F800] =	vst v63  }
0x63: {  	_ =	swait.ge [sflag:s26], $0x4000  }
0x64: {  	[sflag:s26] =	ssyncset.done $0x0  }
0x65: {  	s14 =	simm.s32 $0x14100;
	[sflag:s26] =	ssyncadd.s32 $0xFFFFC000  }
0x66: {  	[tilespmem:s25], [sflag:$0x1] =	stream.indirect.gather [hbm4b:s4+s30], $0x80, s14, s30, $0xb8;
	[tilespmem:$0x1F800] =	vst v63  }
0x67: {  	_ =	swait.ge [sflag:s3], $0x4000  }
0x68: {  	[sflag:s3] =	ssyncset.done $0x0  }
0x69: {  	s15 =	simm.s32 $0x15C80;
	[sflag:s3] =	ssyncadd.s32 $0xFFFFC000  }
0x6a: {  	[spmem:s1] =	stream.indirect.scatter.add.f32 [tilespmem:s31], [sflag:$0x3], $0x80, s15, s30, $0xb8;
	[tilespmem:$0x1F800] =	vst v63  }
0x6b: {  	_ =	swait.ge [sflag:s26], $0x4000  }
0x6c: {  	s9 =	simm.s32 $0x100;
	s11 =	simm.s32 $0x800;
	[sflag:s26] =	ssyncset.done $0x0  }
.LBB2_4:
0x6d: {  	s12 =	sadd.s32 $0x14080, s9  }
0x6e: {  	[sflag:s26] =	ssyncadd.s32 $0xFFFFC000;
	s14 =	smov.u32 s11;
	s15 =	sadd.s32 $0x400, s11  }
0x6f: {  	[tilespmem:s31], [sflag:$0x2] =	stream.indirect.gather [hbm4b:s4+s30], $0x80, s12, s30, $0xb8;
	[tilespmem:$0x1F800] =	vst v63  }
0x70: {  	p0 =	sne.s32 s11, $0x6400;
	_ =	swait.ge [sflag:s0], $0x4000  }
0x71: {  	[sflag:s0] =	ssyncset.done $0x0  }
0x72: {  	s11 =	sadd.s32 $0x15C00, s9;
	[sflag:s0] =	ssyncadd.s32 $0xFFFFC000  }
0x73: {  	[spmem:s1] =	stream.indirect.scatter.add.f32 [tilespmem:s25], [sflag:$0x3], $0x80, s11, s30, $0xb8;
	[tilespmem:$0x1F800] =	vst v63  }
0x74: {  	_ =	swait.ge [sflag:s26], $0x4000  }
0x75: {  	[sflag:s26] =	ssyncset.done $0x0  }
0x76: {  	s11 =	sadd.s32 $0x14100, s9;
	[sflag:s26] =	ssyncadd.s32 $0xFFFFC000  }
0x77: {  	[tilespmem:s25], [sflag:$0x1] =	stream.indirect.gather [hbm4b:s4+s30], $0x80, s11, s30, $0xb8;
	[tilespmem:$0x1F800] =	vst v63  }
0x78: {  	_ =	swait.ge [sflag:s3], $0x4000  }
.Ltmp1:
0x79: {  	[sflag:s3] =	ssyncset.done $0x0;
	(pc) =	sbr.rel @p0 .LBB2_4-.Ltmp1, $4  }
0x7a: {  	s9 =	sadd.s32 $0x15C80, s9;
	[sflag:s3] =	ssyncadd.s32 $0xFFFFC000  }
0x7b: {  	[spmem:s1] =	stream.indirect.scatter.add.f32 [tilespmem:s31], [sflag:$0x3], $0x80, s9, s30, $0xb8;
	[tilespmem:$0x1F800] =	vst v63  }
0x7c: {  	_ =	swait.ge [sflag:s26], $0x4000  }
0x7d: {  	s11 =	smov.u32 s15;
	s9 =	sshra.s32 s14, $0x2;
	[sflag:s26] =	ssyncset.done $0x0  }
0x7e: {  	s11 =	sadd.s32 $0x14080, s9;
	[sflag:s26] =	ssyncadd.s32 $0xFFFFC000  }
0x7f: {  	[tilespmem:s31], [sflag:$0x2] =	stream.indirect.gather [hbm4b:s4+s30], $0x80, s11, s30, $0xb8;
	[tilespmem:$0x1F800] =	vst v63  }
0x80: {  	_ =	swait.ge [sflag:s0], $0x4000  }
0x81: {  	[sflag:s0] =	ssyncset.done $0x0  }
0x82: {  	s14 =	sadd.s32 $0x15C00, s9;
	[sflag:s0] =	ssyncadd.s32 $0xFFFFC000  }
0x83: {  	[spmem:s1] =	stream.indirect.scatter.add.f32 [tilespmem:s25], [sflag:$0x3], $0x80, s14, s30, $0xb8;
	[tilespmem:$0x1F800] =	vst v63  }
0x84: {  	_ =	swait.ge [sflag:s26], $0x4000  }
0x85: {  	[sflag:s26] =	ssyncset.done $0x0  }
0x86: {  	s15 =	sadd.s32 $0x14100, s9;
	[sflag:s26] =	ssyncadd.s32 $0xFFFFC000  }
0x87: {  	[tilespmem:s25], [sflag:$0x1] =	stream.indirect.gather [hbm4b:s4+s30], $0x80, s15, s30, $0xb8;
	[tilespmem:$0x1F800] =	vst v63  }
0x88: {  	_ =	swait.ge [sflag:s3], $0x4000  }
0x89: {  	[sflag:s3] =	ssyncset.done $0x0  }
0x8a: {  	s11 =	sadd.s32 $0x15C80, s9;
	[sflag:s3] =	ssyncadd.s32 $0xFFFFC000  }
0x8b: {  	[spmem:s1] =	stream.indirect.scatter.add.f32 [tilespmem:s31], [sflag:$0x3], $0x80, s11, s30, $0xb8;
	[tilespmem:$0x1F800] =	vst v63  }
0x8c: {  	_ =	swait.ge [sflag:s26], $0x4000  }
0x8d: {  	[sflag:s26] =	ssyncset.done $0x0  }
0x8e: {  	[sflag:s26] =	ssyncadd.s32 $0xFFFFC000  }
0x8f: {  	[tilespmem:s31], [sflag:$0x2] =	stream.indirect.gather [hbm4b:s4+s30], $0x80, s6, s30, $0xb8;
	[tilespmem:$0x1F800] =	vst v63  }
0x90: {  	_ =	swait.ge [sflag:s0], $0x4000  }
0x91: {  	[sflag:s0] =	ssyncset.done $0x0  }
0x92: {  	[sflag:s0] =	ssyncadd.s32 $0xFFFFC000  }
0x93: {  	[spmem:s1] =	stream.indirect.scatter.add.f32 [tilespmem:s25], [sflag:$0x3], $0x80, s7, s30, $0xb8;
	[tilespmem:$0x1F800] =	vst v63  }
0x94: {  	_ =	swait.ge [sflag:s26], $0x4000  }
0x95: {  	[sflag:s26] =	ssyncset.done $0x0  }
0x96: {  	[sflag:s26] =	ssyncadd.s32 $0xFFFFC000  }
0x97: {  	[tilespmem:s25], [sflag:$0x1] =	stream.indirect.gather [hbm4b:s4+s30], $0x80, s28, s30, $0xb8;
	[tilespmem:$0x1F800] =	vst v63  }
0x98: {  	_ =	swait.ge [sflag:s3], $0x4000  }
0x99: {  	[sflag:s3] =	ssyncset.done $0x0  }
0x9a: {  	[sflag:s3] =	ssyncadd.s32 $0xFFFFC000  }
0x9b: {  	[spmem:s1] =	stream.indirect.scatter.add.f32 [tilespmem:s31], [sflag:$0x3], $0x80, s8, s30, $0xb8;
	[tilespmem:$0x1F800] =	vst v63  }
0x9c: {  	_ =	swait.ge [sflag:s26], $0x4000  }
0x9d: {  	[sflag:s26] =	ssyncset.done $0x0  }
0x9e: {  	[sflag:s26] =	ssyncadd.s32 $0xFFFFC000  }
0x9f: {  	_ =	swait.ge [sflag:s0], $0x4000  }
0xa0: {  	[sflag:s0] =	ssyncset.done $0x0  }
0xa1: {  	s12 =	simm.s32 $0x0;
	s14 =	rddreg [dreg:$0x6];
	[sflag:s0] =	ssyncadd.s32 $0xFFFFC000  }
0xa2: {  	[tilespmem:s28], [sflag:$0x3] =	stream.linear.gather [hbm4b:s14+s12], $0x1C00, $0x38;
	[tilespmem:$0x1F800] =	vst v63  }
0xa3: {  	_ =	swait.ge [sflag:s26], $0x1C00  }
0xa4: {  	[sflag:s26] =	ssyncset.done $0x0  }
0xa5: {  	s15 =	rddreg [dreg:$0x7];
	[sflag:s26] =	ssyncadd.s32 $0xFFFFE400  }
0xa6: {  	[tilespmem:s29], [sflag:$0x3] =	stream.linear.gather [hbm4b:s15+s12], $0x1C00, $0x38;
	[tilespmem:$0x1F800] =	vst v63  }
0xa7: {  	_ =	swait.ge [sflag:s26], $0x1C00  }
0xa8: {  	[sflag:s26] =	ssyncset.done $0x0  }
0xa9: {  	[sflag:s26] =	ssyncadd.s32 $0xFFFFE400  }
0xaa: {  	[tilespmem:s25], [sflag:$0x1] =	stream.indirect.gather [hbm4b:s10+s30], $0x80, s28, s30, $0xb8;
	[tilespmem:$0x1F800] =	vst v63  }
0xab: {  	s11 =	simm.s32 $0x14080  }
0xac: {  	[tilespmem:s31], [sflag:$0x2] =	stream.indirect.gather [hbm4b:s10+s30], $0x80, s11, s30, $0xb8;
	[tilespmem:$0x1F800] =	vst v63  }
0xad: {  	_ =	swait.ge [sflag:s0], $0x4000  }
0xae: {  	[sflag:s0] =	ssyncset.done $0x0  }
0xaf: {  	s12 =	simm.s32 $0x15C00;
	[sflag:s0] =	ssyncadd.s32 $0xFFFFC000  }
0xb0: {  	[spmem:s1] =	stream.indirect.scatter.add.f32 [tilespmem:s25], [sflag:$0x3], $0x80, s12, s30, $0xb8;
	[tilespmem:$0x1F800] =	vst v63  }
0xb1: {  	_ =	swait.ge [sflag:s26], $0x4000  }
0xb2: {  	[sflag:s26] =	ssyncset.done $0x0  }
0xb3: {  	s14 =	simm.s32 $0x14100;
	[sflag:s26] =	ssyncadd.s32 $0xFFFFC000  }
0xb4: {  	[tilespmem:s25], [sflag:$0x1] =	stream.indirect.gather [hbm4b:s10+s30], $0x80, s14, s30, $0xb8;
	[tilespmem:$0x1F800] =	vst v63  }
0xb5: {  	_ =	swait.ge [sflag:s3], $0x4000  }
0xb6: {  	[sflag:s3] =	ssyncset.done $0x0  }
0xb7: {  	s15 =	simm.s32 $0x15C80;
	[sflag:s3] =	ssyncadd.s32 $0xFFFFC000  }
0xb8: {  	[spmem:s1] =	stream.indirect.scatter.add.f32 [tilespmem:s31], [sflag:$0x3], $0x80, s15, s30, $0xb8;
	[tilespmem:$0x1F800] =	vst v63  }
0xb9: {  	_ =	swait.ge [sflag:s26], $0x4000  }
0xba: {  	s9 =	simm.s32 $0x100;
	s11 =	simm.s32 $0x800;
	[sflag:s26] =	ssyncset.done $0x0  }
.LBB2_6:
0xbb: {  	s12 =	sadd.s32 $0x14080, s9  }
0xbc: {  	[sflag:s26] =	ssyncadd.s32 $0xFFFFC000;
	s14 =	smov.u32 s11;
	s15 =	sadd.s32 $0x400, s11  }
0xbd: {  	[tilespmem:s31], [sflag:$0x2] =	stream.indirect.gather [hbm4b:s10+s30], $0x80, s12, s30, $0xb8;
	[tilespmem:$0x1F800] =	vst v63  }
0xbe: {  	p0 =	sne.s32 s11, $0x6400;
	_ =	swait.ge [sflag:s0], $0x4000  }
0xbf: {  	[sflag:s0] =	ssyncset.done $0x0  }
0xc0: {  	s11 =	sadd.s32 $0x15C00, s9;
	[sflag:s0] =	ssyncadd.s32 $0xFFFFC000  }
0xc1: {  	[spmem:s1] =	stream.indirect.scatter.add.f32 [tilespmem:s25], [sflag:$0x3], $0x80, s11, s30, $0xb8;
	[tilespmem:$0x1F800] =	vst v63  }
0xc2: {  	_ =	swait.ge [sflag:s26], $0x4000  }
0xc3: {  	[sflag:s26] =	ssyncset.done $0x0  }
0xc4: {  	s11 =	sadd.s32 $0x14100, s9;
	[sflag:s26] =	ssyncadd.s32 $0xFFFFC000  }
0xc5: {  	[tilespmem:s25], [sflag:$0x1] =	stream.indirect.gather [hbm4b:s10+s30], $0x80, s11, s30, $0xb8;
	[tilespmem:$0x1F800] =	vst v63  }
0xc6: {  	_ =	swait.ge [sflag:s3], $0x4000  }
.Ltmp2:
0xc7: {  	[sflag:s3] =	ssyncset.done $0x0;
	(pc) =	sbr.rel @p0 .LBB2_6-.Ltmp2, $4  }
0xc8: {  	s9 =	sadd.s32 $0x15C80, s9;
	[sflag:s3] =	ssyncadd.s32 $0xFFFFC000  }
0xc9: {  	[spmem:s1] =	stream.indirect.scatter.add.f32 [tilespmem:s31], [sflag:$0x3], $0x80, s9, s30, $0xb8;
	[tilespmem:$0x1F800] =	vst v63  }
0xca: {  	_ =	swait.ge [sflag:s26], $0x4000  }
0xcb: {  	s11 =	smov.u32 s15;
	s9 =	sshra.s32 s14, $0x2;
	[sflag:s26] =	ssyncset.done $0x0  }
0xcc: {  	s11 =	sadd.s32 $0x14080, s9;
	[sflag:s26] =	ssyncadd.s32 $0xFFFFC000  }
0xcd: {  	[tilespmem:s31], [sflag:$0x2] =	stream.indirect.gather [hbm4b:s10+s30], $0x80, s11, s30, $0xb8;
	[tilespmem:$0x1F800] =	vst v63  }
0xce: {  	_ =	swait.ge [sflag:s0], $0x4000  }
0xcf: {  	[sflag:s0] =	ssyncset.done $0x0  }
0xd0: {  	s14 =	sadd.s32 $0x15C00, s9;
	[sflag:s0] =	ssyncadd.s32 $0xFFFFC000  }
0xd1: {  	[spmem:s1] =	stream.indirect.scatter.add.f32 [tilespmem:s25], [sflag:$0x3], $0x80, s14, s30, $0xb8;
	[tilespmem:$0x1F800] =	vst v63  }
0xd2: {  	_ =	swait.ge [sflag:s26], $0x4000  }
0xd3: {  	[sflag:s26] =	ssyncset.done $0x0  }
0xd4: {  	s15 =	sadd.s32 $0x14100, s9;
	[sflag:s26] =	ssyncadd.s32 $0xFFFFC000  }
0xd5: {  	[tilespmem:s25], [sflag:$0x1] =	stream.indirect.gather [hbm4b:s10+s30], $0x80, s15, s30, $0xb8;
	[tilespmem:$0x1F800] =	vst v63  }
0xd6: {  	_ =	swait.ge [sflag:s3], $0x4000  }
0xd7: {  	[sflag:s3] =	ssyncset.done $0x0  }
0xd8: {  	s11 =	sadd.s32 $0x15C80, s9;
	[sflag:s3] =	ssyncadd.s32 $0xFFFFC000  }
0xd9: {  	[spmem:s1] =	stream.indirect.scatter.add.f32 [tilespmem:s31], [sflag:$0x3], $0x80, s11, s30, $0xb8;
	[tilespmem:$0x1F800] =	vst v63  }
0xda: {  	_ =	swait.ge [sflag:s26], $0x4000  }
0xdb: {  	[sflag:s26] =	ssyncset.done $0x0  }
0xdc: {  	[sflag:s26] =	ssyncadd.s32 $0xFFFFC000  }
0xdd: {  	[tilespmem:s31], [sflag:$0x2] =	stream.indirect.gather [hbm4b:s10+s30], $0x80, s6, s30, $0xb8;
	[tilespmem:$0x1F800] =	vst v63  }
0xde: {  	_ =	swait.ge [sflag:s0], $0x4000  }
0xdf: {  	[sflag:s0] =	ssyncset.done $0x0  }
0xe0: {  	[sflag:s0] =	ssyncadd.s32 $0xFFFFC000  }
0xe1: {  	[spmem:s1] =	stream.indirect.scatter.add.f32 [tilespmem:s25], [sflag:$0x3], $0x80, s7, s30, $0xb8;
	[tilespmem:$0x1F800] =	vst v63  }
0xe2: {  	_ =	swait.ge [sflag:s26], $0x4000  }
0xe3: {  	[sflag:s26] =	ssyncset.done $0x0  }
0xe4: {  	[sflag:s26] =	ssyncadd.s32 $0xFFFFC000  }
0xe5: {  	[tilespmem:s25], [sflag:$0x1] =	stream.indirect.gather [hbm4b:s10+s30], $0x80, s28, s30, $0xb8;
	[tilespmem:$0x1F800] =	vst v63  }
0xe6: {  	_ =	swait.ge [sflag:s3], $0x4000  }
0xe7: {  	[sflag:s3] =	ssyncset.done $0x0  }
0xe8: {  	[sflag:s3] =	ssyncadd.s32 $0xFFFFC000  }
0xe9: {  	[spmem:s1] =	stream.indirect.scatter.add.f32 [tilespmem:s31], [sflag:$0x3], $0x80, s8, s30, $0xb8;
	[tilespmem:$0x1F800] =	vst v63  }
0xea: {  	_ =	swait.ge [sflag:s26], $0x4000  }
0xeb: {  	[sflag:s26] =	ssyncset.done $0x0  }
0xec: {  	[sflag:s26] =	ssyncadd.s32 $0xFFFFC000  }
0xed: {  	_ =	swait.ge [sflag:s0], $0x4000  }
0xee: {  	[sflag:s0] =	ssyncset.done $0x0  }
0xef: {  	s12 =	simm.s32 $0x0;
	s14 =	rddreg [dreg:$0x8];
	[sflag:s0] =	ssyncadd.s32 $0xFFFFC000  }
0xf0: {  	[tilespmem:s28], [sflag:$0x3] =	stream.linear.gather [hbm4b:s14+s12], $0x1C00, $0x38;
	[tilespmem:$0x1F800] =	vst v63  }
0xf1: {  	_ =	swait.ge [sflag:s26], $0x1C00  }
0xf2: {  	[sflag:s26] =	ssyncset.done $0x0  }
0xf3: {  	s15 =	rddreg [dreg:$0x9];
	[sflag:s26] =	ssyncadd.s32 $0xFFFFE400  }
0xf4: {  	[tilespmem:s29], [sflag:$0x3] =	stream.linear.gather [hbm4b:s15+s12], $0x1C00, $0x38;
	[tilespmem:$0x1F800] =	vst v63  }
0xf5: {  	_ =	swait.ge [sflag:s26], $0x1C00  }
0xf6: {  	[sflag:s26] =	ssyncset.done $0x0  }
0xf7: {  	[sflag:s26] =	ssyncadd.s32 $0xFFFFE400  }
0xf8: {  	[tilespmem:s25], [sflag:$0x1] =	stream.indirect.gather [hbm4b:s13+s30], $0x80, s28, s30, $0xb8;
	[tilespmem:$0x1F800] =	vst v63  }
0xf9: {  	s11 =	simm.s32 $0x14080  }
0xfa: {  	[tilespmem:s31], [sflag:$0x2] =	stream.indirect.gather [hbm4b:s13+s30], $0x80, s11, s30, $0xb8;
	[tilespmem:$0x1F800] =	vst v63  }
0xfb: {  	_ =	swait.ge [sflag:s0], $0x4000  }
0xfc: {  	[sflag:s0] =	ssyncset.done $0x0  }
0xfd: {  	s12 =	simm.s32 $0x15C00;
	[sflag:s0] =	ssyncadd.s32 $0xFFFFC000  }
0xfe: {  	[spmem:s1] =	stream.indirect.scatter.add.f32 [tilespmem:s25], [sflag:$0x3], $0x80, s12, s30, $0xb8;
	[tilespmem:$0x1F800] =	vst v63  }
0xff: {  	_ =	swait.ge [sflag:s26], $0x4000  }
0x100: {  	[sflag:s26] =	ssyncset.done $0x0  }
0x101: {  	s14 =	simm.s32 $0x14100;
	[sflag:s26] =	ssyncadd.s32 $0xFFFFC000  }
0x102: {  	[tilespmem:s25], [sflag:$0x1] =	stream.indirect.gather [hbm4b:s13+s30], $0x80, s14, s30, $0xb8;
	[tilespmem:$0x1F800] =	vst v63  }
0x103: {  	_ =	swait.ge [sflag:s3], $0x4000  }
0x104: {  	[sflag:s3] =	ssyncset.done $0x0  }
0x105: {  	s15 =	simm.s32 $0x15C80;
	[sflag:s3] =	ssyncadd.s32 $0xFFFFC000  }
0x106: {  	[spmem:s1] =	stream.indirect.scatter.add.f32 [tilespmem:s31], [sflag:$0x3], $0x80, s15, s30, $0xb8;
	[tilespmem:$0x1F800] =	vst v63  }
0x107: {  	_ =	swait.ge [sflag:s26], $0x4000  }
0x108: {  	s9 =	simm.s32 $0x100;
	s11 =	simm.s32 $0x800;
	[sflag:s26] =	ssyncset.done $0x0  }
.LBB2_8:
0x109: {  	s12 =	sadd.s32 $0x14080, s9  }
0x10a: {  	[sflag:s26] =	ssyncadd.s32 $0xFFFFC000;
	s14 =	smov.u32 s11;
	s15 =	sadd.s32 $0x400, s11  }
0x10b: {  	[tilespmem:s31], [sflag:$0x2] =	stream.indirect.gather [hbm4b:s13+s30], $0x80, s12, s30, $0xb8;
	[tilespmem:$0x1F800] =	vst v63  }
0x10c: {  	p0 =	sne.s32 s11, $0x6400;
	_ =	swait.ge [sflag:s0], $0x4000  }
0x10d: {  	[sflag:s0] =	ssyncset.done $0x0  }
0x10e: {  	s11 =	sadd.s32 $0x15C00, s9;
	[sflag:s0] =	ssyncadd.s32 $0xFFFFC000  }
0x10f: {  	[spmem:s1] =	stream.indirect.scatter.add.f32 [tilespmem:s25], [sflag:$0x3], $0x80, s11, s30, $0xb8;
	[tilespmem:$0x1F800] =	vst v63  }
0x110: {  	_ =	swait.ge [sflag:s26], $0x4000  }
0x111: {  	[sflag:s26] =	ssyncset.done $0x0  }
0x112: {  	s11 =	sadd.s32 $0x14100, s9;
	[sflag:s26] =	ssyncadd.s32 $0xFFFFC000  }
0x113: {  	[tilespmem:s25], [sflag:$0x1] =	stream.indirect.gather [hbm4b:s13+s30], $0x80, s11, s30, $0xb8;
	[tilespmem:$0x1F800] =	vst v63  }
0x114: {  	_ =	swait.ge [sflag:s3], $0x4000  }
.Ltmp3:
0x115: {  	[sflag:s3] =	ssyncset.done $0x0;
	(pc) =	sbr.rel @p0 .LBB2_8-.Ltmp3, $4  }
0x116: {  	s9 =	sadd.s32 $0x15C80, s9;
	[sflag:s3] =	ssyncadd.s32 $0xFFFFC000  }
0x117: {  	[spmem:s1] =	stream.indirect.scatter.add.f32 [tilespmem:s31], [sflag:$0x3], $0x80, s9, s30, $0xb8;
	[tilespmem:$0x1F800] =	vst v63  }
0x118: {  	_ =	swait.ge [sflag:s26], $0x4000  }
0x119: {  	s11 =	smov.u32 s15;
	s9 =	sshra.s32 s14, $0x2;
	[sflag:s26] =	ssyncset.done $0x0  }
0x11a: {  	s11 =	sadd.s32 $0x14080, s9;
	[sflag:s26] =	ssyncadd.s32 $0xFFFFC000  }
0x11b: {  	[tilespmem:s31], [sflag:$0x2] =	stream.indirect.gather [hbm4b:s13+s30], $0x80, s11, s30, $0xb8;
	[tilespmem:$0x1F800] =	vst v63  }
0x11c: {  	_ =	swait.ge [sflag:s0], $0x4000  }
0x11d: {  	[sflag:s0] =	ssyncset.done $0x0  }
0x11e: {  	s14 =	sadd.s32 $0x15C00, s9;
	[sflag:s0] =	ssyncadd.s32 $0xFFFFC000  }
0x11f: {  	[spmem:s1] =	stream.indirect.scatter.add.f32 [tilespmem:s25], [sflag:$0x3], $0x80, s14, s30, $0xb8;
	[tilespmem:$0x1F800] =	vst v63  }
0x120: {  	_ =	swait.ge [sflag:s26], $0x4000  }
0x121: {  	[sflag:s26] =	ssyncset.done $0x0  }
0x122: {  	s15 =	sadd.s32 $0x14100, s9;
	[sflag:s26] =	ssyncadd.s32 $0xFFFFC000  }
0x123: {  	[tilespmem:s25], [sflag:$0x1] =	stream.indirect.gather [hbm4b:s13+s30], $0x80, s15, s30, $0xb8;
	[tilespmem:$0x1F800] =	vst v63  }
0x124: {  	_ =	swait.ge [sflag:s3], $0x4000  }
0x125: {  	[sflag:s3] =	ssyncset.done $0x0  }
0x126: {  	s11 =	sadd.s32 $0x15C80, s9;
	[sflag:s3] =	ssyncadd.s32 $0xFFFFC000  }
0x127: {  	[spmem:s1] =	stream.indirect.scatter.add.f32 [tilespmem:s31], [sflag:$0x3], $0x80, s11, s30, $0xb8;
	[tilespmem:$0x1F800] =	vst v63  }
0x128: {  	_ =	swait.ge [sflag:s26], $0x4000  }
0x129: {  	[sflag:s26] =	ssyncset.done $0x0  }
0x12a: {  	[sflag:s26] =	ssyncadd.s32 $0xFFFFC000  }
0x12b: {  	[tilespmem:s31], [sflag:$0x2] =	stream.indirect.gather [hbm4b:s13+s30], $0x80, s6, s30, $0xb8;
	[tilespmem:$0x1F800] =	vst v63  }
0x12c: {  	_ =	swait.ge [sflag:s0], $0x4000  }
0x12d: {  	[sflag:s0] =	ssyncset.done $0x0  }
0x12e: {  	[sflag:s0] =	ssyncadd.s32 $0xFFFFC000  }
0x12f: {  	[spmem:s1] =	stream.indirect.scatter.add.f32 [tilespmem:s25], [sflag:$0x3], $0x80, s7, s30, $0xb8;
	[tilespmem:$0x1F800] =	vst v63  }
0x130: {  	_ =	swait.ge [sflag:s26], $0x4000  }
0x131: {  	[sflag:s26] =	ssyncset.done $0x0  }
0x132: {  	[sflag:s26] =	ssyncadd.s32 $0xFFFFC000  }
0x133: {  	[tilespmem:s25], [sflag:$0x1] =	stream.indirect.gather [hbm4b:s13+s30], $0x80, s28, s30, $0xb8;
	[tilespmem:$0x1F800] =	vst v63  }
0x134: {  	_ =	swait.ge [sflag:s3], $0x4000  }
0x135: {  	[sflag:s3] =	ssyncset.done $0x0  }
0x136: {  	[sflag:s3] =	ssyncadd.s32 $0xFFFFC000  }
0x137: {  	[spmem:s1] =	stream.indirect.scatter.add.f32 [tilespmem:s31], [sflag:$0x3], $0x80, s8, s30, $0xb8;
	[tilespmem:$0x1F800] =	vst v63  }
0x138: {  	_ =	swait.ge [sflag:s26], $0x4000  }
0x139: {  	[sflag:s26] =	ssyncset.done $0x0  }
0x13a: {  	[sflag:s26] =	ssyncadd.s32 $0xFFFFC000  }
0x13b: {  	_ =	swait.ge [sflag:s0], $0x4000  }
0x13c: {  	s12 =	stileid.u32;
	[sflag:s0] =	ssyncset.done $0x0  }
0x13d: {  	s9 =	sshll.u32 s12, $0x6;
	[sflag:s0] =	ssyncadd.s32 $0xFFFFC000  }
0x13e: {  	s9 =	sor.u32 $0x1C03, s9;
	s14 =	sshrl.u32 s5, $0x3;
	[bflag:$0x0] =	sbarrier.arrive $0xFFFF  }
0x13f: {  	[hbm:s24], [sflag:s9] =	dma.local [spmem:s14], $0x2800  }
0x140: {  	_ =	swait.ge [sflag:s26], $0x2800  }
0x141: {  	s2 =	sadd.s32 $0x1, s2;
	s15 =	rddreg [dreg:$0xa]  }
0x142: {  	p0 =	sne.s32 s2, s15  }
.Ltmp4:
0x143: {  	_ = 	snop;
	(pc) =	sbr.rel @p0 .LBB2_1-.Ltmp4, $3  }
0x144: {  	_ =	sdelay $0x1  }
0x145: {  	[sflag:s26] =	ssyncset.done $0x0  }
0x146: {  	[sflag:s26] =	ssyncadd.s32 $0xFFFFD800  }
0x147: {  	_ =	sfence.sel $0x180000  }
0x148: {  	[bflag:$0x0] =	sbarrier.arrive $0xFFFF  }
0x149: {  	_ =	strace $0x9000004D  }
0x14a: {  	s0 =	stileid.u32;
	[bflag:$0x2] =	sbarrier.arrive $0xFFFF  }
0x14b: {  	p0 =	sne.s32 s0, $0x0;
	s0 =	rddreg [dreg:$0x3]  }
0x14c: {  	s0 =	sadd.s32 @!p0 $0x100000, s0  }
0x14d: {  	[sflag:s0] =	ssyncadd.tile.s32 @!p0 $0x1;
	_ =	shalt  }
.Lfunc_end2:
_tile_overlayer_lowered:
.L_overlay_start_2:
0x14e: {  	(tag) =	ssettag $0x2  }
0x14f: {  	s0 =	rddreg [dreg:$0x0];
	s2 =	stileid.u32  }
0x150: {  	s1 =	rddreg [dreg:$0x1];
	p0 =	sne.s32 s2, $0x0  }
0x151: {  	s3 =	rddreg [dreg:$0x2];
	[bflag:$0x3] =	sbarrier.arrive $0xFFFF;
	s2 =	simm.s32 @!p0 $0x1C03  }
0x152: {  	[timem:s3], [sflag:s2] =	dma.local @!p0 [hbm:s0], s1  }
0x153: {  	s0 =	simm.s32 @!p0 $0x3  }
0x154: {  	_ =	swait.ge @!p0 [sflag:s0], s1  }
0x155: {  	s1 =	ssub.s32 @!p0 $0x0, s1;
	[sflag:s0] =	ssyncset.done @!p0 $0x0  }
0x156: {  	[sflag:s0] =	ssyncadd.s32 @!p0 s1  }
0x157: {  	[bflag:$0x3] =	sbarrier.arrive $0xFFFF  }
0x158: {  	_ =	shalt  }

// kernel: kernel.9.cloned.1.call-start
scs
__scs_entry_jumppad:
0x0: {  	(pc) =	sbr.rel $0x88, $3  }
0x1: {  	(tag) =	ssettag $0x0;
	lr =	simm.s32 $0x1  }
0x2: {  	[smem:$0x3F9A] =	sst lr;
	_ =	strace $0xD0000000  }
0x3: {  	_ = 	snop  }
0x4: {  	_ = 	snop  }
0x5: {  	_ = 	snop  }
0x6: {  	_ = 	snop  }
0x7: {  	_ = 	snop  }
__scs_overlays_trampoline_lowered:
0x8: {  	[smem:$0x3FA9] =	sst s0  }
0x9: {  	[smem:$0x3FAA] =	sst s1  }
0xa: {  	[smem:$0x3FAB] =	sst s2  }
0xb: {  	[smem:$0x3FAC] =	sst s3  }
0xc: {  	[smem:$0x3FAD] =	sst s4  }
0xd: {  	[smem:$0x3FAE] =	sst s5  }
0xe: {  	[smem:$0x3FAF] =	sst s6  }
0xf: {  	[smem:$0x3FB0] =	sst s7  }
0x10: {  	[smem:$0x3FB1] =	sst s8  }
0x11: {  	[smem:$0x3FB2] =	sst s9;
	s0 =	simm.s32 @!p0 $0x0  }
0x12: {  	s1 =	sld [smem:$0x3F98];
	s0 =	simm.s32 @p0 $0x1  }
0x13: {  	[smem:$0x3FB3] =	sst s0;
	s0 =	simm.s32 @!p1 $0x0  }
0x14: {  	s2 =	sld [smem:$0x3F97];
	s0 =	simm.s32 @p1 $0x1  }
0x15: {  	[smem:$0x3FB4] =	sst s0;
	s0 =	simm.s32 @!p2 $0x0  }
0x16: {  	s3 =	sld [smem:$0x3FDB];
	s0 =	simm.s32 @p2 $0x1  }
0x17: {  	s4 =	simm.s32 $0x1BF5;
	[smem:$0x3FB6] =	sst s0  }
0x18: {  	s0 =	sld [smem:$0x3F99];
	_ =	swait.ge [sflag:s4], $0x0  }
0x19: {  	s7 =	sld [smem:$0x3F9A]  }
0x1a: {  	s8 =	sadd.s32 $0xFFFFE003, lr  }
0x1b: {  	s9 =	sadd.s32 $0xFFFFFEF7, lr;
	s5 =	simm.s32 $0xFFFFFFFF;
	p2 =	slt.u32 s8, $0xFFFFF086  }
0x1c: {  	p1 =	slt.u32 s9, $0xF7A;
	s5 =	simm.s32 @!p2 $0x0  }
0x1d: {  	s5 =	simm.s32 @p1 $0x1;
	p0 =	seq.s32 s7, s2  }
0x1e: {  	s7 =	smul.u32 @!p0 $0xF7A, s2;
	p2 =	seq.s32 @!p0 s5, $0x0  }
0x1f: {  	s9 =	smul.u32 $0xF7A, s1;
	s8 =	simm.s32 @!p0 $0x1BF5;
	p2 =	por !p2, p0  }
0x20: {  	[sflag:s8] =	ssyncset.s32 @!p0 $0xFFFFF086;
	s6 =	sadd.s32 @!p0 s3, s7;
	s7 =	simm.s32 @!p0 $0x108  }
0x21: {  	s3 =	sadd.s32 s3, s9;
	s6 =	sadd.s32 @!p0 $0x88, s6;
	s7 =	simm.s32 @p2 $0x1082  }
0x22: {  	[simem:s7], [sflag:s8] =	dma.local @!p0 [hbm:s6], $0xF7A  }
0x23: {  	s9 =	sor.u32 $0xD0000000, s2;
	s6 =	simm.s32 $0x108;
	_ =	swait.ge @!p0 [sflag:s8], $0x0  }
0x24: {  	s3 =	sadd.s32 $0x88, s3;
	s6 =	simm.s32 @!p1 $0x1082;
	[sflag:s4] =	ssyncset.s32 $0xFFFFF086  }
0x25: {  	[simem:s6], [sflag:s4] =	dma.local [hbm:s3], $0xF7A  }
0x26: {  	[smem:$0x3F9A] =	sst s1;
	(tag) =	ssettag s2;
	_ =	strace s9  }
0x27: {  	s1 =	sld [smem:$0x3FAA]  }
0x28: {  	s2 =	sld [smem:$0x3FAB]  }
0x29: {  	s4 =	sld [smem:$0x3FAD]  }
0x2a: {  	p0 =	seq.s32 s5, $0x0;
	s5 =	sld [smem:$0x3FAE]  }
0x2b: {  	s6 =	sld [smem:$0x3FAF]  }
0x2c: {  	s7 =	sld [smem:$0x3FB0]  }
0x2d: {  	s3 =	simm.s32 $0x108;
	s8 =	sld [smem:$0x3FB1]  }
0x2e: {  	s3 =	simm.s32 @!p0 $0x1082;
	s9 =	sld [smem:$0x3FB2]  }
0x2f: {  	lr =	sadd.s32 s0, s3;
	s0 =	sld [smem:$0x3FA9]  }
0x30: {  	s3 =	sld [smem:$0x3FAC]  }
0x31: {  	[smem:$0x3FB5] =	sst s10  }
0x32: {  	s10 =	sld [smem:$0x3FB3];
	_ =	sdelay $0x3  }
0x33: {  	p0 =	seq.s32 s10, $0x1;
	s10 =	sld [smem:$0x3FB5];
	_ =	sdelay $0x3  }
0x34: {  	[smem:$0x3FB5] =	sst s10  }
0x35: {  	s10 =	sld [smem:$0x3FB4];
	_ =	sdelay $0x3  }
0x36: {  	p1 =	seq.s32 s10, $0x1;
	s10 =	sld [smem:$0x3FB5];
	_ =	sdelay $0x3  }
0x37: {  	[smem:$0x3FB5] =	sst s10  }
0x38: {  	s10 =	sld [smem:$0x3FB6]  }
0x39: {  	_ = 	snop;
	(pc) =	sbr.ind lr, $3  }
0x3a: {  	_ = 	snop  }
0x3b: {  	_ = 	snop  }
0x3c: {  	p2 =	seq.s32 s10, $0x1;
	s10 =	sld [smem:$0x3FB5]  }
0x3d: {  	_ =	shalt  }
0x3e: {  	_ =	shalt  }
0x3f: {  	_ =	shalt  }
0x40: {  	_ =	shalt  }
0x41: {  	_ =	shalt  }
0x42: {  	_ =	shalt  }
0x43: {  	_ =	shalt  }
0x44: {  	_ =	shalt  }
0x45: {  	_ =	shalt  }
0x46: {  	_ =	shalt  }
0x47: {  	_ =	shalt  }
0x48: {  	_ =	shalt  }
0x49: {  	_ =	shalt  }
0x4a: {  	_ =	shalt  }
0x4b: {  	_ =	shalt  }
0x4c: {  	_ =	shalt  }
0x4d: {  	_ =	shalt  }
0x4e: {  	_ =	shalt  }
0x4f: {  	_ =	shalt  }
0x50: {  	_ =	shalt  }
0x51: {  	_ =	shalt  }
0x52: {  	_ =	shalt  }
0x53: {  	_ =	shalt  }
0x54: {  	_ =	shalt  }
0x55: {  	_ =	shalt  }
0x56: {  	_ =	shalt  }
0x57: {  	_ =	shalt  }
0x58: {  	_ =	shalt  }
0x59: {  	_ =	shalt  }
0x5a: {  	_ =	shalt  }
0x5b: {  	_ =	shalt  }
0x5c: {  	_ =	shalt  }
0x5d: {  	_ =	shalt  }
0x5e: {  	_ =	shalt  }
0x5f: {  	_ =	shalt  }
0x60: {  	_ =	shalt  }
0x61: {  	_ =	shalt  }
0x62: {  	_ =	shalt  }
0x63: {  	_ =	shalt  }
0x64: {  	_ =	shalt  }
0x65: {  	_ =	shalt  }
0x66: {  	_ =	shalt  }
0x67: {  	_ =	shalt  }
0x68: {  	_ =	shalt  }
0x69: {  	_ =	shalt  }
0x6a: {  	_ =	shalt  }
0x6b: {  	_ =	shalt  }
0x6c: {  	_ =	shalt  }
0x6d: {  	_ =	shalt  }
0x6e: {  	_ =	shalt  }
0x6f: {  	_ =	shalt  }
0x70: {  	_ =	shalt  }
0x71: {  	_ =	shalt  }
0x72: {  	_ =	shalt  }
0x73: {  	_ =	shalt  }
0x74: {  	_ =	shalt  }
0x75: {  	_ =	shalt  }
0x76: {  	_ =	shalt  }
0x77: {  	_ =	shalt  }
0x78: {  	_ =	shalt  }
0x79: {  	_ =	shalt  }
0x7a: {  	_ =	shalt  }
0x7b: {  	_ =	shalt  }
0x7c: {  	_ =	shalt  }
0x7d: {  	_ =	shalt  }
0x7e: {  	_ =	shalt  }
0x7f: {  	_ =	shalt  }
0x80: {  	_ =	shalt  }
0x81: {  	_ =	shalt  }
0x82: {  	_ =	shalt  }
0x83: {  	_ =	shalt  }
0x84: {  	_ =	shalt  }
0x85: {  	_ =	shalt  }
0x86: {  	_ =	shalt  }
0x87: {  	_ =	shalt  }
.Lfunc_end0:
.L_simem_size_0:
called_computation_lowered:
.L_overlay_start_0:
0x88: {  	s2 =	sld [smem:$0x3FD9]  }
0x89: {  	s3 =	sld [smem:$0x3FFE];
	_ =	sdelay $0x1  }
0x8a: {  	s1 =	srdreg.scid  }
0x8b: {  	s0 =	sand.u32 $0x1, s1  }
0x8c: {  	s17 =	sshll.u32 s0, $0xA;
	s2 =	sadd.s32 s3, s2  }
0x8d: {  	s2 =	sadd.s32 s2, s17  }
0x8e: {  	[smem:$0x3FC1] =	sst s2  }
0x8f: {  	_ = 	snop  }
0x90: {  	s2 =	sld [smem:$0x3FD0];
	(tm) =	ssettm $0x1  }
0x91: {  	s18 =	sld [smem:$0x3FFB];
	_ =	sdelay $0x3  }
0x92: {  	_ =	strace s18  }
0x93: {  	s3 =	sld [smem:$0x3FFC];
	_ =	sdelay $0x3  }
0x94: {  	_ =	strace s3  }
0x95: {  	s3 =	sld [smem:$0x3FFD];
	_ =	sdelay $0x3  }
0x96: {  	_ =	strace s3  }
0x97: {  	_ =	strace $0x8FFFFFFF  }
0x98: {  	s19 =	sld [smem:$0x3FDB];
	_ =	sdelay $0x1  }
0x99: {  	s4 =	simm.s32 $_scs_section_size  }
0x9a: {  	s5 =	simm.s32 $_size__tile_overlayer_lowered;
	s6 =	simm.s32 $_tile_overlayer_lowered  }
0x9b: {  	s22 =	simm.s32 $0x1BFF;
	s21 =	sshll.u32 s6, $0x1;
	s3 =	sadd.s32 s4, s19  }
0x9c: {  	s7 =	simm.s32 $0x0;
	s20 =	sshll.u32 s5, $0x1;
	s5 =	sadd.s32 s21, s3  }
0x9d: {  	[timem:s7], [sflag:s22] =	dma.local [hbm:s5], s20  }
0x9e: {  	_ =	swait.ge [sflag:s22], s20  }
0x9f: {  	s4 =	ssub.s32 $0x0, s20;
	[sflag:s22] =	ssyncset.done $0x0  }
0xa0: {  	[sflag:s22] =	ssyncadd.s32 s4;
	_ =	sdelay $0x1  }
0xa1: {  	s23 =	simm.s32 $0x1B8B  }
0xa2: {  	_ =	swait.ge [sflag:s23], $0x1  }
0xa3: {  	[sflag:s23] =	ssyncset.done $0x0  }
0xa4: {  	s25 =	simm.s32 $0x1B8E;
	s24 =	sld [smem:$0x3FFE];
	[sflag:s23] =	ssyncadd.s32 $0xFFFFFFFF  }
0xa5: {  	s26 =	simm.s32 $execute0_lowered;
	[smem:$0x3FD2] =	sst s25  }
0xa6: {  	s5 =	sshll.u32 s26, $0x1;
	_ =	strace $0x80000046;
	[dreg:$0x1] =	wrdreg $0xFFFFFFFF  }
0xa7: {  	s28 =	simm.s32 $_size_execute0_lowered;
	s3 =	sadd.s32 s3, s5;
	[dreg:$0x0] =	wrdreg $0x0  }
0xa8: {  	s5 =	sshll.u32 s28, $0x1;
	[dreg:$0x2] =	wrdreg s3  }
0xa9: {  	[dreg:$0x3] =	wrdreg s5  }
0xaa: {  	[dreg:$0x4] =	wrdreg $0xC0  }
0xab: {  	_ =	task [dreg:s7], $0x5FFFF  }
0xac: {  	[dreg:$0x1] =	wrdreg $0xFFFFFFFF  }
0xad: {  	[dreg:$0x0] =	wrdreg $0x60  }
0xae: {  	[dreg:$0x2] =	wrdreg s24  }
0xaf: {  	[dreg:$0x3] =	wrdreg s2  }
0xb0: {  	[dreg:$0x4] =	wrdreg $0x0  }
0xb1: {  	[dreg:$0x5] =	wrdreg $0x9  }
0xb2: {  	_ =	task.clear_ibuf [dreg:s7], $0x6FFFF;
	_ =	strace $0x90000046  }
0xb3: {  	s29 =	simm.s32 $0x9;
	_ =	strace $0x80000048  }
0xb4: {  	_ =	swait.ge [sflag:s29], $0x1  }
0xb5: {  	[sflag:s29] =	ssyncadd.s32 $0xFFFFFFFF  }
0xb6: {  	_ =	strace $0x90000048  }
0xb7: {  	_ =	sfence  }
0xb8: {  	s30 =	sld [smem:$0x0];
	_ =	sdelay $0x2  }
0xb9: {  	s31 =	sshll.u32 s1, $0xD;
	s1 =	sshrl.u32 s1, $0x2  }
0xba: {  	s3 =	sand.u32 $0x4000, s31;
	s1 =	sadd.s32 s1, s30  }
0xbb: {  	s0 =	sor.u32 s3, s0;
	s1 =	sshll.u32 s1, $0x11  }
0xbc: {  	s0 =	sor.u32 s1, s0  }
0xbd: {  	s0 =	sadd.s32 $0x8F2B, s0  }
0xbe: {  	[sflag:s0] =	ssyncadd.remote.s32 $0x1  }
0xbf: {  	_ =	sfence.sel $0xFFFF  }
0xc0: {  	[dreg:$0x0] =	wrdreg $0xFFFFFFFF;
	(pc) =	sbr.abs _section_cstart, $3  }
0xc1: {  	[dreg:$0x1] =	wrdreg $0xFFFFFFFF  }
0xc2: {  	_ =	task.clear_ibuf [dreg:s7], $0x2FFFF;
	_ =	strace $0x9FFFFFFF  }
0xc3: {  	(tm) =	ssettm $0x7FFFFFFF  }
tec
execute0_lowered:
.L_overlay_start_1:
0x0: {  	(tag) =	ssettag $0x1  }
0x1: {  	s0 =	rddreg [dreg:$0x0]  }
0x2: {  	s3 =	rddreg [dreg:$0x1]  }
0x3: {  	s1 =	rddreg [dreg:$0x2]  }
0x4: {  	s2 =	simm.s32 $0x0;
	s4 =	srdreg.scid;
	s12 =	stileid.u32  }
0x5: {  	s28 =	simm.s32 $0x14000;
	s29 =	simm.s32 $0x15C00;
	s30 =	simm.s32 $0x80  }
0x6: {  	s31 =	simm.s32 $0x1B800;
	s5 =	sand.u32 $0x1, s4;
	s8 =	smul.u32 $0x50000, s12  }
0x7: {  	[smem:$0x7FF] =	sst s2;
	s11 =	sadd.s32 $0x3600, s0;
	s6 =	smul.u32 $0x28000, s5  }
0x8: {  	s4 =	sshll.u32 s5, $0x4;
	_ =	strace $0x80000047;
	s5 =	ssub.s32 $0x2, s5  }
0x9: {  	s7 =	sor.u32 s12, s4;
	s4 =	sadd.s32 $0x18600, s0;
	s10 =	sshrl.u32 s5, $0x1  }
0xa: {  	s8 =	sshrl.u32 s8, $0x2;
	s9 =	smul.u32 $0x1C00, s7;
	s6 =	sadd.s32 s6, s0  }
0xb: {  	s7 =	smul.u32 $0x380, s7;
	s14 =	ssub.s32 s5, s10;
	s5 =	sadd.s32 s8, s1  }
0xc: {  	s10 =	sadd.s32 $0x3F700, s0;
	s15 =	sadd.s32 $0x8DA00, s6;
	s16 =	sadd.s32 $0x4000, s5  }
0xd: {  	s17 =	sadd.s32 $0x6000, s5;
	s18 =	sadd.s32 $0x8000, s5;
	s19 =	sadd.s32 $0xA000, s5  }
0xe: {  	s20 =	sadd.s32 $0xC000, s5;
	s21 =	sadd.s32 $0xE000, s5;
	s22 =	sadd.s32 $0x10000, s5  }
0xf: {  	s23 =	sadd.s32 $0x12000, s5;
	s6 =	simm.s32 $0x15A80;
	s25 =	sadd.s32 s3, s7  }
0x10: {  	s9 =	sshrl.u32 s9, $0x3;
	s7 =	sadd.s32 s11, s7;
	[dreg:$0x4] =	wrdreg s25  }
0x11: {  	s24 =	sadd.s32 $0x7000, s9;
	[dreg:$0x5] =	wrdreg s7;
	s25 =	smax.u32 s14, $0x1  }
0x12: {  	s9 =	sadd.s32 $0xE000, s9;
	s26 =	sadd.s32 s3, s24;
	[dreg:$0xa] =	wrdreg s25  }
0x13: {  	s7 =	simm.s32 $0x17600;
	s8 =	sadd.s32 s11, s24;
	[dreg:$0x6] =	wrdreg s26  }
0x14: {  	s3 =	sadd.s32 s3, s9;
	s13 =	sadd.s32 s11, s9;
	[dreg:$0x7] =	wrdreg s8  }
0x15: {  	s24 =	smul.u32 $0x2800, s12;
	s25 =	simm.s32 $0x17800;
	[dreg:$0x8] =	wrdreg s3  }
0x16: {  	[dreg:$0x9] =	wrdreg s13;
	s13 =	sadd.s32 $0x66800, s0;
	s26 =	sadd.s32 $0x2000, s5  }
0x17: {  	s0 =	simm.s32 $0x1;
	s3 =	simm.s32 $0x2;
	s8 =	simm.s32 $0x17680  }
0x18: {  	v0 =	vimm.f32 $0.0e+00;
	[dreg:$0xb] =	wrdreg s26;
	s24 =	sadd.s32 s24, s15;
	s26 =	simm.s32 $0x3  }
.LBB2_1:
0x19: {  	s9 =	simm.s32 $0x0;
	s11 =	simm.s32 $0x200  }
.LBB2_2:
0x1a: {  	p0 =	sne.s32 s11, $0xFE00;
	[tilespmem:s9+$0x17870] =	vst v0  }
0x1b: {  	[tilespmem:s9+$0x17800] =	vst v0  }
0x1c: {  	[tilespmem:s9+$0x17810] =	vst v0  }
.Ltmp0:
0x1d: {  	[tilespmem:s9+$0x17820] =	vst v0;
	(pc) =	sbr.rel @p0 .LBB2_2-.Ltmp0, $4  }
0x1e: {  	[tilespmem:s9+$0x17830] =	vst v0  }
0x1f: {  	[tilespmem:s9+$0x17840] =	vst v0  }
0x20: {  	[tilespmem:s9+$0x17850] =	vst v0  }
0x21: {  	[tilespmem:s9+$0x17860] =	vst v0;
	s9 =	sshra.s32 s11, $0x2;
	s11 =	sadd.s32 $0x200, s11  }
0x22: {  	[tilespmem:s9+$0x17870] =	vst v0  }
0x23: {  	[tilespmem:s9+$0x17800] =	vst v0  }
0x24: {  	[tilespmem:s9+$0x17810] =	vst v0  }
0x25: {  	[tilespmem:s9+$0x17820] =	vst v0  }
0x26: {  	[tilespmem:s9+$0x17830] =	vst v0  }
0x27: {  	[tilespmem:s9+$0x17840] =	vst v0  }
0x28: {  	[tilespmem:s9+$0x17850] =	vst v0  }
0x29: {  	[tilespmem:s9+$0x17860] =	vst v0  }
0x2a: {  	[spmem:s5] =	stream.linear.scatter [tilespmem:s25], [sflag:$0x3], $0x2000, $0x38;
	[tilespmem:$0x1F800] =	vst v63  }
0x2b: {  	_ =	swait.ge [sflag:s26], $0x2000  }
0x2c: {  	[sflag:s26] =	ssyncset.done $0x0  }
0x2d: {  	s12 =	rddreg [dreg:$0xb];
	[sflag:s26] =	ssyncadd.s32 $0xFFFFE000  }
0x2e: {  	[spmem:s12] =	stream.linear.scatter [tilespmem:s25], [sflag:$0x3], $0x2000, $0x38;
	[tilespmem:$0x1F800] =	vst v63  }
0x2f: {  	_ =	swait.ge [sflag:s26], $0x2000  }
0x30: {  	[sflag:s26] =	ssyncset.done $0x0  }
0x31: {  	[sflag:s26] =	ssyncadd.s32 $0xFFFFE000  }
0x32: {  	[spmem:s16] =	stream.linear.scatter [tilespmem:s25], [sflag:$0x3], $0x2000, $0x38;
	[tilespmem:$0x1F800] =	vst v63  }
0x33: {  	_ =	swait.ge [sflag:s26], $0x2000  }
0x34: {  	[sflag:s26] =	ssyncset.done $0x0  }
0x35: {  	[sflag:s26] =	ssyncadd.s32 $0xFFFFE000  }
0x36: {  	[spmem:s17] =	stream.linear.scatter [tilespmem:s25], [sflag:$0x3], $0x2000, $0x38;
	[tilespmem:$0x1F800] =	vst v63  }
0x37: {  	_ =	swait.ge [sflag:s26], $0x2000  }
0x38: {  	[sflag:s26] =	ssyncset.done $0x0  }
0x39: {  	[sflag:s26] =	ssyncadd.s32 $0xFFFFE000  }
0x3a: {  	[spmem:s18] =	stream.linear.scatter [tilespmem:s25], [sflag:$0x3], $0x2000, $0x38;
	[tilespmem:$0x1F800] =	vst v63  }
0x3b: {  	_ =	swait.ge [sflag:s26], $0x2000  }
0x3c: {  	[sflag:s26] =	ssyncset.done $0x0  }
0x3d: {  	[sflag:s26] =	ssyncadd.s32 $0xFFFFE000  }
0x3e: {  	[spmem:s19] =	stream.linear.scatter [tilespmem:s25], [sflag:$0x3], $0x2000, $0x38;
	[tilespmem:$0x1F800] =	vst v63  }
0x3f: {  	_ =	swait.ge [sflag:s26], $0x2000  }
0x40: {  	[sflag:s26] =	ssyncset.done $0x0  }
0x41: {  	[sflag:s26] =	ssyncadd.s32 $0xFFFFE000  }
0x42: {  	[spmem:s20] =	stream.linear.scatter [tilespmem:s25], [sflag:$0x3], $0x2000, $0x38;
	[tilespmem:$0x1F800] =	vst v63  }
0x43: {  	_ =	swait.ge [sflag:s26], $0x2000  }
0x44: {  	[sflag:s26] =	ssyncset.done $0x0  }
0x45: {  	[sflag:s26] =	ssyncadd.s32 $0xFFFFE000  }
0x46: {  	[spmem:s21] =	stream.linear.scatter [tilespmem:s25], [sflag:$0x3], $0x2000, $0x38;
	[tilespmem:$0x1F800] =	vst v63  }
0x47: {  	_ =	swait.ge [sflag:s26], $0x2000  }
0x48: {  	[sflag:s26] =	ssyncset.done $0x0  }
0x49: {  	[sflag:s26] =	ssyncadd.s32 $0xFFFFE000  }
0x4a: {  	[spmem:s22] =	stream.linear.scatter [tilespmem:s25], [sflag:$0x3], $0x2000, $0x38;
	[tilespmem:$0x1F800] =	vst v63  }
0x4b: {  	_ =	swait.ge [sflag:s26], $0x2000  }
0x4c: {  	[sflag:s26] =	ssyncset.done $0x0  }
0x4d: {  	[sflag:s26] =	ssyncadd.s32 $0xFFFFE000  }
0x4e: {  	[spmem:s23] =	stream.linear.scatter [tilespmem:s25], [sflag:$0x3], $0x2000, $0x38;
	[tilespmem:$0x1F800] =	vst v63  }
0x4f: {  	_ =	swait.ge [sflag:s26], $0x2000  }
0x50: {  	[sflag:s26] =	ssyncset.done $0x0  }
0x51: {  	[sflag:s26] =	ssyncadd.s32 $0xFFFFE000  }
0x52: {  	[bflag:$0x0] =	sbarrier.arrive $0xFFFF  }
0x53: {  	s14 =	simm.s32 $0x0;
	s11 =	rddreg [dreg:$0x4]  }
0x54: {  	[tilespmem:s28], [sflag:$0x3] =	stream.linear.gather [hbm4b:s11+s14], $0x1C00, $0x38;
	[tilespmem:$0x1F800] =	vst v63  }
0x55: {  	_ =	swait.ge [sflag:s26], $0x1C00  }
0x56: {  	[sflag:s26] =	ssyncset.done $0x0  }
0x57: {  	s15 =	rddreg [dreg:$0x5];
	[sflag:s26] =	ssyncadd.s32 $0xFFFFE400  }
0x58: {  	[tilespmem:s29], [sflag:$0x3] =	stream.linear.gather [hbm4b:s15+s14], $0x1C00, $0x38;
	[tilespmem:$0x1F800] =	vst v63  }
0x59: {  	_ =	swait.ge [sflag:s26], $0x1C00  }
0x5a: {  	[sflag:s26] =	ssyncset.done $0x0  }
0x5b: {  	[sflag:s26] =	ssyncadd.s32 $0xFFFFE400  }
0x5c: {  	[tilespmem:s25], [sflag:$0x1] =	stream.indirect.gather [hbm4b:s4+s30], $0x80, s28, s30, $0xb8;
	[tilespmem:$0x1F800] =	vst v63  }
0x5d: {  	s11 =	simm.s32 $0x14080  }
0x5e: {  	[tilespmem:s31], [sflag:$0x2] =	stream.indirect.gather [hbm4b:s4+s30], $0x80, s11, s30, $0xb8;
	[tilespmem:$0x1F800] =	vst v63  }
0x5f: {  	_ =	swait.ge [sflag:s0], $0x4000  }
0x60: {  	[sflag:s0] =	ssyncset.done $0x0  }
0x61: {  	s12 =	simm.s32 $0x15C00;
	[sflag:s0] =	ssyncadd.s32 $0xFFFFC000  }
0x62: {  	[spmem:s1] =	stream.indirect.scatter.add.f32 [tilespmem:s25], [sflag:$0x3], $0x80, s12, s30, $0xb8;
	[tilespmem:$0x1F800] =	vst v63  }
0x63: {  	_ =	swait.ge [sflag:s26], $0x4000  }
0x64: {  	[sflag:s26] =	ssyncset.done $0x0  }
0x65: {  	s14 =	simm.s32 $0x14100;
	[sflag:s26] =	ssyncadd.s32 $0xFFFFC000  }
0x66: {  	[tilespmem:s25], [sflag:$0x1] =	stream.indirect.gather [hbm4b:s4+s30], $0x80, s14, s30, $0xb8;
	[tilespmem:$0x1F800] =	vst v63  }
0x67: {  	_ =	swait.ge [sflag:s3], $0x4000  }
0x68: {  	[sflag:s3] =	ssyncset.done $0x0  }
0x69: {  	s15 =	simm.s32 $0x15C80;
	[sflag:s3] =	ssyncadd.s32 $0xFFFFC000  }
0x6a: {  	[spmem:s1] =	stream.indirect.scatter.add.f32 [tilespmem:s31], [sflag:$0x3], $0x80, s15, s30, $0xb8;
	[tilespmem:$0x1F800] =	vst v63  }
0x6b: {  	_ =	swait.ge [sflag:s26], $0x4000  }
0x6c: {  	s9 =	simm.s32 $0x100;
	s11 =	simm.s32 $0x800;
	[sflag:s26] =	ssyncset.done $0x0  }
.LBB2_4:
0x6d: {  	s12 =	sadd.s32 $0x14080, s9  }
0x6e: {  	[sflag:s26] =	ssyncadd.s32 $0xFFFFC000;
	s14 =	smov.u32 s11;
	s15 =	sadd.s32 $0x400, s11  }
0x6f: {  	[tilespmem:s31], [sflag:$0x2] =	stream.indirect.gather [hbm4b:s4+s30], $0x80, s12, s30, $0xb8;
	[tilespmem:$0x1F800] =	vst v63  }
0x70: {  	p0 =	sne.s32 s11, $0x6400;
	_ =	swait.ge [sflag:s0], $0x4000  }
0x71: {  	[sflag:s0] =	ssyncset.done $0x0  }
0x72: {  	s11 =	sadd.s32 $0x15C00, s9;
	[sflag:s0] =	ssyncadd.s32 $0xFFFFC000  }
0x73: {  	[spmem:s1] =	stream.indirect.scatter.add.f32 [tilespmem:s25], [sflag:$0x3], $0x80, s11, s30, $0xb8;
	[tilespmem:$0x1F800] =	vst v63  }
0x74: {  	_ =	swait.ge [sflag:s26], $0x4000  }
0x75: {  	[sflag:s26] =	ssyncset.done $0x0  }
0x76: {  	s11 =	sadd.s32 $0x14100, s9;
	[sflag:s26] =	ssyncadd.s32 $0xFFFFC000  }
0x77: {  	[tilespmem:s25], [sflag:$0x1] =	stream.indirect.gather [hbm4b:s4+s30], $0x80, s11, s30, $0xb8;
	[tilespmem:$0x1F800] =	vst v63  }
0x78: {  	_ =	swait.ge [sflag:s3], $0x4000  }
.Ltmp1:
0x79: {  	[sflag:s3] =	ssyncset.done $0x0;
	(pc) =	sbr.rel @p0 .LBB2_4-.Ltmp1, $4  }
0x7a: {  	s9 =	sadd.s32 $0x15C80, s9;
	[sflag:s3] =	ssyncadd.s32 $0xFFFFC000  }
0x7b: {  	[spmem:s1] =	stream.indirect.scatter.add.f32 [tilespmem:s31], [sflag:$0x3], $0x80, s9, s30, $0xb8;
	[tilespmem:$0x1F800] =	vst v63  }
0x7c: {  	_ =	swait.ge [sflag:s26], $0x4000  }
0x7d: {  	s11 =	smov.u32 s15;
	s9 =	sshra.s32 s14, $0x2;
	[sflag:s26] =	ssyncset.done $0x0  }
0x7e: {  	s11 =	sadd.s32 $0x14080, s9;
	[sflag:s26] =	ssyncadd.s32 $0xFFFFC000  }
0x7f: {  	[tilespmem:s31], [sflag:$0x2] =	stream.indirect.gather [hbm4b:s4+s30], $0x80, s11, s30, $0xb8;
	[tilespmem:$0x1F800] =	vst v63  }
0x80: {  	_ =	swait.ge [sflag:s0], $0x4000  }
0x81: {  	[sflag:s0] =	ssyncset.done $0x0  }
0x82: {  	s14 =	sadd.s32 $0x15C00, s9;
	[sflag:s0] =	ssyncadd.s32 $0xFFFFC000  }
0x83: {  	[spmem:s1] =	stream.indirect.scatter.add.f32 [tilespmem:s25], [sflag:$0x3], $0x80, s14, s30, $0xb8;
	[tilespmem:$0x1F800] =	vst v63  }
0x84: {  	_ =	swait.ge [sflag:s26], $0x4000  }
0x85: {  	[sflag:s26] =	ssyncset.done $0x0  }
0x86: {  	s15 =	sadd.s32 $0x14100, s9;
	[sflag:s26] =	ssyncadd.s32 $0xFFFFC000  }
0x87: {  	[tilespmem:s25], [sflag:$0x1] =	stream.indirect.gather [hbm4b:s4+s30], $0x80, s15, s30, $0xb8;
	[tilespmem:$0x1F800] =	vst v63  }
0x88: {  	_ =	swait.ge [sflag:s3], $0x4000  }
0x89: {  	[sflag:s3] =	ssyncset.done $0x0  }
0x8a: {  	s11 =	sadd.s32 $0x15C80, s9;
	[sflag:s3] =	ssyncadd.s32 $0xFFFFC000  }
0x8b: {  	[spmem:s1] =	stream.indirect.scatter.add.f32 [tilespmem:s31], [sflag:$0x3], $0x80, s11, s30, $0xb8;
	[tilespmem:$0x1F800] =	vst v63  }
0x8c: {  	_ =	swait.ge [sflag:s26], $0x4000  }
0x8d: {  	[sflag:s26] =	ssyncset.done $0x0  }
0x8e: {  	[sflag:s26] =	ssyncadd.s32 $0xFFFFC000  }
0x8f: {  	[tilespmem:s31], [sflag:$0x2] =	stream.indirect.gather [hbm4b:s4+s30], $0x80, s6, s30, $0xb8;
	[tilespmem:$0x1F800] =	vst v63  }
0x90: {  	_ =	swait.ge [sflag:s0], $0x4000  }
0x91: {  	[sflag:s0] =	ssyncset.done $0x0  }
0x92: {  	[sflag:s0] =	ssyncadd.s32 $0xFFFFC000  }
0x93: {  	[spmem:s1] =	stream.indirect.scatter.add.f32 [tilespmem:s25], [sflag:$0x3], $0x80, s7, s30, $0xb8;
	[tilespmem:$0x1F800] =	vst v63  }
0x94: {  	_ =	swait.ge [sflag:s26], $0x4000  }
0x95: {  	[sflag:s26] =	ssyncset.done $0x0  }
0x96: {  	[sflag:s26] =	ssyncadd.s32 $0xFFFFC000  }
0x97: {  	[tilespmem:s25], [sflag:$0x1] =	stream.indirect.gather [hbm4b:s4+s30], $0x80, s28, s30, $0xb8;
	[tilespmem:$0x1F800] =	vst v63  }
0x98: {  	_ =	swait.ge [sflag:s3], $0x4000  }
0x99: {  	[sflag:s3] =	ssyncset.done $0x0  }
0x9a: {  	[sflag:s3] =	ssyncadd.s32 $0xFFFFC000  }
0x9b: {  	[spmem:s1] =	stream.indirect.scatter.add.f32 [tilespmem:s31], [sflag:$0x3], $0x80, s8, s30, $0xb8;
	[tilespmem:$0x1F800] =	vst v63  }
0x9c: {  	_ =	swait.ge [sflag:s26], $0x4000  }
0x9d: {  	[sflag:s26] =	ssyncset.done $0x0  }
0x9e: {  	[sflag:s26] =	ssyncadd.s32 $0xFFFFC000  }
0x9f: {  	_ =	swait.ge [sflag:s0], $0x4000  }
0xa0: {  	[sflag:s0] =	ssyncset.done $0x0  }
0xa1: {  	s12 =	simm.s32 $0x0;
	s14 =	rddreg [dreg:$0x6];
	[sflag:s0] =	ssyncadd.s32 $0xFFFFC000  }
0xa2: {  	[tilespmem:s28], [sflag:$0x3] =	stream.linear.gather [hbm4b:s14+s12], $0x1C00, $0x38;
	[tilespmem:$0x1F800] =	vst v63  }
0xa3: {  	_ =	swait.ge [sflag:s26], $0x1C00  }
0xa4: {  	[sflag:s26] =	ssyncset.done $0x0  }
0xa5: {  	s15 =	rddreg [dreg:$0x7];
	[sflag:s26] =	ssyncadd.s32 $0xFFFFE400  }
0xa6: {  	[tilespmem:s29], [sflag:$0x3] =	stream.linear.gather [hbm4b:s15+s12], $0x1C00, $0x38;
	[tilespmem:$0x1F800] =	vst v63  }
0xa7: {  	_ =	swait.ge [sflag:s26], $0x1C00  }
0xa8: {  	[sflag:s26] =	ssyncset.done $0x0  }
0xa9: {  	[sflag:s26] =	ssyncadd.s32 $0xFFFFE400  }
0xaa: {  	[tilespmem:s25], [sflag:$0x1] =	stream.indirect.gather [hbm4b:s10+s30], $0x80, s28, s30, $0xb8;
	[tilespmem:$0x1F800] =	vst v63  }
0xab: {  	s11 =	simm.s32 $0x14080  }
0xac: {  	[tilespmem:s31], [sflag:$0x2] =	stream.indirect.gather [hbm4b:s10+s30], $0x80, s11, s30, $0xb8;
	[tilespmem:$0x1F800] =	vst v63  }
0xad: {  	_ =	swait.ge [sflag:s0], $0x4000  }
0xae: {  	[sflag:s0] =	ssyncset.done $0x0  }
0xaf: {  	s12 =	simm.s32 $0x15C00;
	[sflag:s0] =	ssyncadd.s32 $0xFFFFC000  }
0xb0: {  	[spmem:s1] =	stream.indirect.scatter.add.f32 [tilespmem:s25], [sflag:$0x3], $0x80, s12, s30, $0xb8;
	[tilespmem:$0x1F800] =	vst v63  }
0xb1: {  	_ =	swait.ge [sflag:s26], $0x4000  }
0xb2: {  	[sflag:s26] =	ssyncset.done $0x0  }
0xb3: {  	s14 =	simm.s32 $0x14100;
	[sflag:s26] =	ssyncadd.s32 $0xFFFFC000  }
0xb4: {  	[tilespmem:s25], [sflag:$0x1] =	stream.indirect.gather [hbm4b:s10+s30], $0x80, s14, s30, $0xb8;
	[tilespmem:$0x1F800] =	vst v63  }
0xb5: {  	_ =	swait.ge [sflag:s3], $0x4000  }
0xb6: {  	[sflag:s3] =	ssyncset.done $0x0  }
0xb7: {  	s15 =	simm.s32 $0x15C80;
	[sflag:s3] =	ssyncadd.s32 $0xFFFFC000  }
0xb8: {  	[spmem:s1] =	stream.indirect.scatter.add.f32 [tilespmem:s31], [sflag:$0x3], $0x80, s15, s30, $0xb8;
	[tilespmem:$0x1F800] =	vst v63  }
0xb9: {  	_ =	swait.ge [sflag:s26], $0x4000  }
0xba: {  	s9 =	simm.s32 $0x100;
	s11 =	simm.s32 $0x800;
	[sflag:s26] =	ssyncset.done $0x0  }
.LBB2_6:
0xbb: {  	s12 =	sadd.s32 $0x14080, s9  }
0xbc: {  	[sflag:s26] =	ssyncadd.s32 $0xFFFFC000;
	s14 =	smov.u32 s11;
	s15 =	sadd.s32 $0x400, s11  }
0xbd: {  	[tilespmem:s31], [sflag:$0x2] =	stream.indirect.gather [hbm4b:s10+s30], $0x80, s12, s30, $0xb8;
	[tilespmem:$0x1F800] =	vst v63  }
0xbe: {  	p0 =	sne.s32 s11, $0x6400;
	_ =	swait.ge [sflag:s0], $0x4000  }
0xbf: {  	[sflag:s0] =	ssyncset.done $0x0  }
0xc0: {  	s11 =	sadd.s32 $0x15C00, s9;
	[sflag:s0] =	ssyncadd.s32 $0xFFFFC000  }
0xc1: {  	[spmem:s1] =	stream.indirect.scatter.add.f32 [tilespmem:s25], [sflag:$0x3], $0x80, s11, s30, $0xb8;
	[tilespmem:$0x1F800] =	vst v63  }
0xc2: {  	_ =	swait.ge [sflag:s26], $0x4000  }
0xc3: {  	[sflag:s26] =	ssyncset.done $0x0  }
0xc4: {  	s11 =	sadd.s32 $0x14100, s9;
	[sflag:s26] =	ssyncadd.s32 $0xFFFFC000  }
0xc5: {  	[tilespmem:s25], [sflag:$0x1] =	stream.indirect.gather [hbm4b:s10+s30], $0x80, s11, s30, $0xb8;
	[tilespmem:$0x1F800] =	vst v63  }
0xc6: {  	_ =	swait.ge [sflag:s3], $0x4000  }
.Ltmp2:
0xc7: {  	[sflag:s3] =	ssyncset.done $0x0;
	(pc) =	sbr.rel @p0 .LBB2_6-.Ltmp2, $4  }
0xc8: {  	s9 =	sadd.s32 $0x15C80, s9;
	[sflag:s3] =	ssyncadd.s32 $0xFFFFC000  }
0xc9: {  	[spmem:s1] =	stream.indirect.scatter.add.f32 [tilespmem:s31], [sflag:$0x3], $0x80, s9, s30, $0xb8;
	[tilespmem:$0x1F800] =	vst v63  }
0xca: {  	_ =	swait.ge [sflag:s26], $0x4000  }
0xcb: {  	s11 =	smov.u32 s15;
	s9 =	sshra.s32 s14, $0x2;
	[sflag:s26] =	ssyncset.done $0x0  }
0xcc: {  	s11 =	sadd.s32 $0x14080, s9;
	[sflag:s26] =	ssyncadd.s32 $0xFFFFC000  }
0xcd: {  	[tilespmem:s31], [sflag:$0x2] =	stream.indirect.gather [hbm4b:s10+s30], $0x80, s11, s30, $0xb8;
	[tilespmem:$0x1F800] =	vst v63  }
0xce: {  	_ =	swait.ge [sflag:s0], $0x4000  }
0xcf: {  	[sflag:s0] =	ssyncset.done $0x0  }
0xd0: {  	s14 =	sadd.s32 $0x15C00, s9;
	[sflag:s0] =	ssyncadd.s32 $0xFFFFC000  }
0xd1: {  	[spmem:s1] =	stream.indirect.scatter.add.f32 [tilespmem:s25], [sflag:$0x3], $0x80, s14, s30, $0xb8;
	[tilespmem:$0x1F800] =	vst v63  }
0xd2: {  	_ =	swait.ge [sflag:s26], $0x4000  }
0xd3: {  	[sflag:s26] =	ssyncset.done $0x0  }
0xd4: {  	s15 =	sadd.s32 $0x14100, s9;
	[sflag:s26] =	ssyncadd.s32 $0xFFFFC000  }
0xd5: {  	[tilespmem:s25], [sflag:$0x1] =	stream.indirect.gather [hbm4b:s10+s30], $0x80, s15, s30, $0xb8;
	[tilespmem:$0x1F800] =	vst v63  }
0xd6: {  	_ =	swait.ge [sflag:s3], $0x4000  }
0xd7: {  	[sflag:s3] =	ssyncset.done $0x0  }
0xd8: {  	s11 =	sadd.s32 $0x15C80, s9;
	[sflag:s3] =	ssyncadd.s32 $0xFFFFC000  }
0xd9: {  	[spmem:s1] =	stream.indirect.scatter.add.f32 [tilespmem:s31], [sflag:$0x3], $0x80, s11, s30, $0xb8;
	[tilespmem:$0x1F800] =	vst v63  }
0xda: {  	_ =	swait.ge [sflag:s26], $0x4000  }
0xdb: {  	[sflag:s26] =	ssyncset.done $0x0  }
0xdc: {  	[sflag:s26] =	ssyncadd.s32 $0xFFFFC000  }
0xdd: {  	[tilespmem:s31], [sflag:$0x2] =	stream.indirect.gather [hbm4b:s10+s30], $0x80, s6, s30, $0xb8;
	[tilespmem:$0x1F800] =	vst v63  }
0xde: {  	_ =	swait.ge [sflag:s0], $0x4000  }
0xdf: {  	[sflag:s0] =	ssyncset.done $0x0  }
0xe0: {  	[sflag:s0] =	ssyncadd.s32 $0xFFFFC000  }
0xe1: {  	[spmem:s1] =	stream.indirect.scatter.add.f32 [tilespmem:s25], [sflag:$0x3], $0x80, s7, s30, $0xb8;
	[tilespmem:$0x1F800] =	vst v63  }
0xe2: {  	_ =	swait.ge [sflag:s26], $0x4000  }
0xe3: {  	[sflag:s26] =	ssyncset.done $0x0  }
0xe4: {  	[sflag:s26] =	ssyncadd.s32 $0xFFFFC000  }
0xe5: {  	[tilespmem:s25], [sflag:$0x1] =	stream.indirect.gather [hbm4b:s10+s30], $0x80, s28, s30, $0xb8;
	[tilespmem:$0x1F800] =	vst v63  }
0xe6: {  	_ =	swait.ge [sflag:s3], $0x4000  }
0xe7: {  	[sflag:s3] =	ssyncset.done $0x0  }
0xe8: {  	[sflag:s3] =	ssyncadd.s32 $0xFFFFC000  }
0xe9: {  	[spmem:s1] =	stream.indirect.scatter.add.f32 [tilespmem:s31], [sflag:$0x3], $0x80, s8, s30, $0xb8;
	[tilespmem:$0x1F800] =	vst v63  }
0xea: {  	_ =	swait.ge [sflag:s26], $0x4000  }
0xeb: {  	[sflag:s26] =	ssyncset.done $0x0  }
0xec: {  	[sflag:s26] =	ssyncadd.s32 $0xFFFFC000  }
0xed: {  	_ =	swait.ge [sflag:s0], $0x4000  }
0xee: {  	[sflag:s0] =	ssyncset.done $0x0  }
0xef: {  	s12 =	simm.s32 $0x0;
	s14 =	rddreg [dreg:$0x8];
	[sflag:s0] =	ssyncadd.s32 $0xFFFFC000  }
0xf0: {  	[tilespmem:s28], [sflag:$0x3] =	stream.linear.gather [hbm4b:s14+s12], $0x1C00, $0x38;
	[tilespmem:$0x1F800] =	vst v63  }
0xf1: {  	_ =	swait.ge [sflag:s26], $0x1C00  }
0xf2: {  	[sflag:s26] =	ssyncset.done $0x0  }
0xf3: {  	s15 =	rddreg [dreg:$0x9];
	[sflag:s26] =	ssyncadd.s32 $0xFFFFE400  }
0xf4: {  	[tilespmem:s29], [sflag:$0x3] =	stream.linear.gather [hbm4b:s15+s12], $0x1C00, $0x38;
	[tilespmem:$0x1F800] =	vst v63  }
0xf5: {  	_ =	swait.ge [sflag:s26], $0x1C00  }
0xf6: {  	[sflag:s26] =	ssyncset.done $0x0  }
0xf7: {  	[sflag:s26] =	ssyncadd.s32 $0xFFFFE400  }
0xf8: {  	[tilespmem:s25], [sflag:$0x1] =	stream.indirect.gather [hbm4b:s13+s30], $0x80, s28, s30, $0xb8;
	[tilespmem:$0x1F800] =	vst v63  }
0xf9: {  	s11 =	simm.s32 $0x14080  }
0xfa: {  	[tilespmem:s31], [sflag:$0x2] =	stream.indirect.gather [hbm4b:s13+s30], $0x80, s11, s30, $0xb8;
	[tilespmem:$0x1F800] =	vst v63  }
0xfb: {  	_ =	swait.ge [sflag:s0], $0x4000  }
0xfc: {  	[sflag:s0] =	ssyncset.done $0x0  }
0xfd: {  	s12 =	simm.s32 $0x15C00;
	[sflag:s0] =	ssyncadd.s32 $0xFFFFC000  }
0xfe: {  	[spmem:s1] =	stream.indirect.scatter.add.f32 [tilespmem:s25], [sflag:$0x3], $0x80, s12, s30, $0xb8;
	[tilespmem:$0x1F800] =	vst v63  }
0xff: {  	_ =	swait.ge [sflag:s26], $0x4000  }
0x100: {  	[sflag:s26] =	ssyncset.done $0x0  }
0x101: {  	s14 =	simm.s32 $0x14100;
	[sflag:s26] =	ssyncadd.s32 $0xFFFFC000  }
0x102: {  	[tilespmem:s25], [sflag:$0x1] =	stream.indirect.gather [hbm4b:s13+s30], $0x80, s14, s30, $0xb8;
	[tilespmem:$0x1F800] =	vst v63  }
0x103: {  	_ =	swait.ge [sflag:s3], $0x4000  }
0x104: {  	[sflag:s3] =	ssyncset.done $0x0  }
0x105: {  	s15 =	simm.s32 $0x15C80;
	[sflag:s3] =	ssyncadd.s32 $0xFFFFC000  }
0x106: {  	[spmem:s1] =	stream.indirect.scatter.add.f32 [tilespmem:s31], [sflag:$0x3], $0x80, s15, s30, $0xb8;
	[tilespmem:$0x1F800] =	vst v63  }
0x107: {  	_ =	swait.ge [sflag:s26], $0x4000  }
0x108: {  	s9 =	simm.s32 $0x100;
	s11 =	simm.s32 $0x800;
	[sflag:s26] =	ssyncset.done $0x0  }
.LBB2_8:
0x109: {  	s12 =	sadd.s32 $0x14080, s9  }
0x10a: {  	[sflag:s26] =	ssyncadd.s32 $0xFFFFC000;
	s14 =	smov.u32 s11;
	s15 =	sadd.s32 $0x400, s11  }
0x10b: {  	[tilespmem:s31], [sflag:$0x2] =	stream.indirect.gather [hbm4b:s13+s30], $0x80, s12, s30, $0xb8;
	[tilespmem:$0x1F800] =	vst v63  }
0x10c: {  	p0 =	sne.s32 s11, $0x6400;
	_ =	swait.ge [sflag:s0], $0x4000  }
0x10d: {  	[sflag:s0] =	ssyncset.done $0x0  }
0x10e: {  	s11 =	sadd.s32 $0x15C00, s9;
	[sflag:s0] =	ssyncadd.s32 $0xFFFFC000  }
0x10f: {  	[spmem:s1] =	stream.indirect.scatter.add.f32 [tilespmem:s25], [sflag:$0x3], $0x80, s11, s30, $0xb8;
	[tilespmem:$0x1F800] =	vst v63  }
0x110: {  	_ =	swait.ge [sflag:s26], $0x4000  }
0x111: {  	[sflag:s26] =	ssyncset.done $0x0  }
0x112: {  	s11 =	sadd.s32 $0x14100, s9;
	[sflag:s26] =	ssyncadd.s32 $0xFFFFC000  }
0x113: {  	[tilespmem:s25], [sflag:$0x1] =	stream.indirect.gather [hbm4b:s13+s30], $0x80, s11, s30, $0xb8;
	[tilespmem:$0x1F800] =	vst v63  }
0x114: {  	_ =	swait.ge [sflag:s3], $0x4000  }
.Ltmp3:
0x115: {  	[sflag:s3] =	ssyncset.done $0x0;
	(pc) =	sbr.rel @p0 .LBB2_8-.Ltmp3, $4  }
0x116: {  	s9 =	sadd.s32 $0x15C80, s9;
	[sflag:s3] =	ssyncadd.s32 $0xFFFFC000  }
0x117: {  	[spmem:s1] =	stream.indirect.scatter.add.f32 [tilespmem:s31], [sflag:$0x3], $0x80, s9, s30, $0xb8;
	[tilespmem:$0x1F800] =	vst v63  }
0x118: {  	_ =	swait.ge [sflag:s26], $0x4000  }
0x119: {  	s11 =	smov.u32 s15;
	s9 =	sshra.s32 s14, $0x2;
	[sflag:s26] =	ssyncset.done $0x0  }
0x11a: {  	s11 =	sadd.s32 $0x14080, s9;
	[sflag:s26] =	ssyncadd.s32 $0xFFFFC000  }
0x11b: {  	[tilespmem:s31], [sflag:$0x2] =	stream.indirect.gather [hbm4b:s13+s30], $0x80, s11, s30, $0xb8;
	[tilespmem:$0x1F800] =	vst v63  }
0x11c: {  	_ =	swait.ge [sflag:s0], $0x4000  }
0x11d: {  	[sflag:s0] =	ssyncset.done $0x0  }
0x11e: {  	s14 =	sadd.s32 $0x15C00, s9;
	[sflag:s0] =	ssyncadd.s32 $0xFFFFC000  }
0x11f: {  	[spmem:s1] =	stream.indirect.scatter.add.f32 [tilespmem:s25], [sflag:$0x3], $0x80, s14, s30, $0xb8;
	[tilespmem:$0x1F800] =	vst v63  }
0x120: {  	_ =	swait.ge [sflag:s26], $0x4000  }
0x121: {  	[sflag:s26] =	ssyncset.done $0x0  }
0x122: {  	s15 =	sadd.s32 $0x14100, s9;
	[sflag:s26] =	ssyncadd.s32 $0xFFFFC000  }
0x123: {  	[tilespmem:s25], [sflag:$0x1] =	stream.indirect.gather [hbm4b:s13+s30], $0x80, s15, s30, $0xb8;
	[tilespmem:$0x1F800] =	vst v63  }
0x124: {  	_ =	swait.ge [sflag:s3], $0x4000  }
0x125: {  	[sflag:s3] =	ssyncset.done $0x0  }
0x126: {  	s11 =	sadd.s32 $0x15C80, s9;
	[sflag:s3] =	ssyncadd.s32 $0xFFFFC000  }
0x127: {  	[spmem:s1] =	stream.indirect.scatter.add.f32 [tilespmem:s31], [sflag:$0x3], $0x80, s11, s30, $0xb8;
	[tilespmem:$0x1F800] =	vst v63  }
0x128: {  	_ =	swait.ge [sflag:s26], $0x4000  }
0x129: {  	[sflag:s26] =	ssyncset.done $0x0  }
0x12a: {  	[sflag:s26] =	ssyncadd.s32 $0xFFFFC000  }
0x12b: {  	[tilespmem:s31], [sflag:$0x2] =	stream.indirect.gather [hbm4b:s13+s30], $0x80, s6, s30, $0xb8;
	[tilespmem:$0x1F800] =	vst v63  }
0x12c: {  	_ =	swait.ge [sflag:s0], $0x4000  }
0x12d: {  	[sflag:s0] =	ssyncset.done $0x0  }
0x12e: {  	[sflag:s0] =	ssyncadd.s32 $0xFFFFC000  }
0x12f: {  	[spmem:s1] =	stream.indirect.scatter.add.f32 [tilespmem:s25], [sflag:$0x3], $0x80, s7, s30, $0xb8;
	[tilespmem:$0x1F800] =	vst v63  }
0x130: {  	_ =	swait.ge [sflag:s26], $0x4000  }
0x131: {  	[sflag:s26] =	ssyncset.done $0x0  }
0x132: {  	[sflag:s26] =	ssyncadd.s32 $0xFFFFC000  }
0x133: {  	[tilespmem:s25], [sflag:$0x1] =	stream.indirect.gather [hbm4b:s13+s30], $0x80, s28, s30, $0xb8;
	[tilespmem:$0x1F800] =	vst v63  }
0x134: {  	_ =	swait.ge [sflag:s3], $0x4000  }
0x135: {  	[sflag:s3] =	ssyncset.done $0x0  }
0x136: {  	[sflag:s3] =	ssyncadd.s32 $0xFFFFC000  }
0x137: {  	[spmem:s1] =	stream.indirect.scatter.add.f32 [tilespmem:s31], [sflag:$0x3], $0x80, s8, s30, $0xb8;
	[tilespmem:$0x1F800] =	vst v63  }
0x138: {  	_ =	swait.ge [sflag:s26], $0x4000  }
0x139: {  	[sflag:s26] =	ssyncset.done $0x0  }
0x13a: {  	[sflag:s26] =	ssyncadd.s32 $0xFFFFC000  }
0x13b: {  	_ =	swait.ge [sflag:s0], $0x4000  }
0x13c: {  	s12 =	stileid.u32;
	[sflag:s0] =	ssyncset.done $0x0  }
0x13d: {  	s9 =	sshll.u32 s12, $0x6;
	[sflag:s0] =	ssyncadd.s32 $0xFFFFC000  }
0x13e: {  	s9 =	sor.u32 $0x1C03, s9;
	s14 =	sshrl.u32 s5, $0x3;
	[bflag:$0x0] =	sbarrier.arrive $0xFFFF  }
0x13f: {  	[hbm:s24], [sflag:s9] =	dma.local [spmem:s14], $0x2800  }
0x140: {  	_ =	swait.ge [sflag:s26], $0x2800  }
0x141: {  	s2 =	sadd.s32 $0x1, s2;
	s15 =	rddreg [dreg:$0xa]  }
0x142: {  	p0 =	sne.s32 s2, s15  }
.Ltmp4:
0x143: {  	_ = 	snop;
	(pc) =	sbr.rel @p0 .LBB2_1-.Ltmp4, $3  }
0x144: {  	_ =	sdelay $0x1  }
0x145: {  	[sflag:s26] =	ssyncset.done $0x0  }
0x146: {  	[sflag:s26] =	ssyncadd.s32 $0xFFFFD800  }
0x147: {  	_ =	sfence.sel $0x180000  }
0x148: {  	[bflag:$0x0] =	sbarrier.arrive $0xFFFF  }
0x149: {  	_ =	strace $0x90000047  }
0x14a: {  	s0 =	stileid.u32;
	[bflag:$0x2] =	sbarrier.arrive $0xFFFF  }
0x14b: {  	p0 =	sne.s32 s0, $0x0;
	s0 =	rddreg [dreg:$0x3]  }
0x14c: {  	s0 =	sadd.s32 @!p0 $0x100000, s0  }
0x14d: {  	[sflag:s0] =	ssyncadd.tile.s32 @!p0 $0x1;
	_ =	shalt  }
.Lfunc_end2:
_tile_overlayer_lowered:
.L_overlay_start_2:
0x14e: {  	(tag) =	ssettag $0x2  }
0x14f: {  	s0 =	rddreg [dreg:$0x0];
	s2 =	stileid.u32  }
0x150: {  	s1 =	rddreg [dreg:$0x1];
	p0 =	sne.s32 s2, $0x0  }
0x151: {  	s3 =	rddreg [dreg:$0x2];
	[bflag:$0x3] =	sbarrier.arrive $0xFFFF;
	s2 =	simm.s32 @!p0 $0x1C03  }
0x152: {  	[timem:s3], [sflag:s2] =	dma.local @!p0 [hbm:s0], s1  }
0x153: {  	s0 =	simm.s32 @!p0 $0x3  }
0x154: {  	_ =	swait.ge @!p0 [sflag:s0], s1  }
0x155: {  	s1 =	ssub.s32 @!p0 $0x0, s1;
	[sflag:s0] =	ssyncset.done @!p0 $0x0  }
0x156: {  	[sflag:s0] =	ssyncadd.s32 @!p0 s1  }
0x157: {  	[bflag:$0x3] =	sbarrier.arrive $0xFFFF  }
0x158: {  	_ =	shalt  }

</sc_bundles>
